<compile_context>
chip_gen: v7x
topology: tpu7x:2x2x1
jax: 0.10.2.dev20260603
libtpu: 0.0.44.dev20260713+nightly
codegen_flags: <defaults>
</compile_context>

<pallas_src>
import jax
import jax.numpy as jnp
from jax.experimental import pallas as pl
from jax.experimental.pallas import tpu as pltpu
from jax.experimental.pallas import tpu_sc as plsc

D = 128
L = 3
B = 1024
SEQ = 20
N = B * SEQ
DEG = 2
EPN = 4
H4 = D * (L + 1)
EPS = 1e-5

SB = 128
NB = B // SB
M2 = SEQ * SB
GS = 16
TS = GS * SEQ
NT = M2 // TS

VP = 100096
VB = 2176
NV = VP // VB

_BF = jnp.bfloat16
_F = jnp.float32



def _sc_gather(table, idx):
    m = idx.shape[0]
    win = 128
    width = table.shape[1]

    @pl.kernel(
        out_type=jax.ShapeDtypeStruct((m, width), table.dtype),
        mesh=plsc.VectorSubcoreMesh(core_axis_name="core",
                                    subcore_axis_name="subcore"),
    )
    def k(x_hbm, i_hbm, o_hbm):
        def body(i_vmem, o_vmem):
            pltpu.sync_copy(x_hbm.at[i_vmem.at[0]], o_vmem)

        pltpu.emit_pipeline(
            body,
            grid=(m // win,),
            in_specs=[pl.BlockSpec((1, win), index_map=lambda i: (0, i))],
            out_specs=[pl.BlockSpec((win, width), index_map=lambda i: (i, 0))],
            core_axis_name="subcore",
            dimension_semantics=(pltpu.PARALLEL,),
        )(i_hbm, o_hbm)

    return k(table, idx.reshape(1, m).astype(jnp.int32))



def _mm(a, b):
    return jax.lax.dot_general(a.astype(_BF), b.astype(_BF),
                               (((1,), (0,)), ((), ())),
                               preferred_element_type=_F)


def _mmt(a, b):
    return jax.lax.dot_general(a.astype(_BF), b.astype(_BF),
                               (((1,), (1,)), ((), ())),
                               preferred_element_type=_F)


def _tile_gather(off_col, f2, s320, jmod):
    outs = []
    for t in range(NT):
        sl = slice(t * TS, (t + 1) * TS)
        oh = s320 * (off_col[sl] == jmod).astype(_F)
        outs.append(_mm(oh, f2[sl].astype(_BF)))
    return jnp.concatenate(outs, axis=0)


def _renorm_rows(x):
    nrm = jnp.sqrt(jnp.sum(x * x, axis=-1, keepdims=True))
    return x * jnp.minimum(1.0, 1.0 / jnp.maximum(nrm, 1e-12))


def _bn_cols(x, s, q, count):
    mean = s / count
    var = q / count - mean * mean
    return (x - mean) * jax.lax.rsqrt(var + EPS)


def _prelu(x, a):
    return jnp.maximum(x, 0.0) + a * jnp.minimum(x, 0.0)


def _gru_cell(gi, gh, h, w):
    r = jax.nn.sigmoid(gi[:, :w] + gh[:, :w])
    z = jax.nn.sigmoid(gi[:, w:2 * w] + gh[:, w:2 * w])
    n = jnp.tanh(gi[:, 2 * w:] + r * gh[:, 2 * w:])
    return (1.0 - z) * n + z * h


def _accum_stats(step, val, s_ref, q_ref):
    @pl.when(step == 0)
    def _():
        s_ref[...] = jnp.zeros_like(s_ref)
        q_ref[...] = jnp.zeros_like(q_ref)

    s_ref[...] += jnp.sum(val, axis=0, keepdims=True)
    q_ref[...] += jnp.sum(val * val, axis=0, keepdims=True)



def _f0_body(g_ref, f_ref, s_ref, q_ref):
    f2 = _renorm_rows(g_ref[...])
    f_ref[...] = f2
    _accum_stats(pl.program_id(0), f2, s_ref, q_ref)


def _intend_body(xt_ref, pg_ref, wih_ref, whh_ref, bih_ref, bhh_ref,
                 paw_ref, pab_ref, out_ref, xn_ref):
    x = _renorm_rows(xt_ref[...])
    m = jnp.mean(x, axis=(1, 2), keepdims=True)
    v = jnp.mean(x * x, axis=(1, 2), keepdims=True) - m * m
    xn_ref[...] = ((x - m) * jax.lax.rsqrt(v + EPS)).astype(_BF)
    wih = wih_ref[...]
    whh = whh_ref[...]

    def step(t, h):
        gi = _mmt(xn_ref[t], wih) + bih_ref[...]
        gh = _mmt(h, whh) + bhh_ref[...]
        return _gru_cell(gi, gh, h, H4)

    h = jax.lax.fori_loop(0, SEQ, step, jnp.zeros((B, H4), _F))
    pg = _renorm_rows(pg_ref[...])
    mm_ = jnp.mean(pg, axis=0, keepdims=True)
    vv = jnp.mean(pg * pg, axis=0, keepdims=True) - mm_ * mm_
    pg = (pg - mm_) * jax.lax.rsqrt(vv + EPS)
    pf = jax.nn.sigmoid(_mmt(pg, paw_ref[...]) + pab_ref[...])
    out_ref[...] = jnp.maximum(h, 0.0) * pf


def _make_eopa_body(parts):
    w = parts * D

    def body(*refs):
        p_refs = refs[:parts]
        (noff_ref, sm_ref, sq_ref, s320_ref, jmod_ref, wih_ref, whh_ref,
         bih_ref, bhh_ref, wself_ref, wneigh_ref, pre_ref,
         o_ref, s_ref, q_ref) = refs[parts:]
        sm = sm_ref[...]
        sq = sq_ref[...]
        cols = [_bn_cols(p_refs[i][...], sm[i:i + 1, :], sq[i:i + 1, :],
                         float(N)) for i in range(parts)]
        f2 = cols[0] if parts == 1 else jnp.concatenate(cols, axis=1)
        noff = noff_ref[...]
        s320 = s320_ref[...]
        jmod = jmod_ref[...]
        h = jnp.zeros((M2, w), _F)
        for t in range(DEG):
            m2 = _tile_gather(noff[:, t:t + 1], f2, s320, jmod)
            gi = _mmt(m2, wih_ref[...]) + bih_ref[...]
            gh = _mmt(h, whh_ref[...]) + bhh_ref[...]
            h = _gru_cell(gi, gh, h, w)
        rst = _mmt(f2, wself_ref[...]) + _mmt(h, wneigh_ref[...])
        out = _prelu(rst, pre_ref[...])
        o_ref[...] = out
        _accum_stats(pl.program_id(0), out, s_ref, q_ref)

    return body


def _sgat_body(p0_ref, p1_ref, soff_ref, sm_ref, sq_ref, s320_ref, jmod_ref,
               wq_ref, bq_ref, wk_ref, wv_ref, we_ref, pre_ref,
               o_ref, s_ref, q_ref):
    sm = sm_ref[...]
    sq = sq_ref[...]
    cols = [_bn_cols(r[...], sm[i:i + 1, :], sq[i:i + 1, :], float(N))
            for i, r in enumerate((p0_ref, p1_ref))]
    f2 = jnp.concatenate(cols, axis=1)
    q2 = _mmt(f2, wq_ref[...]) + bq_ref[...]
    k2 = _mmt(f2, wk_ref[...])
    v2 = (_mmt(f2, wv_ref[...])).astype(_BF)
    soff = soff_ref[...]
    s320 = s320_ref[...]
    jmod = jmod_ref[...]
    we = we_ref[...]
    attn = []
    for j in range(EPN):
        qg = _tile_gather(soff[:, j:j + 1], q2, s320, jmod)
        e = jnp.sum(jax.nn.sigmoid(qg + k2) * we, axis=1, keepdims=True)
        attn.append(jnp.exp(e))
    den = attn[0] + attn[1] + attn[2] + attn[3]
    attn = [a / den for a in attn]
    outs = []
    for t in range(NT):
        sl = slice(t * TS, (t + 1) * TS)
        wt = jnp.zeros((TS, TS), _F)
        for j in range(EPN):
            wt += attn[j][sl] * (s320 * (soff[sl, j:j + 1] == jmod).astype(_F))
        outs.append(_mm(wt, v2[sl]))
    out = _prelu(jnp.concatenate(outs, axis=0), pre_ref[...])
    o_ref[...] = out
    _accum_stats(pl.program_id(0), out, s_ref, q_ref)


def _ro_body(p0_ref, p1_ref, p2_ref, p3_ref, int_ref, sm_ref, sq_ref,
             psum_ref, plast_ref, pt_ref, wu_ref, wi_ref, bi_ref, wv_ref,
             bv_ref, we_ref, wout_ref, pre_ref, srg_ref, l0_ref, l1_ref,
             l2_ref, l3_ref, ssr_ref, qsr_ref):
    p_refs = (p0_ref, p1_ref, p2_ref, p3_ref)
    sm = sm_ref[...]
    sq = sq_ref[...]
    cols = [_bn_cols(r[...], sm[i:i + 1, :], sq[i:i + 1, :], float(N))
            for i, r in enumerate(p_refs)]
    f2 = jnp.concatenate(cols, axis=1)
    psum = psum_ref[...]
    plast = plast_ref[...]
    pt = pt_ref[...]
    fu = _mmt(f2, wu_ref[...])
    flast = _mm(plast, f2.astype(_BF))
    li = _mmt(flast, wi_ref[...]) + bi_ref[...]
    fv = _mmt(int_ref[...], wv_ref[...]) + bv_ref[...]
    gate = _mm(pt, (fv + li).astype(_BF))
    e = jnp.sum(jax.nn.sigmoid(fu + gate) * we_ref[...], axis=1,
                keepdims=True)
    ez = jnp.exp(e)
    den = _mm(psum, ez.astype(_BF))
    rst = _mm(psum, (ez * f2).astype(_BF)) / den
    srg = _prelu(_mmt(rst, wout_ref[...]), pre_ref[...])
    srg_ref[...] = srg
    lasts = [_mm(plast, r[...].astype(_BF)) for r in p_refs]
    for ref, val in zip((l0_ref, l1_ref, l2_ref, l3_ref), lasts):
        ref[...] = val
    vals = lasts + [srg]
    stk_s = jnp.concatenate(
        [jnp.sum(x, axis=0, keepdims=True) for x in vals]
        + [jnp.zeros((8 - len(vals), D), _F)], axis=0)
    stk_q = jnp.concatenate(
        [jnp.sum(x * x, axis=0, keepdims=True) for x in vals]
        + [jnp.zeros((8 - len(vals), D), _F)], axis=0)

    @pl.when(pl.program_id(0) == 0)
    def _():
        ssr_ref[...] = jnp.zeros_like(ssr_ref)
        qsr_ref[...] = jnp.zeros_like(qsr_ref)

    ssr_ref[...] += stk_s
    qsr_ref[...] += stk_q


def _final_body(l0_ref, l1_ref, l2_ref, l3_ref, srg_ref, ssr_ref, qsr_ref,
                wsr_ref, it_ref, out_ref, srf_ref):
    @pl.when(pl.program_id(0) == 0)
    def _():
        ssr = ssr_ref[...]
        qsr = qsr_ref[...]
        vals = (l0_ref, l1_ref, l2_ref, l3_ref, srg_ref)
        cols = [_bn_cols(r[...], ssr[i:i + 1, :], qsr[i:i + 1, :], float(B))
                for i, r in enumerate(vals)]
        srf_ref[...] = _mmt(jnp.concatenate(cols, axis=1), wsr_ref[...])

    itn = _renorm_rows(it_ref[...])
    out_ref[...] = jax.lax.dot_general(
        srf_ref[...].astype(_BF), itn.astype(_BF),
        (((1,), (1,)), ((), ())), preferred_element_type=_F)



def _blk(shape):
    return pl.BlockSpec(shape, lambda b: (0,) * len(shape))


def _nblk(width=D):
    return pl.BlockSpec((M2, width), lambda b: (b, 0))


def _sess_blk(width):
    return pl.BlockSpec((SB, width), lambda b: (b, 0))


def _f32(shape):
    return jax.ShapeDtypeStruct(shape, _F)


def kernel(params, iid, cid, pid, neigh_idx, edge_index, seg_ids, last_nodes):
    p = params
    itab = p['emb_items']
    ctab = p['emb_cat']
    ptab = p['emb_price']

    cid_pm = cid.reshape(B, SEQ).T.reshape(-1)
    pid_last = pid[last_nodes]
    noff = (neigh_idx % SEQ).astype(_F)
    soff = (edge_index[0] % SEQ).astype(_F).reshape(N, EPN)

    ii = jnp.arange(TS)[:, None] // SEQ
    s320 = (ii == ii.T).astype(_F)
    jmod = (jnp.arange(TS)[None, :] % SEQ).astype(_F)
    rows = jnp.arange(M2)
    sess = jnp.arange(SB)[:, None]
    psum = (rows[None, :] // SEQ == sess).astype(_BF)
    plast = ((rows[None, :] == sess * SEQ + SEQ - 1)).astype(_BF)
    pt = psum.T.astype(_BF)

    catg = _sc_gather(ctab, cid_pm).reshape(SEQ, B, D)
    pg = _sc_gather(ptab, pid_last)
    g_it = _sc_gather(itab, iid)

    def wt(x):
        return x.astype(_BF)

    def row(x):
        return x.reshape(1, -1)

    in_w = (wt(p['in_Wih']), wt(p['in_Whh']), row(p['in_bih']),
            row(p['in_bhh']), wt(p['pa_W']), row(p['pa_b']))
    l0, l1, l2, ro = p['l0'], p['l1'], p['l2'], p['ro']

    def eopa_w(lp):
        return (wt(lp['gru_Wih']), wt(lp['gru_Whh']), row(lp['gru_bih']),
                row(lp['gru_bhh']), wt(lp['fc_self']), wt(lp['fc_neigh']),
                row(lp['prelu']))

    sgat_w = (wt(l1['fc_q_W']), row(l1['fc_q_b']), wt(l1['fc_k']),
              wt(l1['fc_v']), l1['fc_e'].reshape(1, D), row(l1['prelu']))
    ro_w = (wt(ro['fc_u']), wt(ro['fc_i_W']), row(ro['fc_i_b']),
            wt(ro['fc_v_W']), row(ro['fc_v_b']), ro['fc_e'].reshape(1, D),
            wt(ro['fc_out']), row(ro['prelu']))
    wsr = wt(p['fc_sr'])

    def pad8(sums):
        return jnp.concatenate(
            list(sums) + [jnp.zeros((8 - len(sums), D), _F)], axis=0)

    intend = pl.pallas_call(
        _intend_body,
        out_shape=_f32((B, H4)),
        scratch_shapes=[pltpu.VMEM((SEQ, B, D), _BF)],
    )(catg, pg, *in_w)

    f0, s0, q0 = pl.pallas_call(
        _f0_body,
        grid=(NB,),
        in_specs=[_nblk()],
        out_specs=[_nblk(), _blk((1, D)), _blk((1, D))],
        out_shape=[_f32((N, D)), _f32((1, D)), _f32((1, D))],
    )(g_it)

    gconst = (s320, jmod)
    gconst_specs = [_blk((TS, TS)), _blk((1, TS))]

    w_shapes = [_blk(x.shape) for x in eopa_w(l0)]
    o0, s1, q1 = pl.pallas_call(
        _make_eopa_body(1),
        grid=(NB,),
        in_specs=[_nblk(), _nblk(DEG), _blk((8, D)), _blk((8, D))]
        + gconst_specs + w_shapes,
        out_specs=[_nblk(), _blk((1, D)), _blk((1, D))],
        out_shape=[_f32((N, D)), _f32((1, D)), _f32((1, D))],
    )(f0, noff, pad8([s0]), pad8([q0]), *gconst, *eopa_w(l0))

    w_shapes = [_blk(x.shape) for x in sgat_w]
    o1, s2, q2 = pl.pallas_call(
        _sgat_body,
        grid=(NB,),
        in_specs=[_nblk(), _nblk(), _nblk(EPN), _blk((8, D)), _blk((8, D))]
        + gconst_specs + w_shapes,
        out_specs=[_nblk(), _blk((1, D)), _blk((1, D))],
        out_shape=[_f32((N, D)), _f32((1, D)), _f32((1, D))],
    )(o0, f0, soff, pad8([s1, s0]), pad8([q1, q0]), *gconst, *sgat_w)

    w_shapes = [_blk(x.shape) for x in eopa_w(l2)]
    o2, s3, q3 = pl.pallas_call(
        _make_eopa_body(3),
        grid=(NB,),
        in_specs=[_nblk(), _nblk(), _nblk(), _nblk(DEG), _blk((8, D)),
                  _blk((8, D))] + gconst_specs + w_shapes,
        out_specs=[_nblk(), _blk((1, D)), _blk((1, D))],
        out_shape=[_f32((N, D)), _f32((1, D)), _f32((1, D))],
    )(o1, o0, f0, noff, pad8([s2, s1, s0]), pad8([q2, q1, q0]),
      *gconst, *eopa_w(l2))

    w_shapes = [_blk(x.shape) for x in ro_w]
    srg, sl0, sl1, sl2, sl3, ssr, qsr = pl.pallas_call(
        _ro_body,
        grid=(NB,),
        in_specs=[_nblk(), _nblk(), _nblk(), _nblk(), _sess_blk(H4),
                  _blk((8, D)), _blk((8, D)), _blk((SB, M2)),
                  _blk((SB, M2)), _blk((M2, SB))] + w_shapes,
        out_specs=[_sess_blk(D)] * 5 + [_blk((8, D)), _blk((8, D))],
        out_shape=[_f32((B, D))] * 5 + [_f32((8, D)), _f32((8, D))],
    )(o2, o1, o0, f0, intend, pad8([s3, s2, s1, s0]),
      pad8([q3, q2, q1, q0]), psum, plast, pt, *ro_w)

    logits = pl.pallas_call(
        _final_body,
        grid=(NV,),
        in_specs=[_blk((B, D))] * 5 + [_blk((8, D)), _blk((8, D)),
                                       _blk((D, 5 * D)),
                                       pl.BlockSpec((VB, D), lambda b: (b, 0))],
        out_specs=pl.BlockSpec((B, VB), lambda b: (0, b)),
        out_shape=_f32((B, VP)),
        scratch_shapes=[pltpu.VMEM((B, D), _F)],
    )(sl0, sl1, sl2, sl3, srg, ssr, qsr, wsr, itab)

    return logits[:, :itab.shape[0]]

# --- scband reference (transcript-rebuilt; emitter-appended) ---
"""Pipeline reference for scband-lessr-86440511799495 (READ-ONLY COPY).

The authoritative reference and input builder live on the scoring server;
editing this copy changes nothing except your own understanding.
"""

import jax, jax.numpy as jnp
import numpy as np

D = 128
L = 3
B = 1024
SEQ = 20
N = B * SEQ
DEG = 2
EPN = 4
E = N * EPN
NUM_ITEMS = 100000
NUM_CAT = 1000
NUM_PRICE = 100
EPS = 1e-5


def _bn(x):
    m = jnp.mean(x, axis=0, keepdims=True)
    v = jnp.var(x, axis=0, keepdims=True)
    return (x - m) / jnp.sqrt(v + EPS)


def _bn_seq(x):
    # BatchNorm1d(seq_len) applied to [B, T, D]: channels = T, normalize over (B, D)
    m = jnp.mean(x, axis=(0, 2), keepdims=True)
    v = jnp.var(x, axis=(0, 2), keepdims=True)
    return (x - m) / jnp.sqrt(v + EPS)


def _prelu(x, a):
    return jnp.maximum(x, 0.0) + a * jnp.minimum(x, 0.0)


def _gru(x_seq, h0, Wih, Whh, bih, bhh):
    # x_seq: [Batch, T, In]; PyTorch GRU cell semantics
    def step(h, x):
        gi = x @ Wih.T + bih
        gh = h @ Whh.T + bhh
        ir, iz, inn = jnp.split(gi, 3, axis=-1)
        hr, hz, hn = jnp.split(gh, 3, axis=-1)
        r = jax.nn.sigmoid(ir + hr)
        z = jax.nn.sigmoid(iz + hz)
        n = jnp.tanh(inn + r * hn)
        return (1.0 - z) * n + z * h, None
    h, _ = jax.lax.scan(step, h0, jnp.swapaxes(x_seq, 0, 1))
    return h


def _renorm(tab):
    # nn.Embedding(max_norm=1) semantics: rescale rows with norm > 1
    n = jnp.linalg.norm(tab, axis=1, keepdims=True)
    return tab * jnp.minimum(1.0, 1.0 / jnp.maximum(n, 1e-12))


def _seg_softmax(e, seg, num):
    emax = jax.ops.segment_max(e, seg, num_segments=num)
    ez = jnp.exp(e - emax[seg])
    den = jax.ops.segment_sum(ez, seg, num_segments=num)
    return ez / den[seg]


def _eopa(feat, neigh_idx, p):
    f = _bn(feat)
    m = f[neigh_idx]  # mailbox: [N, DEG, Din]
    h0 = jnp.zeros((f.shape[0], f.shape[1]), dtype=f.dtype)
    hn = _gru(m, h0, p['gru_Wih'], p['gru_Whh'], p['gru_bih'], p['gru_bhh'])
    rst = f @ p['fc_self'].T + hn @ p['fc_neigh'].T
    return _prelu(rst, p['prelu'])


def _sgat(feat, src, dst, p):
    f = _bn(feat)
    q = f @ p['fc_q_W'].T + p['fc_q_b']
    k = f @ p['fc_k'].T
    v = f @ p['fc_v'].T
    e = jax.nn.sigmoid(q[src] + k[dst]) @ p['fc_e'].T  # [E, 1]
    a = _seg_softmax(e, dst, f.shape[0])
    rst = jax.ops.segment_sum(v[src] * a, dst, num_segments=f.shape[0])
    return _prelu(rst, p['prelu'])


def _readout(feat, intend, last_nodes, seg, p):
    f = _bn(feat)
    fu = f @ p['fc_u'].T
    li = f[last_nodes] @ p['fc_i_W'].T + p['fc_i_b']
    fv = intend @ p['fc_v_W'].T + p['fc_v_b']
    e = jax.nn.sigmoid(fu + fv[seg] + li[seg]) @ p['fc_e'].T  # [N, 1]
    alpha = _seg_softmax(e, seg, B)
    rst = jax.ops.segment_sum(f * alpha, seg, num_segments=B)
    rst = rst @ p['fc_out'].T
    return _prelu(rst, p['prelu'])


def _forward(params, iid, cid, pid, neigh_idx, edge_index, seg_ids, last_nodes):
    itab = _renorm(params['emb_items'])
    ctab = _renorm(params['emb_cat'])
    ptab = _renorm(params['emb_price'])
    feat = itab[iid]
    cat_seq = ctab[cid].reshape(B, SEQ, D)
    price_emb = ptab[pid]
    x = _bn_seq(cat_seq)
    h0 = jnp.zeros((B, D * (L + 1)), dtype=x.dtype)
    intend = jax.nn.relu(_gru(x, h0, params['in_Wih'], params['in_Whh'], params['in_bih'], params['in_bhh']))
    pf = jax.nn.sigmoid(_bn(price_emb[last_nodes]) @ params['pa_W'].T + params['pa_b'])
    intend = intend * pf
    src = edge_index[0]
    dst = edge_index[1]
    out = _eopa(feat, neigh_idx, params['l0'])
    feat = jnp.concatenate([out, feat], axis=1)
    out = _sgat(feat, src, dst, params['l1'])
    feat = jnp.concatenate([out, feat], axis=1)
    out = _eopa(feat, neigh_idx, params['l2'])
    feat = jnp.concatenate([out, feat], axis=1)
    sr_g = _readout(feat, intend, last_nodes, seg_ids, params['ro'])
    sr_l = feat[last_nodes]
    sr = jnp.concatenate([sr_l, sr_g], axis=1)
    sr = _bn(sr)
    sr = sr @ params['fc_sr'].T
    logits = sr @ itab.T
    return logits


def setup_inputs(seed: int = 0):
    key = jax.random.key(seed)
    ks = [jax.random.fold_in(key, i) for i in range(64)]
    def P(i, shape):
        return jax.random.normal(ks[i], shape, dtype=jnp.float32) * 0.05
    H4 = D * (L + 1)
    params = {
        'emb_items': P(0, (NUM_ITEMS, D)),
        'emb_cat': P(1, (NUM_CAT, D)),
        'emb_price': P(2, (NUM_PRICE, D)),
        'in_Wih': P(3, (3 * H4, D)), 'in_Whh': P(4, (3 * H4, H4)),
        'in_bih': P(5, (3 * H4,)), 'in_bhh': P(6, (3 * H4,)),
        'pa_W': P(7, (H4, D)), 'pa_b': P(8, (H4,)),
        'l0': {'gru_Wih': P(9, (3 * D, D)), 'gru_Whh': P(10, (3 * D, D)),
               'gru_bih': P(11, (3 * D,)), 'gru_bhh': P(12, (3 * D,)),
               'fc_self': P(13, (D, D)), 'fc_neigh': P(14, (D, D)),
               'prelu': jnp.full((D,), 0.25, dtype=jnp.float32)},
        'l1': {'fc_q_W': P(15, (D, 2 * D)), 'fc_q_b': P(16, (D,)),
               'fc_k': P(17, (D, 2 * D)), 'fc_v': P(18, (D, 2 * D)),
               'fc_e': P(19, (1, D)),
               'prelu': jnp.full((D,), 0.25, dtype=jnp.float32)},
        'l2': {'gru_Wih': P(20, (9 * D, 3 * D)), 'gru_Whh': P(21, (9 * D, 3 * D)),
               'gru_bih': P(22, (9 * D,)), 'gru_bhh': P(23, (9 * D,)),
               'fc_self': P(24, (D, 3 * D)), 'fc_neigh': P(25, (D, 3 * D)),
               'prelu': jnp.full((D,), 0.25, dtype=jnp.float32)},
        'ro': {'fc_u': P(26, (D, H4)), 'fc_v_W': P(27, (D, H4)), 'fc_v_b': P(28, (D,)),
               'fc_i_W': P(29, (D, H4)), 'fc_i_b': P(30, (D,)),
               'fc_e': P(31, (1, D)), 'fc_out': P(32, (D, H4)),
               'prelu': jnp.full((D,), 0.25, dtype=jnp.float32)},
        'fc_sr': P(33, (D, 5 * D)),
    }
    iid = jax.random.randint(ks[40], (N,), 0, NUM_ITEMS)
    cid = jax.random.randint(ks[41], (N,), 0, NUM_CAT)
    pid = jax.random.randint(ks[42], (N,), 0, NUM_PRICE)
    node = jnp.arange(N)
    gid = node // SEQ
    neigh_off = jax.random.randint(ks[43], (N, DEG), 0, SEQ)
    neigh_idx = gid[:, None] * SEQ + neigh_off
    dst = jnp.repeat(node, EPN)
    src = (dst // SEQ) * SEQ + jax.random.randint(ks[44], (E,), 0, SEQ)
    edge_index = jnp.stack([src, dst], axis=0)
    seg_ids = gid
    last_nodes = jnp.arange(B) * SEQ + (SEQ - 1)
    return {'params': params, 'iid': iid, 'cid': cid, 'pid': pid,
            'neigh_idx': neigh_idx, 'edge_index': edge_index,
            'seg_ids': seg_ids, 'last_nodes': last_nodes}


def reference(params, iid, cid, pid, neigh_idx, edge_index, seg_ids, last_nodes):
    return _forward(params, iid, cid, pid, neigh_idx, edge_index, seg_ids, last_nodes)

if __name__ == "__main__":
    import jax
    _d = setup_inputs()
    print(jax.jit(kernel)(*tuple(_d.values())))

</pallas_src>

<mosaic_0001>
#map = affine_map<(d0, d1) -> (0, 0)>
module attributes {stable_mosaic.version = 14 : i64} {
  func.func @k(%arg0: i32, %arg1: i32, %arg2: memref<100000x128xf32, #tpu.memory_space<hbm>>, %arg3: memref<1x20480xi32, #tpu.memory_space<hbm>>, %arg4: memref<20480x128xf32, #tpu.memory_space<hbm>>) attributes {dimension_semantics = [#tpu.dimension_semantics<core_parallel>, #tpu.dimension_semantics<subcore_parallel>], iteration_bounds = array<i64: 2, 16>, scalar_prefetch = 0 : i64, scratch_operands = 0 : i64, tpu.core_type = #tpu.core_type<sc_vector_subcore>, window_params = [{transform_indices = #map}, {transform_indices = #map}, {transform_indices = #map}]} {
    %mul3A = arith.constant 10 : i32
    %mul3A_0 = arith.muli %arg1, %mul3A : i32
    "tpu.region"() ({
      %run_scoped3A = memref.alloca() : memref<2x1x128xi32, #tpu.memory_space<vmem>>
      %run_scoped3A_1 = tpu.sem_alloc : memref<2x!tpu.dma_semaphore, #tpu.memory_space<semaphore_mem>>
      %run_scoped3A_2 = memref.alloca() : memref<2x128x128xf32, #tpu.memory_space<vmem>>
      %run_scoped3A_3 = tpu.sem_alloc : memref<2x!tpu.dma_semaphore, #tpu.memory_space<semaphore_mem>>
      %add3A = arith.constant 0 : i32
      %add3A_4 = arith.addi %add3A, %mul3A_0 : i32
      %select_n3A = arith.constant true
      %select_n3A_5 = arith.constant 0 : i32
      %select_n3A_6 = arith.constant -1 : i32
      %select_n3A_7 = arith.select %select_n3A, %select_n3A_6, %select_n3A_5 : i32
      %eq3A = arith.constant -1 : i32
      %eq3A_8 = arith.cmpi eq, %select_n3A_7, %eq3A : i32
      %select_n3A_9 = arith.constant 9 : i32
      %select_n3A_10 = arith.select %eq3A_8, %select_n3A_9, %select_n3A_7 : i32
      %add3A_11 = arith.addi %select_n3A_10, %mul3A_0 : i32
      %select_n3A_12 = arith.constant true
      %select_n3A_13 = arith.constant 0 : i32
      %select_n3A_14 = arith.constant 1 : i32
      %select_n3A_15 = arith.select %select_n3A_12, %select_n3A_14, %select_n3A_13 : i32
      %eq3A_16 = arith.constant 10 : i32
      %eq3A_17 = arith.cmpi eq, %select_n3A_15, %eq3A_16 : i32
      %select_n3A_18 = arith.constant 0 : i32
      %select_n3A_19 = arith.select %eq3A_17, %select_n3A_18, %select_n3A_15 : i32
      %add3A_20 = arith.addi %select_n3A_19, %mul3A_0 : i32
      %add3A_21 = arith.constant 1 : i32
      %add3A_22 = arith.addi %select_n3A_19, %add3A_21 : i32
      %select_n3A_23 = arith.constant true
      %select_n3A_24 = arith.select %select_n3A_23, %add3A_22, %select_n3A_19 : i32
      %eq3A_25 = arith.constant 10 : i32
      %eq3A_26 = arith.cmpi eq, %select_n3A_24, %eq3A_25 : i32
      %select_n3A_27 = arith.constant 0 : i32
      %select_n3A_28 = arith.select %eq3A_26, %select_n3A_27, %select_n3A_24 : i32
      %add3A_29 = arith.addi %select_n3A_28, %mul3A_0 : i32
      "tpu.trace_start"() <{level = 10 : i32, message = "ep_initialize_0"}> : () -> ()
      %rem3A = arith.constant 0 : i32
      %rem3A_30 = arith.constant 2 : i32
      %rem3A_31 = arith.remui %rem3A, %rem3A_30 : i32
      %mul3A_32 = arith.constant 128 : i32
      %mul3A_33 = arith.muli %mul3A_32, %add3A_4 : i32
      %dma_start3A = arith.constant 0 : i32
      %dma_start3A_34 = arith.constant 0 : i32
      %dma_start3A_35 = tpu.memref_slice %run_scoped3A[%rem3A_31, %dma_start3A, %dma_start3A_34] : memref<2x1x128xi32, #tpu.memory_space<vmem>> -> memref<1x1x128xi32, #tpu.memory_space<vmem>>
      %dma_start3A_36 = tpu.memref_squeeze %dma_start3A_35 : memref<1x1x128xi32, #tpu.memory_space<vmem>> -> memref<1x128xi32, #tpu.memory_space<vmem>>
      %dma_start3A_37 = arith.constant 0 : i32
      %dma_start3A_38 = tpu.memref_slice %arg3[%dma_start3A_37, %mul3A_33] : memref<1x20480xi32, #tpu.memory_space<hbm>> -> memref<1x128xi32, #tpu.memory_space<hbm>>
      %dma_start3A_39 = tpu.memref_slice %run_scoped3A_1[%rem3A_31] : memref<2x!tpu.dma_semaphore, #tpu.memory_space<semaphore_mem>> -> memref<1x!tpu.dma_semaphore, #tpu.memory_space<semaphore_mem>>
      %dma_start3A_40 = tpu.memref_squeeze %dma_start3A_39 : memref<1x!tpu.dma_semaphore, #tpu.memory_space<semaphore_mem>> -> memref<!tpu.dma_semaphore, #tpu.memory_space<semaphore_mem>>
      %dma_start3A_41 = arith.constant 0 : i32
      %dma_start3A_42 = arith.constant 0 : i32
      %dma_start3A_43 = tpu.memref_slice %run_scoped3A[%rem3A_31, %dma_start3A_41, %dma_start3A_42] : memref<2x1x128xi32, #tpu.memory_space<vmem>> -> memref<1x1x128xi32, #tpu.memory_space<vmem>>
      %dma_start3A_44 = tpu.memref_squeeze %dma_start3A_43 : memref<1x1x128xi32, #tpu.memory_space<vmem>> -> memref<1x128xi32, #tpu.memory_space<vmem>>
      %dma_start3A_45 = arith.constant 0 : i32
      %dma_start3A_46 = tpu.memref_slice %arg3[%dma_start3A_45, %mul3A_33] : memref<1x20480xi32, #tpu.memory_space<hbm>> -> memref<1x128xi32, #tpu.memory_space<hbm>>
      tpu.enqueue_dma source(%dma_start3A_46 : memref<1x128xi32, #tpu.memory_space<hbm>>) target(%dma_start3A_44 : memref<1x128xi32, #tpu.memory_space<vmem>>) target_semaphore(%dma_start3A_40 : memref<!tpu.dma_semaphore, #tpu.memory_space<semaphore_mem>>)
      %add3A_47 = arith.constant 0 : i32
      %add3A_48 = arith.constant 1 : i32
      %add3A_49 = arith.addi %add3A_47, %add3A_48 : i32
      %select_n3A_50 = arith.constant true
      %select_n3A_51 = arith.constant 0 : i32
      %select_n3A_52 = arith.select %select_n3A_50, %add3A_49, %select_n3A_51 : i32
      "tpu.trace_stop"() : () -> ()
      %scan3A = arith.constant 0 : i32
      %scan3A_53 = arith.constant 0 : i32
      %scan3A_54 = arith.constant 0 : i32
      %scan3A_55 = arith.constant 0 : i32
      %scan3A_56 = arith.constant 0 : i32
      %scan3A_57 = arith.constant 10 : i32
      %scan3A_58 = arith.addi %scan3A_56, %scan3A_57 : i32
      %scan3A_59 = arith.constant 1 : i32
      %scan3A_60:5 = scf.for %scan3A_114 = %scan3A_56 to %scan3A_58 step %scan3A_59 iter_args(%scan3A_115 = %select_n3A_52, %scan3A_116 = %scan3A, %scan3A_117 = %scan3A_53, %scan3A_118 = %scan3A_54, %scan3A_119 = %scan3A_55) -> (i32, i32, i32, i32, i32)  : i32 {
        %eq3A_120 = arith.constant 0 : i32
        %eq3A_121 = arith.cmpi eq, %scan3A_114, %eq3A_120 : i32
        %eq3A_122 = arith.constant 9 : i32
        %eq3A_123 = arith.cmpi eq, %scan3A_114, %eq3A_122 : i32
        %add3A_124 = arith.addi %scan3A_119, %mul3A_0 : i32
        %sub3A_125 = arith.constant 1 : i32
        %sub3A_126 = arith.subi %scan3A_119, %sub3A_125 : i32
        %select_n3A_127 = arith.constant true
        %select_n3A_128 = arith.select %select_n3A_127, %sub3A_126, %scan3A_119 : i32
        %eq3A_129 = arith.constant -1 : i32
        %eq3A_130 = arith.cmpi eq, %select_n3A_128, %eq3A_129 : i32
        %select_n3A_131 = arith.constant 9 : i32
        %select_n3A_132 = arith.select %eq3A_130, %select_n3A_131, %select_n3A_128 : i32
        %add3A_133 = arith.addi %select_n3A_132, %mul3A_0 : i32
        %add3A_134 = arith.constant 1 : i32
        %add3A_135 = arith.addi %scan3A_119, %add3A_134 : i32
        %select_n3A_136 = arith.constant true
        %select_n3A_137 = arith.select %select_n3A_136, %add3A_135, %scan3A_119 : i32
        %eq3A_138 = arith.constant 10 : i32
        %eq3A_139 = arith.cmpi eq, %select_n3A_137, %eq3A_138 : i32
        %select_n3A_140 = arith.constant 0 : i32
        %select_n3A_141 = arith.select %eq3A_139, %select_n3A_140, %select_n3A_137 : i32
        %add3A_142 = arith.addi %select_n3A_141, %mul3A_0 : i32
        %add3A_143 = arith.constant 1 : i32
        %add3A_144 = arith.addi %select_n3A_141, %add3A_143 : i32
        %select_n3A_145 = arith.constant true
        %select_n3A_146 = arith.select %select_n3A_145, %add3A_144, %select_n3A_141 : i32
        %eq3A_147 = arith.constant 10 : i32
        %eq3A_148 = arith.cmpi eq, %select_n3A_146, %eq3A_147 : i32
        %select_n3A_149 = arith.constant 0 : i32
        %select_n3A_150 = arith.select %eq3A_148, %select_n3A_149, %select_n3A_146 : i32
        %add3A_151 = arith.addi %select_n3A_150, %mul3A_0 : i32
        %ne3A = arith.cmpi ne, %add3A_124, %add3A_142 : i32
        %or3A = arith.constant false
        %or3A_152 = arith.ori %or3A, %ne3A : i1
        %ge3A = arith.constant 9 : i32
        %ge3A_153 = arith.cmpi sge, %scan3A_114, %ge3A : i32
        %not3A = arith.constant true
        %not3A_154 = arith.xori %ge3A_153, %not3A : i1
        %and3A = arith.andi %or3A_152, %not3A_154 : i1
        %convert_element_type3A = arith.extui %and3A : i1 to i32
        %cond3A = arith.constant 0 : i32
        %cond3A_155 = arith.cmpi ne, %convert_element_type3A, %cond3A : i32
        scf.if %cond3A_155 {
          "tpu.trace_start"() <{level = 10 : i32, message = "ep_copy_in"}> : () -> ()
          %rem3A_257 = arith.constant 2 : i32
          %rem3A_258 = arith.remui %scan3A_115, %rem3A_257 : i32
          %mul3A_259 = arith.constant 128 : i32
          %mul3A_260 = arith.muli %mul3A_259, %add3A_142 : i32
          %dma_start3A_261 = arith.constant 0 : i32
          %dma_start3A_262 = arith.constant 0 : i32
          %dma_start3A_263 = tpu.memref_slice %run_scoped3A[%rem3A_258, %dma_start3A_261, %dma_start3A_262] : memref<2x1x128xi32, #tpu.memory_space<vmem>> -> memref<1x1x128xi32, #tpu.memory_space<vmem>>
          %dma_start3A_264 = tpu.memref_squeeze %dma_start3A_263 : memref<1x1x128xi32, #tpu.memory_space<vmem>> -> memref<1x128xi32, #tpu.memory_space<vmem>>
          %dma_start3A_265 = arith.constant 0 : i32
          %dma_start3A_266 = tpu.memref_slice %arg3[%dma_start3A_265, %mul3A_260] : memref<1x20480xi32, #tpu.memory_space<hbm>> -> memref<1x128xi32, #tpu.memory_space<hbm>>
          %dma_start3A_267 = tpu.memref_slice %run_scoped3A_1[%rem3A_258] : memref<2x!tpu.dma_semaphore, #tpu.memory_space<semaphore_mem>> -> memref<1x!tpu.dma_semaphore, #tpu.memory_space<semaphore_mem>>
          %dma_start3A_268 = tpu.memref_squeeze %dma_start3A_267 : memref<1x!tpu.dma_semaphore, #tpu.memory_space<semaphore_mem>> -> memref<!tpu.dma_semaphore, #tpu.memory_space<semaphore_mem>>
          %dma_start3A_269 = arith.constant 0 : i32
          %dma_start3A_270 = arith.constant 0 : i32
          %dma_start3A_271 = tpu.memref_slice %run_scoped3A[%rem3A_258, %dma_start3A_269, %dma_start3A_270] : memref<2x1x128xi32, #tpu.memory_space<vmem>> -> memref<1x1x128xi32, #tpu.memory_space<vmem>>
          %dma_start3A_272 = tpu.memref_squeeze %dma_start3A_271 : memref<1x1x128xi32, #tpu.memory_space<vmem>> -> memref<1x128xi32, #tpu.memory_space<vmem>>
          %dma_start3A_273 = arith.constant 0 : i32
          %dma_start3A_274 = tpu.memref_slice %arg3[%dma_start3A_273, %mul3A_260] : memref<1x20480xi32, #tpu.memory_space<hbm>> -> memref<1x128xi32, #tpu.memory_space<hbm>>
          tpu.enqueue_dma source(%dma_start3A_274 : memref<1x128xi32, #tpu.memory_space<hbm>>) target(%dma_start3A_272 : memref<1x128xi32, #tpu.memory_space<vmem>>) target_semaphore(%dma_start3A_268 : memref<!tpu.dma_semaphore, #tpu.memory_space<semaphore_mem>>)
          "tpu.trace_stop"() : () -> ()
        } else {
        }
        %and3A_156 = arith.constant true
        %and3A_157 = arith.andi %and3A, %and3A_156 : i1
        %add3A_158 = arith.constant 1 : i32
        %add3A_159 = arith.addi %scan3A_115, %add3A_158 : i32
        %select_n3A_160 = arith.select %and3A_157, %add3A_159, %scan3A_115 : i32
        %ne3A_161 = arith.cmpi ne, %add3A_124, %add3A_142 : i32
        %or3A_162 = arith.constant false
        %or3A_163 = arith.ori %or3A_162, %ne3A_161 : i1
        %or3A_164 = arith.constant false
        %or3A_165 = arith.ori %or3A_163, %or3A_164 : i1
        %ge3A_166 = arith.constant 9 : i32
        %ge3A_167 = arith.cmpi sge, %scan3A_114, %ge3A_166 : i32
        %not3A_168 = arith.constant true
        %not3A_169 = arith.xori %ge3A_167, %not3A_168 : i1
        %and3A_170 = arith.andi %or3A_165, %not3A_169 : i1
        %ne3A_171 = arith.cmpi ne, %add3A_124, %add3A_133 : i32
        %or3A_172 = arith.constant false
        %or3A_173 = arith.ori %or3A_172, %ne3A_171 : i1
        %or3A_174 = arith.ori %or3A_173, %eq3A_121 : i1
        %convert_element_type3A_175 = arith.extui %or3A_174 : i1 to i32
        %cond3A_176 = arith.constant 0 : i32
        %cond3A_177 = arith.cmpi ne, %convert_element_type3A_175, %cond3A_176 : i32
        scf.if %cond3A_177 {
          "tpu.trace_start"() <{level = 10 : i32, message = "ep_wait_in"}> : () -> ()
          %mul3A_257 = arith.constant 128 : i32
          %mul3A_258 = arith.muli %mul3A_257, %add3A_124 : i32
          %rem3A_259 = arith.constant 2 : i32
          %rem3A_260 = arith.remui %scan3A_116, %rem3A_259 : i32
          %dma_wait3A_261 = arith.constant 0 : i32
          %dma_wait3A_262 = arith.constant 0 : i32
          %dma_wait3A_263 = tpu.memref_slice %run_scoped3A[%rem3A_260, %dma_wait3A_261, %dma_wait3A_262] : memref<2x1x128xi32, #tpu.memory_space<vmem>> -> memref<1x1x128xi32, #tpu.memory_space<vmem>>
          %dma_wait3A_264 = tpu.memref_squeeze %dma_wait3A_263 : memref<1x1x128xi32, #tpu.memory_space<vmem>> -> memref<1x128xi32, #tpu.memory_space<vmem>>
          %dma_wait3A_265 = arith.constant 0 : i32
          %dma_wait3A_266 = tpu.memref_slice %arg3[%dma_wait3A_265, %mul3A_258] : memref<1x20480xi32, #tpu.memory_space<hbm>> -> memref<1x128xi32, #tpu.memory_space<hbm>>
          %dma_wait3A_267 = tpu.memref_slice %run_scoped3A_1[%rem3A_260] : memref<2x!tpu.dma_semaphore, #tpu.memory_space<semaphore_mem>> -> memref<1x!tpu.dma_semaphore, #tpu.memory_space<semaphore_mem>>
          %dma_wait3A_268 = tpu.memref_squeeze %dma_wait3A_267 : memref<1x!tpu.dma_semaphore, #tpu.memory_space<semaphore_mem>> -> memref<!tpu.dma_semaphore, #tpu.memory_space<semaphore_mem>>
          %dma_wait3A_269 = arith.constant 0 : i32
          %dma_wait3A_270 = arith.constant 0 : i32
          %dma_wait3A_271 = tpu.memref_slice %run_scoped3A[%rem3A_260, %dma_wait3A_269, %dma_wait3A_270] : memref<2x1x128xi32, #tpu.memory_space<vmem>> -> memref<1x1x128xi32, #tpu.memory_space<vmem>>
          %dma_wait3A_272 = tpu.memref_squeeze %dma_wait3A_271 : memref<1x1x128xi32, #tpu.memory_space<vmem>> -> memref<1x128xi32, #tpu.memory_space<vmem>>
          %dma_wait3A_273 = arith.constant 0 : i32
          %dma_wait3A_274 = tpu.memref_slice %arg3[%dma_wait3A_273, %mul3A_258] : memref<1x20480xi32, #tpu.memory_space<hbm>> -> memref<1x128xi32, #tpu.memory_space<hbm>>
          tpu.wait_dma2 semaphore(%dma_wait3A_268 : memref<!tpu.dma_semaphore, #tpu.memory_space<semaphore_mem>>) src(%dma_wait3A_274 : memref<1x128xi32, #tpu.memory_space<hbm>>) dst(%dma_wait3A_272 : memref<1x128xi32, #tpu.memory_space<vmem>>)
          "tpu.trace_stop"() : () -> ()
        } else {
        }
        %ne3A_178 = arith.cmpi ne, %add3A_124, %add3A_133 : i32
        %or3A_179 = arith.constant false
        %or3A_180 = arith.ori %or3A_179, %ne3A_178 : i1
        %or3A_181 = arith.constant false
        %or3A_182 = arith.ori %or3A_180, %or3A_181 : i1
        %or3A_183 = arith.ori %or3A_182, %eq3A_121 : i1
        %convert_element_type3A_184 = arith.extui %or3A_183 : i1 to i32
        %cond3A_185 = arith.constant 0 : i32
        %cond3A_186 = arith.cmpi ne, %convert_element_type3A_184, %cond3A_185 : i32
        scf.if %cond3A_186 {
        } else {
        }
        %rem3A_187 = arith.constant 2 : i32
        %rem3A_188 = arith.remui %scan3A_116, %rem3A_187 : i32
        %rem3A_189 = arith.constant 2 : i32
        %rem3A_190 = arith.remui %scan3A_117, %rem3A_189 : i32
        %run_scoped3A_191 = arith.constant 0 : i32
        "tpu.trace_start"() <{level = 10 : i32, message = "ep_run_kernel"}> : () -> ()
        "tpu.region"() ({
          %run_scoped3A_257 = tpu.sem_alloc : memref<!tpu.dma_semaphore, #tpu.memory_space<semaphore_mem>>
          %dma_start3A_258 = arith.constant 0 : i32
          %dma_start3A_259 = arith.constant 0 : i32
          %dma_start3A_260 = tpu.memref_slice %run_scoped3A_2[%rem3A_190, %dma_start3A_258, %dma_start3A_259] : memref<2x128x128xf32, #tpu.memory_space<vmem>> -> memref<1x128x128xf32, #tpu.memory_space<vmem>>
          %dma_start3A_261 = tpu.memref_squeeze %dma_start3A_260 : memref<1x128x128xf32, #tpu.memory_space<vmem>> -> memref<128x128xf32, #tpu.memory_space<vmem>>
          %dma_start3A_262 = arith.constant 0 : i32
          %dma_start3A_263 = arith.constant 0 : i32
          %dma_start3A_264 = tpu.memref_slice %run_scoped3A[%rem3A_188, %dma_start3A_262, %dma_start3A_263] : memref<2x1x128xi32, #tpu.memory_space<vmem>> -> memref<1x1x128xi32, #tpu.memory_space<vmem>>
          %dma_start3A_265 = tpu.memref_squeeze %dma_start3A_264 : memref<1x1x128xi32, #tpu.memory_space<vmem>> -> memref<1x128xi32, #tpu.memory_space<vmem>>
          %dma_start3A_266 = arith.constant 0 : i32
          %dma_start3A_267 = tpu.memref_slice %dma_start3A_265[%run_scoped3A_191, %dma_start3A_266] : memref<1x128xi32, #tpu.memory_space<vmem>> -> memref<1x128xi32, #tpu.memory_space<vmem>>
          %dma_start3A_268 = tpu.memref_squeeze %dma_start3A_267 : memref<1x128xi32, #tpu.memory_space<vmem>> -> memref<128xi32, #tpu.memory_space<vmem>>
          %dma_start3A_269 = arith.constant 0 : i32
          %dma_start3A_270 = arith.constant 0 : i32
          %dma_start3A_271 = tpu.memref_slice %arg2[%dma_start3A_269, %dma_start3A_270] : memref<100000x128xf32, #tpu.memory_space<hbm>> -> memref<100000x128xf32, #tpu.memory_space<hbm>>
          tpu.enqueue_indirect_dma source(%dma_start3A_271 : memref<100000x128xf32, #tpu.memory_space<hbm>>) target(%dma_start3A_261 : memref<128x128xf32, #tpu.memory_space<vmem>>) offsets(%dma_start3A_268 : memref<128xi32, #tpu.memory_space<vmem>>) semaphore(%run_scoped3A_257 : memref<!tpu.dma_semaphore, #tpu.memory_space<semaphore_mem>>)
          %dma_wait3A_272 = arith.constant 0 : i32
          %dma_wait3A_273 = arith.constant 0 : i32
          %dma_wait3A_274 = tpu.memref_slice %run_scoped3A_2[%rem3A_190, %dma_wait3A_272, %dma_wait3A_273] : memref<2x128x128xf32, #tpu.memory_space<vmem>> -> memref<1x128x128xf32, #tpu.memory_space<vmem>>
          %dma_wait3A_275 = tpu.memref_squeeze %dma_wait3A_274 : memref<1x128x128xf32, #tpu.memory_space<vmem>> -> memref<128x128xf32, #tpu.memory_space<vmem>>
          %dma_wait3A_276 = arith.constant 0 : i32
          %dma_wait3A_277 = arith.constant 0 : i32
          %dma_wait3A_278 = tpu.memref_slice %run_scoped3A[%rem3A_188, %dma_wait3A_276, %dma_wait3A_277] : memref<2x1x128xi32, #tpu.memory_space<vmem>> -> memref<1x1x128xi32, #tpu.memory_space<vmem>>
          %dma_wait3A_279 = tpu.memref_squeeze %dma_wait3A_278 : memref<1x1x128xi32, #tpu.memory_space<vmem>> -> memref<1x128xi32, #tpu.memory_space<vmem>>
          %dma_wait3A_280 = arith.constant 0 : i32
          %dma_wait3A_281 = tpu.memref_slice %dma_wait3A_279[%run_scoped3A_191, %dma_wait3A_280] : memref<1x128xi32, #tpu.memory_space<vmem>> -> memref<1x128xi32, #tpu.memory_space<vmem>>
          %dma_wait3A_282 = tpu.memref_squeeze %dma_wait3A_281 : memref<1x128xi32, #tpu.memory_space<vmem>> -> memref<128xi32, #tpu.memory_space<vmem>>
          %dma_wait3A_283 = arith.constant 0 : i32
          %dma_wait3A_284 = arith.constant 0 : i32
          %dma_wait3A_285 = tpu.memref_slice %arg2[%dma_wait3A_283, %dma_wait3A_284] : memref<100000x128xf32, #tpu.memory_space<hbm>> -> memref<100000x128xf32, #tpu.memory_space<hbm>>
          tpu.wait_indirect_dma semaphore(%run_scoped3A_257 : memref<!tpu.dma_semaphore, #tpu.memory_space<semaphore_mem>>) src(%dma_wait3A_285 : memref<100000x128xf32, #tpu.memory_space<hbm>>) dst(%dma_wait3A_275 : memref<128x128xf32, #tpu.memory_space<vmem>>)
          tpu.yield
        }) : () -> ()
        "tpu.trace_stop"() : () -> ()
        %ne3A_192 = arith.cmpi ne, %add3A_124, %add3A_142 : i32
        %or3A_193 = arith.constant false
        %or3A_194 = arith.ori %or3A_193, %ne3A_192 : i1
        %or3A_195 = arith.ori %or3A_194, %eq3A_123 : i1
        %convert_element_type3A_196 = arith.extui %or3A_195 : i1 to i32
        %cond3A_197 = arith.constant 0 : i32
        %cond3A_198 = arith.cmpi ne, %convert_element_type3A_196, %cond3A_197 : i32
        scf.if %cond3A_198 {
        } else {
        }
        %and3A_199 = arith.constant false
        %and3A_200 = arith.andi %or3A_195, %and3A_199 : i1
        %ne3A_201 = arith.cmpi ne, %add3A_124, %add3A_142 : i32
        %or3A_202 = arith.constant false
        %or3A_203 = arith.ori %or3A_202, %ne3A_201 : i1
        %or3A_204 = arith.constant false
        %or3A_205 = arith.ori %or3A_203, %or3A_204 : i1
        %or3A_206 = arith.ori %or3A_205, %eq3A_123 : i1
        %convert_element_type3A_207 = arith.extui %or3A_206 : i1 to i32
        %cond3A_208 = arith.constant 0 : i32
        %cond3A_209 = arith.cmpi ne, %convert_element_type3A_207, %cond3A_208 : i32
        scf.if %cond3A_209 {
          "tpu.trace_start"() <{level = 10 : i32, message = "ep_copy_out"}> : () -> ()
          %rem3A_257 = arith.constant 2 : i32
          %rem3A_258 = arith.remui %scan3A_117, %rem3A_257 : i32
          %mul3A_259 = arith.constant 128 : i32
          %mul3A_260 = arith.muli %mul3A_259, %add3A_124 : i32
          %dma_start3A_261 = arith.constant 0 : i32
          %dma_start3A_262 = arith.constant 0 : i32
          %dma_start3A_263 = tpu.memref_slice %run_scoped3A_2[%rem3A_258, %dma_start3A_261, %dma_start3A_262] : memref<2x128x128xf32, #tpu.memory_space<vmem>> -> memref<1x128x128xf32, #tpu.memory_space<vmem>>
          %dma_start3A_264 = tpu.memref_squeeze %dma_start3A_263 : memref<1x128x128xf32, #tpu.memory_space<vmem>> -> memref<128x128xf32, #tpu.memory_space<vmem>>
          %dma_start3A_265 = arith.constant 0 : i32
          %dma_start3A_266 = tpu.memref_slice %arg4[%mul3A_260, %dma_start3A_265] : memref<20480x128xf32, #tpu.memory_space<hbm>> -> memref<128x128xf32, #tpu.memory_space<hbm>>
          %dma_start3A_267 = tpu.memref_slice %run_scoped3A_3[%rem3A_258] : memref<2x!tpu.dma_semaphore, #tpu.memory_space<semaphore_mem>> -> memref<1x!tpu.dma_semaphore, #tpu.memory_space<semaphore_mem>>
          %dma_start3A_268 = tpu.memref_squeeze %dma_start3A_267 : memref<1x!tpu.dma_semaphore, #tpu.memory_space<semaphore_mem>> -> memref<!tpu.dma_semaphore, #tpu.memory_space<semaphore_mem>>
          %dma_start3A_269 = arith.constant 0 : i32
          %dma_start3A_270 = tpu.memref_slice %arg4[%mul3A_260, %dma_start3A_269] : memref<20480x128xf32, #tpu.memory_space<hbm>> -> memref<128x128xf32, #tpu.memory_space<hbm>>
          %dma_start3A_271 = arith.constant 0 : i32
          %dma_start3A_272 = arith.constant 0 : i32
          %dma_start3A_273 = tpu.memref_slice %run_scoped3A_2[%rem3A_258, %dma_start3A_271, %dma_start3A_272] : memref<2x128x128xf32, #tpu.memory_space<vmem>> -> memref<1x128x128xf32, #tpu.memory_space<vmem>>
          %dma_start3A_274 = tpu.memref_squeeze %dma_start3A_273 : memref<1x128x128xf32, #tpu.memory_space<vmem>> -> memref<128x128xf32, #tpu.memory_space<vmem>>
          tpu.enqueue_dma source(%dma_start3A_274 : memref<128x128xf32, #tpu.memory_space<vmem>>) target(%dma_start3A_270 : memref<128x128xf32, #tpu.memory_space<hbm>>) target_semaphore(%dma_start3A_268 : memref<!tpu.dma_semaphore, #tpu.memory_space<semaphore_mem>>)
          "tpu.trace_stop"() : () -> ()
        } else {
        }
        %and3A_210 = arith.constant true
        %and3A_211 = arith.andi %or3A_206, %and3A_210 : i1
        %add3A_212 = arith.constant 1 : i32
        %add3A_213 = arith.addi %scan3A_117, %add3A_212 : i32
        %select_n3A_214 = arith.select %and3A_211, %add3A_213, %scan3A_117 : i32
        %ne3A_215 = arith.cmpi ne, %add3A_124, %add3A_133 : i32
        %or3A_216 = arith.constant false
        %or3A_217 = arith.ori %or3A_216, %ne3A_215 : i1
        %not3A_218 = arith.constant true
        %not3A_219 = arith.xori %eq3A_121, %not3A_218 : i1
        %and3A_220 = arith.andi %or3A_217, %not3A_219 : i1
        %convert_element_type3A_221 = arith.extui %and3A_220 : i1 to i32
        %cond3A_222 = arith.constant 0 : i32
        %cond3A_223 = arith.cmpi ne, %convert_element_type3A_221, %cond3A_222 : i32
        scf.if %cond3A_223 {
        } else {
        }
        %and3A_224 = arith.constant false
        %and3A_225 = arith.andi %and3A_220, %and3A_224 : i1
        %ne3A_226 = arith.cmpi ne, %add3A_124, %add3A_133 : i32
        %or3A_227 = arith.constant false
        %or3A_228 = arith.ori %or3A_227, %ne3A_226 : i1
        %or3A_229 = arith.constant false
        %or3A_230 = arith.ori %or3A_228, %or3A_229 : i1
        %not3A_231 = arith.constant true
        %not3A_232 = arith.xori %eq3A_121, %not3A_231 : i1
        %and3A_233 = arith.andi %or3A_230, %not3A_232 : i1
        %convert_element_type3A_234 = arith.extui %and3A_233 : i1 to i32
        %cond3A_235 = arith.constant 0 : i32
        %cond3A_236 = arith.cmpi ne, %convert_element_type3A_234, %cond3A_235 : i32
        scf.if %cond3A_236 {
          "tpu.trace_start"() <{level = 10 : i32, message = "ep_wait_out"}> : () -> ()
          %rem3A_257 = arith.constant 2 : i32
          %rem3A_258 = arith.remui %scan3A_118, %rem3A_257 : i32
          %mul3A_259 = arith.constant 128 : i32
          %mul3A_260 = arith.muli %mul3A_259, %add3A_133 : i32
          %dma_wait3A_261 = arith.constant 0 : i32
          %dma_wait3A_262 = arith.constant 0 : i32
          %dma_wait3A_263 = tpu.memref_slice %run_scoped3A_2[%rem3A_258, %dma_wait3A_261, %dma_wait3A_262] : memref<2x128x128xf32, #tpu.memory_space<vmem>> -> memref<1x128x128xf32, #tpu.memory_space<vmem>>
          %dma_wait3A_264 = tpu.memref_squeeze %dma_wait3A_263 : memref<1x128x128xf32, #tpu.memory_space<vmem>> -> memref<128x128xf32, #tpu.memory_space<vmem>>
          %dma_wait3A_265 = arith.constant 0 : i32
          %dma_wait3A_266 = tpu.memref_slice %arg4[%mul3A_260, %dma_wait3A_265] : memref<20480x128xf32, #tpu.memory_space<hbm>> -> memref<128x128xf32, #tpu.memory_space<hbm>>
          %dma_wait3A_267 = tpu.memref_slice %run_scoped3A_3[%rem3A_258] : memref<2x!tpu.dma_semaphore, #tpu.memory_space<semaphore_mem>> -> memref<1x!tpu.dma_semaphore, #tpu.memory_space<semaphore_mem>>
          %dma_wait3A_268 = tpu.memref_squeeze %dma_wait3A_267 : memref<1x!tpu.dma_semaphore, #tpu.memory_space<semaphore_mem>> -> memref<!tpu.dma_semaphore, #tpu.memory_space<semaphore_mem>>
          %dma_wait3A_269 = arith.constant 0 : i32
          %dma_wait3A_270 = tpu.memref_slice %arg4[%mul3A_260, %dma_wait3A_269] : memref<20480x128xf32, #tpu.memory_space<hbm>> -> memref<128x128xf32, #tpu.memory_space<hbm>>
          %dma_wait3A_271 = arith.constant 0 : i32
          %dma_wait3A_272 = arith.constant 0 : i32
          %dma_wait3A_273 = tpu.memref_slice %run_scoped3A_2[%rem3A_258, %dma_wait3A_271, %dma_wait3A_272] : memref<2x128x128xf32, #tpu.memory_space<vmem>> -> memref<1x128x128xf32, #tpu.memory_space<vmem>>
          %dma_wait3A_274 = tpu.memref_squeeze %dma_wait3A_273 : memref<1x128x128xf32, #tpu.memory_space<vmem>> -> memref<128x128xf32, #tpu.memory_space<vmem>>
          tpu.wait_dma2 semaphore(%dma_wait3A_268 : memref<!tpu.dma_semaphore, #tpu.memory_space<semaphore_mem>>) src(%dma_wait3A_274 : memref<128x128xf32, #tpu.memory_space<vmem>>) dst(%dma_wait3A_270 : memref<128x128xf32, #tpu.memory_space<hbm>>)
          "tpu.trace_stop"() : () -> ()
        } else {
        }
        %and3A_237 = arith.constant true
        %and3A_238 = arith.andi %and3A_233, %and3A_237 : i1
        %add3A_239 = arith.constant 1 : i32
        %add3A_240 = arith.addi %scan3A_118, %add3A_239 : i32
        %select_n3A_241 = arith.select %and3A_238, %add3A_240, %scan3A_118 : i32
        %ne3A_242 = arith.cmpi ne, %add3A_124, %add3A_142 : i32
        %or3A_243 = arith.constant false
        %or3A_244 = arith.ori %or3A_243, %ne3A_242 : i1
        %or3A_245 = arith.ori %or3A_244, %eq3A_123 : i1
        %add3A_246 = arith.constant 1 : i32
        %add3A_247 = arith.addi %scan3A_116, %add3A_246 : i32
        %select_n3A_248 = arith.select %or3A_245, %add3A_247, %scan3A_116 : i32
        %add3A_249 = arith.constant 1 : i32
        %add3A_250 = arith.addi %scan3A_119, %add3A_249 : i32
        %select_n3A_251 = arith.constant true
        %select_n3A_252 = arith.select %select_n3A_251, %add3A_250, %scan3A_119 : i32
        %eq3A_253 = arith.constant 10 : i32
        %eq3A_254 = arith.cmpi eq, %select_n3A_252, %eq3A_253 : i32
        %select_n3A_255 = arith.constant 0 : i32
        %select_n3A_256 = arith.select %eq3A_254, %select_n3A_255, %select_n3A_252 : i32
        scf.yield %select_n3A_160, %select_n3A_248, %select_n3A_214, %select_n3A_241, %select_n3A_256 : i32, i32, i32, i32, i32
      }
      %scan3A_61 = arith.constant 10 : i32
      %sub3A = arith.constant 1 : i32
      %sub3A_62 = arith.subi %scan3A_60#4, %sub3A : i32
      %select_n3A_63 = arith.constant true
      %select_n3A_64 = arith.select %select_n3A_63, %sub3A_62, %scan3A_60#4 : i32
      %eq3A_65 = arith.constant -1 : i32
      %eq3A_66 = arith.cmpi eq, %select_n3A_64, %eq3A_65 : i32
      %select_n3A_67 = arith.constant 9 : i32
      %select_n3A_68 = arith.select %eq3A_66, %select_n3A_67, %select_n3A_64 : i32
      %add3A_69 = arith.addi %select_n3A_68, %mul3A_0 : i32
      %sub3A_70 = arith.constant 1 : i32
      %sub3A_71 = arith.subi %select_n3A_68, %sub3A_70 : i32
      %select_n3A_72 = arith.constant true
      %select_n3A_73 = arith.select %select_n3A_72, %sub3A_71, %select_n3A_68 : i32
      %eq3A_74 = arith.constant -1 : i32
      %eq3A_75 = arith.cmpi eq, %select_n3A_73, %eq3A_74 : i32
      %select_n3A_76 = arith.constant 9 : i32
      %select_n3A_77 = arith.select %eq3A_75, %select_n3A_76, %select_n3A_73 : i32
      %add3A_78 = arith.addi %select_n3A_77, %mul3A_0 : i32
      %add3A_79 = arith.constant 1 : i32
      %add3A_80 = arith.addi %select_n3A_68, %add3A_79 : i32
      %select_n3A_81 = arith.constant true
      %select_n3A_82 = arith.select %select_n3A_81, %add3A_80, %select_n3A_68 : i32
      %eq3A_83 = arith.constant 10 : i32
      %eq3A_84 = arith.cmpi eq, %select_n3A_82, %eq3A_83 : i32
      %select_n3A_85 = arith.constant 0 : i32
      %select_n3A_86 = arith.select %eq3A_84, %select_n3A_85, %select_n3A_82 : i32
      %add3A_87 = arith.addi %select_n3A_86, %mul3A_0 : i32
      %add3A_88 = arith.constant 1 : i32
      %add3A_89 = arith.addi %select_n3A_86, %add3A_88 : i32
      %select_n3A_90 = arith.constant true
      %select_n3A_91 = arith.select %select_n3A_90, %add3A_89, %select_n3A_86 : i32
      %eq3A_92 = arith.constant 10 : i32
      %eq3A_93 = arith.cmpi eq, %select_n3A_91, %eq3A_92 : i32
      %select_n3A_94 = arith.constant 0 : i32
      %select_n3A_95 = arith.select %eq3A_93, %select_n3A_94, %select_n3A_91 : i32
      %add3A_96 = arith.addi %select_n3A_95, %mul3A_0 : i32
      "tpu.trace_start"() <{level = 10 : i32, message = "ep_finalize"}> : () -> ()
      %rem3A_97 = arith.constant 2 : i32
      %rem3A_98 = arith.remui %scan3A_60#3, %rem3A_97 : i32
      %mul3A_99 = arith.constant 128 : i32
      %mul3A_100 = arith.muli %mul3A_99, %add3A_69 : i32
      %dma_wait3A = arith.constant 0 : i32
      %dma_wait3A_101 = arith.constant 0 : i32
      %dma_wait3A_102 = tpu.memref_slice %run_scoped3A_2[%rem3A_98, %dma_wait3A, %dma_wait3A_101] : memref<2x128x128xf32, #tpu.memory_space<vmem>> -> memref<1x128x128xf32, #tpu.memory_space<vmem>>
      %dma_wait3A_103 = tpu.memref_squeeze %dma_wait3A_102 : memref<1x128x128xf32, #tpu.memory_space<vmem>> -> memref<128x128xf32, #tpu.memory_space<vmem>>
      %dma_wait3A_104 = arith.constant 0 : i32
      %dma_wait3A_105 = tpu.memref_slice %arg4[%mul3A_100, %dma_wait3A_104] : memref<20480x128xf32, #tpu.memory_space<hbm>> -> memref<128x128xf32, #tpu.memory_space<hbm>>
      %dma_wait3A_106 = tpu.memref_slice %run_scoped3A_3[%rem3A_98] : memref<2x!tpu.dma_semaphore, #tpu.memory_space<semaphore_mem>> -> memref<1x!tpu.dma_semaphore, #tpu.memory_space<semaphore_mem>>
      %dma_wait3A_107 = tpu.memref_squeeze %dma_wait3A_106 : memref<1x!tpu.dma_semaphore, #tpu.memory_space<semaphore_mem>> -> memref<!tpu.dma_semaphore, #tpu.memory_space<semaphore_mem>>
      %dma_wait3A_108 = arith.constant 0 : i32
      %dma_wait3A_109 = tpu.memref_slice %arg4[%mul3A_100, %dma_wait3A_108] : memref<20480x128xf32, #tpu.memory_space<hbm>> -> memref<128x128xf32, #tpu.memory_space<hbm>>
      %dma_wait3A_110 = arith.constant 0 : i32
      %dma_wait3A_111 = arith.constant 0 : i32
      %dma_wait3A_112 = tpu.memref_slice %run_scoped3A_2[%rem3A_98, %dma_wait3A_110, %dma_wait3A_111] : memref<2x128x128xf32, #tpu.memory_space<vmem>> -> memref<1x128x128xf32, #tpu.memory_space<vmem>>
      %dma_wait3A_113 = tpu.memref_squeeze %dma_wait3A_112 : memref<1x128x128xf32, #tpu.memory_space<vmem>> -> memref<128x128xf32, #tpu.memory_space<vmem>>
      tpu.wait_dma2 semaphore(%dma_wait3A_107 : memref<!tpu.dma_semaphore, #tpu.memory_space<semaphore_mem>>) src(%dma_wait3A_113 : memref<128x128xf32, #tpu.memory_space<vmem>>) dst(%dma_wait3A_109 : memref<128x128xf32, #tpu.memory_space<hbm>>)
      "tpu.trace_stop"() : () -> ()
      tpu.yield
    }) : () -> ()
    return
  }
}

#map = affine_map<(d0, d1) -> (0, 0)>
module attributes {stable_mosaic.version = 14 : i64} {
  func.func @k(%arg0: i32, %arg1: i32, %arg2: memref<100x128xf32, #tpu.memory_space<hbm>>, %arg3: memref<1x1024xi32, #tpu.memory_space<hbm>>, %arg4: memref<1024x128xf32, #tpu.memory_space<hbm>>) attributes {dimension_semantics = [#tpu.dimension_semantics<core_parallel>, #tpu.dimension_semantics<subcore_parallel>], iteration_bounds = array<i64: 2, 16>, scalar_prefetch = 0 : i64, scratch_operands = 0 : i64, tpu.core_type = #tpu.core_type<sc_vector_subcore>, window_params = [{transform_indices = #map}, {transform_indices = #map}, {transform_indices = #map}]} {
    %lt3A = arith.constant 8 : i32
    %lt3A_0 = arith.cmpi slt, %arg1, %lt3A : i32
    %jit3A = arith.constant 1 : i32
    %jit3A_1 = arith.constant 0 : i32
    %select_n3A = arith.select %lt3A_0, %jit3A, %jit3A_1 : i32
    %lt3A_2 = arith.constant 8 : i32
    %lt3A_3 = arith.cmpi slt, %arg1, %lt3A_2 : i32
    %mul3A = arith.muli %arg1, %select_n3A : i32
    %mul3A_4 = arith.constant 0 : i32
    %mul3A_5 = arith.muli %arg1, %mul3A_4 : i32
    %add3A = arith.constant 8 : i32
    %add3A_6 = arith.addi %mul3A_5, %add3A : i32
    %select_n3A_7 = arith.select %lt3A_3, %mul3A, %add3A_6 : i32
    %mul3A_8 = arith.constant 1 : i32
    %mul3A_9 = arith.muli %mul3A_8, %select_n3A : i32
    "tpu.region"() ({
      %run_scoped3A = memref.alloca() : memref<2x1x128xi32, #tpu.memory_space<vmem>>
      %run_scoped3A_10 = tpu.sem_alloc : memref<2x!tpu.dma_semaphore, #tpu.memory_space<semaphore_mem>>
      %run_scoped3A_11 = memref.alloca() : memref<2x128x128xf32, #tpu.memory_space<vmem>>
      %run_scoped3A_12 = tpu.sem_alloc : memref<2x!tpu.dma_semaphore, #tpu.memory_space<semaphore_mem>>
      %gt3A = arith.constant 0 : i32
      %gt3A_13 = arith.cmpi sgt, %mul3A_9, %gt3A : i32
      %convert_element_type3A = arith.extui %gt3A_13 : i1 to i32
      %cond3A = arith.constant 0 : i32
      %cond3A_14 = arith.cmpi ne, %convert_element_type3A, %cond3A : i32
      scf.if %cond3A_14 {
        %mul3A_15 = arith.constant 1 : i32
        %mul3A_16 = arith.muli %mul3A_15, %select_n3A : i32
        %sub3A = arith.constant 1 : i32
        %sub3A_17 = arith.subi %mul3A_16, %sub3A : i32
        %eq3A = arith.constant 0 : i32
        %eq3A_18 = arith.cmpi eq, %sub3A_17, %eq3A : i32
        %add3A_19 = arith.constant 0 : i32
        %add3A_20 = arith.addi %add3A_19, %select_n3A_7 : i32
        %select_n3A_21 = arith.constant true
        %select_n3A_22 = arith.constant 0 : i32
        %select_n3A_23 = arith.constant -1 : i32
        %select_n3A_24 = arith.select %select_n3A_21, %select_n3A_23, %select_n3A_22 : i32
        %eq3A_25 = arith.constant -1 : i32
        %eq3A_26 = arith.cmpi eq, %select_n3A_24, %eq3A_25 : i32
        %sub3A_27 = arith.constant 1 : i32
        %sub3A_28 = arith.subi %select_n3A, %sub3A_27 : i32
        %select_n3A_29 = arith.select %eq3A_26, %sub3A_28, %select_n3A_24 : i32
        %add3A_30 = arith.addi %select_n3A_29, %select_n3A_7 : i32
        %select_n3A_31 = arith.constant true
        %select_n3A_32 = arith.constant 0 : i32
        %select_n3A_33 = arith.constant 1 : i32
        %select_n3A_34 = arith.select %select_n3A_31, %select_n3A_33, %select_n3A_32 : i32
        %eq3A_35 = arith.cmpi eq, %select_n3A_34, %select_n3A : i32
        %select_n3A_36 = arith.constant 0 : i32
        %select_n3A_37 = arith.select %eq3A_35, %select_n3A_36, %select_n3A_34 : i32
        %add3A_38 = arith.addi %select_n3A_37, %select_n3A_7 : i32
        %add3A_39 = arith.constant 1 : i32
        %add3A_40 = arith.addi %select_n3A_37, %add3A_39 : i32
        %select_n3A_41 = arith.constant true
        %select_n3A_42 = arith.select %select_n3A_41, %add3A_40, %select_n3A_37 : i32
        %eq3A_43 = arith.cmpi eq, %select_n3A_42, %select_n3A : i32
        %select_n3A_44 = arith.constant 0 : i32
        %select_n3A_45 = arith.select %eq3A_43, %select_n3A_44, %select_n3A_42 : i32
        %add3A_46 = arith.addi %select_n3A_45, %select_n3A_7 : i32
        "tpu.trace_start"() <{level = 10 : i32, message = "ep_initialize_0"}> : () -> ()
        %rem3A = arith.constant 0 : i32
        %rem3A_47 = arith.constant 2 : i32
        %rem3A_48 = arith.remui %rem3A, %rem3A_47 : i32
        %mul3A_49 = arith.constant 128 : i32
        %mul3A_50 = arith.muli %mul3A_49, %add3A_20 : i32
        %dma_start3A = arith.constant 0 : i32
        %dma_start3A_51 = arith.constant 0 : i32
        %dma_start3A_52 = tpu.memref_slice %run_scoped3A[%rem3A_48, %dma_start3A, %dma_start3A_51] : memref<2x1x128xi32, #tpu.memory_space<vmem>> -> memref<1x1x128xi32, #tpu.memory_space<vmem>>
        %dma_start3A_53 = tpu.memref_squeeze %dma_start3A_52 : memref<1x1x128xi32, #tpu.memory_space<vmem>> -> memref<1x128xi32, #tpu.memory_space<vmem>>
        %dma_start3A_54 = arith.constant 0 : i32
        %dma_start3A_55 = tpu.memref_slice %arg3[%dma_start3A_54, %mul3A_50] : memref<1x1024xi32, #tpu.memory_space<hbm>> -> memref<1x128xi32, #tpu.memory_space<hbm>>
        %dma_start3A_56 = tpu.memref_slice %run_scoped3A_10[%rem3A_48] : memref<2x!tpu.dma_semaphore, #tpu.memory_space<semaphore_mem>> -> memref<1x!tpu.dma_semaphore, #tpu.memory_space<semaphore_mem>>
        %dma_start3A_57 = tpu.memref_squeeze %dma_start3A_56 : memref<1x!tpu.dma_semaphore, #tpu.memory_space<semaphore_mem>> -> memref<!tpu.dma_semaphore, #tpu.memory_space<semaphore_mem>>
        %dma_start3A_58 = arith.constant 0 : i32
        %dma_start3A_59 = arith.constant 0 : i32
        %dma_start3A_60 = tpu.memref_slice %run_scoped3A[%rem3A_48, %dma_start3A_58, %dma_start3A_59] : memref<2x1x128xi32, #tpu.memory_space<vmem>> -> memref<1x1x128xi32, #tpu.memory_space<vmem>>
        %dma_start3A_61 = tpu.memref_squeeze %dma_start3A_60 : memref<1x1x128xi32, #tpu.memory_space<vmem>> -> memref<1x128xi32, #tpu.memory_space<vmem>>
        %dma_start3A_62 = arith.constant 0 : i32
        %dma_start3A_63 = tpu.memref_slice %arg3[%dma_start3A_62, %mul3A_50] : memref<1x1024xi32, #tpu.memory_space<hbm>> -> memref<1x128xi32, #tpu.memory_space<hbm>>
        tpu.enqueue_dma source(%dma_start3A_63 : memref<1x128xi32, #tpu.memory_space<hbm>>) target(%dma_start3A_61 : memref<1x128xi32, #tpu.memory_space<vmem>>) target_semaphore(%dma_start3A_57 : memref<!tpu.dma_semaphore, #tpu.memory_space<semaphore_mem>>)
        %add3A_64 = arith.constant 0 : i32
        %add3A_65 = arith.constant 1 : i32
        %add3A_66 = arith.addi %add3A_64, %add3A_65 : i32
        %select_n3A_67 = arith.constant true
        %select_n3A_68 = arith.constant 0 : i32
        %select_n3A_69 = arith.select %select_n3A_67, %add3A_66, %select_n3A_68 : i32
        %while3A = arith.constant 0 : i32
        %while3A_70 = arith.constant 0 : i32
        %while3A_71 = arith.constant 0 : i32
        %while3A_72 = arith.constant 0 : i32
        %while3A_73 = arith.constant 0 : i32
        "tpu.trace_stop"() : () -> ()
        %while3A_74 = arith.subi %mul3A_9, %while3A : i32
        %while3A_75 = arith.addi %while3A, %while3A_74 : i32
        %while3A_76 = arith.constant 1 : i32
        %while3A_77 = arith.divsi %while3A_74, %while3A_76 : i32
        %while3A_78 = arith.muli %while3A_77, %while3A_76 : i32
        %while3A_79 = arith.addi %while3A, %while3A_78 : i32
        %while3A_80 = arith.constant 1 : i32
        %while3A_81:5 = scf.for %while3A_135 = %while3A to %while3A_79 step %while3A_80 iter_args(%while3A_136 = %select_n3A_69, %while3A_137 = %while3A_70, %while3A_138 = %while3A_71, %while3A_139 = %while3A_72, %while3A_140 = %while3A_73) -> (i32, i32, i32, i32, i32)  : i32 {
          %mul3A_141 = arith.constant 1 : i32
          %mul3A_142 = arith.muli %mul3A_141, %select_n3A : i32
          %eq3A_143 = arith.constant 0 : i32
          %eq3A_144 = arith.cmpi eq, %while3A_135, %eq3A_143 : i32
          %sub3A_145 = arith.constant 1 : i32
          %sub3A_146 = arith.subi %mul3A_142, %sub3A_145 : i32
          %eq3A_147 = arith.cmpi eq, %while3A_135, %sub3A_146 : i32
          %add3A_148 = arith.addi %while3A_140, %select_n3A_7 : i32
          %sub3A_149 = arith.constant 1 : i32
          %sub3A_150 = arith.subi %while3A_140, %sub3A_149 : i32
          %select_n3A_151 = arith.constant true
          %select_n3A_152 = arith.select %select_n3A_151, %sub3A_150, %while3A_140 : i32
          %eq3A_153 = arith.constant -1 : i32
          %eq3A_154 = arith.cmpi eq, %select_n3A_152, %eq3A_153 : i32
          %sub3A_155 = arith.constant 1 : i32
          %sub3A_156 = arith.subi %select_n3A, %sub3A_155 : i32
          %select_n3A_157 = arith.select %eq3A_154, %sub3A_156, %select_n3A_152 : i32
          %add3A_158 = arith.addi %select_n3A_157, %select_n3A_7 : i32
          %add3A_159 = arith.constant 1 : i32
          %add3A_160 = arith.addi %while3A_140, %add3A_159 : i32
          %select_n3A_161 = arith.constant true
          %select_n3A_162 = arith.select %select_n3A_161, %add3A_160, %while3A_140 : i32
          %eq3A_163 = arith.cmpi eq, %select_n3A_162, %select_n3A : i32
          %select_n3A_164 = arith.constant 0 : i32
          %select_n3A_165 = arith.select %eq3A_163, %select_n3A_164, %select_n3A_162 : i32
          %add3A_166 = arith.addi %select_n3A_165, %select_n3A_7 : i32
          %add3A_167 = arith.constant 1 : i32
          %add3A_168 = arith.addi %select_n3A_165, %add3A_167 : i32
          %select_n3A_169 = arith.constant true
          %select_n3A_170 = arith.select %select_n3A_169, %add3A_168, %select_n3A_165 : i32
          %eq3A_171 = arith.cmpi eq, %select_n3A_170, %select_n3A : i32
          %select_n3A_172 = arith.constant 0 : i32
          %select_n3A_173 = arith.select %eq3A_171, %select_n3A_172, %select_n3A_170 : i32
          %add3A_174 = arith.addi %select_n3A_173, %select_n3A_7 : i32
          %ne3A = arith.cmpi ne, %add3A_148, %add3A_166 : i32
          %or3A = arith.constant false
          %or3A_175 = arith.ori %or3A, %ne3A : i1
          %sub3A_176 = arith.constant 2 : i32
          %sub3A_177 = arith.subi %mul3A_142, %sub3A_176 : i32
          %add3A_178 = arith.constant 1 : i32
          %add3A_179 = arith.addi %sub3A_177, %add3A_178 : i32
          %ge3A = arith.cmpi sge, %while3A_135, %add3A_179 : i32
          %not3A = arith.constant true
          %not3A_180 = arith.xori %ge3A, %not3A : i1
          %and3A = arith.andi %or3A_175, %not3A_180 : i1
          %convert_element_type3A_181 = arith.extui %and3A : i1 to i32
          %cond3A_182 = arith.constant 0 : i32
          %cond3A_183 = arith.cmpi ne, %convert_element_type3A_181, %cond3A_182 : i32
          scf.if %cond3A_183 {
            "tpu.trace_start"() <{level = 10 : i32, message = "ep_copy_in"}> : () -> ()
            %rem3A_287 = arith.constant 2 : i32
            %rem3A_288 = arith.remui %while3A_136, %rem3A_287 : i32
            %mul3A_289 = arith.constant 128 : i32
            %mul3A_290 = arith.muli %mul3A_289, %add3A_166 : i32
            %dma_start3A_291 = arith.constant 0 : i32
            %dma_start3A_292 = arith.constant 0 : i32
            %dma_start3A_293 = tpu.memref_slice %run_scoped3A[%rem3A_288, %dma_start3A_291, %dma_start3A_292] : memref<2x1x128xi32, #tpu.memory_space<vmem>> -> memref<1x1x128xi32, #tpu.memory_space<vmem>>
            %dma_start3A_294 = tpu.memref_squeeze %dma_start3A_293 : memref<1x1x128xi32, #tpu.memory_space<vmem>> -> memref<1x128xi32, #tpu.memory_space<vmem>>
            %dma_start3A_295 = arith.constant 0 : i32
            %dma_start3A_296 = tpu.memref_slice %arg3[%dma_start3A_295, %mul3A_290] : memref<1x1024xi32, #tpu.memory_space<hbm>> -> memref<1x128xi32, #tpu.memory_space<hbm>>
            %dma_start3A_297 = tpu.memref_slice %run_scoped3A_10[%rem3A_288] : memref<2x!tpu.dma_semaphore, #tpu.memory_space<semaphore_mem>> -> memref<1x!tpu.dma_semaphore, #tpu.memory_space<semaphore_mem>>
            %dma_start3A_298 = tpu.memref_squeeze %dma_start3A_297 : memref<1x!tpu.dma_semaphore, #tpu.memory_space<semaphore_mem>> -> memref<!tpu.dma_semaphore, #tpu.memory_space<semaphore_mem>>
            %dma_start3A_299 = arith.constant 0 : i32
            %dma_start3A_300 = arith.constant 0 : i32
            %dma_start3A_301 = tpu.memref_slice %run_scoped3A[%rem3A_288, %dma_start3A_299, %dma_start3A_300] : memref<2x1x128xi32, #tpu.memory_space<vmem>> -> memref<1x1x128xi32, #tpu.memory_space<vmem>>
            %dma_start3A_302 = tpu.memref_squeeze %dma_start3A_301 : memref<1x1x128xi32, #tpu.memory_space<vmem>> -> memref<1x128xi32, #tpu.memory_space<vmem>>
            %dma_start3A_303 = arith.constant 0 : i32
            %dma_start3A_304 = tpu.memref_slice %arg3[%dma_start3A_303, %mul3A_290] : memref<1x1024xi32, #tpu.memory_space<hbm>> -> memref<1x128xi32, #tpu.memory_space<hbm>>
            tpu.enqueue_dma source(%dma_start3A_304 : memref<1x128xi32, #tpu.memory_space<hbm>>) target(%dma_start3A_302 : memref<1x128xi32, #tpu.memory_space<vmem>>) target_semaphore(%dma_start3A_298 : memref<!tpu.dma_semaphore, #tpu.memory_space<semaphore_mem>>)
            "tpu.trace_stop"() : () -> ()
          } else {
          }
          %and3A_184 = arith.constant true
          %and3A_185 = arith.andi %and3A, %and3A_184 : i1
          %add3A_186 = arith.constant 1 : i32
          %add3A_187 = arith.addi %while3A_136, %add3A_186 : i32
          %select_n3A_188 = arith.select %and3A_185, %add3A_187, %while3A_136 : i32
          %ne3A_189 = arith.cmpi ne, %add3A_148, %add3A_166 : i32
          %or3A_190 = arith.constant false
          %or3A_191 = arith.ori %or3A_190, %ne3A_189 : i1
          %or3A_192 = arith.constant false
          %or3A_193 = arith.ori %or3A_191, %or3A_192 : i1
          %sub3A_194 = arith.constant 2 : i32
          %sub3A_195 = arith.subi %mul3A_142, %sub3A_194 : i32
          %add3A_196 = arith.constant 1 : i32
          %add3A_197 = arith.addi %sub3A_195, %add3A_196 : i32
          %ge3A_198 = arith.cmpi sge, %while3A_135, %add3A_197 : i32
          %not3A_199 = arith.constant true
          %not3A_200 = arith.xori %ge3A_198, %not3A_199 : i1
          %and3A_201 = arith.andi %or3A_193, %not3A_200 : i1
          %ne3A_202 = arith.cmpi ne, %add3A_148, %add3A_158 : i32
          %or3A_203 = arith.constant false
          %or3A_204 = arith.ori %or3A_203, %ne3A_202 : i1
          %or3A_205 = arith.ori %or3A_204, %eq3A_144 : i1
          %convert_element_type3A_206 = arith.extui %or3A_205 : i1 to i32
          %cond3A_207 = arith.constant 0 : i32
          %cond3A_208 = arith.cmpi ne, %convert_element_type3A_206, %cond3A_207 : i32
          scf.if %cond3A_208 {
            "tpu.trace_start"() <{level = 10 : i32, message = "ep_wait_in"}> : () -> ()
            %mul3A_287 = arith.constant 128 : i32
            %mul3A_288 = arith.muli %mul3A_287, %add3A_148 : i32
            %rem3A_289 = arith.constant 2 : i32
            %rem3A_290 = arith.remui %while3A_137, %rem3A_289 : i32
            %dma_wait3A = arith.constant 0 : i32
            %dma_wait3A_291 = arith.constant 0 : i32
            %dma_wait3A_292 = tpu.memref_slice %run_scoped3A[%rem3A_290, %dma_wait3A, %dma_wait3A_291] : memref<2x1x128xi32, #tpu.memory_space<vmem>> -> memref<1x1x128xi32, #tpu.memory_space<vmem>>
            %dma_wait3A_293 = tpu.memref_squeeze %dma_wait3A_292 : memref<1x1x128xi32, #tpu.memory_space<vmem>> -> memref<1x128xi32, #tpu.memory_space<vmem>>
            %dma_wait3A_294 = arith.constant 0 : i32
            %dma_wait3A_295 = tpu.memref_slice %arg3[%dma_wait3A_294, %mul3A_288] : memref<1x1024xi32, #tpu.memory_space<hbm>> -> memref<1x128xi32, #tpu.memory_space<hbm>>
            %dma_wait3A_296 = tpu.memref_slice %run_scoped3A_10[%rem3A_290] : memref<2x!tpu.dma_semaphore, #tpu.memory_space<semaphore_mem>> -> memref<1x!tpu.dma_semaphore, #tpu.memory_space<semaphore_mem>>
            %dma_wait3A_297 = tpu.memref_squeeze %dma_wait3A_296 : memref<1x!tpu.dma_semaphore, #tpu.memory_space<semaphore_mem>> -> memref<!tpu.dma_semaphore, #tpu.memory_space<semaphore_mem>>
            %dma_wait3A_298 = arith.constant 0 : i32
            %dma_wait3A_299 = arith.constant 0 : i32
            %dma_wait3A_300 = tpu.memref_slice %run_scoped3A[%rem3A_290, %dma_wait3A_298, %dma_wait3A_299] : memref<2x1x128xi32, #tpu.memory_space<vmem>> -> memref<1x1x128xi32, #tpu.memory_space<vmem>>
            %dma_wait3A_301 = tpu.memref_squeeze %dma_wait3A_300 : memref<1x1x128xi32, #tpu.memory_space<vmem>> -> memref<1x128xi32, #tpu.memory_space<vmem>>
            %dma_wait3A_302 = arith.constant 0 : i32
            %dma_wait3A_303 = tpu.memref_slice %arg3[%dma_wait3A_302, %mul3A_288] : memref<1x1024xi32, #tpu.memory_space<hbm>> -> memref<1x128xi32, #tpu.memory_space<hbm>>
            tpu.wait_dma2 semaphore(%dma_wait3A_297 : memref<!tpu.dma_semaphore, #tpu.memory_space<semaphore_mem>>) src(%dma_wait3A_303 : memref<1x128xi32, #tpu.memory_space<hbm>>) dst(%dma_wait3A_301 : memref<1x128xi32, #tpu.memory_space<vmem>>)
            "tpu.trace_stop"() : () -> ()
          } else {
          }
          %ne3A_209 = arith.cmpi ne, %add3A_148, %add3A_158 : i32
          %or3A_210 = arith.constant false
          %or3A_211 = arith.ori %or3A_210, %ne3A_209 : i1
          %or3A_212 = arith.constant false
          %or3A_213 = arith.ori %or3A_211, %or3A_212 : i1
          %or3A_214 = arith.ori %or3A_213, %eq3A_144 : i1
          %convert_element_type3A_215 = arith.extui %or3A_214 : i1 to i32
          %cond3A_216 = arith.constant 0 : i32
          %cond3A_217 = arith.cmpi ne, %convert_element_type3A_215, %cond3A_216 : i32
          scf.if %cond3A_217 {
          } else {
          }
          %rem3A_218 = arith.constant 2 : i32
          %rem3A_219 = arith.remui %while3A_137, %rem3A_218 : i32
          %rem3A_220 = arith.constant 2 : i32
          %rem3A_221 = arith.remui %while3A_138, %rem3A_220 : i32
          %run_scoped3A_222 = arith.constant 0 : i32
          "tpu.trace_start"() <{level = 10 : i32, message = "ep_run_kernel"}> : () -> ()
          "tpu.region"() ({
            %run_scoped3A_287 = tpu.sem_alloc : memref<!tpu.dma_semaphore, #tpu.memory_space<semaphore_mem>>
            %dma_start3A_288 = arith.constant 0 : i32
            %dma_start3A_289 = arith.constant 0 : i32
            %dma_start3A_290 = tpu.memref_slice %run_scoped3A_11[%rem3A_221, %dma_start3A_288, %dma_start3A_289] : memref<2x128x128xf32, #tpu.memory_space<vmem>> -> memref<1x128x128xf32, #tpu.memory_space<vmem>>
            %dma_start3A_291 = tpu.memref_squeeze %dma_start3A_290 : memref<1x128x128xf32, #tpu.memory_space<vmem>> -> memref<128x128xf32, #tpu.memory_space<vmem>>
            %dma_start3A_292 = arith.constant 0 : i32
            %dma_start3A_293 = arith.constant 0 : i32
            %dma_start3A_294 = tpu.memref_slice %run_scoped3A[%rem3A_219, %dma_start3A_292, %dma_start3A_293] : memref<2x1x128xi32, #tpu.memory_space<vmem>> -> memref<1x1x128xi32, #tpu.memory_space<vmem>>
            %dma_start3A_295 = tpu.memref_squeeze %dma_start3A_294 : memref<1x1x128xi32, #tpu.memory_space<vmem>> -> memref<1x128xi32, #tpu.memory_space<vmem>>
            %dma_start3A_296 = arith.constant 0 : i32
            %dma_start3A_297 = tpu.memref_slice %dma_start3A_295[%run_scoped3A_222, %dma_start3A_296] : memref<1x128xi32, #tpu.memory_space<vmem>> -> memref<1x128xi32, #tpu.memory_space<vmem>>
            %dma_start3A_298 = tpu.memref_squeeze %dma_start3A_297 : memref<1x128xi32, #tpu.memory_space<vmem>> -> memref<128xi32, #tpu.memory_space<vmem>>
            %dma_start3A_299 = arith.constant 0 : i32
            %dma_start3A_300 = arith.constant 0 : i32
            %dma_start3A_301 = tpu.memref_slice %arg2[%dma_start3A_299, %dma_start3A_300] : memref<100x128xf32, #tpu.memory_space<hbm>> -> memref<100x128xf32, #tpu.memory_space<hbm>>
            tpu.enqueue_indirect_dma source(%dma_start3A_301 : memref<100x128xf32, #tpu.memory_space<hbm>>) target(%dma_start3A_291 : memref<128x128xf32, #tpu.memory_space<vmem>>) offsets(%dma_start3A_298 : memref<128xi32, #tpu.memory_space<vmem>>) semaphore(%run_scoped3A_287 : memref<!tpu.dma_semaphore, #tpu.memory_space<semaphore_mem>>)
            %dma_wait3A = arith.constant 0 : i32
            %dma_wait3A_302 = arith.constant 0 : i32
            %dma_wait3A_303 = tpu.memref_slice %run_scoped3A_11[%rem3A_221, %dma_wait3A, %dma_wait3A_302] : memref<2x128x128xf32, #tpu.memory_space<vmem>> -> memref<1x128x128xf32, #tpu.memory_space<vmem>>
            %dma_wait3A_304 = tpu.memref_squeeze %dma_wait3A_303 : memref<1x128x128xf32, #tpu.memory_space<vmem>> -> memref<128x128xf32, #tpu.memory_space<vmem>>
            %dma_wait3A_305 = arith.constant 0 : i32
            %dma_wait3A_306 = arith.constant 0 : i32
            %dma_wait3A_307 = tpu.memref_slice %run_scoped3A[%rem3A_219, %dma_wait3A_305, %dma_wait3A_306] : memref<2x1x128xi32, #tpu.memory_space<vmem>> -> memref<1x1x128xi32, #tpu.memory_space<vmem>>
            %dma_wait3A_308 = tpu.memref_squeeze %dma_wait3A_307 : memref<1x1x128xi32, #tpu.memory_space<vmem>> -> memref<1x128xi32, #tpu.memory_space<vmem>>
            %dma_wait3A_309 = arith.constant 0 : i32
            %dma_wait3A_310 = tpu.memref_slice %dma_wait3A_308[%run_scoped3A_222, %dma_wait3A_309] : memref<1x128xi32, #tpu.memory_space<vmem>> -> memref<1x128xi32, #tpu.memory_space<vmem>>
            %dma_wait3A_311 = tpu.memref_squeeze %dma_wait3A_310 : memref<1x128xi32, #tpu.memory_space<vmem>> -> memref<128xi32, #tpu.memory_space<vmem>>
            %dma_wait3A_312 = arith.constant 0 : i32
            %dma_wait3A_313 = arith.constant 0 : i32
            %dma_wait3A_314 = tpu.memref_slice %arg2[%dma_wait3A_312, %dma_wait3A_313] : memref<100x128xf32, #tpu.memory_space<hbm>> -> memref<100x128xf32, #tpu.memory_space<hbm>>
            tpu.wait_indirect_dma semaphore(%run_scoped3A_287 : memref<!tpu.dma_semaphore, #tpu.memory_space<semaphore_mem>>) src(%dma_wait3A_314 : memref<100x128xf32, #tpu.memory_space<hbm>>) dst(%dma_wait3A_304 : memref<128x128xf32, #tpu.memory_space<vmem>>)
            tpu.yield
          }) : () -> ()
          "tpu.trace_stop"() : () -> ()
          %ne3A_223 = arith.cmpi ne, %add3A_148, %add3A_166 : i32
          %or3A_224 = arith.constant false
          %or3A_225 = arith.ori %or3A_224, %ne3A_223 : i1
          %or3A_226 = arith.ori %or3A_225, %eq3A_147 : i1
          %convert_element_type3A_227 = arith.extui %or3A_226 : i1 to i32
          %cond3A_228 = arith.constant 0 : i32
          %cond3A_229 = arith.cmpi ne, %convert_element_type3A_227, %cond3A_228 : i32
          scf.if %cond3A_229 {
          } else {
          }
          %and3A_230 = arith.constant false
          %and3A_231 = arith.andi %or3A_226, %and3A_230 : i1
          %ne3A_232 = arith.cmpi ne, %add3A_148, %add3A_166 : i32
          %or3A_233 = arith.constant false
          %or3A_234 = arith.ori %or3A_233, %ne3A_232 : i1
          %or3A_235 = arith.constant false
          %or3A_236 = arith.ori %or3A_234, %or3A_235 : i1
          %or3A_237 = arith.ori %or3A_236, %eq3A_147 : i1
          %convert_element_type3A_238 = arith.extui %or3A_237 : i1 to i32
          %cond3A_239 = arith.constant 0 : i32
          %cond3A_240 = arith.cmpi ne, %convert_element_type3A_238, %cond3A_239 : i32
          scf.if %cond3A_240 {
            "tpu.trace_start"() <{level = 10 : i32, message = "ep_copy_out"}> : () -> ()
            %rem3A_287 = arith.constant 2 : i32
            %rem3A_288 = arith.remui %while3A_138, %rem3A_287 : i32
            %mul3A_289 = arith.constant 128 : i32
            %mul3A_290 = arith.muli %mul3A_289, %add3A_148 : i32
            %dma_start3A_291 = arith.constant 0 : i32
            %dma_start3A_292 = arith.constant 0 : i32
            %dma_start3A_293 = tpu.memref_slice %run_scoped3A_11[%rem3A_288, %dma_start3A_291, %dma_start3A_292] : memref<2x128x128xf32, #tpu.memory_space<vmem>> -> memref<1x128x128xf32, #tpu.memory_space<vmem>>
            %dma_start3A_294 = tpu.memref_squeeze %dma_start3A_293 : memref<1x128x128xf32, #tpu.memory_space<vmem>> -> memref<128x128xf32, #tpu.memory_space<vmem>>
            %dma_start3A_295 = arith.constant 0 : i32
            %dma_start3A_296 = tpu.memref_slice %arg4[%mul3A_290, %dma_start3A_295] : memref<1024x128xf32, #tpu.memory_space<hbm>> -> memref<128x128xf32, #tpu.memory_space<hbm>>
            %dma_start3A_297 = tpu.memref_slice %run_scoped3A_12[%rem3A_288] : memref<2x!tpu.dma_semaphore, #tpu.memory_space<semaphore_mem>> -> memref<1x!tpu.dma_semaphore, #tpu.memory_space<semaphore_mem>>
            %dma_start3A_298 = tpu.memref_squeeze %dma_start3A_297 : memref<1x!tpu.dma_semaphore, #tpu.memory_space<semaphore_mem>> -> memref<!tpu.dma_semaphore, #tpu.memory_space<semaphore_mem>>
            %dma_start3A_299 = arith.constant 0 : i32
            %dma_start3A_300 = tpu.memref_slice %arg4[%mul3A_290, %dma_start3A_299] : memref<1024x128xf32, #tpu.memory_space<hbm>> -> memref<128x128xf32, #tpu.memory_space<hbm>>
            %dma_start3A_301 = arith.constant 0 : i32
            %dma_start3A_302 = arith.constant 0 : i32
            %dma_start3A_303 = tpu.memref_slice %run_scoped3A_11[%rem3A_288, %dma_start3A_301, %dma_start3A_302] : memref<2x128x128xf32, #tpu.memory_space<vmem>> -> memref<1x128x128xf32, #tpu.memory_space<vmem>>
            %dma_start3A_304 = tpu.memref_squeeze %dma_start3A_303 : memref<1x128x128xf32, #tpu.memory_space<vmem>> -> memref<128x128xf32, #tpu.memory_space<vmem>>
            tpu.enqueue_dma source(%dma_start3A_304 : memref<128x128xf32, #tpu.memory_space<vmem>>) target(%dma_start3A_300 : memref<128x128xf32, #tpu.memory_space<hbm>>) target_semaphore(%dma_start3A_298 : memref<!tpu.dma_semaphore, #tpu.memory_space<semaphore_mem>>)
            "tpu.trace_stop"() : () -> ()
          } else {
          }
          %and3A_241 = arith.constant true
          %and3A_242 = arith.andi %or3A_237, %and3A_241 : i1
          %add3A_243 = arith.constant 1 : i32
          %add3A_244 = arith.addi %while3A_138, %add3A_243 : i32
          %select_n3A_245 = arith.select %and3A_242, %add3A_244, %while3A_138 : i32
          %ne3A_246 = arith.cmpi ne, %add3A_148, %add3A_158 : i32
          %or3A_247 = arith.constant false
          %or3A_248 = arith.ori %or3A_247, %ne3A_246 : i1
          %not3A_249 = arith.constant true
          %not3A_250 = arith.xori %eq3A_144, %not3A_249 : i1
          %and3A_251 = arith.andi %or3A_248, %not3A_250 : i1
          %convert_element_type3A_252 = arith.extui %and3A_251 : i1 to i32
          %cond3A_253 = arith.constant 0 : i32
          %cond3A_254 = arith.cmpi ne, %convert_element_type3A_252, %cond3A_253 : i32
          scf.if %cond3A_254 {
          } else {
          }
          %and3A_255 = arith.constant false
          %and3A_256 = arith.andi %and3A_251, %and3A_255 : i1
          %ne3A_257 = arith.cmpi ne, %add3A_148, %add3A_158 : i32
          %or3A_258 = arith.constant false
          %or3A_259 = arith.ori %or3A_258, %ne3A_257 : i1
          %or3A_260 = arith.constant false
          %or3A_261 = arith.ori %or3A_259, %or3A_260 : i1
          %not3A_262 = arith.constant true
          %not3A_263 = arith.xori %eq3A_144, %not3A_262 : i1
          %and3A_264 = arith.andi %or3A_261, %not3A_263 : i1
          %convert_element_type3A_265 = arith.extui %and3A_264 : i1 to i32
          %cond3A_266 = arith.constant 0 : i32
          %cond3A_267 = arith.cmpi ne, %convert_element_type3A_265, %cond3A_266 : i32
          scf.if %cond3A_267 {
            "tpu.trace_start"() <{level = 10 : i32, message = "ep_wait_out"}> : () -> ()
            %rem3A_287 = arith.constant 2 : i32
            %rem3A_288 = arith.remui %while3A_139, %rem3A_287 : i32
            %mul3A_289 = arith.constant 128 : i32
            %mul3A_290 = arith.muli %mul3A_289, %add3A_158 : i32
            %dma_wait3A = arith.constant 0 : i32
            %dma_wait3A_291 = arith.constant 0 : i32
            %dma_wait3A_292 = tpu.memref_slice %run_scoped3A_11[%rem3A_288, %dma_wait3A, %dma_wait3A_291] : memref<2x128x128xf32, #tpu.memory_space<vmem>> -> memref<1x128x128xf32, #tpu.memory_space<vmem>>
            %dma_wait3A_293 = tpu.memref_squeeze %dma_wait3A_292 : memref<1x128x128xf32, #tpu.memory_space<vmem>> -> memref<128x128xf32, #tpu.memory_space<vmem>>
            %dma_wait3A_294 = arith.constant 0 : i32
            %dma_wait3A_295 = tpu.memref_slice %arg4[%mul3A_290, %dma_wait3A_294] : memref<1024x128xf32, #tpu.memory_space<hbm>> -> memref<128x128xf32, #tpu.memory_space<hbm>>
            %dma_wait3A_296 = tpu.memref_slice %run_scoped3A_12[%rem3A_288] : memref<2x!tpu.dma_semaphore, #tpu.memory_space<semaphore_mem>> -> memref<1x!tpu.dma_semaphore, #tpu.memory_space<semaphore_mem>>
            %dma_wait3A_297 = tpu.memref_squeeze %dma_wait3A_296 : memref<1x!tpu.dma_semaphore, #tpu.memory_space<semaphore_mem>> -> memref<!tpu.dma_semaphore, #tpu.memory_space<semaphore_mem>>
            %dma_wait3A_298 = arith.constant 0 : i32
            %dma_wait3A_299 = tpu.memref_slice %arg4[%mul3A_290, %dma_wait3A_298] : memref<1024x128xf32, #tpu.memory_space<hbm>> -> memref<128x128xf32, #tpu.memory_space<hbm>>
            %dma_wait3A_300 = arith.constant 0 : i32
            %dma_wait3A_301 = arith.constant 0 : i32
            %dma_wait3A_302 = tpu.memref_slice %run_scoped3A_11[%rem3A_288, %dma_wait3A_300, %dma_wait3A_301] : memref<2x128x128xf32, #tpu.memory_space<vmem>> -> memref<1x128x128xf32, #tpu.memory_space<vmem>>
            %dma_wait3A_303 = tpu.memref_squeeze %dma_wait3A_302 : memref<1x128x128xf32, #tpu.memory_space<vmem>> -> memref<128x128xf32, #tpu.memory_space<vmem>>
            tpu.wait_dma2 semaphore(%dma_wait3A_297 : memref<!tpu.dma_semaphore, #tpu.memory_space<semaphore_mem>>) src(%dma_wait3A_303 : memref<128x128xf32, #tpu.memory_space<vmem>>) dst(%dma_wait3A_299 : memref<128x128xf32, #tpu.memory_space<hbm>>)
            "tpu.trace_stop"() : () -> ()
          } else {
          }
          %and3A_268 = arith.constant true
          %and3A_269 = arith.andi %and3A_264, %and3A_268 : i1
          %add3A_270 = arith.constant 1 : i32
          %add3A_271 = arith.addi %while3A_139, %add3A_270 : i32
          %select_n3A_272 = arith.select %and3A_269, %add3A_271, %while3A_139 : i32
          %ne3A_273 = arith.cmpi ne, %add3A_148, %add3A_166 : i32
          %or3A_274 = arith.constant false
          %or3A_275 = arith.ori %or3A_274, %ne3A_273 : i1
          %or3A_276 = arith.ori %or3A_275, %eq3A_147 : i1
          %add3A_277 = arith.constant 1 : i32
          %add3A_278 = arith.addi %while3A_137, %add3A_277 : i32
          %select_n3A_279 = arith.select %or3A_276, %add3A_278, %while3A_137 : i32
          %add3A_280 = arith.constant 1 : i32
          %add3A_281 = arith.addi %while3A_140, %add3A_280 : i32
          %select_n3A_282 = arith.constant true
          %select_n3A_283 = arith.select %select_n3A_282, %add3A_281, %while3A_140 : i32
          %eq3A_284 = arith.cmpi eq, %select_n3A_283, %select_n3A : i32
          %select_n3A_285 = arith.constant 0 : i32
          %select_n3A_286 = arith.select %eq3A_284, %select_n3A_285, %select_n3A_283 : i32
          scf.yield %select_n3A_188, %select_n3A_279, %select_n3A_245, %select_n3A_272, %select_n3A_286 : i32, i32, i32, i32, i32
        }
        %while3A_82 = arith.constant 1 : i32
        %while3A_83:5 = scf.for %while3A_135 = %while3A_79 to %while3A_75 step %while3A_82 iter_args(%while3A_136 = %while3A_81#0, %while3A_137 = %while3A_81#1, %while3A_138 = %while3A_81#2, %while3A_139 = %while3A_81#3, %while3A_140 = %while3A_81#4) -> (i32, i32, i32, i32, i32)  : i32 {
          %mul3A_141 = arith.constant 1 : i32
          %mul3A_142 = arith.muli %mul3A_141, %select_n3A : i32
          %eq3A_143 = arith.constant 0 : i32
          %eq3A_144 = arith.cmpi eq, %while3A_135, %eq3A_143 : i32
          %sub3A_145 = arith.constant 1 : i32
          %sub3A_146 = arith.subi %mul3A_142, %sub3A_145 : i32
          %eq3A_147 = arith.cmpi eq, %while3A_135, %sub3A_146 : i32
          %add3A_148 = arith.addi %while3A_140, %select_n3A_7 : i32
          %sub3A_149 = arith.constant 1 : i32
          %sub3A_150 = arith.subi %while3A_140, %sub3A_149 : i32
          %select_n3A_151 = arith.constant true
          %select_n3A_152 = arith.select %select_n3A_151, %sub3A_150, %while3A_140 : i32
          %eq3A_153 = arith.constant -1 : i32
          %eq3A_154 = arith.cmpi eq, %select_n3A_152, %eq3A_153 : i32
          %sub3A_155 = arith.constant 1 : i32
          %sub3A_156 = arith.subi %select_n3A, %sub3A_155 : i32
          %select_n3A_157 = arith.select %eq3A_154, %sub3A_156, %select_n3A_152 : i32
          %add3A_158 = arith.addi %select_n3A_157, %select_n3A_7 : i32
          %add3A_159 = arith.constant 1 : i32
          %add3A_160 = arith.addi %while3A_140, %add3A_159 : i32
          %select_n3A_161 = arith.constant true
          %select_n3A_162 = arith.select %select_n3A_161, %add3A_160, %while3A_140 : i32
          %eq3A_163 = arith.cmpi eq, %select_n3A_162, %select_n3A : i32
          %select_n3A_164 = arith.constant 0 : i32
          %select_n3A_165 = arith.select %eq3A_163, %select_n3A_164, %select_n3A_162 : i32
          %add3A_166 = arith.addi %select_n3A_165, %select_n3A_7 : i32
          %add3A_167 = arith.constant 1 : i32
          %add3A_168 = arith.addi %select_n3A_165, %add3A_167 : i32
          %select_n3A_169 = arith.constant true
          %select_n3A_170 = arith.select %select_n3A_169, %add3A_168, %select_n3A_165 : i32
          %eq3A_171 = arith.cmpi eq, %select_n3A_170, %select_n3A : i32
          %select_n3A_172 = arith.constant 0 : i32
          %select_n3A_173 = arith.select %eq3A_171, %select_n3A_172, %select_n3A_170 : i32
          %add3A_174 = arith.addi %select_n3A_173, %select_n3A_7 : i32
          %ne3A = arith.cmpi ne, %add3A_148, %add3A_166 : i32
          %or3A = arith.constant false
          %or3A_175 = arith.ori %or3A, %ne3A : i1
          %sub3A_176 = arith.constant 2 : i32
          %sub3A_177 = arith.subi %mul3A_142, %sub3A_176 : i32
          %add3A_178 = arith.constant 1 : i32
          %add3A_179 = arith.addi %sub3A_177, %add3A_178 : i32
          %ge3A = arith.cmpi sge, %while3A_135, %add3A_179 : i32
          %not3A = arith.constant true
          %not3A_180 = arith.xori %ge3A, %not3A : i1
          %and3A = arith.andi %or3A_175, %not3A_180 : i1
          %convert_element_type3A_181 = arith.extui %and3A : i1 to i32
          %cond3A_182 = arith.constant 0 : i32
          %cond3A_183 = arith.cmpi ne, %convert_element_type3A_181, %cond3A_182 : i32
          scf.if %cond3A_183 {
            "tpu.trace_start"() <{level = 10 : i32, message = "ep_copy_in"}> : () -> ()
            %rem3A_287 = arith.constant 2 : i32
            %rem3A_288 = arith.remui %while3A_136, %rem3A_287 : i32
            %mul3A_289 = arith.constant 128 : i32
            %mul3A_290 = arith.muli %mul3A_289, %add3A_166 : i32
            %dma_start3A_291 = arith.constant 0 : i32
            %dma_start3A_292 = arith.constant 0 : i32
            %dma_start3A_293 = tpu.memref_slice %run_scoped3A[%rem3A_288, %dma_start3A_291, %dma_start3A_292] : memref<2x1x128xi32, #tpu.memory_space<vmem>> -> memref<1x1x128xi32, #tpu.memory_space<vmem>>
            %dma_start3A_294 = tpu.memref_squeeze %dma_start3A_293 : memref<1x1x128xi32, #tpu.memory_space<vmem>> -> memref<1x128xi32, #tpu.memory_space<vmem>>
            %dma_start3A_295 = arith.constant 0 : i32
            %dma_start3A_296 = tpu.memref_slice %arg3[%dma_start3A_295, %mul3A_290] : memref<1x1024xi32, #tpu.memory_space<hbm>> -> memref<1x128xi32, #tpu.memory_space<hbm>>
            %dma_start3A_297 = tpu.memref_slice %run_scoped3A_10[%rem3A_288] : memref<2x!tpu.dma_semaphore, #tpu.memory_space<semaphore_mem>> -> memref<1x!tpu.dma_semaphore, #tpu.memory_space<semaphore_mem>>
            %dma_start3A_298 = tpu.memref_squeeze %dma_start3A_297 : memref<1x!tpu.dma_semaphore, #tpu.memory_space<semaphore_mem>> -> memref<!tpu.dma_semaphore, #tpu.memory_space<semaphore_mem>>
            %dma_start3A_299 = arith.constant 0 : i32
            %dma_start3A_300 = arith.constant 0 : i32
            %dma_start3A_301 = tpu.memref_slice %run_scoped3A[%rem3A_288, %dma_start3A_299, %dma_start3A_300] : memref<2x1x128xi32, #tpu.memory_space<vmem>> -> memref<1x1x128xi32, #tpu.memory_space<vmem>>
            %dma_start3A_302 = tpu.memref_squeeze %dma_start3A_301 : memref<1x1x128xi32, #tpu.memory_space<vmem>> -> memref<1x128xi32, #tpu.memory_space<vmem>>
            %dma_start3A_303 = arith.constant 0 : i32
            %dma_start3A_304 = tpu.memref_slice %arg3[%dma_start3A_303, %mul3A_290] : memref<1x1024xi32, #tpu.memory_space<hbm>> -> memref<1x128xi32, #tpu.memory_space<hbm>>
            tpu.enqueue_dma source(%dma_start3A_304 : memref<1x128xi32, #tpu.memory_space<hbm>>) target(%dma_start3A_302 : memref<1x128xi32, #tpu.memory_space<vmem>>) target_semaphore(%dma_start3A_298 : memref<!tpu.dma_semaphore, #tpu.memory_space<semaphore_mem>>)
            "tpu.trace_stop"() : () -> ()
          } else {
          }
          %and3A_184 = arith.constant true
          %and3A_185 = arith.andi %and3A, %and3A_184 : i1
          %add3A_186 = arith.constant 1 : i32
          %add3A_187 = arith.addi %while3A_136, %add3A_186 : i32
          %select_n3A_188 = arith.select %and3A_185, %add3A_187, %while3A_136 : i32
          %ne3A_189 = arith.cmpi ne, %add3A_148, %add3A_166 : i32
          %or3A_190 = arith.constant false
          %or3A_191 = arith.ori %or3A_190, %ne3A_189 : i1
          %or3A_192 = arith.constant false
          %or3A_193 = arith.ori %or3A_191, %or3A_192 : i1
          %sub3A_194 = arith.constant 2 : i32
          %sub3A_195 = arith.subi %mul3A_142, %sub3A_194 : i32
          %add3A_196 = arith.constant 1 : i32
          %add3A_197 = arith.addi %sub3A_195, %add3A_196 : i32
          %ge3A_198 = arith.cmpi sge, %while3A_135, %add3A_197 : i32
          %not3A_199 = arith.constant true
          %not3A_200 = arith.xori %ge3A_198, %not3A_199 : i1
          %and3A_201 = arith.andi %or3A_193, %not3A_200 : i1
          %ne3A_202 = arith.cmpi ne, %add3A_148, %add3A_158 : i32
          %or3A_203 = arith.constant false
          %or3A_204 = arith.ori %or3A_203, %ne3A_202 : i1
          %or3A_205 = arith.ori %or3A_204, %eq3A_144 : i1
          %convert_element_type3A_206 = arith.extui %or3A_205 : i1 to i32
          %cond3A_207 = arith.constant 0 : i32
          %cond3A_208 = arith.cmpi ne, %convert_element_type3A_206, %cond3A_207 : i32
          scf.if %cond3A_208 {
            "tpu.trace_start"() <{level = 10 : i32, message = "ep_wait_in"}> : () -> ()
            %mul3A_287 = arith.constant 128 : i32
            %mul3A_288 = arith.muli %mul3A_287, %add3A_148 : i32
            %rem3A_289 = arith.constant 2 : i32
            %rem3A_290 = arith.remui %while3A_137, %rem3A_289 : i32
            %dma_wait3A = arith.constant 0 : i32
            %dma_wait3A_291 = arith.constant 0 : i32
            %dma_wait3A_292 = tpu.memref_slice %run_scoped3A[%rem3A_290, %dma_wait3A, %dma_wait3A_291] : memref<2x1x128xi32, #tpu.memory_space<vmem>> -> memref<1x1x128xi32, #tpu.memory_space<vmem>>
            %dma_wait3A_293 = tpu.memref_squeeze %dma_wait3A_292 : memref<1x1x128xi32, #tpu.memory_space<vmem>> -> memref<1x128xi32, #tpu.memory_space<vmem>>
            %dma_wait3A_294 = arith.constant 0 : i32
            %dma_wait3A_295 = tpu.memref_slice %arg3[%dma_wait3A_294, %mul3A_288] : memref<1x1024xi32, #tpu.memory_space<hbm>> -> memref<1x128xi32, #tpu.memory_space<hbm>>
            %dma_wait3A_296 = tpu.memref_slice %run_scoped3A_10[%rem3A_290] : memref<2x!tpu.dma_semaphore, #tpu.memory_space<semaphore_mem>> -> memref<1x!tpu.dma_semaphore, #tpu.memory_space<semaphore_mem>>
            %dma_wait3A_297 = tpu.memref_squeeze %dma_wait3A_296 : memref<1x!tpu.dma_semaphore, #tpu.memory_space<semaphore_mem>> -> memref<!tpu.dma_semaphore, #tpu.memory_space<semaphore_mem>>
            %dma_wait3A_298 = arith.constant 0 : i32
            %dma_wait3A_299 = arith.constant 0 : i32
            %dma_wait3A_300 = tpu.memref_slice %run_scoped3A[%rem3A_290, %dma_wait3A_298, %dma_wait3A_299] : memref<2x1x128xi32, #tpu.memory_space<vmem>> -> memref<1x1x128xi32, #tpu.memory_space<vmem>>
            %dma_wait3A_301 = tpu.memref_squeeze %dma_wait3A_300 : memref<1x1x128xi32, #tpu.memory_space<vmem>> -> memref<1x128xi32, #tpu.memory_space<vmem>>
            %dma_wait3A_302 = arith.constant 0 : i32
            %dma_wait3A_303 = tpu.memref_slice %arg3[%dma_wait3A_302, %mul3A_288] : memref<1x1024xi32, #tpu.memory_space<hbm>> -> memref<1x128xi32, #tpu.memory_space<hbm>>
            tpu.wait_dma2 semaphore(%dma_wait3A_297 : memref<!tpu.dma_semaphore, #tpu.memory_space<semaphore_mem>>) src(%dma_wait3A_303 : memref<1x128xi32, #tpu.memory_space<hbm>>) dst(%dma_wait3A_301 : memref<1x128xi32, #tpu.memory_space<vmem>>)
            "tpu.trace_stop"() : () -> ()
          } else {
          }
          %ne3A_209 = arith.cmpi ne, %add3A_148, %add3A_158 : i32
          %or3A_210 = arith.constant false
          %or3A_211 = arith.ori %or3A_210, %ne3A_209 : i1
          %or3A_212 = arith.constant false
          %or3A_213 = arith.ori %or3A_211, %or3A_212 : i1
          %or3A_214 = arith.ori %or3A_213, %eq3A_144 : i1
          %convert_element_type3A_215 = arith.extui %or3A_214 : i1 to i32
          %cond3A_216 = arith.constant 0 : i32
          %cond3A_217 = arith.cmpi ne, %convert_element_type3A_215, %cond3A_216 : i32
          scf.if %cond3A_217 {
          } else {
          }
          %rem3A_218 = arith.constant 2 : i32
          %rem3A_219 = arith.remui %while3A_137, %rem3A_218 : i32
          %rem3A_220 = arith.constant 2 : i32
          %rem3A_221 = arith.remui %while3A_138, %rem3A_220 : i32
          %run_scoped3A_222 = arith.constant 0 : i32
          "tpu.trace_start"() <{level = 10 : i32, message = "ep_run_kernel"}> : () -> ()
          "tpu.region"() ({
            %run_scoped3A_287 = tpu.sem_alloc : memref<!tpu.dma_semaphore, #tpu.memory_space<semaphore_mem>>
            %dma_start3A_288 = arith.constant 0 : i32
            %dma_start3A_289 = arith.constant 0 : i32
            %dma_start3A_290 = tpu.memref_slice %run_scoped3A_11[%rem3A_221, %dma_start3A_288, %dma_start3A_289] : memref<2x128x128xf32, #tpu.memory_space<vmem>> -> memref<1x128x128xf32, #tpu.memory_space<vmem>>
            %dma_start3A_291 = tpu.memref_squeeze %dma_start3A_290 : memref<1x128x128xf32, #tpu.memory_space<vmem>> -> memref<128x128xf32, #tpu.memory_space<vmem>>
            %dma_start3A_292 = arith.constant 0 : i32
            %dma_start3A_293 = arith.constant 0 : i32
            %dma_start3A_294 = tpu.memref_slice %run_scoped3A[%rem3A_219, %dma_start3A_292, %dma_start3A_293] : memref<2x1x128xi32, #tpu.memory_space<vmem>> -> memref<1x1x128xi32, #tpu.memory_space<vmem>>
            %dma_start3A_295 = tpu.memref_squeeze %dma_start3A_294 : memref<1x1x128xi32, #tpu.memory_space<vmem>> -> memref<1x128xi32, #tpu.memory_space<vmem>>
            %dma_start3A_296 = arith.constant 0 : i32
            %dma_start3A_297 = tpu.memref_slice %dma_start3A_295[%run_scoped3A_222, %dma_start3A_296] : memref<1x128xi32, #tpu.memory_space<vmem>> -> memref<1x128xi32, #tpu.memory_space<vmem>>
            %dma_start3A_298 = tpu.memref_squeeze %dma_start3A_297 : memref<1x128xi32, #tpu.memory_space<vmem>> -> memref<128xi32, #tpu.memory_space<vmem>>
            %dma_start3A_299 = arith.constant 0 : i32
            %dma_start3A_300 = arith.constant 0 : i32
            %dma_start3A_301 = tpu.memref_slice %arg2[%dma_start3A_299, %dma_start3A_300] : memref<100x128xf32, #tpu.memory_space<hbm>> -> memref<100x128xf32, #tpu.memory_space<hbm>>
            tpu.enqueue_indirect_dma source(%dma_start3A_301 : memref<100x128xf32, #tpu.memory_space<hbm>>) target(%dma_start3A_291 : memref<128x128xf32, #tpu.memory_space<vmem>>) offsets(%dma_start3A_298 : memref<128xi32, #tpu.memory_space<vmem>>) semaphore(%run_scoped3A_287 : memref<!tpu.dma_semaphore, #tpu.memory_space<semaphore_mem>>)
            %dma_wait3A = arith.constant 0 : i32
            %dma_wait3A_302 = arith.constant 0 : i32
            %dma_wait3A_303 = tpu.memref_slice %run_scoped3A_11[%rem3A_221, %dma_wait3A, %dma_wait3A_302] : memref<2x128x128xf32, #tpu.memory_space<vmem>> -> memref<1x128x128xf32, #tpu.memory_space<vmem>>
            %dma_wait3A_304 = tpu.memref_squeeze %dma_wait3A_303 : memref<1x128x128xf32, #tpu.memory_space<vmem>> -> memref<128x128xf32, #tpu.memory_space<vmem>>
            %dma_wait3A_305 = arith.constant 0 : i32
            %dma_wait3A_306 = arith.constant 0 : i32
            %dma_wait3A_307 = tpu.memref_slice %run_scoped3A[%rem3A_219, %dma_wait3A_305, %dma_wait3A_306] : memref<2x1x128xi32, #tpu.memory_space<vmem>> -> memref<1x1x128xi32, #tpu.memory_space<vmem>>
            %dma_wait3A_308 = tpu.memref_squeeze %dma_wait3A_307 : memref<1x1x128xi32, #tpu.memory_space<vmem>> -> memref<1x128xi32, #tpu.memory_space<vmem>>
            %dma_wait3A_309 = arith.constant 0 : i32
            %dma_wait3A_310 = tpu.memref_slice %dma_wait3A_308[%run_scoped3A_222, %dma_wait3A_309] : memref<1x128xi32, #tpu.memory_space<vmem>> -> memref<1x128xi32, #tpu.memory_space<vmem>>
            %dma_wait3A_311 = tpu.memref_squeeze %dma_wait3A_310 : memref<1x128xi32, #tpu.memory_space<vmem>> -> memref<128xi32, #tpu.memory_space<vmem>>
            %dma_wait3A_312 = arith.constant 0 : i32
            %dma_wait3A_313 = arith.constant 0 : i32
            %dma_wait3A_314 = tpu.memref_slice %arg2[%dma_wait3A_312, %dma_wait3A_313] : memref<100x128xf32, #tpu.memory_space<hbm>> -> memref<100x128xf32, #tpu.memory_space<hbm>>
            tpu.wait_indirect_dma semaphore(%run_scoped3A_287 : memref<!tpu.dma_semaphore, #tpu.memory_space<semaphore_mem>>) src(%dma_wait3A_314 : memref<100x128xf32, #tpu.memory_space<hbm>>) dst(%dma_wait3A_304 : memref<128x128xf32, #tpu.memory_space<vmem>>)
            tpu.yield
          }) : () -> ()
          "tpu.trace_stop"() : () -> ()
          %ne3A_223 = arith.cmpi ne, %add3A_148, %add3A_166 : i32
          %or3A_224 = arith.constant false
          %or3A_225 = arith.ori %or3A_224, %ne3A_223 : i1
          %or3A_226 = arith.ori %or3A_225, %eq3A_147 : i1
          %convert_element_type3A_227 = arith.extui %or3A_226 : i1 to i32
          %cond3A_228 = arith.constant 0 : i32
          %cond3A_229 = arith.cmpi ne, %convert_element_type3A_227, %cond3A_228 : i32
          scf.if %cond3A_229 {
          } else {
          }
          %and3A_230 = arith.constant false
          %and3A_231 = arith.andi %or3A_226, %and3A_230 : i1
          %ne3A_232 = arith.cmpi ne, %add3A_148, %add3A_166 : i32
          %or3A_233 = arith.constant false
          %or3A_234 = arith.ori %or3A_233, %ne3A_232 : i1
          %or3A_235 = arith.constant false
          %or3A_236 = arith.ori %or3A_234, %or3A_235 : i1
          %or3A_237 = arith.ori %or3A_236, %eq3A_147 : i1
          %convert_element_type3A_238 = arith.extui %or3A_237 : i1 to i32
          %cond3A_239 = arith.constant 0 : i32
          %cond3A_240 = arith.cmpi ne, %convert_element_type3A_238, %cond3A_239 : i32
          scf.if %cond3A_240 {
            "tpu.trace_start"() <{level = 10 : i32, message = "ep_copy_out"}> : () -> ()
            %rem3A_287 = arith.constant 2 : i32
            %rem3A_288 = arith.remui %while3A_138, %rem3A_287 : i32
            %mul3A_289 = arith.constant 128 : i32
            %mul3A_290 = arith.muli %mul3A_289, %add3A_148 : i32
            %dma_start3A_291 = arith.constant 0 : i32
            %dma_start3A_292 = arith.constant 0 : i32
            %dma_start3A_293 = tpu.memref_slice %run_scoped3A_11[%rem3A_288, %dma_start3A_291, %dma_start3A_292] : memref<2x128x128xf32, #tpu.memory_space<vmem>> -> memref<1x128x128xf32, #tpu.memory_space<vmem>>
            %dma_start3A_294 = tpu.memref_squeeze %dma_start3A_293 : memref<1x128x128xf32, #tpu.memory_space<vmem>> -> memref<128x128xf32, #tpu.memory_space<vmem>>
            %dma_start3A_295 = arith.constant 0 : i32
            %dma_start3A_296 = tpu.memref_slice %arg4[%mul3A_290, %dma_start3A_295] : memref<1024x128xf32, #tpu.memory_space<hbm>> -> memref<128x128xf32, #tpu.memory_space<hbm>>
            %dma_start3A_297 = tpu.memref_slice %run_scoped3A_12[%rem3A_288] : memref<2x!tpu.dma_semaphore, #tpu.memory_space<semaphore_mem>> -> memref<1x!tpu.dma_semaphore, #tpu.memory_space<semaphore_mem>>
            %dma_start3A_298 = tpu.memref_squeeze %dma_start3A_297 : memref<1x!tpu.dma_semaphore, #tpu.memory_space<semaphore_mem>> -> memref<!tpu.dma_semaphore, #tpu.memory_space<semaphore_mem>>
            %dma_start3A_299 = arith.constant 0 : i32
            %dma_start3A_300 = tpu.memref_slice %arg4[%mul3A_290, %dma_start3A_299] : memref<1024x128xf32, #tpu.memory_space<hbm>> -> memref<128x128xf32, #tpu.memory_space<hbm>>
            %dma_start3A_301 = arith.constant 0 : i32
            %dma_start3A_302 = arith.constant 0 : i32
            %dma_start3A_303 = tpu.memref_slice %run_scoped3A_11[%rem3A_288, %dma_start3A_301, %dma_start3A_302] : memref<2x128x128xf32, #tpu.memory_space<vmem>> -> memref<1x128x128xf32, #tpu.memory_space<vmem>>
            %dma_start3A_304 = tpu.memref_squeeze %dma_start3A_303 : memref<1x128x128xf32, #tpu.memory_space<vmem>> -> memref<128x128xf32, #tpu.memory_space<vmem>>
            tpu.enqueue_dma source(%dma_start3A_304 : memref<128x128xf32, #tpu.memory_space<vmem>>) target(%dma_start3A_300 : memref<128x128xf32, #tpu.memory_space<hbm>>) target_semaphore(%dma_start3A_298 : memref<!tpu.dma_semaphore, #tpu.memory_space<semaphore_mem>>)
            "tpu.trace_stop"() : () -> ()
          } else {
          }
          %and3A_241 = arith.constant true
          %and3A_242 = arith.andi %or3A_237, %and3A_241 : i1
          %add3A_243 = arith.constant 1 : i32
          %add3A_244 = arith.addi %while3A_138, %add3A_243 : i32
          %select_n3A_245 = arith.select %and3A_242, %add3A_244, %while3A_138 : i32
          %ne3A_246 = arith.cmpi ne, %add3A_148, %add3A_158 : i32
          %or3A_247 = arith.constant false
          %or3A_248 = arith.ori %or3A_247, %ne3A_246 : i1
          %not3A_249 = arith.constant true
          %not3A_250 = arith.xori %eq3A_144, %not3A_249 : i1
          %and3A_251 = arith.andi %or3A_248, %not3A_250 : i1
          %convert_element_type3A_252 = arith.extui %and3A_251 : i1 to i32
          %cond3A_253 = arith.constant 0 : i32
          %cond3A_254 = arith.cmpi ne, %convert_element_type3A_252, %cond3A_253 : i32
          scf.if %cond3A_254 {
          } else {
          }
          %and3A_255 = arith.constant false
          %and3A_256 = arith.andi %and3A_251, %and3A_255 : i1
          %ne3A_257 = arith.cmpi ne, %add3A_148, %add3A_158 : i32
          %or3A_258 = arith.constant false
          %or3A_259 = arith.ori %or3A_258, %ne3A_257 : i1
          %or3A_260 = arith.constant false
          %or3A_261 = arith.ori %or3A_259, %or3A_260 : i1
          %not3A_262 = arith.constant true
          %not3A_263 = arith.xori %eq3A_144, %not3A_262 : i1
          %and3A_264 = arith.andi %or3A_261, %not3A_263 : i1
          %convert_element_type3A_265 = arith.extui %and3A_264 : i1 to i32
          %cond3A_266 = arith.constant 0 : i32
          %cond3A_267 = arith.cmpi ne, %convert_element_type3A_265, %cond3A_266 : i32
          scf.if %cond3A_267 {
            "tpu.trace_start"() <{level = 10 : i32, message = "ep_wait_out"}> : () -> ()
            %rem3A_287 = arith.constant 2 : i32
            %rem3A_288 = arith.remui %while3A_139, %rem3A_287 : i32
            %mul3A_289 = arith.constant 128 : i32
            %mul3A_290 = arith.muli %mul3A_289, %add3A_158 : i32
            %dma_wait3A = arith.constant 0 : i32
            %dma_wait3A_291 = arith.constant 0 : i32
            %dma_wait3A_292 = tpu.memref_slice %run_scoped3A_11[%rem3A_288, %dma_wait3A, %dma_wait3A_291] : memref<2x128x128xf32, #tpu.memory_space<vmem>> -> memref<1x128x128xf32, #tpu.memory_space<vmem>>
            %dma_wait3A_293 = tpu.memref_squeeze %dma_wait3A_292 : memref<1x128x128xf32, #tpu.memory_space<vmem>> -> memref<128x128xf32, #tpu.memory_space<vmem>>
            %dma_wait3A_294 = arith.constant 0 : i32
            %dma_wait3A_295 = tpu.memref_slice %arg4[%mul3A_290, %dma_wait3A_294] : memref<1024x128xf32, #tpu.memory_space<hbm>> -> memref<128x128xf32, #tpu.memory_space<hbm>>
            %dma_wait3A_296 = tpu.memref_slice %run_scoped3A_12[%rem3A_288] : memref<2x!tpu.dma_semaphore, #tpu.memory_space<semaphore_mem>> -> memref<1x!tpu.dma_semaphore, #tpu.memory_space<semaphore_mem>>
            %dma_wait3A_297 = tpu.memref_squeeze %dma_wait3A_296 : memref<1x!tpu.dma_semaphore, #tpu.memory_space<semaphore_mem>> -> memref<!tpu.dma_semaphore, #tpu.memory_space<semaphore_mem>>
            %dma_wait3A_298 = arith.constant 0 : i32
            %dma_wait3A_299 = tpu.memref_slice %arg4[%mul3A_290, %dma_wait3A_298] : memref<1024x128xf32, #tpu.memory_space<hbm>> -> memref<128x128xf32, #tpu.memory_space<hbm>>
            %dma_wait3A_300 = arith.constant 0 : i32
            %dma_wait3A_301 = arith.constant 0 : i32
            %dma_wait3A_302 = tpu.memref_slice %run_scoped3A_11[%rem3A_288, %dma_wait3A_300, %dma_wait3A_301] : memref<2x128x128xf32, #tpu.memory_space<vmem>> -> memref<1x128x128xf32, #tpu.memory_space<vmem>>
            %dma_wait3A_303 = tpu.memref_squeeze %dma_wait3A_302 : memref<1x128x128xf32, #tpu.memory_space<vmem>> -> memref<128x128xf32, #tpu.memory_space<vmem>>
            tpu.wait_dma2 semaphore(%dma_wait3A_297 : memref<!tpu.dma_semaphore, #tpu.memory_space<semaphore_mem>>) src(%dma_wait3A_303 : memref<128x128xf32, #tpu.memory_space<vmem>>) dst(%dma_wait3A_299 : memref<128x128xf32, #tpu.memory_space<hbm>>)
            "tpu.trace_stop"() : () -> ()
          } else {
          }
          %and3A_268 = arith.constant true
          %and3A_269 = arith.andi %and3A_264, %and3A_268 : i1
          %add3A_270 = arith.constant 1 : i32
          %add3A_271 = arith.addi %while3A_139, %add3A_270 : i32
          %select_n3A_272 = arith.select %and3A_269, %add3A_271, %while3A_139 : i32
          %ne3A_273 = arith.cmpi ne, %add3A_148, %add3A_166 : i32
          %or3A_274 = arith.constant false
          %or3A_275 = arith.ori %or3A_274, %ne3A_273 : i1
          %or3A_276 = arith.ori %or3A_275, %eq3A_147 : i1
          %add3A_277 = arith.constant 1 : i32
          %add3A_278 = arith.addi %while3A_137, %add3A_277 : i32
          %select_n3A_279 = arith.select %or3A_276, %add3A_278, %while3A_137 : i32
          %add3A_280 = arith.constant 1 : i32
          %add3A_281 = arith.addi %while3A_140, %add3A_280 : i32
          %select_n3A_282 = arith.constant true
          %select_n3A_283 = arith.select %select_n3A_282, %add3A_281, %while3A_140 : i32
          %eq3A_284 = arith.cmpi eq, %select_n3A_283, %select_n3A : i32
          %select_n3A_285 = arith.constant 0 : i32
          %select_n3A_286 = arith.select %eq3A_284, %select_n3A_285, %select_n3A_283 : i32
          scf.yield %select_n3A_188, %select_n3A_279, %select_n3A_245, %select_n3A_272, %select_n3A_286 : i32, i32, i32, i32, i32
        }
        %sub3A_84 = arith.constant 1 : i32
        %sub3A_85 = arith.subi %while3A_83#4, %sub3A_84 : i32
        %select_n3A_86 = arith.constant true
        %select_n3A_87 = arith.select %select_n3A_86, %sub3A_85, %while3A_83#4 : i32
        %eq3A_88 = arith.constant -1 : i32
        %eq3A_89 = arith.cmpi eq, %select_n3A_87, %eq3A_88 : i32
        %sub3A_90 = arith.constant 1 : i32
        %sub3A_91 = arith.subi %select_n3A, %sub3A_90 : i32
        %select_n3A_92 = arith.select %eq3A_89, %sub3A_91, %select_n3A_87 : i32
        %sub3A_93 = arith.constant 1 : i32
        %sub3A_94 = arith.subi %mul3A_9, %sub3A_93 : i32
        %mul3A_95 = arith.constant 1 : i32
        %mul3A_96 = arith.muli %mul3A_95, %select_n3A : i32
        %eq3A_97 = arith.constant 0 : i32
        %eq3A_98 = arith.cmpi eq, %sub3A_94, %eq3A_97 : i32
        %sub3A_99 = arith.constant 1 : i32
        %sub3A_100 = arith.subi %mul3A_96, %sub3A_99 : i32
        %eq3A_101 = arith.cmpi eq, %sub3A_94, %sub3A_100 : i32
        %add3A_102 = arith.addi %select_n3A_92, %select_n3A_7 : i32
        %sub3A_103 = arith.constant 1 : i32
        %sub3A_104 = arith.subi %select_n3A_92, %sub3A_103 : i32
        %select_n3A_105 = arith.constant true
        %select_n3A_106 = arith.select %select_n3A_105, %sub3A_104, %select_n3A_92 : i32
        %eq3A_107 = arith.constant -1 : i32
        %eq3A_108 = arith.cmpi eq, %select_n3A_106, %eq3A_107 : i32
        %sub3A_109 = arith.constant 1 : i32
        %sub3A_110 = arith.subi %select_n3A, %sub3A_109 : i32
        %select_n3A_111 = arith.select %eq3A_108, %sub3A_110, %select_n3A_106 : i32
        %add3A_112 = arith.addi %select_n3A_111, %select_n3A_7 : i32
        %add3A_113 = arith.constant 1 : i32
        %add3A_114 = arith.addi %select_n3A_92, %add3A_113 : i32
        %select_n3A_115 = arith.constant true
        %select_n3A_116 = arith.select %select_n3A_115, %add3A_114, %select_n3A_92 : i32
        %eq3A_117 = arith.cmpi eq, %select_n3A_116, %select_n3A : i32
        %select_n3A_118 = arith.constant 0 : i32
        %select_n3A_119 = arith.select %eq3A_117, %select_n3A_118, %select_n3A_116 : i32
        %add3A_120 = arith.addi %select_n3A_119, %select_n3A_7 : i32
        %add3A_121 = arith.constant 1 : i32
        %add3A_122 = arith.addi %select_n3A_119, %add3A_121 : i32
        %select_n3A_123 = arith.constant true
        %select_n3A_124 = arith.select %select_n3A_123, %add3A_122, %select_n3A_119 : i32
        %eq3A_125 = arith.cmpi eq, %select_n3A_124, %select_n3A : i32
        %select_n3A_126 = arith.constant 0 : i32
        %select_n3A_127 = arith.select %eq3A_125, %select_n3A_126, %select_n3A_124 : i32
        %add3A_128 = arith.addi %select_n3A_127, %select_n3A_7 : i32
        %convert_element_type3A_129 = arith.extui %eq3A_101 : i1 to i32
        %cond3A_130 = arith.constant 0 : i32
        %cond3A_131 = arith.cmpi ne, %convert_element_type3A_129, %cond3A_130 : i32
        scf.if %cond3A_131 {
        } else {
        }
        %convert_element_type3A_132 = arith.extui %eq3A_101 : i1 to i32
        %cond3A_133 = arith.constant 0 : i32
        %cond3A_134 = arith.cmpi ne, %convert_element_type3A_132, %cond3A_133 : i32
        scf.if %cond3A_134 {
          "tpu.trace_start"() <{level = 10 : i32, message = "ep_finalize"}> : () -> ()
          %rem3A_135 = arith.constant 2 : i32
          %rem3A_136 = arith.remui %while3A_83#3, %rem3A_135 : i32
          %mul3A_137 = arith.constant 128 : i32
          %mul3A_138 = arith.muli %mul3A_137, %add3A_102 : i32
          %dma_wait3A = arith.constant 0 : i32
          %dma_wait3A_139 = arith.constant 0 : i32
          %dma_wait3A_140 = tpu.memref_slice %run_scoped3A_11[%rem3A_136, %dma_wait3A, %dma_wait3A_139] : memref<2x128x128xf32, #tpu.memory_space<vmem>> -> memref<1x128x128xf32, #tpu.memory_space<vmem>>
          %dma_wait3A_141 = tpu.memref_squeeze %dma_wait3A_140 : memref<1x128x128xf32, #tpu.memory_space<vmem>> -> memref<128x128xf32, #tpu.memory_space<vmem>>
          %dma_wait3A_142 = arith.constant 0 : i32
          %dma_wait3A_143 = tpu.memref_slice %arg4[%mul3A_138, %dma_wait3A_142] : memref<1024x128xf32, #tpu.memory_space<hbm>> -> memref<128x128xf32, #tpu.memory_space<hbm>>
          %dma_wait3A_144 = tpu.memref_slice %run_scoped3A_12[%rem3A_136] : memref<2x!tpu.dma_semaphore, #tpu.memory_space<semaphore_mem>> -> memref<1x!tpu.dma_semaphore, #tpu.memory_space<semaphore_mem>>
          %dma_wait3A_145 = tpu.memref_squeeze %dma_wait3A_144 : memref<1x!tpu.dma_semaphore, #tpu.memory_space<semaphore_mem>> -> memref<!tpu.dma_semaphore, #tpu.memory_space<semaphore_mem>>
          %dma_wait3A_146 = arith.constant 0 : i32
          %dma_wait3A_147 = tpu.memref_slice %arg4[%mul3A_138, %dma_wait3A_146] : memref<1024x128xf32, #tpu.memory_space<hbm>> -> memref<128x128xf32, #tpu.memory_space<hbm>>
          %dma_wait3A_148 = arith.constant 0 : i32
          %dma_wait3A_149 = arith.constant 0 : i32
          %dma_wait3A_150 = tpu.memref_slice %run_scoped3A_11[%rem3A_136, %dma_wait3A_148, %dma_wait3A_149] : memref<2x128x128xf32, #tpu.memory_space<vmem>> -> memref<1x128x128xf32, #tpu.memory_space<vmem>>
          %dma_wait3A_151 = tpu.memref_squeeze %dma_wait3A_150 : memref<1x128x128xf32, #tpu.memory_space<vmem>> -> memref<128x128xf32, #tpu.memory_space<vmem>>
          tpu.wait_dma2 semaphore(%dma_wait3A_145 : memref<!tpu.dma_semaphore, #tpu.memory_space<semaphore_mem>>) src(%dma_wait3A_151 : memref<128x128xf32, #tpu.memory_space<vmem>>) dst(%dma_wait3A_147 : memref<128x128xf32, #tpu.memory_space<hbm>>)
          "tpu.trace_stop"() : () -> ()
        } else {
        }
      } else {
      }
      tpu.yield
    }) : () -> ()
    return
  }
}

#map = affine_map<(d0, d1) -> (0, 0)>
module attributes {stable_mosaic.version = 14 : i64} {
  func.func @k(%arg0: i32, %arg1: i32, %arg2: memref<1000x128xf32, #tpu.memory_space<hbm>>, %arg3: memref<1x20480xi32, #tpu.memory_space<hbm>>, %arg4: memref<20480x128xf32, #tpu.memory_space<hbm>>) attributes {dimension_semantics = [#tpu.dimension_semantics<core_parallel>, #tpu.dimension_semantics<subcore_parallel>], iteration_bounds = array<i64: 2, 16>, scalar_prefetch = 0 : i64, scratch_operands = 0 : i64, tpu.core_type = #tpu.core_type<sc_vector_subcore>, window_params = [{transform_indices = #map}, {transform_indices = #map}, {transform_indices = #map}]} {
    %mul3A = arith.constant 10 : i32
    %mul3A_0 = arith.muli %arg1, %mul3A : i32
    "tpu.region"() ({
      %run_scoped3A = memref.alloca() : memref<2x1x128xi32, #tpu.memory_space<vmem>>
      %run_scoped3A_1 = tpu.sem_alloc : memref<2x!tpu.dma_semaphore, #tpu.memory_space<semaphore_mem>>
      %run_scoped3A_2 = memref.alloca() : memref<2x128x128xf32, #tpu.memory_space<vmem>>
      %run_scoped3A_3 = tpu.sem_alloc : memref<2x!tpu.dma_semaphore, #tpu.memory_space<semaphore_mem>>
      %add3A = arith.constant 0 : i32
      %add3A_4 = arith.addi %add3A, %mul3A_0 : i32
      %select_n3A = arith.constant true
      %select_n3A_5 = arith.constant 0 : i32
      %select_n3A_6 = arith.constant -1 : i32
      %select_n3A_7 = arith.select %select_n3A, %select_n3A_6, %select_n3A_5 : i32
      %eq3A = arith.constant -1 : i32
      %eq3A_8 = arith.cmpi eq, %select_n3A_7, %eq3A : i32
      %select_n3A_9 = arith.constant 9 : i32
      %select_n3A_10 = arith.select %eq3A_8, %select_n3A_9, %select_n3A_7 : i32
      %add3A_11 = arith.addi %select_n3A_10, %mul3A_0 : i32
      %select_n3A_12 = arith.constant true
      %select_n3A_13 = arith.constant 0 : i32
      %select_n3A_14 = arith.constant 1 : i32
      %select_n3A_15 = arith.select %select_n3A_12, %select_n3A_14, %select_n3A_13 : i32
      %eq3A_16 = arith.constant 10 : i32
      %eq3A_17 = arith.cmpi eq, %select_n3A_15, %eq3A_16 : i32
      %select_n3A_18 = arith.constant 0 : i32
      %select_n3A_19 = arith.select %eq3A_17, %select_n3A_18, %select_n3A_15 : i32
      %add3A_20 = arith.addi %select_n3A_19, %mul3A_0 : i32
      %add3A_21 = arith.constant 1 : i32
      %add3A_22 = arith.addi %select_n3A_19, %add3A_21 : i32
      %select_n3A_23 = arith.constant true
      %select_n3A_24 = arith.select %select_n3A_23, %add3A_22, %select_n3A_19 : i32
      %eq3A_25 = arith.constant 10 : i32
      %eq3A_26 = arith.cmpi eq, %select_n3A_24, %eq3A_25 : i32
      %select_n3A_27 = arith.constant 0 : i32
      %select_n3A_28 = arith.select %eq3A_26, %select_n3A_27, %select_n3A_24 : i32
      %add3A_29 = arith.addi %select_n3A_28, %mul3A_0 : i32
      "tpu.trace_start"() <{level = 10 : i32, message = "ep_initialize_0"}> : () -> ()
      %rem3A = arith.constant 0 : i32
      %rem3A_30 = arith.constant 2 : i32
      %rem3A_31 = arith.remui %rem3A, %rem3A_30 : i32
      %mul3A_32 = arith.constant 128 : i32
      %mul3A_33 = arith.muli %mul3A_32, %add3A_4 : i32
      %dma_start3A = arith.constant 0 : i32
      %dma_start3A_34 = arith.constant 0 : i32
      %dma_start3A_35 = tpu.memref_slice %run_scoped3A[%rem3A_31, %dma_start3A, %dma_start3A_34] : memref<2x1x128xi32, #tpu.memory_space<vmem>> -> memref<1x1x128xi32, #tpu.memory_space<vmem>>
      %dma_start3A_36 = tpu.memref_squeeze %dma_start3A_35 : memref<1x1x128xi32, #tpu.memory_space<vmem>> -> memref<1x128xi32, #tpu.memory_space<vmem>>
      %dma_start3A_37 = arith.constant 0 : i32
      %dma_start3A_38 = tpu.memref_slice %arg3[%dma_start3A_37, %mul3A_33] : memref<1x20480xi32, #tpu.memory_space<hbm>> -> memref<1x128xi32, #tpu.memory_space<hbm>>
      %dma_start3A_39 = tpu.memref_slice %run_scoped3A_1[%rem3A_31] : memref<2x!tpu.dma_semaphore, #tpu.memory_space<semaphore_mem>> -> memref<1x!tpu.dma_semaphore, #tpu.memory_space<semaphore_mem>>
      %dma_start3A_40 = tpu.memref_squeeze %dma_start3A_39 : memref<1x!tpu.dma_semaphore, #tpu.memory_space<semaphore_mem>> -> memref<!tpu.dma_semaphore, #tpu.memory_space<semaphore_mem>>
      %dma_start3A_41 = arith.constant 0 : i32
      %dma_start3A_42 = arith.constant 0 : i32
      %dma_start3A_43 = tpu.memref_slice %run_scoped3A[%rem3A_31, %dma_start3A_41, %dma_start3A_42] : memref<2x1x128xi32, #tpu.memory_space<vmem>> -> memref<1x1x128xi32, #tpu.memory_space<vmem>>
      %dma_start3A_44 = tpu.memref_squeeze %dma_start3A_43 : memref<1x1x128xi32, #tpu.memory_space<vmem>> -> memref<1x128xi32, #tpu.memory_space<vmem>>
      %dma_start3A_45 = arith.constant 0 : i32
      %dma_start3A_46 = tpu.memref_slice %arg3[%dma_start3A_45, %mul3A_33] : memref<1x20480xi32, #tpu.memory_space<hbm>> -> memref<1x128xi32, #tpu.memory_space<hbm>>
      tpu.enqueue_dma source(%dma_start3A_46 : memref<1x128xi32, #tpu.memory_space<hbm>>) target(%dma_start3A_44 : memref<1x128xi32, #tpu.memory_space<vmem>>) target_semaphore(%dma_start3A_40 : memref<!tpu.dma_semaphore, #tpu.memory_space<semaphore_mem>>)
      %add3A_47 = arith.constant 0 : i32
      %add3A_48 = arith.constant 1 : i32
      %add3A_49 = arith.addi %add3A_47, %add3A_48 : i32
      %select_n3A_50 = arith.constant true
      %select_n3A_51 = arith.constant 0 : i32
      %select_n3A_52 = arith.select %select_n3A_50, %add3A_49, %select_n3A_51 : i32
      "tpu.trace_stop"() : () -> ()
      %scan3A = arith.constant 0 : i32
      %scan3A_53 = arith.constant 0 : i32
      %scan3A_54 = arith.constant 0 : i32
      %scan3A_55 = arith.constant 0 : i32
      %scan3A_56 = arith.constant 0 : i32
      %scan3A_57 = arith.constant 10 : i32
      %scan3A_58 = arith.addi %scan3A_56, %scan3A_57 : i32
      %scan3A_59 = arith.constant 1 : i32
      %scan3A_60:5 = scf.for %scan3A_114 = %scan3A_56 to %scan3A_58 step %scan3A_59 iter_args(%scan3A_115 = %select_n3A_52, %scan3A_116 = %scan3A, %scan3A_117 = %scan3A_53, %scan3A_118 = %scan3A_54, %scan3A_119 = %scan3A_55) -> (i32, i32, i32, i32, i32)  : i32 {
        %eq3A_120 = arith.constant 0 : i32
        %eq3A_121 = arith.cmpi eq, %scan3A_114, %eq3A_120 : i32
        %eq3A_122 = arith.constant 9 : i32
        %eq3A_123 = arith.cmpi eq, %scan3A_114, %eq3A_122 : i32
        %add3A_124 = arith.addi %scan3A_119, %mul3A_0 : i32
        %sub3A_125 = arith.constant 1 : i32
        %sub3A_126 = arith.subi %scan3A_119, %sub3A_125 : i32
        %select_n3A_127 = arith.constant true
        %select_n3A_128 = arith.select %select_n3A_127, %sub3A_126, %scan3A_119 : i32
        %eq3A_129 = arith.constant -1 : i32
        %eq3A_130 = arith.cmpi eq, %select_n3A_128, %eq3A_129 : i32
        %select_n3A_131 = arith.constant 9 : i32
        %select_n3A_132 = arith.select %eq3A_130, %select_n3A_131, %select_n3A_128 : i32
        %add3A_133 = arith.addi %select_n3A_132, %mul3A_0 : i32
        %add3A_134 = arith.constant 1 : i32
        %add3A_135 = arith.addi %scan3A_119, %add3A_134 : i32
        %select_n3A_136 = arith.constant true
        %select_n3A_137 = arith.select %select_n3A_136, %add3A_135, %scan3A_119 : i32
        %eq3A_138 = arith.constant 10 : i32
        %eq3A_139 = arith.cmpi eq, %select_n3A_137, %eq3A_138 : i32
        %select_n3A_140 = arith.constant 0 : i32
        %select_n3A_141 = arith.select %eq3A_139, %select_n3A_140, %select_n3A_137 : i32
        %add3A_142 = arith.addi %select_n3A_141, %mul3A_0 : i32
        %add3A_143 = arith.constant 1 : i32
        %add3A_144 = arith.addi %select_n3A_141, %add3A_143 : i32
        %select_n3A_145 = arith.constant true
        %select_n3A_146 = arith.select %select_n3A_145, %add3A_144, %select_n3A_141 : i32
        %eq3A_147 = arith.constant 10 : i32
        %eq3A_148 = arith.cmpi eq, %select_n3A_146, %eq3A_147 : i32
        %select_n3A_149 = arith.constant 0 : i32
        %select_n3A_150 = arith.select %eq3A_148, %select_n3A_149, %select_n3A_146 : i32
        %add3A_151 = arith.addi %select_n3A_150, %mul3A_0 : i32
        %ne3A = arith.cmpi ne, %add3A_124, %add3A_142 : i32
        %or3A = arith.constant false
        %or3A_152 = arith.ori %or3A, %ne3A : i1
        %ge3A = arith.constant 9 : i32
        %ge3A_153 = arith.cmpi sge, %scan3A_114, %ge3A : i32
        %not3A = arith.constant true
        %not3A_154 = arith.xori %ge3A_153, %not3A : i1
        %and3A = arith.andi %or3A_152, %not3A_154 : i1
        %convert_element_type3A = arith.extui %and3A : i1 to i32
        %cond3A = arith.constant 0 : i32
        %cond3A_155 = arith.cmpi ne, %convert_element_type3A, %cond3A : i32
        scf.if %cond3A_155 {
          "tpu.trace_start"() <{level = 10 : i32, message = "ep_copy_in"}> : () -> ()
          %rem3A_257 = arith.constant 2 : i32
          %rem3A_258 = arith.remui %scan3A_115, %rem3A_257 : i32
          %mul3A_259 = arith.constant 128 : i32
          %mul3A_260 = arith.muli %mul3A_259, %add3A_142 : i32
          %dma_start3A_261 = arith.constant 0 : i32
          %dma_start3A_262 = arith.constant 0 : i32
          %dma_start3A_263 = tpu.memref_slice %run_scoped3A[%rem3A_258, %dma_start3A_261, %dma_start3A_262] : memref<2x1x128xi32, #tpu.memory_space<vmem>> -> memref<1x1x128xi32, #tpu.memory_space<vmem>>
          %dma_start3A_264 = tpu.memref_squeeze %dma_start3A_263 : memref<1x1x128xi32, #tpu.memory_space<vmem>> -> memref<1x128xi32, #tpu.memory_space<vmem>>
          %dma_start3A_265 = arith.constant 0 : i32
          %dma_start3A_266 = tpu.memref_slice %arg3[%dma_start3A_265, %mul3A_260] : memref<1x20480xi32, #tpu.memory_space<hbm>> -> memref<1x128xi32, #tpu.memory_space<hbm>>
          %dma_start3A_267 = tpu.memref_slice %run_scoped3A_1[%rem3A_258] : memref<2x!tpu.dma_semaphore, #tpu.memory_space<semaphore_mem>> -> memref<1x!tpu.dma_semaphore, #tpu.memory_space<semaphore_mem>>
          %dma_start3A_268 = tpu.memref_squeeze %dma_start3A_267 : memref<1x!tpu.dma_semaphore, #tpu.memory_space<semaphore_mem>> -> memref<!tpu.dma_semaphore, #tpu.memory_space<semaphore_mem>>
          %dma_start3A_269 = arith.constant 0 : i32
          %dma_start3A_270 = arith.constant 0 : i32
          %dma_start3A_271 = tpu.memref_slice %run_scoped3A[%rem3A_258, %dma_start3A_269, %dma_start3A_270] : memref<2x1x128xi32, #tpu.memory_space<vmem>> -> memref<1x1x128xi32, #tpu.memory_space<vmem>>
          %dma_start3A_272 = tpu.memref_squeeze %dma_start3A_271 : memref<1x1x128xi32, #tpu.memory_space<vmem>> -> memref<1x128xi32, #tpu.memory_space<vmem>>
          %dma_start3A_273 = arith.constant 0 : i32
          %dma_start3A_274 = tpu.memref_slice %arg3[%dma_start3A_273, %mul3A_260] : memref<1x20480xi32, #tpu.memory_space<hbm>> -> memref<1x128xi32, #tpu.memory_space<hbm>>
          tpu.enqueue_dma source(%dma_start3A_274 : memref<1x128xi32, #tpu.memory_space<hbm>>) target(%dma_start3A_272 : memref<1x128xi32, #tpu.memory_space<vmem>>) target_semaphore(%dma_start3A_268 : memref<!tpu.dma_semaphore, #tpu.memory_space<semaphore_mem>>)
          "tpu.trace_stop"() : () -> ()
        } else {
        }
        %and3A_156 = arith.constant true
        %and3A_157 = arith.andi %and3A, %and3A_156 : i1
        %add3A_158 = arith.constant 1 : i32
        %add3A_159 = arith.addi %scan3A_115, %add3A_158 : i32
        %select_n3A_160 = arith.select %and3A_157, %add3A_159, %scan3A_115 : i32
        %ne3A_161 = arith.cmpi ne, %add3A_124, %add3A_142 : i32
        %or3A_162 = arith.constant false
        %or3A_163 = arith.ori %or3A_162, %ne3A_161 : i1
        %or3A_164 = arith.constant false
        %or3A_165 = arith.ori %or3A_163, %or3A_164 : i1
        %ge3A_166 = arith.constant 9 : i32
        %ge3A_167 = arith.cmpi sge, %scan3A_114, %ge3A_166 : i32
        %not3A_168 = arith.constant true
        %not3A_169 = arith.xori %ge3A_167, %not3A_168 : i1
        %and3A_170 = arith.andi %or3A_165, %not3A_169 : i1
        %ne3A_171 = arith.cmpi ne, %add3A_124, %add3A_133 : i32
        %or3A_172 = arith.constant false
        %or3A_173 = arith.ori %or3A_172, %ne3A_171 : i1
        %or3A_174 = arith.ori %or3A_173, %eq3A_121 : i1
        %convert_element_type3A_175 = arith.extui %or3A_174 : i1 to i32
        %cond3A_176 = arith.constant 0 : i32
        %cond3A_177 = arith.cmpi ne, %convert_element_type3A_175, %cond3A_176 : i32
        scf.if %cond3A_177 {
          "tpu.trace_start"() <{level = 10 : i32, message = "ep_wait_in"}> : () -> ()
          %mul3A_257 = arith.constant 128 : i32
          %mul3A_258 = arith.muli %mul3A_257, %add3A_124 : i32
          %rem3A_259 = arith.constant 2 : i32
          %rem3A_260 = arith.remui %scan3A_116, %rem3A_259 : i32
          %dma_wait3A_261 = arith.constant 0 : i32
          %dma_wait3A_262 = arith.constant 0 : i32
          %dma_wait3A_263 = tpu.memref_slice %run_scoped3A[%rem3A_260, %dma_wait3A_261, %dma_wait3A_262] : memref<2x1x128xi32, #tpu.memory_space<vmem>> -> memref<1x1x128xi32, #tpu.memory_space<vmem>>
          %dma_wait3A_264 = tpu.memref_squeeze %dma_wait3A_263 : memref<1x1x128xi32, #tpu.memory_space<vmem>> -> memref<1x128xi32, #tpu.memory_space<vmem>>
          %dma_wait3A_265 = arith.constant 0 : i32
          %dma_wait3A_266 = tpu.memref_slice %arg3[%dma_wait3A_265, %mul3A_258] : memref<1x20480xi32, #tpu.memory_space<hbm>> -> memref<1x128xi32, #tpu.memory_space<hbm>>
          %dma_wait3A_267 = tpu.memref_slice %run_scoped3A_1[%rem3A_260] : memref<2x!tpu.dma_semaphore, #tpu.memory_space<semaphore_mem>> -> memref<1x!tpu.dma_semaphore, #tpu.memory_space<semaphore_mem>>
          %dma_wait3A_268 = tpu.memref_squeeze %dma_wait3A_267 : memref<1x!tpu.dma_semaphore, #tpu.memory_space<semaphore_mem>> -> memref<!tpu.dma_semaphore, #tpu.memory_space<semaphore_mem>>
          %dma_wait3A_269 = arith.constant 0 : i32
          %dma_wait3A_270 = arith.constant 0 : i32
          %dma_wait3A_271 = tpu.memref_slice %run_scoped3A[%rem3A_260, %dma_wait3A_269, %dma_wait3A_270] : memref<2x1x128xi32, #tpu.memory_space<vmem>> -> memref<1x1x128xi32, #tpu.memory_space<vmem>>
          %dma_wait3A_272 = tpu.memref_squeeze %dma_wait3A_271 : memref<1x1x128xi32, #tpu.memory_space<vmem>> -> memref<1x128xi32, #tpu.memory_space<vmem>>
          %dma_wait3A_273 = arith.constant 0 : i32
          %dma_wait3A_274 = tpu.memref_slice %arg3[%dma_wait3A_273, %mul3A_258] : memref<1x20480xi32, #tpu.memory_space<hbm>> -> memref<1x128xi32, #tpu.memory_space<hbm>>
          tpu.wait_dma2 semaphore(%dma_wait3A_268 : memref<!tpu.dma_semaphore, #tpu.memory_space<semaphore_mem>>) src(%dma_wait3A_274 : memref<1x128xi32, #tpu.memory_space<hbm>>) dst(%dma_wait3A_272 : memref<1x128xi32, #tpu.memory_space<vmem>>)
          "tpu.trace_stop"() : () -> ()
        } else {
        }
        %ne3A_178 = arith.cmpi ne, %add3A_124, %add3A_133 : i32
        %or3A_179 = arith.constant false
        %or3A_180 = arith.ori %or3A_179, %ne3A_178 : i1
        %or3A_181 = arith.constant false
        %or3A_182 = arith.ori %or3A_180, %or3A_181 : i1
        %or3A_183 = arith.ori %or3A_182, %eq3A_121 : i1
        %convert_element_type3A_184 = arith.extui %or3A_183 : i1 to i32
        %cond3A_185 = arith.constant 0 : i32
        %cond3A_186 = arith.cmpi ne, %convert_element_type3A_184, %cond3A_185 : i32
        scf.if %cond3A_186 {
        } else {
        }
        %rem3A_187 = arith.constant 2 : i32
        %rem3A_188 = arith.remui %scan3A_116, %rem3A_187 : i32
        %rem3A_189 = arith.constant 2 : i32
        %rem3A_190 = arith.remui %scan3A_117, %rem3A_189 : i32
        %run_scoped3A_191 = arith.constant 0 : i32
        "tpu.trace_start"() <{level = 10 : i32, message = "ep_run_kernel"}> : () -> ()
        "tpu.region"() ({
          %run_scoped3A_257 = tpu.sem_alloc : memref<!tpu.dma_semaphore, #tpu.memory_space<semaphore_mem>>
          %dma_start3A_258 = arith.constant 0 : i32
          %dma_start3A_259 = arith.constant 0 : i32
          %dma_start3A_260 = tpu.memref_slice %run_scoped3A_2[%rem3A_190, %dma_start3A_258, %dma_start3A_259] : memref<2x128x128xf32, #tpu.memory_space<vmem>> -> memref<1x128x128xf32, #tpu.memory_space<vmem>>
          %dma_start3A_261 = tpu.memref_squeeze %dma_start3A_260 : memref<1x128x128xf32, #tpu.memory_space<vmem>> -> memref<128x128xf32, #tpu.memory_space<vmem>>
          %dma_start3A_262 = arith.constant 0 : i32
          %dma_start3A_263 = arith.constant 0 : i32
          %dma_start3A_264 = tpu.memref_slice %run_scoped3A[%rem3A_188, %dma_start3A_262, %dma_start3A_263] : memref<2x1x128xi32, #tpu.memory_space<vmem>> -> memref<1x1x128xi32, #tpu.memory_space<vmem>>
          %dma_start3A_265 = tpu.memref_squeeze %dma_start3A_264 : memref<1x1x128xi32, #tpu.memory_space<vmem>> -> memref<1x128xi32, #tpu.memory_space<vmem>>
          %dma_start3A_266 = arith.constant 0 : i32
          %dma_start3A_267 = tpu.memref_slice %dma_start3A_265[%run_scoped3A_191, %dma_start3A_266] : memref<1x128xi32, #tpu.memory_space<vmem>> -> memref<1x128xi32, #tpu.memory_space<vmem>>
          %dma_start3A_268 = tpu.memref_squeeze %dma_start3A_267 : memref<1x128xi32, #tpu.memory_space<vmem>> -> memref<128xi32, #tpu.memory_space<vmem>>
          %dma_start3A_269 = arith.constant 0 : i32
          %dma_start3A_270 = arith.constant 0 : i32
          %dma_start3A_271 = tpu.memref_slice %arg2[%dma_start3A_269, %dma_start3A_270] : memref<1000x128xf32, #tpu.memory_space<hbm>> -> memref<1000x128xf32, #tpu.memory_space<hbm>>
          tpu.enqueue_indirect_dma source(%dma_start3A_271 : memref<1000x128xf32, #tpu.memory_space<hbm>>) target(%dma_start3A_261 : memref<128x128xf32, #tpu.memory_space<vmem>>) offsets(%dma_start3A_268 : memref<128xi32, #tpu.memory_space<vmem>>) semaphore(%run_scoped3A_257 : memref<!tpu.dma_semaphore, #tpu.memory_space<semaphore_mem>>)
          %dma_wait3A_272 = arith.constant 0 : i32
          %dma_wait3A_273 = arith.constant 0 : i32
          %dma_wait3A_274 = tpu.memref_slice %run_scoped3A_2[%rem3A_190, %dma_wait3A_272, %dma_wait3A_273] : memref<2x128x128xf32, #tpu.memory_space<vmem>> -> memref<1x128x128xf32, #tpu.memory_space<vmem>>
          %dma_wait3A_275 = tpu.memref_squeeze %dma_wait3A_274 : memref<1x128x128xf32, #tpu.memory_space<vmem>> -> memref<128x128xf32, #tpu.memory_space<vmem>>
          %dma_wait3A_276 = arith.constant 0 : i32
          %dma_wait3A_277 = arith.constant 0 : i32
          %dma_wait3A_278 = tpu.memref_slice %run_scoped3A[%rem3A_188, %dma_wait3A_276, %dma_wait3A_277] : memref<2x1x128xi32, #tpu.memory_space<vmem>> -> memref<1x1x128xi32, #tpu.memory_space<vmem>>
          %dma_wait3A_279 = tpu.memref_squeeze %dma_wait3A_278 : memref<1x1x128xi32, #tpu.memory_space<vmem>> -> memref<1x128xi32, #tpu.memory_space<vmem>>
          %dma_wait3A_280 = arith.constant 0 : i32
          %dma_wait3A_281 = tpu.memref_slice %dma_wait3A_279[%run_scoped3A_191, %dma_wait3A_280] : memref<1x128xi32, #tpu.memory_space<vmem>> -> memref<1x128xi32, #tpu.memory_space<vmem>>
          %dma_wait3A_282 = tpu.memref_squeeze %dma_wait3A_281 : memref<1x128xi32, #tpu.memory_space<vmem>> -> memref<128xi32, #tpu.memory_space<vmem>>
          %dma_wait3A_283 = arith.constant 0 : i32
          %dma_wait3A_284 = arith.constant 0 : i32
          %dma_wait3A_285 = tpu.memref_slice %arg2[%dma_wait3A_283, %dma_wait3A_284] : memref<1000x128xf32, #tpu.memory_space<hbm>> -> memref<1000x128xf32, #tpu.memory_space<hbm>>
          tpu.wait_indirect_dma semaphore(%run_scoped3A_257 : memref<!tpu.dma_semaphore, #tpu.memory_space<semaphore_mem>>) src(%dma_wait3A_285 : memref<1000x128xf32, #tpu.memory_space<hbm>>) dst(%dma_wait3A_275 : memref<128x128xf32, #tpu.memory_space<vmem>>)
          tpu.yield
        }) : () -> ()
        "tpu.trace_stop"() : () -> ()
        %ne3A_192 = arith.cmpi ne, %add3A_124, %add3A_142 : i32
        %or3A_193 = arith.constant false
        %or3A_194 = arith.ori %or3A_193, %ne3A_192 : i1
        %or3A_195 = arith.ori %or3A_194, %eq3A_123 : i1
        %convert_element_type3A_196 = arith.extui %or3A_195 : i1 to i32
        %cond3A_197 = arith.constant 0 : i32
        %cond3A_198 = arith.cmpi ne, %convert_element_type3A_196, %cond3A_197 : i32
        scf.if %cond3A_198 {
        } else {
        }
        %and3A_199 = arith.constant false
        %and3A_200 = arith.andi %or3A_195, %and3A_199 : i1
        %ne3A_201 = arith.cmpi ne, %add3A_124, %add3A_142 : i32
        %or3A_202 = arith.constant false
        %or3A_203 = arith.ori %or3A_202, %ne3A_201 : i1
        %or3A_204 = arith.constant false
        %or3A_205 = arith.ori %or3A_203, %or3A_204 : i1
        %or3A_206 = arith.ori %or3A_205, %eq3A_123 : i1
        %convert_element_type3A_207 = arith.extui %or3A_206 : i1 to i32
        %cond3A_208 = arith.constant 0 : i32
        %cond3A_209 = arith.cmpi ne, %convert_element_type3A_207, %cond3A_208 : i32
        scf.if %cond3A_209 {
          "tpu.trace_start"() <{level = 10 : i32, message = "ep_copy_out"}> : () -> ()
          %rem3A_257 = arith.constant 2 : i32
          %rem3A_258 = arith.remui %scan3A_117, %rem3A_257 : i32
          %mul3A_259 = arith.constant 128 : i32
          %mul3A_260 = arith.muli %mul3A_259, %add3A_124 : i32
          %dma_start3A_261 = arith.constant 0 : i32
          %dma_start3A_262 = arith.constant 0 : i32
          %dma_start3A_263 = tpu.memref_slice %run_scoped3A_2[%rem3A_258, %dma_start3A_261, %dma_start3A_262] : memref<2x128x128xf32, #tpu.memory_space<vmem>> -> memref<1x128x128xf32, #tpu.memory_space<vmem>>
          %dma_start3A_264 = tpu.memref_squeeze %dma_start3A_263 : memref<1x128x128xf32, #tpu.memory_space<vmem>> -> memref<128x128xf32, #tpu.memory_space<vmem>>
          %dma_start3A_265 = arith.constant 0 : i32
          %dma_start3A_266 = tpu.memref_slice %arg4[%mul3A_260, %dma_start3A_265] : memref<20480x128xf32, #tpu.memory_space<hbm>> -> memref<128x128xf32, #tpu.memory_space<hbm>>
          %dma_start3A_267 = tpu.memref_slice %run_scoped3A_3[%rem3A_258] : memref<2x!tpu.dma_semaphore, #tpu.memory_space<semaphore_mem>> -> memref<1x!tpu.dma_semaphore, #tpu.memory_space<semaphore_mem>>
          %dma_start3A_268 = tpu.memref_squeeze %dma_start3A_267 : memref<1x!tpu.dma_semaphore, #tpu.memory_space<semaphore_mem>> -> memref<!tpu.dma_semaphore, #tpu.memory_space<semaphore_mem>>
          %dma_start3A_269 = arith.constant 0 : i32
          %dma_start3A_270 = tpu.memref_slice %arg4[%mul3A_260, %dma_start3A_269] : memref<20480x128xf32, #tpu.memory_space<hbm>> -> memref<128x128xf32, #tpu.memory_space<hbm>>
          %dma_start3A_271 = arith.constant 0 : i32
          %dma_start3A_272 = arith.constant 0 : i32
          %dma_start3A_273 = tpu.memref_slice %run_scoped3A_2[%rem3A_258, %dma_start3A_271, %dma_start3A_272] : memref<2x128x128xf32, #tpu.memory_space<vmem>> -> memref<1x128x128xf32, #tpu.memory_space<vmem>>
          %dma_start3A_274 = tpu.memref_squeeze %dma_start3A_273 : memref<1x128x128xf32, #tpu.memory_space<vmem>> -> memref<128x128xf32, #tpu.memory_space<vmem>>
          tpu.enqueue_dma source(%dma_start3A_274 : memref<128x128xf32, #tpu.memory_space<vmem>>) target(%dma_start3A_270 : memref<128x128xf32, #tpu.memory_space<hbm>>) target_semaphore(%dma_start3A_268 : memref<!tpu.dma_semaphore, #tpu.memory_space<semaphore_mem>>)
          "tpu.trace_stop"() : () -> ()
        } else {
        }
        %and3A_210 = arith.constant true
        %and3A_211 = arith.andi %or3A_206, %and3A_210 : i1
        %add3A_212 = arith.constant 1 : i32
        %add3A_213 = arith.addi %scan3A_117, %add3A_212 : i32
        %select_n3A_214 = arith.select %and3A_211, %add3A_213, %scan3A_117 : i32
        %ne3A_215 = arith.cmpi ne, %add3A_124, %add3A_133 : i32
        %or3A_216 = arith.constant false
        %or3A_217 = arith.ori %or3A_216, %ne3A_215 : i1
        %not3A_218 = arith.constant true
        %not3A_219 = arith.xori %eq3A_121, %not3A_218 : i1
        %and3A_220 = arith.andi %or3A_217, %not3A_219 : i1
        %convert_element_type3A_221 = arith.extui %and3A_220 : i1 to i32
        %cond3A_222 = arith.constant 0 : i32
        %cond3A_223 = arith.cmpi ne, %convert_element_type3A_221, %cond3A_222 : i32
        scf.if %cond3A_223 {
        } else {
        }
        %and3A_224 = arith.constant false
        %and3A_225 = arith.andi %and3A_220, %and3A_224 : i1
        %ne3A_226 = arith.cmpi ne, %add3A_124, %add3A_133 : i32
        %or3A_227 = arith.constant false
        %or3A_228 = arith.ori %or3A_227, %ne3A_226 : i1
        %or3A_229 = arith.constant false
        %or3A_230 = arith.ori %or3A_228, %or3A_229 : i1
        %not3A_231 = arith.constant true
        %not3A_232 = arith.xori %eq3A_121, %not3A_231 : i1
        %and3A_233 = arith.andi %or3A_230, %not3A_232 : i1
        %convert_element_type3A_234 = arith.extui %and3A_233 : i1 to i32
        %cond3A_235 = arith.constant 0 : i32
        %cond3A_236 = arith.cmpi ne, %convert_element_type3A_234, %cond3A_235 : i32
        scf.if %cond3A_236 {
          "tpu.trace_start"() <{level = 10 : i32, message = "ep_wait_out"}> : () -> ()
          %rem3A_257 = arith.constant 2 : i32
          %rem3A_258 = arith.remui %scan3A_118, %rem3A_257 : i32
          %mul3A_259 = arith.constant 128 : i32
          %mul3A_260 = arith.muli %mul3A_259, %add3A_133 : i32
          %dma_wait3A_261 = arith.constant 0 : i32
          %dma_wait3A_262 = arith.constant 0 : i32
          %dma_wait3A_263 = tpu.memref_slice %run_scoped3A_2[%rem3A_258, %dma_wait3A_261, %dma_wait3A_262] : memref<2x128x128xf32, #tpu.memory_space<vmem>> -> memref<1x128x128xf32, #tpu.memory_space<vmem>>
          %dma_wait3A_264 = tpu.memref_squeeze %dma_wait3A_263 : memref<1x128x128xf32, #tpu.memory_space<vmem>> -> memref<128x128xf32, #tpu.memory_space<vmem>>
          %dma_wait3A_265 = arith.constant 0 : i32
          %dma_wait3A_266 = tpu.memref_slice %arg4[%mul3A_260, %dma_wait3A_265] : memref<20480x128xf32, #tpu.memory_space<hbm>> -> memref<128x128xf32, #tpu.memory_space<hbm>>
          %dma_wait3A_267 = tpu.memref_slice %run_scoped3A_3[%rem3A_258] : memref<2x!tpu.dma_semaphore, #tpu.memory_space<semaphore_mem>> -> memref<1x!tpu.dma_semaphore, #tpu.memory_space<semaphore_mem>>
          %dma_wait3A_268 = tpu.memref_squeeze %dma_wait3A_267 : memref<1x!tpu.dma_semaphore, #tpu.memory_space<semaphore_mem>> -> memref<!tpu.dma_semaphore, #tpu.memory_space<semaphore_mem>>
          %dma_wait3A_269 = arith.constant 0 : i32
          %dma_wait3A_270 = tpu.memref_slice %arg4[%mul3A_260, %dma_wait3A_269] : memref<20480x128xf32, #tpu.memory_space<hbm>> -> memref<128x128xf32, #tpu.memory_space<hbm>>
          %dma_wait3A_271 = arith.constant 0 : i32
          %dma_wait3A_272 = arith.constant 0 : i32
          %dma_wait3A_273 = tpu.memref_slice %run_scoped3A_2[%rem3A_258, %dma_wait3A_271, %dma_wait3A_272] : memref<2x128x128xf32, #tpu.memory_space<vmem>> -> memref<1x128x128xf32, #tpu.memory_space<vmem>>
          %dma_wait3A_274 = tpu.memref_squeeze %dma_wait3A_273 : memref<1x128x128xf32, #tpu.memory_space<vmem>> -> memref<128x128xf32, #tpu.memory_space<vmem>>
          tpu.wait_dma2 semaphore(%dma_wait3A_268 : memref<!tpu.dma_semaphore, #tpu.memory_space<semaphore_mem>>) src(%dma_wait3A_274 : memref<128x128xf32, #tpu.memory_space<vmem>>) dst(%dma_wait3A_270 : memref<128x128xf32, #tpu.memory_space<hbm>>)
          "tpu.trace_stop"() : () -> ()
        } else {
        }
        %and3A_237 = arith.constant true
        %and3A_238 = arith.andi %and3A_233, %and3A_237 : i1
        %add3A_239 = arith.constant 1 : i32
        %add3A_240 = arith.addi %scan3A_118, %add3A_239 : i32
        %select_n3A_241 = arith.select %and3A_238, %add3A_240, %scan3A_118 : i32
        %ne3A_242 = arith.cmpi ne, %add3A_124, %add3A_142 : i32
        %or3A_243 = arith.constant false
        %or3A_244 = arith.ori %or3A_243, %ne3A_242 : i1
        %or3A_245 = arith.ori %or3A_244, %eq3A_123 : i1
        %add3A_246 = arith.constant 1 : i32
        %add3A_247 = arith.addi %scan3A_116, %add3A_246 : i32
        %select_n3A_248 = arith.select %or3A_245, %add3A_247, %scan3A_116 : i32
        %add3A_249 = arith.constant 1 : i32
        %add3A_250 = arith.addi %scan3A_119, %add3A_249 : i32
        %select_n3A_251 = arith.constant true
        %select_n3A_252 = arith.select %select_n3A_251, %add3A_250, %scan3A_119 : i32
        %eq3A_253 = arith.constant 10 : i32
        %eq3A_254 = arith.cmpi eq, %select_n3A_252, %eq3A_253 : i32
        %select_n3A_255 = arith.constant 0 : i32
        %select_n3A_256 = arith.select %eq3A_254, %select_n3A_255, %select_n3A_252 : i32
        scf.yield %select_n3A_160, %select_n3A_248, %select_n3A_214, %select_n3A_241, %select_n3A_256 : i32, i32, i32, i32, i32
      }
      %scan3A_61 = arith.constant 10 : i32
      %sub3A = arith.constant 1 : i32
      %sub3A_62 = arith.subi %scan3A_60#4, %sub3A : i32
      %select_n3A_63 = arith.constant true
      %select_n3A_64 = arith.select %select_n3A_63, %sub3A_62, %scan3A_60#4 : i32
      %eq3A_65 = arith.constant -1 : i32
      %eq3A_66 = arith.cmpi eq, %select_n3A_64, %eq3A_65 : i32
      %select_n3A_67 = arith.constant 9 : i32
      %select_n3A_68 = arith.select %eq3A_66, %select_n3A_67, %select_n3A_64 : i32
      %add3A_69 = arith.addi %select_n3A_68, %mul3A_0 : i32
      %sub3A_70 = arith.constant 1 : i32
      %sub3A_71 = arith.subi %select_n3A_68, %sub3A_70 : i32
      %select_n3A_72 = arith.constant true
      %select_n3A_73 = arith.select %select_n3A_72, %sub3A_71, %select_n3A_68 : i32
      %eq3A_74 = arith.constant -1 : i32
      %eq3A_75 = arith.cmpi eq, %select_n3A_73, %eq3A_74 : i32
      %select_n3A_76 = arith.constant 9 : i32
      %select_n3A_77 = arith.select %eq3A_75, %select_n3A_76, %select_n3A_73 : i32
      %add3A_78 = arith.addi %select_n3A_77, %mul3A_0 : i32
      %add3A_79 = arith.constant 1 : i32
      %add3A_80 = arith.addi %select_n3A_68, %add3A_79 : i32
      %select_n3A_81 = arith.constant true
      %select_n3A_82 = arith.select %select_n3A_81, %add3A_80, %select_n3A_68 : i32
      %eq3A_83 = arith.constant 10 : i32
      %eq3A_84 = arith.cmpi eq, %select_n3A_82, %eq3A_83 : i32
      %select_n3A_85 = arith.constant 0 : i32
      %select_n3A_86 = arith.select %eq3A_84, %select_n3A_85, %select_n3A_82 : i32
      %add3A_87 = arith.addi %select_n3A_86, %mul3A_0 : i32
      %add3A_88 = arith.constant 1 : i32
      %add3A_89 = arith.addi %select_n3A_86, %add3A_88 : i32
      %select_n3A_90 = arith.constant true
      %select_n3A_91 = arith.select %select_n3A_90, %add3A_89, %select_n3A_86 : i32
      %eq3A_92 = arith.constant 10 : i32
      %eq3A_93 = arith.cmpi eq, %select_n3A_91, %eq3A_92 : i32
      %select_n3A_94 = arith.constant 0 : i32
      %select_n3A_95 = arith.select %eq3A_93, %select_n3A_94, %select_n3A_91 : i32
      %add3A_96 = arith.addi %select_n3A_95, %mul3A_0 : i32
      "tpu.trace_start"() <{level = 10 : i32, message = "ep_finalize"}> : () -> ()
      %rem3A_97 = arith.constant 2 : i32
      %rem3A_98 = arith.remui %scan3A_60#3, %rem3A_97 : i32
      %mul3A_99 = arith.constant 128 : i32
      %mul3A_100 = arith.muli %mul3A_99, %add3A_69 : i32
      %dma_wait3A = arith.constant 0 : i32
      %dma_wait3A_101 = arith.constant 0 : i32
      %dma_wait3A_102 = tpu.memref_slice %run_scoped3A_2[%rem3A_98, %dma_wait3A, %dma_wait3A_101] : memref<2x128x128xf32, #tpu.memory_space<vmem>> -> memref<1x128x128xf32, #tpu.memory_space<vmem>>
      %dma_wait3A_103 = tpu.memref_squeeze %dma_wait3A_102 : memref<1x128x128xf32, #tpu.memory_space<vmem>> -> memref<128x128xf32, #tpu.memory_space<vmem>>
      %dma_wait3A_104 = arith.constant 0 : i32
      %dma_wait3A_105 = tpu.memref_slice %arg4[%mul3A_100, %dma_wait3A_104] : memref<20480x128xf32, #tpu.memory_space<hbm>> -> memref<128x128xf32, #tpu.memory_space<hbm>>
      %dma_wait3A_106 = tpu.memref_slice %run_scoped3A_3[%rem3A_98] : memref<2x!tpu.dma_semaphore, #tpu.memory_space<semaphore_mem>> -> memref<1x!tpu.dma_semaphore, #tpu.memory_space<semaphore_mem>>
      %dma_wait3A_107 = tpu.memref_squeeze %dma_wait3A_106 : memref<1x!tpu.dma_semaphore, #tpu.memory_space<semaphore_mem>> -> memref<!tpu.dma_semaphore, #tpu.memory_space<semaphore_mem>>
      %dma_wait3A_108 = arith.constant 0 : i32
      %dma_wait3A_109 = tpu.memref_slice %arg4[%mul3A_100, %dma_wait3A_108] : memref<20480x128xf32, #tpu.memory_space<hbm>> -> memref<128x128xf32, #tpu.memory_space<hbm>>
      %dma_wait3A_110 = arith.constant 0 : i32
      %dma_wait3A_111 = arith.constant 0 : i32
      %dma_wait3A_112 = tpu.memref_slice %run_scoped3A_2[%rem3A_98, %dma_wait3A_110, %dma_wait3A_111] : memref<2x128x128xf32, #tpu.memory_space<vmem>> -> memref<1x128x128xf32, #tpu.memory_space<vmem>>
      %dma_wait3A_113 = tpu.memref_squeeze %dma_wait3A_112 : memref<1x128x128xf32, #tpu.memory_space<vmem>> -> memref<128x128xf32, #tpu.memory_space<vmem>>
      tpu.wait_dma2 semaphore(%dma_wait3A_107 : memref<!tpu.dma_semaphore, #tpu.memory_space<semaphore_mem>>) src(%dma_wait3A_113 : memref<128x128xf32, #tpu.memory_space<vmem>>) dst(%dma_wait3A_109 : memref<128x128xf32, #tpu.memory_space<hbm>>)
      "tpu.trace_stop"() : () -> ()
      tpu.yield
    }) : () -> ()
    return
  }
}

module attributes {stable_mosaic.version = 14 : i64} {
  func.func @_f0_body(%arg0: i32, %arg1: memref<2560x128xf32, #tpu.memory_space<vmem>>, %arg2: memref<2560x128xf32, #tpu.memory_space<vmem>>, %arg3: memref<1x128xf32, #tpu.memory_space<vmem>>, %arg4: memref<1x128xf32, #tpu.memory_space<vmem>>) attributes {dimension_semantics = [#tpu.dimension_semantics<arbitrary>], iteration_bounds = array<i64: 8>, scalar_prefetch = 0 : i64, scratch_operands = 0 : i64, tpu.core_type = #tpu.core_type<tc>, window_params = [{transform_indices = @transform_0, window_bounds = array<i64: 2560, 128>}, {transform_indices = @transform_1, window_bounds = array<i64: 2560, 128>}, {pipeline_mode = #tpu.pipeline_mode<synchronous>, transform_indices = @transform_2, window_bounds = array<i64: 1, 128>}, {pipeline_mode = #tpu.pipeline_mode<synchronous>, transform_indices = @transform_3, window_bounds = array<i64: 1, 128>}]} {
    %get3A = arith.constant 0 : index
    %get3A_0 = arith.constant 0 : index
    %get3A_1 = vector.load %arg1[%get3A, %get3A_0] : memref<2560x128xf32, #tpu.memory_space<vmem>>, vector<2560x128xf32>
    %mul3A = arith.mulf %get3A_1, %get3A_1 : vector<2560x128xf32>
    %reduce_sum3A = arith.constant dense<0.000000e+00> : vector<2560xf32>
    %reduce_sum3A_2 = vector.multi_reduction <add>, %mul3A, %reduce_sum3A [1] : vector<2560x128xf32> to vector<2560xf32>
    %broadcast_in_dim3A = vector.shape_cast %reduce_sum3A_2 : vector<2560xf32> to vector<2560x1xf32>
    %sqrt3A = math.sqrt %broadcast_in_dim3A : vector<2560x1xf32>
    %max3A = arith.constant 9.99999996E-13 : f32
    %max3A_3 = vector.broadcast %max3A : f32 to vector<2560x1xf32>
    %max3A_4 = arith.maximumf %sqrt3A, %max3A_3 : vector<2560x1xf32>
    %div3A = arith.constant 1.000000e+00 : f32
    %div3A_5 = vector.broadcast %div3A : f32 to vector<2560x1xf32>
    %div3A_6 = arith.divf %div3A_5, %max3A_4 : vector<2560x1xf32>
    %min3A = arith.constant 1.000000e+00 : f32
    %min3A_7 = vector.broadcast %min3A : f32 to vector<2560x1xf32>
    %min3A_8 = arith.minimumf %min3A_7, %div3A_6 : vector<2560x1xf32>
    %mul3A_9 = vector.broadcast %min3A_8 : vector<2560x1xf32> to vector<2560x128xf32>
    %mul3A_10 = arith.mulf %get3A_1, %mul3A_9 : vector<2560x128xf32>
    %swap3A = arith.constant 0 : index
    %swap3A_11 = arith.constant 0 : index
    %swap3A_12 = vector.load %arg2[%swap3A, %swap3A_11] : memref<2560x128xf32, #tpu.memory_space<vmem>>, vector<2560x128xf32>
    tpu.vector_store %arg2[%swap3A, %swap3A_11], %mul3A_10 {strides = array<i32>} : memref<2560x128xf32, #tpu.memory_space<vmem>>, vector<2560x128xf32>,
    %eq3A = arith.constant 0 : i32
    %eq3A_13 = arith.cmpi eq, %arg0, %eq3A : i32
    %convert_element_type3A = arith.extui %eq3A_13 : i1 to i32
    %cond3A = arith.constant 0 : i32
    %cond3A_14 = arith.cmpi ne, %convert_element_type3A, %cond3A : i32
    scf.if %cond3A_14 {
      %broadcast_in_dim3A_35 = arith.constant 0.000000e+00 : f32
      %broadcast_in_dim3A_36 = vector.broadcast %broadcast_in_dim3A_35 : f32 to vector<1x128xf32>
      %swap3A_37 = arith.constant 0 : index
      %swap3A_38 = arith.constant 0 : index
      %swap3A_39 = vector.load %arg3[%swap3A_37, %swap3A_38] : memref<1x128xf32, #tpu.memory_space<vmem>>, vector<1x128xf32>
      tpu.vector_store %arg3[%swap3A_37, %swap3A_38], %broadcast_in_dim3A_36 {strides = array<i32>} : memref<1x128xf32, #tpu.memory_space<vmem>>, vector<1x128xf32>,
      %broadcast_in_dim3A_40 = arith.constant 0.000000e+00 : f32
      %broadcast_in_dim3A_41 = vector.broadcast %broadcast_in_dim3A_40 : f32 to vector<1x128xf32>
      %swap3A_42 = arith.constant 0 : index
      %swap3A_43 = arith.constant 0 : index
      %swap3A_44 = vector.load %arg4[%swap3A_42, %swap3A_43] : memref<1x128xf32, #tpu.memory_space<vmem>>, vector<1x128xf32>
      tpu.vector_store %arg4[%swap3A_42, %swap3A_43], %broadcast_in_dim3A_41 {strides = array<i32>} : memref<1x128xf32, #tpu.memory_space<vmem>>, vector<1x128xf32>,
    } else {
    }
    %get3A_15 = arith.constant 0 : index
    %get3A_16 = arith.constant 0 : index
    %get3A_17 = vector.load %arg3[%get3A_15, %get3A_16] : memref<1x128xf32, #tpu.memory_space<vmem>>, vector<1x128xf32>
    %reduce_sum3A_18 = arith.constant dense<0.000000e+00> : vector<128xf32>
    %reduce_sum3A_19 = vector.multi_reduction <add>, %mul3A_10, %reduce_sum3A_18 [0] : vector<2560x128xf32> to vector<128xf32>
    %broadcast_in_dim3A_20 = vector.shape_cast %reduce_sum3A_19 : vector<128xf32> to vector<1x128xf32>
    %add3A = arith.addf %get3A_17, %broadcast_in_dim3A_20 : vector<1x128xf32>
    %swap3A_21 = arith.constant 0 : index
    %swap3A_22 = arith.constant 0 : index
    %swap3A_23 = vector.load %arg3[%swap3A_21, %swap3A_22] : memref<1x128xf32, #tpu.memory_space<vmem>>, vector<1x128xf32>
    tpu.vector_store %arg3[%swap3A_21, %swap3A_22], %add3A {strides = array<i32>} : memref<1x128xf32, #tpu.memory_space<vmem>>, vector<1x128xf32>,
    %get3A_24 = arith.constant 0 : index
    %get3A_25 = arith.constant 0 : index
    %get3A_26 = vector.load %arg4[%get3A_24, %get3A_25] : memref<1x128xf32, #tpu.memory_space<vmem>>, vector<1x128xf32>
    %mul3A_27 = arith.mulf %mul3A_10, %mul3A_10 : vector<2560x128xf32>
    %reduce_sum3A_28 = arith.constant dense<0.000000e+00> : vector<128xf32>
    %reduce_sum3A_29 = vector.multi_reduction <add>, %mul3A_27, %reduce_sum3A_28 [0] : vector<2560x128xf32> to vector<128xf32>
    %broadcast_in_dim3A_30 = vector.shape_cast %reduce_sum3A_29 : vector<128xf32> to vector<1x128xf32>
    %add3A_31 = arith.addf %get3A_26, %broadcast_in_dim3A_30 : vector<1x128xf32>
    %swap3A_32 = arith.constant 0 : index
    %swap3A_33 = arith.constant 0 : index
    %swap3A_34 = vector.load %arg4[%swap3A_32, %swap3A_33] : memref<1x128xf32, #tpu.memory_space<vmem>>, vector<1x128xf32>
    tpu.vector_store %arg4[%swap3A_32, %swap3A_33], %add3A_31 {strides = array<i32>} : memref<1x128xf32, #tpu.memory_space<vmem>>, vector<1x128xf32>,
    return
  }
  func.func @transform_0(%arg0: i32) -> (i32, i32) {
    %c0_i32 = arith.constant 0 : i32
    %c0_i32_0 = arith.constant 0 : i32
    return %arg0, %c0_i32 : i32, i32
  }
  func.func @transform_1(%arg0: i32) -> (i32, i32) {
    %c0_i32 = arith.constant 0 : i32
    %c0_i32_0 = arith.constant 0 : i32
    return %arg0, %c0_i32 : i32, i32
  }
  func.func @transform_2(%arg0: i32) -> (i32, i32) {
    %c0_i32 = arith.constant 0 : i32
    %c0_i32_0 = arith.constant 0 : i32
    %c0_i32_1 = arith.constant 0 : i32
    return %c0_i32, %c0_i32_0 : i32, i32
  }
  func.func @transform_3(%arg0: i32) -> (i32, i32) {
    %c0_i32 = arith.constant 0 : i32
    %c0_i32_0 = arith.constant 0 : i32
    %c0_i32_1 = arith.constant 0 : i32
    return %c0_i32, %c0_i32_0 : i32, i32
  }
}

module attributes {stable_mosaic.version = 14 : i64} {
  func.func @body(%arg0: i32, %arg1: memref<2560x128xf32, #tpu.memory_space<vmem>>, %arg2: memref<2560x2xf32, #tpu.memory_space<vmem>>, %arg3: memref<8x128xf32, #tpu.memory_space<vmem>>, %arg4: memref<8x128xf32, #tpu.memory_space<vmem>>, %arg5: memref<320x320xf32, #tpu.memory_space<vmem>>, %arg6: memref<1x320xf32, #tpu.memory_space<vmem>>, %arg7: memref<384x128xbf16, #tpu.memory_space<vmem>>, %arg8: memref<384x128xbf16, #tpu.memory_space<vmem>>, %arg9: memref<1x384xf32, #tpu.memory_space<vmem>>, %arg10: memref<1x384xf32, #tpu.memory_space<vmem>>, %arg11: memref<128x128xbf16, #tpu.memory_space<vmem>>, %arg12: memref<128x128xbf16, #tpu.memory_space<vmem>>, %arg13: memref<1x128xf32, #tpu.memory_space<vmem>>, %arg14: memref<2560x128xf32, #tpu.memory_space<vmem>>, %arg15: memref<1x128xf32, #tpu.memory_space<vmem>>, %arg16: memref<1x128xf32, #tpu.memory_space<vmem>>) attributes {dimension_semantics = [#tpu.dimension_semantics<arbitrary>], iteration_bounds = array<i64: 8>, scalar_prefetch = 0 : i64, scratch_operands = 0 : i64, tpu.core_type = #tpu.core_type<tc>, window_params = [{transform_indices = @transform_0, window_bounds = array<i64: 2560, 128>}, {transform_indices = @transform_1, window_bounds = array<i64: 2560, 2>}, {pipeline_mode = #tpu.pipeline_mode<synchronous>, transform_indices = @transform_2, window_bounds = array<i64: 8, 128>}, {pipeline_mode = #tpu.pipeline_mode<synchronous>, transform_indices = @transform_3, window_bounds = array<i64: 8, 128>}, {pipeline_mode = #tpu.pipeline_mode<synchronous>, transform_indices = @transform_4, window_bounds = array<i64: 320, 320>}, {pipeline_mode = #tpu.pipeline_mode<synchronous>, transform_indices = @transform_5, window_bounds = array<i64: 1, 320>}, {pipeline_mode = #tpu.pipeline_mode<synchronous>, transform_indices = @transform_6, window_bounds = array<i64: 384, 128>}, {pipeline_mode = #tpu.pipeline_mode<synchronous>, transform_indices = @transform_7, window_bounds = array<i64: 384, 128>}, {pipeline_mode = #tpu.pipeline_mode<synchronous>, transform_indices = @transform_8, window_bounds = array<i64: 1, 384>}, {pipeline_mode = #tpu.pipeline_mode<synchronous>, transform_indices = @transform_9, window_bounds = array<i64: 1, 384>}, {pipeline_mode = #tpu.pipeline_mode<synchronous>, transform_indices = @transform_10, window_bounds = array<i64: 128, 128>}, {pipeline_mode = #tpu.pipeline_mode<synchronous>, transform_indices = @transform_11, window_bounds = array<i64: 128, 128>}, {pipeline_mode = #tpu.pipeline_mode<synchronous>, transform_indices = @transform_12, window_bounds = array<i64: 1, 128>}, {transform_indices = @transform_13, window_bounds = array<i64: 2560, 128>}, {pipeline_mode = #tpu.pipeline_mode<synchronous>, transform_indices = @transform_14, window_bounds = array<i64: 1, 128>}, {pipeline_mode = #tpu.pipeline_mode<synchronous>, transform_indices = @transform_15, window_bounds = array<i64: 1, 128>}]} {
    %get3A = arith.constant 0 : index
    %get3A_0 = arith.constant 0 : index
    %get3A_1 = vector.load %arg3[%get3A, %get3A_0] : memref<8x128xf32, #tpu.memory_space<vmem>>, vector<8x128xf32>
    %get3A_2 = arith.constant 0 : index
    %get3A_3 = arith.constant 0 : index
    %get3A_4 = vector.load %arg4[%get3A_2, %get3A_3] : memref<8x128xf32, #tpu.memory_space<vmem>>, vector<8x128xf32>
    %get3A_5 = arith.constant 0 : index
    %get3A_6 = arith.constant 0 : index
    %get3A_7 = vector.load %arg1[%get3A_5, %get3A_6] : memref<2560x128xf32, #tpu.memory_space<vmem>>, vector<2560x128xf32>
    %slice3A = vector.extract_strided_slice %get3A_1 {offsets = [0, 0], sizes = [1, 128], strides = [1, 1]} : vector<8x128xf32> to vector<1x128xf32>
    %slice3A_8 = vector.extract_strided_slice %get3A_4 {offsets = [0, 0], sizes = [1, 128], strides = [1, 1]} : vector<8x128xf32> to vector<1x128xf32>
    %div3A = arith.constant 2.048000e+04 : f32
    %div3A_9 = vector.broadcast %div3A : f32 to vector<1x128xf32>
    %div3A_10 = arith.divf %slice3A, %div3A_9 : vector<1x128xf32>
    %div3A_11 = arith.constant 2.048000e+04 : f32
    %div3A_12 = vector.broadcast %div3A_11 : f32 to vector<1x128xf32>
    %div3A_13 = arith.divf %slice3A_8, %div3A_12 : vector<1x128xf32>
    %mul3A = arith.mulf %div3A_10, %div3A_10 : vector<1x128xf32>
    %sub3A = arith.subf %div3A_13, %mul3A : vector<1x128xf32>
    %sub3A_14 = vector.broadcast %div3A_10 : vector<1x128xf32> to vector<2560x128xf32>
    %sub3A_15 = arith.subf %get3A_7, %sub3A_14 : vector<2560x128xf32>
    %add3A = arith.constant 9.99999974E-6 : f32
    %add3A_16 = vector.broadcast %add3A : f32 to vector<1x128xf32>
    %add3A_17 = arith.addf %sub3A, %add3A_16 : vector<1x128xf32>
    %rsqrt3A = math.rsqrt %add3A_17 : vector<1x128xf32>
    %mul3A_18 = vector.broadcast %rsqrt3A : vector<1x128xf32> to vector<2560x128xf32>
    %mul3A_19 = arith.mulf %sub3A_15, %mul3A_18 : vector<2560x128xf32>
    %get3A_20 = arith.constant 0 : index
    %get3A_21 = arith.constant 0 : index
    %get3A_22 = vector.load %arg2[%get3A_20, %get3A_21] : memref<2560x2xf32, #tpu.memory_space<vmem>>, vector<2560x2xf32>
    %get3A_23 = arith.constant 0 : index
    %get3A_24 = arith.constant 0 : index
    %get3A_25 = vector.load %arg5[%get3A_23, %get3A_24] : memref<320x320xf32, #tpu.memory_space<vmem>>, vector<320x320xf32>
    %get3A_26 = arith.constant 0 : index
    %get3A_27 = arith.constant 0 : index
    %get3A_28 = vector.load %arg6[%get3A_26, %get3A_27] : memref<1x320xf32, #tpu.memory_space<vmem>>, vector<1x320xf32>
    %broadcast_in_dim3A = arith.constant 0.000000e+00 : f32
    %broadcast_in_dim3A_29 = vector.broadcast %broadcast_in_dim3A : f32 to vector<2560x128xf32>
    %slice3A_30 = vector.extract_strided_slice %get3A_22 {offsets = [0, 0], sizes = [2560, 1], strides = [1, 1]} : vector<2560x2xf32> to vector<2560x1xf32>
    %slice3A_31 = vector.extract_strided_slice %slice3A_30 {offsets = [0, 0], sizes = [320, 1], strides = [1, 1]} : vector<2560x1xf32> to vector<320x1xf32>
    %eq3A = vector.broadcast %slice3A_31 : vector<320x1xf32> to vector<320x320xf32>
    %eq3A_32 = vector.broadcast %get3A_28 : vector<1x320xf32> to vector<320x320xf32>
    %eq3A_33 = arith.cmpf oeq, %eq3A, %eq3A_32 : vector<320x320xf32>
    %convert_element_type3A = arith.extui %eq3A_33 : vector<320x320xi1> to vector<320x320xi32>
    %convert_element_type3A_34 = arith.sitofp %convert_element_type3A : vector<320x320xi32> to vector<320x320xf32>
    %mul3A_35 = arith.mulf %get3A_25, %convert_element_type3A_34 : vector<320x320xf32>
    %slice3A_36 = vector.extract_strided_slice %mul3A_19 {offsets = [0, 0], sizes = [320, 128], strides = [1, 1]} : vector<2560x128xf32> to vector<320x128xf32>
    %convert_element_type3A_37 = arith.truncf %slice3A_36 : vector<320x128xf32> to vector<320x128xbf16>
    %convert_element_type3A_38 = arith.truncf %mul3A_35 : vector<320x320xf32> to vector<320x320xbf16>
    %dot_general3A = arith.constant dense<0.000000e+00> : vector<320x128xf32>
    %dot_general3A_39 = tpu.matmul %convert_element_type3A_38, %convert_element_type3A_37, %dot_general3A {dimension_numbers = #tpu.dot_dimension_numbers<[1], [0], [0], [1], [0, 0, 1, 1], [], []>, transpose_lhs_hint = false} : vector<320x320xbf16>, vector<320x128xbf16>, vector<320x128xf32> -> vector<320x128xf32>
    %slice3A_40 = vector.extract_strided_slice %slice3A_30 {offsets = [320, 0], sizes = [320, 1], strides = [1, 1]} : vector<2560x1xf32> to vector<320x1xf32>
    %eq3A_41 = vector.broadcast %slice3A_40 : vector<320x1xf32> to vector<320x320xf32>
    %eq3A_42 = vector.broadcast %get3A_28 : vector<1x320xf32> to vector<320x320xf32>
    %eq3A_43 = arith.cmpf oeq, %eq3A_41, %eq3A_42 : vector<320x320xf32>
    %convert_element_type3A_44 = arith.extui %eq3A_43 : vector<320x320xi1> to vector<320x320xi32>
    %convert_element_type3A_45 = arith.sitofp %convert_element_type3A_44 : vector<320x320xi32> to vector<320x320xf32>
    %mul3A_46 = arith.mulf %get3A_25, %convert_element_type3A_45 : vector<320x320xf32>
    %slice3A_47 = vector.extract_strided_slice %mul3A_19 {offsets = [320, 0], sizes = [320, 128], strides = [1, 1]} : vector<2560x128xf32> to vector<320x128xf32>
    %convert_element_type3A_48 = arith.truncf %slice3A_47 : vector<320x128xf32> to vector<320x128xbf16>
    %convert_element_type3A_49 = arith.truncf %mul3A_46 : vector<320x320xf32> to vector<320x320xbf16>
    %dot_general3A_50 = arith.constant dense<0.000000e+00> : vector<320x128xf32>
    %dot_general3A_51 = tpu.matmul %convert_element_type3A_49, %convert_element_type3A_48, %dot_general3A_50 {dimension_numbers = #tpu.dot_dimension_numbers<[1], [0], [0], [1], [0, 0, 1, 1], [], []>, transpose_lhs_hint = false} : vector<320x320xbf16>, vector<320x128xbf16>, vector<320x128xf32> -> vector<320x128xf32>
    %slice3A_52 = vector.extract_strided_slice %slice3A_30 {offsets = [640, 0], sizes = [320, 1], strides = [1, 1]} : vector<2560x1xf32> to vector<320x1xf32>
    %eq3A_53 = vector.broadcast %slice3A_52 : vector<320x1xf32> to vector<320x320xf32>
    %eq3A_54 = vector.broadcast %get3A_28 : vector<1x320xf32> to vector<320x320xf32>
    %eq3A_55 = arith.cmpf oeq, %eq3A_53, %eq3A_54 : vector<320x320xf32>
    %convert_element_type3A_56 = arith.extui %eq3A_55 : vector<320x320xi1> to vector<320x320xi32>
    %convert_element_type3A_57 = arith.sitofp %convert_element_type3A_56 : vector<320x320xi32> to vector<320x320xf32>
    %mul3A_58 = arith.mulf %get3A_25, %convert_element_type3A_57 : vector<320x320xf32>
    %slice3A_59 = vector.extract_strided_slice %mul3A_19 {offsets = [640, 0], sizes = [320, 128], strides = [1, 1]} : vector<2560x128xf32> to vector<320x128xf32>
    %convert_element_type3A_60 = arith.truncf %slice3A_59 : vector<320x128xf32> to vector<320x128xbf16>
    %convert_element_type3A_61 = arith.truncf %mul3A_58 : vector<320x320xf32> to vector<320x320xbf16>
    %dot_general3A_62 = arith.constant dense<0.000000e+00> : vector<320x128xf32>
    %dot_general3A_63 = tpu.matmul %convert_element_type3A_61, %convert_element_type3A_60, %dot_general3A_62 {dimension_numbers = #tpu.dot_dimension_numbers<[1], [0], [0], [1], [0, 0, 1, 1], [], []>, transpose_lhs_hint = false} : vector<320x320xbf16>, vector<320x128xbf16>, vector<320x128xf32> -> vector<320x128xf32>
    %slice3A_64 = vector.extract_strided_slice %slice3A_30 {offsets = [960, 0], sizes = [320, 1], strides = [1, 1]} : vector<2560x1xf32> to vector<320x1xf32>
    %eq3A_65 = vector.broadcast %slice3A_64 : vector<320x1xf32> to vector<320x320xf32>
    %eq3A_66 = vector.broadcast %get3A_28 : vector<1x320xf32> to vector<320x320xf32>
    %eq3A_67 = arith.cmpf oeq, %eq3A_65, %eq3A_66 : vector<320x320xf32>
    %convert_element_type3A_68 = arith.extui %eq3A_67 : vector<320x320xi1> to vector<320x320xi32>
    %convert_element_type3A_69 = arith.sitofp %convert_element_type3A_68 : vector<320x320xi32> to vector<320x320xf32>
    %mul3A_70 = arith.mulf %get3A_25, %convert_element_type3A_69 : vector<320x320xf32>
    %slice3A_71 = vector.extract_strided_slice %mul3A_19 {offsets = [960, 0], sizes = [320, 128], strides = [1, 1]} : vector<2560x128xf32> to vector<320x128xf32>
    %convert_element_type3A_72 = arith.truncf %slice3A_71 : vector<320x128xf32> to vector<320x128xbf16>
    %convert_element_type3A_73 = arith.truncf %mul3A_70 : vector<320x320xf32> to vector<320x320xbf16>
    %dot_general3A_74 = arith.constant dense<0.000000e+00> : vector<320x128xf32>
    %dot_general3A_75 = tpu.matmul %convert_element_type3A_73, %convert_element_type3A_72, %dot_general3A_74 {dimension_numbers = #tpu.dot_dimension_numbers<[1], [0], [0], [1], [0, 0, 1, 1], [], []>, transpose_lhs_hint = false} : vector<320x320xbf16>, vector<320x128xbf16>, vector<320x128xf32> -> vector<320x128xf32>
    %slice3A_76 = vector.extract_strided_slice %slice3A_30 {offsets = [1280, 0], sizes = [320, 1], strides = [1, 1]} : vector<2560x1xf32> to vector<320x1xf32>
    %eq3A_77 = vector.broadcast %slice3A_76 : vector<320x1xf32> to vector<320x320xf32>
    %eq3A_78 = vector.broadcast %get3A_28 : vector<1x320xf32> to vector<320x320xf32>
    %eq3A_79 = arith.cmpf oeq, %eq3A_77, %eq3A_78 : vector<320x320xf32>
    %convert_element_type3A_80 = arith.extui %eq3A_79 : vector<320x320xi1> to vector<320x320xi32>
    %convert_element_type3A_81 = arith.sitofp %convert_element_type3A_80 : vector<320x320xi32> to vector<320x320xf32>
    %mul3A_82 = arith.mulf %get3A_25, %convert_element_type3A_81 : vector<320x320xf32>
    %slice3A_83 = vector.extract_strided_slice %mul3A_19 {offsets = [1280, 0], sizes = [320, 128], strides = [1, 1]} : vector<2560x128xf32> to vector<320x128xf32>
    %convert_element_type3A_84 = arith.truncf %slice3A_83 : vector<320x128xf32> to vector<320x128xbf16>
    %convert_element_type3A_85 = arith.truncf %mul3A_82 : vector<320x320xf32> to vector<320x320xbf16>
    %dot_general3A_86 = arith.constant dense<0.000000e+00> : vector<320x128xf32>
    %dot_general3A_87 = tpu.matmul %convert_element_type3A_85, %convert_element_type3A_84, %dot_general3A_86 {dimension_numbers = #tpu.dot_dimension_numbers<[1], [0], [0], [1], [0, 0, 1, 1], [], []>, transpose_lhs_hint = false} : vector<320x320xbf16>, vector<320x128xbf16>, vector<320x128xf32> -> vector<320x128xf32>
    %slice3A_88 = vector.extract_strided_slice %slice3A_30 {offsets = [1600, 0], sizes = [320, 1], strides = [1, 1]} : vector<2560x1xf32> to vector<320x1xf32>
    %eq3A_89 = vector.broadcast %slice3A_88 : vector<320x1xf32> to vector<320x320xf32>
    %eq3A_90 = vector.broadcast %get3A_28 : vector<1x320xf32> to vector<320x320xf32>
    %eq3A_91 = arith.cmpf oeq, %eq3A_89, %eq3A_90 : vector<320x320xf32>
    %convert_element_type3A_92 = arith.extui %eq3A_91 : vector<320x320xi1> to vector<320x320xi32>
    %convert_element_type3A_93 = arith.sitofp %convert_element_type3A_92 : vector<320x320xi32> to vector<320x320xf32>
    %mul3A_94 = arith.mulf %get3A_25, %convert_element_type3A_93 : vector<320x320xf32>
    %slice3A_95 = vector.extract_strided_slice %mul3A_19 {offsets = [1600, 0], sizes = [320, 128], strides = [1, 1]} : vector<2560x128xf32> to vector<320x128xf32>
    %convert_element_type3A_96 = arith.truncf %slice3A_95 : vector<320x128xf32> to vector<320x128xbf16>
    %convert_element_type3A_97 = arith.truncf %mul3A_94 : vector<320x320xf32> to vector<320x320xbf16>
    %dot_general3A_98 = arith.constant dense<0.000000e+00> : vector<320x128xf32>
    %dot_general3A_99 = tpu.matmul %convert_element_type3A_97, %convert_element_type3A_96, %dot_general3A_98 {dimension_numbers = #tpu.dot_dimension_numbers<[1], [0], [0], [1], [0, 0, 1, 1], [], []>, transpose_lhs_hint = false} : vector<320x320xbf16>, vector<320x128xbf16>, vector<320x128xf32> -> vector<320x128xf32>
    %slice3A_100 = vector.extract_strided_slice %slice3A_30 {offsets = [1920, 0], sizes = [320, 1], strides = [1, 1]} : vector<2560x1xf32> to vector<320x1xf32>
    %eq3A_101 = vector.broadcast %slice3A_100 : vector<320x1xf32> to vector<320x320xf32>
    %eq3A_102 = vector.broadcast %get3A_28 : vector<1x320xf32> to vector<320x320xf32>
    %eq3A_103 = arith.cmpf oeq, %eq3A_101, %eq3A_102 : vector<320x320xf32>
    %convert_element_type3A_104 = arith.extui %eq3A_103 : vector<320x320xi1> to vector<320x320xi32>
    %convert_element_type3A_105 = arith.sitofp %convert_element_type3A_104 : vector<320x320xi32> to vector<320x320xf32>
    %mul3A_106 = arith.mulf %get3A_25, %convert_element_type3A_105 : vector<320x320xf32>
    %slice3A_107 = vector.extract_strided_slice %mul3A_19 {offsets = [1920, 0], sizes = [320, 128], strides = [1, 1]} : vector<2560x128xf32> to vector<320x128xf32>
    %convert_element_type3A_108 = arith.truncf %slice3A_107 : vector<320x128xf32> to vector<320x128xbf16>
    %convert_element_type3A_109 = arith.truncf %mul3A_106 : vector<320x320xf32> to vector<320x320xbf16>
    %dot_general3A_110 = arith.constant dense<0.000000e+00> : vector<320x128xf32>
    %dot_general3A_111 = tpu.matmul %convert_element_type3A_109, %convert_element_type3A_108, %dot_general3A_110 {dimension_numbers = #tpu.dot_dimension_numbers<[1], [0], [0], [1], [0, 0, 1, 1], [], []>, transpose_lhs_hint = false} : vector<320x320xbf16>, vector<320x128xbf16>, vector<320x128xf32> -> vector<320x128xf32>
    %slice3A_112 = vector.extract_strided_slice %slice3A_30 {offsets = [2240, 0], sizes = [320, 1], strides = [1, 1]} : vector<2560x1xf32> to vector<320x1xf32>
    %eq3A_113 = vector.broadcast %slice3A_112 : vector<320x1xf32> to vector<320x320xf32>
    %eq3A_114 = vector.broadcast %get3A_28 : vector<1x320xf32> to vector<320x320xf32>
    %eq3A_115 = arith.cmpf oeq, %eq3A_113, %eq3A_114 : vector<320x320xf32>
    %convert_element_type3A_116 = arith.extui %eq3A_115 : vector<320x320xi1> to vector<320x320xi32>
    %convert_element_type3A_117 = arith.sitofp %convert_element_type3A_116 : vector<320x320xi32> to vector<320x320xf32>
    %mul3A_118 = arith.mulf %get3A_25, %convert_element_type3A_117 : vector<320x320xf32>
    %slice3A_119 = vector.extract_strided_slice %mul3A_19 {offsets = [2240, 0], sizes = [320, 128], strides = [1, 1]} : vector<2560x128xf32> to vector<320x128xf32>
    %convert_element_type3A_120 = arith.truncf %slice3A_119 : vector<320x128xf32> to vector<320x128xbf16>
    %convert_element_type3A_121 = arith.truncf %mul3A_118 : vector<320x320xf32> to vector<320x320xbf16>
    %dot_general3A_122 = arith.constant dense<0.000000e+00> : vector<320x128xf32>
    %dot_general3A_123 = tpu.matmul %convert_element_type3A_121, %convert_element_type3A_120, %dot_general3A_122 {dimension_numbers = #tpu.dot_dimension_numbers<[1], [0], [0], [1], [0, 0, 1, 1], [], []>, transpose_lhs_hint = false} : vector<320x320xbf16>, vector<320x128xbf16>, vector<320x128xf32> -> vector<320x128xf32>
    %concatenate3A = tpu.concatenate %dot_general3A_39, %dot_general3A_51, %dot_general3A_63, %dot_general3A_75, %dot_general3A_87, %dot_general3A_99, %dot_general3A_111, %dot_general3A_123 in 0 : vector<320x128xf32>, vector<320x128xf32>, vector<320x128xf32>, vector<320x128xf32>, vector<320x128xf32>, vector<320x128xf32>, vector<320x128xf32>, vector<320x128xf32> -> vector<2560x128xf32>
    %get3A_124 = arith.constant 0 : index
    %get3A_125 = arith.constant 0 : index
    %get3A_126 = vector.load %arg7[%get3A_124, %get3A_125] : memref<384x128xbf16, #tpu.memory_space<vmem>>, vector<384x128xbf16>
    %convert_element_type3A_127 = arith.truncf %concatenate3A : vector<2560x128xf32> to vector<2560x128xbf16>
    %dot_general3A_128 = arith.constant dense<0.000000e+00> : vector<2560x384xf32>
    %dot_general3A_129 = tpu.matmul %convert_element_type3A_127, %get3A_126, %dot_general3A_128 {dimension_numbers = #tpu.dot_dimension_numbers<[1], [1], [0], [0], [0, 0, 1, 0], [], []>, transpose_lhs_hint = false} : vector<2560x128xbf16>, vector<384x128xbf16>, vector<2560x384xf32> -> vector<2560x384xf32>
    %get3A_130 = arith.constant 0 : index
    %get3A_131 = arith.constant 0 : index
    %get3A_132 = vector.load %arg9[%get3A_130, %get3A_131] : memref<1x384xf32, #tpu.memory_space<vmem>>, vector<1x384xf32>
    %add3A_133 = vector.broadcast %get3A_132 : vector<1x384xf32> to vector<2560x384xf32>
    %add3A_134 = arith.addf %dot_general3A_129, %add3A_133 : vector<2560x384xf32>
    %get3A_135 = arith.constant 0 : index
    %get3A_136 = arith.constant 0 : index
    %get3A_137 = vector.load %arg8[%get3A_135, %get3A_136] : memref<384x128xbf16, #tpu.memory_space<vmem>>, vector<384x128xbf16>
    %convert_element_type3A_138 = arith.truncf %broadcast_in_dim3A_29 : vector<2560x128xf32> to vector<2560x128xbf16>
    %dot_general3A_139 = arith.constant dense<0.000000e+00> : vector<2560x384xf32>
    %dot_general3A_140 = tpu.matmul %convert_element_type3A_138, %get3A_137, %dot_general3A_139 {dimension_numbers = #tpu.dot_dimension_numbers<[1], [1], [0], [0], [0, 0, 1, 0], [], []>, transpose_lhs_hint = false} : vector<2560x128xbf16>, vector<384x128xbf16>, vector<2560x384xf32> -> vector<2560x384xf32>
    %get3A_141 = arith.constant 0 : index
    %get3A_142 = arith.constant 0 : index
    %get3A_143 = vector.load %arg10[%get3A_141, %get3A_142] : memref<1x384xf32, #tpu.memory_space<vmem>>, vector<1x384xf32>
    %add3A_144 = vector.broadcast %get3A_143 : vector<1x384xf32> to vector<2560x384xf32>
    %add3A_145 = arith.addf %dot_general3A_140, %add3A_144 : vector<2560x384xf32>
    %slice3A_146 = vector.extract_strided_slice %add3A_134 {offsets = [0, 0], sizes = [2560, 128], strides = [1, 1]} : vector<2560x384xf32> to vector<2560x128xf32>
    %slice3A_147 = vector.extract_strided_slice %add3A_145 {offsets = [0, 0], sizes = [2560, 128], strides = [1, 1]} : vector<2560x384xf32> to vector<2560x128xf32>
    %add3A_148 = arith.addf %slice3A_146, %slice3A_147 : vector<2560x128xf32>
    %logistic3A = arith.negf %add3A_148 : vector<2560x128xf32>
    %logistic3A_149 = math.exp %logistic3A : vector<2560x128xf32>
    %logistic3A_150 = arith.constant 1.000000e+00 : f32
    %logistic3A_151 = vector.broadcast %logistic3A_150 : f32 to vector<2560x128xf32>
    %logistic3A_152 = arith.addf %logistic3A_151, %logistic3A_149 : vector<2560x128xf32>
    %logistic3A_153 = arith.divf %logistic3A_151, %logistic3A_152 : vector<2560x128xf32>
    %slice3A_154 = vector.extract_strided_slice %add3A_134 {offsets = [0, 128], sizes = [2560, 128], strides = [1, 1]} : vector<2560x384xf32> to vector<2560x128xf32>
    %slice3A_155 = vector.extract_strided_slice %add3A_145 {offsets = [0, 128], sizes = [2560, 128], strides = [1, 1]} : vector<2560x384xf32> to vector<2560x128xf32>
    %add3A_156 = arith.addf %slice3A_154, %slice3A_155 : vector<2560x128xf32>
    %logistic3A_157 = arith.negf %add3A_156 : vector<2560x128xf32>
    %logistic3A_158 = math.exp %logistic3A_157 : vector<2560x128xf32>
    %logistic3A_159 = arith.constant 1.000000e+00 : f32
    %logistic3A_160 = vector.broadcast %logistic3A_159 : f32 to vector<2560x128xf32>
    %logistic3A_161 = arith.addf %logistic3A_160, %logistic3A_158 : vector<2560x128xf32>
    %logistic3A_162 = arith.divf %logistic3A_160, %logistic3A_161 : vector<2560x128xf32>
    %slice3A_163 = vector.extract_strided_slice %add3A_134 {offsets = [0, 256], sizes = [2560, 128], strides = [1, 1]} : vector<2560x384xf32> to vector<2560x128xf32>
    %slice3A_164 = vector.extract_strided_slice %add3A_145 {offsets = [0, 256], sizes = [2560, 128], strides = [1, 1]} : vector<2560x384xf32> to vector<2560x128xf32>
    %mul3A_165 = arith.mulf %logistic3A_153, %slice3A_164 : vector<2560x128xf32>
    %add3A_166 = arith.addf %slice3A_163, %mul3A_165 : vector<2560x128xf32>
    %tanh3A = math.tanh %add3A_166 : vector<2560x128xf32>
    %sub3A_167 = arith.constant 1.000000e+00 : f32
    %sub3A_168 = vector.broadcast %sub3A_167 : f32 to vector<2560x128xf32>
    %sub3A_169 = arith.subf %sub3A_168, %logistic3A_162 : vector<2560x128xf32>
    %mul3A_170 = arith.mulf %sub3A_169, %tanh3A : vector<2560x128xf32>
    %mul3A_171 = arith.mulf %logistic3A_162, %broadcast_in_dim3A_29 : vector<2560x128xf32>
    %add3A_172 = arith.addf %mul3A_170, %mul3A_171 : vector<2560x128xf32>
    %slice3A_173 = vector.extract_strided_slice %get3A_22 {offsets = [0, 1], sizes = [2560, 1], strides = [1, 1]} : vector<2560x2xf32> to vector<2560x1xf32>
    %slice3A_174 = vector.extract_strided_slice %slice3A_173 {offsets = [0, 0], sizes = [320, 1], strides = [1, 1]} : vector<2560x1xf32> to vector<320x1xf32>
    %eq3A_175 = vector.broadcast %slice3A_174 : vector<320x1xf32> to vector<320x320xf32>
    %eq3A_176 = vector.broadcast %get3A_28 : vector<1x320xf32> to vector<320x320xf32>
    %eq3A_177 = arith.cmpf oeq, %eq3A_175, %eq3A_176 : vector<320x320xf32>
    %convert_element_type3A_178 = arith.extui %eq3A_177 : vector<320x320xi1> to vector<320x320xi32>
    %convert_element_type3A_179 = arith.sitofp %convert_element_type3A_178 : vector<320x320xi32> to vector<320x320xf32>
    %mul3A_180 = arith.mulf %get3A_25, %convert_element_type3A_179 : vector<320x320xf32>
    %slice3A_181 = vector.extract_strided_slice %mul3A_19 {offsets = [0, 0], sizes = [320, 128], strides = [1, 1]} : vector<2560x128xf32> to vector<320x128xf32>
    %convert_element_type3A_182 = arith.truncf %slice3A_181 : vector<320x128xf32> to vector<320x128xbf16>
    %convert_element_type3A_183 = arith.truncf %mul3A_180 : vector<320x320xf32> to vector<320x320xbf16>
    %dot_general3A_184 = arith.constant dense<0.000000e+00> : vector<320x128xf32>
    %dot_general3A_185 = tpu.matmul %convert_element_type3A_183, %convert_element_type3A_182, %dot_general3A_184 {dimension_numbers = #tpu.dot_dimension_numbers<[1], [0], [0], [1], [0, 0, 1, 1], [], []>, transpose_lhs_hint = false} : vector<320x320xbf16>, vector<320x128xbf16>, vector<320x128xf32> -> vector<320x128xf32>
    %slice3A_186 = vector.extract_strided_slice %slice3A_173 {offsets = [320, 0], sizes = [320, 1], strides = [1, 1]} : vector<2560x1xf32> to vector<320x1xf32>
    %eq3A_187 = vector.broadcast %slice3A_186 : vector<320x1xf32> to vector<320x320xf32>
    %eq3A_188 = vector.broadcast %get3A_28 : vector<1x320xf32> to vector<320x320xf32>
    %eq3A_189 = arith.cmpf oeq, %eq3A_187, %eq3A_188 : vector<320x320xf32>
    %convert_element_type3A_190 = arith.extui %eq3A_189 : vector<320x320xi1> to vector<320x320xi32>
    %convert_element_type3A_191 = arith.sitofp %convert_element_type3A_190 : vector<320x320xi32> to vector<320x320xf32>
    %mul3A_192 = arith.mulf %get3A_25, %convert_element_type3A_191 : vector<320x320xf32>
    %slice3A_193 = vector.extract_strided_slice %mul3A_19 {offsets = [320, 0], sizes = [320, 128], strides = [1, 1]} : vector<2560x128xf32> to vector<320x128xf32>
    %convert_element_type3A_194 = arith.truncf %slice3A_193 : vector<320x128xf32> to vector<320x128xbf16>
    %convert_element_type3A_195 = arith.truncf %mul3A_192 : vector<320x320xf32> to vector<320x320xbf16>
    %dot_general3A_196 = arith.constant dense<0.000000e+00> : vector<320x128xf32>
    %dot_general3A_197 = tpu.matmul %convert_element_type3A_195, %convert_element_type3A_194, %dot_general3A_196 {dimension_numbers = #tpu.dot_dimension_numbers<[1], [0], [0], [1], [0, 0, 1, 1], [], []>, transpose_lhs_hint = false} : vector<320x320xbf16>, vector<320x128xbf16>, vector<320x128xf32> -> vector<320x128xf32>
    %slice3A_198 = vector.extract_strided_slice %slice3A_173 {offsets = [640, 0], sizes = [320, 1], strides = [1, 1]} : vector<2560x1xf32> to vector<320x1xf32>
    %eq3A_199 = vector.broadcast %slice3A_198 : vector<320x1xf32> to vector<320x320xf32>
    %eq3A_200 = vector.broadcast %get3A_28 : vector<1x320xf32> to vector<320x320xf32>
    %eq3A_201 = arith.cmpf oeq, %eq3A_199, %eq3A_200 : vector<320x320xf32>
    %convert_element_type3A_202 = arith.extui %eq3A_201 : vector<320x320xi1> to vector<320x320xi32>
    %convert_element_type3A_203 = arith.sitofp %convert_element_type3A_202 : vector<320x320xi32> to vector<320x320xf32>
    %mul3A_204 = arith.mulf %get3A_25, %convert_element_type3A_203 : vector<320x320xf32>
    %slice3A_205 = vector.extract_strided_slice %mul3A_19 {offsets = [640, 0], sizes = [320, 128], strides = [1, 1]} : vector<2560x128xf32> to vector<320x128xf32>
    %convert_element_type3A_206 = arith.truncf %slice3A_205 : vector<320x128xf32> to vector<320x128xbf16>
    %convert_element_type3A_207 = arith.truncf %mul3A_204 : vector<320x320xf32> to vector<320x320xbf16>
    %dot_general3A_208 = arith.constant dense<0.000000e+00> : vector<320x128xf32>
    %dot_general3A_209 = tpu.matmul %convert_element_type3A_207, %convert_element_type3A_206, %dot_general3A_208 {dimension_numbers = #tpu.dot_dimension_numbers<[1], [0], [0], [1], [0, 0, 1, 1], [], []>, transpose_lhs_hint = false} : vector<320x320xbf16>, vector<320x128xbf16>, vector<320x128xf32> -> vector<320x128xf32>
    %slice3A_210 = vector.extract_strided_slice %slice3A_173 {offsets = [960, 0], sizes = [320, 1], strides = [1, 1]} : vector<2560x1xf32> to vector<320x1xf32>
    %eq3A_211 = vector.broadcast %slice3A_210 : vector<320x1xf32> to vector<320x320xf32>
    %eq3A_212 = vector.broadcast %get3A_28 : vector<1x320xf32> to vector<320x320xf32>
    %eq3A_213 = arith.cmpf oeq, %eq3A_211, %eq3A_212 : vector<320x320xf32>
    %convert_element_type3A_214 = arith.extui %eq3A_213 : vector<320x320xi1> to vector<320x320xi32>
    %convert_element_type3A_215 = arith.sitofp %convert_element_type3A_214 : vector<320x320xi32> to vector<320x320xf32>
    %mul3A_216 = arith.mulf %get3A_25, %convert_element_type3A_215 : vector<320x320xf32>
    %slice3A_217 = vector.extract_strided_slice %mul3A_19 {offsets = [960, 0], sizes = [320, 128], strides = [1, 1]} : vector<2560x128xf32> to vector<320x128xf32>
    %convert_element_type3A_218 = arith.truncf %slice3A_217 : vector<320x128xf32> to vector<320x128xbf16>
    %convert_element_type3A_219 = arith.truncf %mul3A_216 : vector<320x320xf32> to vector<320x320xbf16>
    %dot_general3A_220 = arith.constant dense<0.000000e+00> : vector<320x128xf32>
    %dot_general3A_221 = tpu.matmul %convert_element_type3A_219, %convert_element_type3A_218, %dot_general3A_220 {dimension_numbers = #tpu.dot_dimension_numbers<[1], [0], [0], [1], [0, 0, 1, 1], [], []>, transpose_lhs_hint = false} : vector<320x320xbf16>, vector<320x128xbf16>, vector<320x128xf32> -> vector<320x128xf32>
    %slice3A_222 = vector.extract_strided_slice %slice3A_173 {offsets = [1280, 0], sizes = [320, 1], strides = [1, 1]} : vector<2560x1xf32> to vector<320x1xf32>
    %eq3A_223 = vector.broadcast %slice3A_222 : vector<320x1xf32> to vector<320x320xf32>
    %eq3A_224 = vector.broadcast %get3A_28 : vector<1x320xf32> to vector<320x320xf32>
    %eq3A_225 = arith.cmpf oeq, %eq3A_223, %eq3A_224 : vector<320x320xf32>
    %convert_element_type3A_226 = arith.extui %eq3A_225 : vector<320x320xi1> to vector<320x320xi32>
    %convert_element_type3A_227 = arith.sitofp %convert_element_type3A_226 : vector<320x320xi32> to vector<320x320xf32>
    %mul3A_228 = arith.mulf %get3A_25, %convert_element_type3A_227 : vector<320x320xf32>
    %slice3A_229 = vector.extract_strided_slice %mul3A_19 {offsets = [1280, 0], sizes = [320, 128], strides = [1, 1]} : vector<2560x128xf32> to vector<320x128xf32>
    %convert_element_type3A_230 = arith.truncf %slice3A_229 : vector<320x128xf32> to vector<320x128xbf16>
    %convert_element_type3A_231 = arith.truncf %mul3A_228 : vector<320x320xf32> to vector<320x320xbf16>
    %dot_general3A_232 = arith.constant dense<0.000000e+00> : vector<320x128xf32>
    %dot_general3A_233 = tpu.matmul %convert_element_type3A_231, %convert_element_type3A_230, %dot_general3A_232 {dimension_numbers = #tpu.dot_dimension_numbers<[1], [0], [0], [1], [0, 0, 1, 1], [], []>, transpose_lhs_hint = false} : vector<320x320xbf16>, vector<320x128xbf16>, vector<320x128xf32> -> vector<320x128xf32>
    %slice3A_234 = vector.extract_strided_slice %slice3A_173 {offsets = [1600, 0], sizes = [320, 1], strides = [1, 1]} : vector<2560x1xf32> to vector<320x1xf32>
    %eq3A_235 = vector.broadcast %slice3A_234 : vector<320x1xf32> to vector<320x320xf32>
    %eq3A_236 = vector.broadcast %get3A_28 : vector<1x320xf32> to vector<320x320xf32>
    %eq3A_237 = arith.cmpf oeq, %eq3A_235, %eq3A_236 : vector<320x320xf32>
    %convert_element_type3A_238 = arith.extui %eq3A_237 : vector<320x320xi1> to vector<320x320xi32>
    %convert_element_type3A_239 = arith.sitofp %convert_element_type3A_238 : vector<320x320xi32> to vector<320x320xf32>
    %mul3A_240 = arith.mulf %get3A_25, %convert_element_type3A_239 : vector<320x320xf32>
    %slice3A_241 = vector.extract_strided_slice %mul3A_19 {offsets = [1600, 0], sizes = [320, 128], strides = [1, 1]} : vector<2560x128xf32> to vector<320x128xf32>
    %convert_element_type3A_242 = arith.truncf %slice3A_241 : vector<320x128xf32> to vector<320x128xbf16>
    %convert_element_type3A_243 = arith.truncf %mul3A_240 : vector<320x320xf32> to vector<320x320xbf16>
    %dot_general3A_244 = arith.constant dense<0.000000e+00> : vector<320x128xf32>
    %dot_general3A_245 = tpu.matmul %convert_element_type3A_243, %convert_element_type3A_242, %dot_general3A_244 {dimension_numbers = #tpu.dot_dimension_numbers<[1], [0], [0], [1], [0, 0, 1, 1], [], []>, transpose_lhs_hint = false} : vector<320x320xbf16>, vector<320x128xbf16>, vector<320x128xf32> -> vector<320x128xf32>
    %slice3A_246 = vector.extract_strided_slice %slice3A_173 {offsets = [1920, 0], sizes = [320, 1], strides = [1, 1]} : vector<2560x1xf32> to vector<320x1xf32>
    %eq3A_247 = vector.broadcast %slice3A_246 : vector<320x1xf32> to vector<320x320xf32>
    %eq3A_248 = vector.broadcast %get3A_28 : vector<1x320xf32> to vector<320x320xf32>
    %eq3A_249 = arith.cmpf oeq, %eq3A_247, %eq3A_248 : vector<320x320xf32>
    %convert_element_type3A_250 = arith.extui %eq3A_249 : vector<320x320xi1> to vector<320x320xi32>
    %convert_element_type3A_251 = arith.sitofp %convert_element_type3A_250 : vector<320x320xi32> to vector<320x320xf32>
    %mul3A_252 = arith.mulf %get3A_25, %convert_element_type3A_251 : vector<320x320xf32>
    %slice3A_253 = vector.extract_strided_slice %mul3A_19 {offsets = [1920, 0], sizes = [320, 128], strides = [1, 1]} : vector<2560x128xf32> to vector<320x128xf32>
    %convert_element_type3A_254 = arith.truncf %slice3A_253 : vector<320x128xf32> to vector<320x128xbf16>
    %convert_element_type3A_255 = arith.truncf %mul3A_252 : vector<320x320xf32> to vector<320x320xbf16>
    %dot_general3A_256 = arith.constant dense<0.000000e+00> : vector<320x128xf32>
    %dot_general3A_257 = tpu.matmul %convert_element_type3A_255, %convert_element_type3A_254, %dot_general3A_256 {dimension_numbers = #tpu.dot_dimension_numbers<[1], [0], [0], [1], [0, 0, 1, 1], [], []>, transpose_lhs_hint = false} : vector<320x320xbf16>, vector<320x128xbf16>, vector<320x128xf32> -> vector<320x128xf32>
    %slice3A_258 = vector.extract_strided_slice %slice3A_173 {offsets = [2240, 0], sizes = [320, 1], strides = [1, 1]} : vector<2560x1xf32> to vector<320x1xf32>
    %eq3A_259 = vector.broadcast %slice3A_258 : vector<320x1xf32> to vector<320x320xf32>
    %eq3A_260 = vector.broadcast %get3A_28 : vector<1x320xf32> to vector<320x320xf32>
    %eq3A_261 = arith.cmpf oeq, %eq3A_259, %eq3A_260 : vector<320x320xf32>
    %convert_element_type3A_262 = arith.extui %eq3A_261 : vector<320x320xi1> to vector<320x320xi32>
    %convert_element_type3A_263 = arith.sitofp %convert_element_type3A_262 : vector<320x320xi32> to vector<320x320xf32>
    %mul3A_264 = arith.mulf %get3A_25, %convert_element_type3A_263 : vector<320x320xf32>
    %slice3A_265 = vector.extract_strided_slice %mul3A_19 {offsets = [2240, 0], sizes = [320, 128], strides = [1, 1]} : vector<2560x128xf32> to vector<320x128xf32>
    %convert_element_type3A_266 = arith.truncf %slice3A_265 : vector<320x128xf32> to vector<320x128xbf16>
    %convert_element_type3A_267 = arith.truncf %mul3A_264 : vector<320x320xf32> to vector<320x320xbf16>
    %dot_general3A_268 = arith.constant dense<0.000000e+00> : vector<320x128xf32>
    %dot_general3A_269 = tpu.matmul %convert_element_type3A_267, %convert_element_type3A_266, %dot_general3A_268 {dimension_numbers = #tpu.dot_dimension_numbers<[1], [0], [0], [1], [0, 0, 1, 1], [], []>, transpose_lhs_hint = false} : vector<320x320xbf16>, vector<320x128xbf16>, vector<320x128xf32> -> vector<320x128xf32>
    %concatenate3A_270 = tpu.concatenate %dot_general3A_185, %dot_general3A_197, %dot_general3A_209, %dot_general3A_221, %dot_general3A_233, %dot_general3A_245, %dot_general3A_257, %dot_general3A_269 in 0 : vector<320x128xf32>, vector<320x128xf32>, vector<320x128xf32>, vector<320x128xf32>, vector<320x128xf32>, vector<320x128xf32>, vector<320x128xf32>, vector<320x128xf32> -> vector<2560x128xf32>
    %get3A_271 = arith.constant 0 : index
    %get3A_272 = arith.constant 0 : index
    %get3A_273 = vector.load %arg7[%get3A_271, %get3A_272] : memref<384x128xbf16, #tpu.memory_space<vmem>>, vector<384x128xbf16>
    %convert_element_type3A_274 = arith.truncf %concatenate3A_270 : vector<2560x128xf32> to vector<2560x128xbf16>
    %dot_general3A_275 = arith.constant dense<0.000000e+00> : vector<2560x384xf32>
    %dot_general3A_276 = tpu.matmul %convert_element_type3A_274, %get3A_273, %dot_general3A_275 {dimension_numbers = #tpu.dot_dimension_numbers<[1], [1], [0], [0], [0, 0, 1, 0], [], []>, transpose_lhs_hint = false} : vector<2560x128xbf16>, vector<384x128xbf16>, vector<2560x384xf32> -> vector<2560x384xf32>
    %get3A_277 = arith.constant 0 : index
    %get3A_278 = arith.constant 0 : index
    %get3A_279 = vector.load %arg9[%get3A_277, %get3A_278] : memref<1x384xf32, #tpu.memory_space<vmem>>, vector<1x384xf32>
    %add3A_280 = vector.broadcast %get3A_279 : vector<1x384xf32> to vector<2560x384xf32>
    %add3A_281 = arith.addf %dot_general3A_276, %add3A_280 : vector<2560x384xf32>
    %get3A_282 = arith.constant 0 : index
    %get3A_283 = arith.constant 0 : index
    %get3A_284 = vector.load %arg8[%get3A_282, %get3A_283] : memref<384x128xbf16, #tpu.memory_space<vmem>>, vector<384x128xbf16>
    %convert_element_type3A_285 = arith.truncf %add3A_172 : vector<2560x128xf32> to vector<2560x128xbf16>
    %dot_general3A_286 = arith.constant dense<0.000000e+00> : vector<2560x384xf32>
    %dot_general3A_287 = tpu.matmul %convert_element_type3A_285, %get3A_284, %dot_general3A_286 {dimension_numbers = #tpu.dot_dimension_numbers<[1], [1], [0], [0], [0, 0, 1, 0], [], []>, transpose_lhs_hint = false} : vector<2560x128xbf16>, vector<384x128xbf16>, vector<2560x384xf32> -> vector<2560x384xf32>
    %get3A_288 = arith.constant 0 : index
    %get3A_289 = arith.constant 0 : index
    %get3A_290 = vector.load %arg10[%get3A_288, %get3A_289] : memref<1x384xf32, #tpu.memory_space<vmem>>, vector<1x384xf32>
    %add3A_291 = vector.broadcast %get3A_290 : vector<1x384xf32> to vector<2560x384xf32>
    %add3A_292 = arith.addf %dot_general3A_287, %add3A_291 : vector<2560x384xf32>
    %slice3A_293 = vector.extract_strided_slice %add3A_281 {offsets = [0, 0], sizes = [2560, 128], strides = [1, 1]} : vector<2560x384xf32> to vector<2560x128xf32>
    %slice3A_294 = vector.extract_strided_slice %add3A_292 {offsets = [0, 0], sizes = [2560, 128], strides = [1, 1]} : vector<2560x384xf32> to vector<2560x128xf32>
    %add3A_295 = arith.addf %slice3A_293, %slice3A_294 : vector<2560x128xf32>
    %logistic3A_296 = arith.negf %add3A_295 : vector<2560x128xf32>
    %logistic3A_297 = math.exp %logistic3A_296 : vector<2560x128xf32>
    %logistic3A_298 = arith.constant 1.000000e+00 : f32
    %logistic3A_299 = vector.broadcast %logistic3A_298 : f32 to vector<2560x128xf32>
    %logistic3A_300 = arith.addf %logistic3A_299, %logistic3A_297 : vector<2560x128xf32>
    %logistic3A_301 = arith.divf %logistic3A_299, %logistic3A_300 : vector<2560x128xf32>
    %slice3A_302 = vector.extract_strided_slice %add3A_281 {offsets = [0, 128], sizes = [2560, 128], strides = [1, 1]} : vector<2560x384xf32> to vector<2560x128xf32>
    %slice3A_303 = vector.extract_strided_slice %add3A_292 {offsets = [0, 128], sizes = [2560, 128], strides = [1, 1]} : vector<2560x384xf32> to vector<2560x128xf32>
    %add3A_304 = arith.addf %slice3A_302, %slice3A_303 : vector<2560x128xf32>
    %logistic3A_305 = arith.negf %add3A_304 : vector<2560x128xf32>
    %logistic3A_306 = math.exp %logistic3A_305 : vector<2560x128xf32>
    %logistic3A_307 = arith.constant 1.000000e+00 : f32
    %logistic3A_308 = vector.broadcast %logistic3A_307 : f32 to vector<2560x128xf32>
    %logistic3A_309 = arith.addf %logistic3A_308, %logistic3A_306 : vector<2560x128xf32>
    %logistic3A_310 = arith.divf %logistic3A_308, %logistic3A_309 : vector<2560x128xf32>
    %slice3A_311 = vector.extract_strided_slice %add3A_281 {offsets = [0, 256], sizes = [2560, 128], strides = [1, 1]} : vector<2560x384xf32> to vector<2560x128xf32>
    %slice3A_312 = vector.extract_strided_slice %add3A_292 {offsets = [0, 256], sizes = [2560, 128], strides = [1, 1]} : vector<2560x384xf32> to vector<2560x128xf32>
    %mul3A_313 = arith.mulf %logistic3A_301, %slice3A_312 : vector<2560x128xf32>
    %add3A_314 = arith.addf %slice3A_311, %mul3A_313 : vector<2560x128xf32>
    %tanh3A_315 = math.tanh %add3A_314 : vector<2560x128xf32>
    %sub3A_316 = arith.constant 1.000000e+00 : f32
    %sub3A_317 = vector.broadcast %sub3A_316 : f32 to vector<2560x128xf32>
    %sub3A_318 = arith.subf %sub3A_317, %logistic3A_310 : vector<2560x128xf32>
    %mul3A_319 = arith.mulf %sub3A_318, %tanh3A_315 : vector<2560x128xf32>
    %mul3A_320 = arith.mulf %logistic3A_310, %add3A_172 : vector<2560x128xf32>
    %add3A_321 = arith.addf %mul3A_319, %mul3A_320 : vector<2560x128xf32>
    %get3A_322 = arith.constant 0 : index
    %get3A_323 = arith.constant 0 : index
    %get3A_324 = vector.load %arg11[%get3A_322, %get3A_323] : memref<128x128xbf16, #tpu.memory_space<vmem>>, vector<128x128xbf16>
    %convert_element_type3A_325 = arith.truncf %mul3A_19 : vector<2560x128xf32> to vector<2560x128xbf16>
    %dot_general3A_326 = arith.constant dense<0.000000e+00> : vector<2560x128xf32>
    %dot_general3A_327 = tpu.matmul %convert_element_type3A_325, %get3A_324, %dot_general3A_326 {dimension_numbers = #tpu.dot_dimension_numbers<[1], [1], [0], [0], [0, 0, 1, 0], [], []>, transpose_lhs_hint = false} : vector<2560x128xbf16>, vector<128x128xbf16>, vector<2560x128xf32> -> vector<2560x128xf32>
    %get3A_328 = arith.constant 0 : index
    %get3A_329 = arith.constant 0 : index
    %get3A_330 = vector.load %arg12[%get3A_328, %get3A_329] : memref<128x128xbf16, #tpu.memory_space<vmem>>, vector<128x128xbf16>
    %convert_element_type3A_331 = arith.truncf %add3A_321 : vector<2560x128xf32> to vector<2560x128xbf16>
    %dot_general3A_332 = arith.constant dense<0.000000e+00> : vector<2560x128xf32>
    %dot_general3A_333 = tpu.matmul %convert_element_type3A_331, %get3A_330, %dot_general3A_332 {dimension_numbers = #tpu.dot_dimension_numbers<[1], [1], [0], [0], [0, 0, 1, 0], [], []>, transpose_lhs_hint = false} : vector<2560x128xbf16>, vector<128x128xbf16>, vector<2560x128xf32> -> vector<2560x128xf32>
    %add3A_334 = arith.addf %dot_general3A_327, %dot_general3A_333 : vector<2560x128xf32>
    %get3A_335 = arith.constant 0 : index
    %get3A_336 = arith.constant 0 : index
    %get3A_337 = vector.load %arg13[%get3A_335, %get3A_336] : memref<1x128xf32, #tpu.memory_space<vmem>>, vector<1x128xf32>
    %max3A = arith.constant 0.000000e+00 : f32
    %max3A_338 = vector.broadcast %max3A : f32 to vector<2560x128xf32>
    %max3A_339 = arith.maximumf %add3A_334, %max3A_338 : vector<2560x128xf32>
    %min3A = arith.constant 0.000000e+00 : f32
    %min3A_340 = vector.broadcast %min3A : f32 to vector<2560x128xf32>
    %min3A_341 = arith.minimumf %add3A_334, %min3A_340 : vector<2560x128xf32>
    %mul3A_342 = vector.broadcast %get3A_337 : vector<1x128xf32> to vector<2560x128xf32>
    %mul3A_343 = arith.mulf %mul3A_342, %min3A_341 : vector<2560x128xf32>
    %add3A_344 = arith.addf %max3A_339, %mul3A_343 : vector<2560x128xf32>
    %swap3A = arith.constant 0 : index
    %swap3A_345 = arith.constant 0 : index
    %swap3A_346 = vector.load %arg14[%swap3A, %swap3A_345] : memref<2560x128xf32, #tpu.memory_space<vmem>>, vector<2560x128xf32>
    tpu.vector_store %arg14[%swap3A, %swap3A_345], %add3A_344 {strides = array<i32>} : memref<2560x128xf32, #tpu.memory_space<vmem>>, vector<2560x128xf32>,
    %eq3A_347 = arith.constant 0 : i32
    %eq3A_348 = arith.cmpi eq, %arg0, %eq3A_347 : i32
    %convert_element_type3A_349 = arith.extui %eq3A_348 : i1 to i32
    %cond3A = arith.constant 0 : i32
    %cond3A_350 = arith.cmpi ne, %convert_element_type3A_349, %cond3A : i32
    scf.if %cond3A_350 {
      %broadcast_in_dim3A_371 = arith.constant 0.000000e+00 : f32
      %broadcast_in_dim3A_372 = vector.broadcast %broadcast_in_dim3A_371 : f32 to vector<1x128xf32>
      %swap3A_373 = arith.constant 0 : index
      %swap3A_374 = arith.constant 0 : index
      %swap3A_375 = vector.load %arg15[%swap3A_373, %swap3A_374] : memref<1x128xf32, #tpu.memory_space<vmem>>, vector<1x128xf32>
      tpu.vector_store %arg15[%swap3A_373, %swap3A_374], %broadcast_in_dim3A_372 {strides = array<i32>} : memref<1x128xf32, #tpu.memory_space<vmem>>, vector<1x128xf32>,
      %broadcast_in_dim3A_376 = arith.constant 0.000000e+00 : f32
      %broadcast_in_dim3A_377 = vector.broadcast %broadcast_in_dim3A_376 : f32 to vector<1x128xf32>
      %swap3A_378 = arith.constant 0 : index
      %swap3A_379 = arith.constant 0 : index
      %swap3A_380 = vector.load %arg16[%swap3A_378, %swap3A_379] : memref<1x128xf32, #tpu.memory_space<vmem>>, vector<1x128xf32>
      tpu.vector_store %arg16[%swap3A_378, %swap3A_379], %broadcast_in_dim3A_377 {strides = array<i32>} : memref<1x128xf32, #tpu.memory_space<vmem>>, vector<1x128xf32>,
    } else {
    }
    %get3A_351 = arith.constant 0 : index
    %get3A_352 = arith.constant 0 : index
    %get3A_353 = vector.load %arg15[%get3A_351, %get3A_352] : memref<1x128xf32, #tpu.memory_space<vmem>>, vector<1x128xf32>
    %reduce_sum3A = arith.constant dense<0.000000e+00> : vector<128xf32>
    %reduce_sum3A_354 = vector.multi_reduction <add>, %add3A_344, %reduce_sum3A [0] : vector<2560x128xf32> to vector<128xf32>
    %broadcast_in_dim3A_355 = vector.shape_cast %reduce_sum3A_354 : vector<128xf32> to vector<1x128xf32>
    %add3A_356 = arith.addf %get3A_353, %broadcast_in_dim3A_355 : vector<1x128xf32>
    %swap3A_357 = arith.constant 0 : index
    %swap3A_358 = arith.constant 0 : index
    %swap3A_359 = vector.load %arg15[%swap3A_357, %swap3A_358] : memref<1x128xf32, #tpu.memory_space<vmem>>, vector<1x128xf32>
    tpu.vector_store %arg15[%swap3A_357, %swap3A_358], %add3A_356 {strides = array<i32>} : memref<1x128xf32, #tpu.memory_space<vmem>>, vector<1x128xf32>,
    %get3A_360 = arith.constant 0 : index
    %get3A_361 = arith.constant 0 : index
    %get3A_362 = vector.load %arg16[%get3A_360, %get3A_361] : memref<1x128xf32, #tpu.memory_space<vmem>>, vector<1x128xf32>
    %mul3A_363 = arith.mulf %add3A_344, %add3A_344 : vector<2560x128xf32>
    %reduce_sum3A_364 = arith.constant dense<0.000000e+00> : vector<128xf32>
    %reduce_sum3A_365 = vector.multi_reduction <add>, %mul3A_363, %reduce_sum3A_364 [0] : vector<2560x128xf32> to vector<128xf32>
    %broadcast_in_dim3A_366 = vector.shape_cast %reduce_sum3A_365 : vector<128xf32> to vector<1x128xf32>
    %add3A_367 = arith.addf %get3A_362, %broadcast_in_dim3A_366 : vector<1x128xf32>
    %swap3A_368 = arith.constant 0 : index
    %swap3A_369 = arith.constant 0 : index
    %swap3A_370 = vector.load %arg16[%swap3A_368, %swap3A_369] : memref<1x128xf32, #tpu.memory_space<vmem>>, vector<1x128xf32>
    tpu.vector_store %arg16[%swap3A_368, %swap3A_369], %add3A_367 {strides = array<i32>} : memref<1x128xf32, #tpu.memory_space<vmem>>, vector<1x128xf32>,
    return
  }
  func.func @transform_0(%arg0: i32) -> (i32, i32) {
    %c0_i32 = arith.constant 0 : i32
    %c0_i32_0 = arith.constant 0 : i32
    return %arg0, %c0_i32 : i32, i32
  }
  func.func @transform_1(%arg0: i32) -> (i32, i32) {
    %c0_i32 = arith.constant 0 : i32
    %c0_i32_0 = arith.constant 0 : i32
    return %arg0, %c0_i32 : i32, i32
  }
  func.func @transform_2(%arg0: i32) -> (i32, i32) {
    %c0_i32 = arith.constant 0 : i32
    %c0_i32_0 = arith.constant 0 : i32
    %c0_i32_1 = arith.constant 0 : i32
    return %c0_i32, %c0_i32_0 : i32, i32
  }
  func.func @transform_3(%arg0: i32) -> (i32, i32) {
    %c0_i32 = arith.constant 0 : i32
    %c0_i32_0 = arith.constant 0 : i32
    %c0_i32_1 = arith.constant 0 : i32
    return %c0_i32, %c0_i32_0 : i32, i32
  }
  func.func @transform_4(%arg0: i32) -> (i32, i32) {
    %c0_i32 = arith.constant 0 : i32
    %c0_i32_0 = arith.constant 0 : i32
    %c0_i32_1 = arith.constant 0 : i32
    return %c0_i32, %c0_i32_0 : i32, i32
  }
  func.func @transform_5(%arg0: i32) -> (i32, i32) {
    %c0_i32 = arith.constant 0 : i32
    %c0_i32_0 = arith.constant 0 : i32
    %c0_i32_1 = arith.constant 0 : i32
    return %c0_i32, %c0_i32_0 : i32, i32
  }
  func.func @transform_6(%arg0: i32) -> (i32, i32) {
    %c0_i32 = arith.constant 0 : i32
    %c0_i32_0 = arith.constant 0 : i32
    %c0_i32_1 = arith.constant 0 : i32
    return %c0_i32, %c0_i32_0 : i32, i32
  }
  func.func @transform_7(%arg0: i32) -> (i32, i32) {
    %c0_i32 = arith.constant 0 : i32
    %c0_i32_0 = arith.constant 0 : i32
    %c0_i32_1 = arith.constant 0 : i32
    return %c0_i32, %c0_i32_0 : i32, i32
  }
  func.func @transform_8(%arg0: i32) -> (i32, i32) {
    %c0_i32 = arith.constant 0 : i32
    %c0_i32_0 = arith.constant 0 : i32
    %c0_i32_1 = arith.constant 0 : i32
    return %c0_i32, %c0_i32_0 : i32, i32
  }
  func.func @transform_9(%arg0: i32) -> (i32, i32) {
    %c0_i32 = arith.constant 0 : i32
    %c0_i32_0 = arith.constant 0 : i32
    %c0_i32_1 = arith.constant 0 : i32
    return %c0_i32, %c0_i32_0 : i32, i32
  }
  func.func @transform_10(%arg0: i32) -> (i32, i32) {
    %c0_i32 = arith.constant 0 : i32
    %c0_i32_0 = arith.constant 0 : i32
    %c0_i32_1 = arith.constant 0 : i32
    return %c0_i32, %c0_i32_0 : i32, i32
  }
  func.func @transform_11(%arg0: i32) -> (i32, i32) {
    %c0_i32 = arith.constant 0 : i32
    %c0_i32_0 = arith.constant 0 : i32
    %c0_i32_1 = arith.constant 0 : i32
    return %c0_i32, %c0_i32_0 : i32, i32
  }
  func.func @transform_12(%arg0: i32) -> (i32, i32) {
    %c0_i32 = arith.constant 0 : i32
    %c0_i32_0 = arith.constant 0 : i32
    %c0_i32_1 = arith.constant 0 : i32
    return %c0_i32, %c0_i32_0 : i32, i32
  }
  func.func @transform_13(%arg0: i32) -> (i32, i32) {
    %c0_i32 = arith.constant 0 : i32
    %c0_i32_0 = arith.constant 0 : i32
    return %arg0, %c0_i32 : i32, i32
  }
  func.func @transform_14(%arg0: i32) -> (i32, i32) {
    %c0_i32 = arith.constant 0 : i32
    %c0_i32_0 = arith.constant 0 : i32
    %c0_i32_1 = arith.constant 0 : i32
    return %c0_i32, %c0_i32_0 : i32, i32
  }
  func.func @transform_15(%arg0: i32) -> (i32, i32) {
    %c0_i32 = arith.constant 0 : i32
    %c0_i32_0 = arith.constant 0 : i32
    %c0_i32_1 = arith.constant 0 : i32
    return %c0_i32, %c0_i32_0 : i32, i32
  }
}

module attributes {stable_mosaic.version = 14 : i64} {
  func.func @body(%arg0: i32, %arg1: memref<2560x128xf32, #tpu.memory_space<vmem>>, %arg2: memref<2560x128xf32, #tpu.memory_space<vmem>>, %arg3: memref<2560x128xf32, #tpu.memory_space<vmem>>, %arg4: memref<2560x2xf32, #tpu.memory_space<vmem>>, %arg5: memref<8x128xf32, #tpu.memory_space<vmem>>, %arg6: memref<8x128xf32, #tpu.memory_space<vmem>>, %arg7: memref<320x320xf32, #tpu.memory_space<vmem>>, %arg8: memref<1x320xf32, #tpu.memory_space<vmem>>, %arg9: memref<1152x384xbf16, #tpu.memory_space<vmem>>, %arg10: memref<1152x384xbf16, #tpu.memory_space<vmem>>, %arg11: memref<1x1152xf32, #tpu.memory_space<vmem>>, %arg12: memref<1x1152xf32, #tpu.memory_space<vmem>>, %arg13: memref<128x384xbf16, #tpu.memory_space<vmem>>, %arg14: memref<128x384xbf16, #tpu.memory_space<vmem>>, %arg15: memref<1x128xf32, #tpu.memory_space<vmem>>, %arg16: memref<2560x128xf32, #tpu.memory_space<vmem>>, %arg17: memref<1x128xf32, #tpu.memory_space<vmem>>, %arg18: memref<1x128xf32, #tpu.memory_space<vmem>>) attributes {dimension_semantics = [#tpu.dimension_semantics<arbitrary>], iteration_bounds = array<i64: 8>, scalar_prefetch = 0 : i64, scratch_operands = 0 : i64, tpu.core_type = #tpu.core_type<tc>, window_params = [{transform_indices = @transform_0, window_bounds = array<i64: 2560, 128>}, {transform_indices = @transform_1, window_bounds = array<i64: 2560, 128>}, {transform_indices = @transform_2, window_bounds = array<i64: 2560, 128>}, {transform_indices = @transform_3, window_bounds = array<i64: 2560, 2>}, {pipeline_mode = #tpu.pipeline_mode<synchronous>, transform_indices = @transform_4, window_bounds = array<i64: 8, 128>}, {pipeline_mode = #tpu.pipeline_mode<synchronous>, transform_indices = @transform_5, window_bounds = array<i64: 8, 128>}, {pipeline_mode = #tpu.pipeline_mode<synchronous>, transform_indices = @transform_6, window_bounds = array<i64: 320, 320>}, {pipeline_mode = #tpu.pipeline_mode<synchronous>, transform_indices = @transform_7, window_bounds = array<i64: 1, 320>}, {pipeline_mode = #tpu.pipeline_mode<synchronous>, transform_indices = @transform_8, window_bounds = array<i64: 1152, 384>}, {pipeline_mode = #tpu.pipeline_mode<synchronous>, transform_indices = @transform_9, window_bounds = array<i64: 1152, 384>}, {pipeline_mode = #tpu.pipeline_mode<synchronous>, transform_indices = @transform_10, window_bounds = array<i64: 1, 1152>}, {pipeline_mode = #tpu.pipeline_mode<synchronous>, transform_indices = @transform_11, window_bounds = array<i64: 1, 1152>}, {pipeline_mode = #tpu.pipeline_mode<synchronous>, transform_indices = @transform_12, window_bounds = array<i64: 128, 384>}, {pipeline_mode = #tpu.pipeline_mode<synchronous>, transform_indices = @transform_13, window_bounds = array<i64: 128, 384>}, {pipeline_mode = #tpu.pipeline_mode<synchronous>, transform_indices = @transform_14, window_bounds = array<i64: 1, 128>}, {transform_indices = @transform_15, window_bounds = array<i64: 2560, 128>}, {pipeline_mode = #tpu.pipeline_mode<synchronous>, transform_indices = @transform_16, window_bounds = array<i64: 1, 128>}, {pipeline_mode = #tpu.pipeline_mode<synchronous>, transform_indices = @transform_17, window_bounds = array<i64: 1, 128>}]} {
    %get3A = arith.constant 0 : index
    %get3A_0 = arith.constant 0 : index
    %get3A_1 = vector.load %arg5[%get3A, %get3A_0] : memref<8x128xf32, #tpu.memory_space<vmem>>, vector<8x128xf32>
    %get3A_2 = arith.constant 0 : index
    %get3A_3 = arith.constant 0 : index
    %get3A_4 = vector.load %arg6[%get3A_2, %get3A_3] : memref<8x128xf32, #tpu.memory_space<vmem>>, vector<8x128xf32>
    %get3A_5 = arith.constant 0 : index
    %get3A_6 = arith.constant 0 : index
    %get3A_7 = vector.load %arg1[%get3A_5, %get3A_6] : memref<2560x128xf32, #tpu.memory_space<vmem>>, vector<2560x128xf32>
    %slice3A = vector.extract_strided_slice %get3A_1 {offsets = [0, 0], sizes = [1, 128], strides = [1, 1]} : vector<8x128xf32> to vector<1x128xf32>
    %slice3A_8 = vector.extract_strided_slice %get3A_4 {offsets = [0, 0], sizes = [1, 128], strides = [1, 1]} : vector<8x128xf32> to vector<1x128xf32>
    %div3A = arith.constant 2.048000e+04 : f32
    %div3A_9 = vector.broadcast %div3A : f32 to vector<1x128xf32>
    %div3A_10 = arith.divf %slice3A, %div3A_9 : vector<1x128xf32>
    %div3A_11 = arith.constant 2.048000e+04 : f32
    %div3A_12 = vector.broadcast %div3A_11 : f32 to vector<1x128xf32>
    %div3A_13 = arith.divf %slice3A_8, %div3A_12 : vector<1x128xf32>
    %mul3A = arith.mulf %div3A_10, %div3A_10 : vector<1x128xf32>
    %sub3A = arith.subf %div3A_13, %mul3A : vector<1x128xf32>
    %sub3A_14 = vector.broadcast %div3A_10 : vector<1x128xf32> to vector<2560x128xf32>
    %sub3A_15 = arith.subf %get3A_7, %sub3A_14 : vector<2560x128xf32>
    %add3A = arith.constant 9.99999974E-6 : f32
    %add3A_16 = vector.broadcast %add3A : f32 to vector<1x128xf32>
    %add3A_17 = arith.addf %sub3A, %add3A_16 : vector<1x128xf32>
    %rsqrt3A = math.rsqrt %add3A_17 : vector<1x128xf32>
    %mul3A_18 = vector.broadcast %rsqrt3A : vector<1x128xf32> to vector<2560x128xf32>
    %mul3A_19 = arith.mulf %sub3A_15, %mul3A_18 : vector<2560x128xf32>
    %get3A_20 = arith.constant 0 : index
    %get3A_21 = arith.constant 0 : index
    %get3A_22 = vector.load %arg2[%get3A_20, %get3A_21] : memref<2560x128xf32, #tpu.memory_space<vmem>>, vector<2560x128xf32>
    %slice3A_23 = vector.extract_strided_slice %get3A_1 {offsets = [1, 0], sizes = [1, 128], strides = [1, 1]} : vector<8x128xf32> to vector<1x128xf32>
    %slice3A_24 = vector.extract_strided_slice %get3A_4 {offsets = [1, 0], sizes = [1, 128], strides = [1, 1]} : vector<8x128xf32> to vector<1x128xf32>
    %div3A_25 = arith.constant 2.048000e+04 : f32
    %div3A_26 = vector.broadcast %div3A_25 : f32 to vector<1x128xf32>
    %div3A_27 = arith.divf %slice3A_23, %div3A_26 : vector<1x128xf32>
    %div3A_28 = arith.constant 2.048000e+04 : f32
    %div3A_29 = vector.broadcast %div3A_28 : f32 to vector<1x128xf32>
    %div3A_30 = arith.divf %slice3A_24, %div3A_29 : vector<1x128xf32>
    %mul3A_31 = arith.mulf %div3A_27, %div3A_27 : vector<1x128xf32>
    %sub3A_32 = arith.subf %div3A_30, %mul3A_31 : vector<1x128xf32>
    %sub3A_33 = vector.broadcast %div3A_27 : vector<1x128xf32> to vector<2560x128xf32>
    %sub3A_34 = arith.subf %get3A_22, %sub3A_33 : vector<2560x128xf32>
    %add3A_35 = arith.constant 9.99999974E-6 : f32
    %add3A_36 = vector.broadcast %add3A_35 : f32 to vector<1x128xf32>
    %add3A_37 = arith.addf %sub3A_32, %add3A_36 : vector<1x128xf32>
    %rsqrt3A_38 = math.rsqrt %add3A_37 : vector<1x128xf32>
    %mul3A_39 = vector.broadcast %rsqrt3A_38 : vector<1x128xf32> to vector<2560x128xf32>
    %mul3A_40 = arith.mulf %sub3A_34, %mul3A_39 : vector<2560x128xf32>
    %get3A_41 = arith.constant 0 : index
    %get3A_42 = arith.constant 0 : index
    %get3A_43 = vector.load %arg3[%get3A_41, %get3A_42] : memref<2560x128xf32, #tpu.memory_space<vmem>>, vector<2560x128xf32>
    %slice3A_44 = vector.extract_strided_slice %get3A_1 {offsets = [2, 0], sizes = [1, 128], strides = [1, 1]} : vector<8x128xf32> to vector<1x128xf32>
    %slice3A_45 = vector.extract_strided_slice %get3A_4 {offsets = [2, 0], sizes = [1, 128], strides = [1, 1]} : vector<8x128xf32> to vector<1x128xf32>
    %div3A_46 = arith.constant 2.048000e+04 : f32
    %div3A_47 = vector.broadcast %div3A_46 : f32 to vector<1x128xf32>
    %div3A_48 = arith.divf %slice3A_44, %div3A_47 : vector<1x128xf32>
    %div3A_49 = arith.constant 2.048000e+04 : f32
    %div3A_50 = vector.broadcast %div3A_49 : f32 to vector<1x128xf32>
    %div3A_51 = arith.divf %slice3A_45, %div3A_50 : vector<1x128xf32>
    %mul3A_52 = arith.mulf %div3A_48, %div3A_48 : vector<1x128xf32>
    %sub3A_53 = arith.subf %div3A_51, %mul3A_52 : vector<1x128xf32>
    %sub3A_54 = vector.broadcast %div3A_48 : vector<1x128xf32> to vector<2560x128xf32>
    %sub3A_55 = arith.subf %get3A_43, %sub3A_54 : vector<2560x128xf32>
    %add3A_56 = arith.constant 9.99999974E-6 : f32
    %add3A_57 = vector.broadcast %add3A_56 : f32 to vector<1x128xf32>
    %add3A_58 = arith.addf %sub3A_53, %add3A_57 : vector<1x128xf32>
    %rsqrt3A_59 = math.rsqrt %add3A_58 : vector<1x128xf32>
    %mul3A_60 = vector.broadcast %rsqrt3A_59 : vector<1x128xf32> to vector<2560x128xf32>
    %mul3A_61 = arith.mulf %sub3A_55, %mul3A_60 : vector<2560x128xf32>
    %concatenate3A = tpu.concatenate %mul3A_19, %mul3A_40, %mul3A_61 in 1 : vector<2560x128xf32>, vector<2560x128xf32>, vector<2560x128xf32> -> vector<2560x384xf32>
    %get3A_62 = arith.constant 0 : index
    %get3A_63 = arith.constant 0 : index
    %get3A_64 = vector.load %arg4[%get3A_62, %get3A_63] : memref<2560x2xf32, #tpu.memory_space<vmem>>, vector<2560x2xf32>
    %get3A_65 = arith.constant 0 : index
    %get3A_66 = arith.constant 0 : index
    %get3A_67 = vector.load %arg7[%get3A_65, %get3A_66] : memref<320x320xf32, #tpu.memory_space<vmem>>, vector<320x320xf32>
    %get3A_68 = arith.constant 0 : index
    %get3A_69 = arith.constant 0 : index
    %get3A_70 = vector.load %arg8[%get3A_68, %get3A_69] : memref<1x320xf32, #tpu.memory_space<vmem>>, vector<1x320xf32>
    %broadcast_in_dim3A = arith.constant 0.000000e+00 : f32
    %broadcast_in_dim3A_71 = vector.broadcast %broadcast_in_dim3A : f32 to vector<2560x384xf32>
    %slice3A_72 = vector.extract_strided_slice %get3A_64 {offsets = [0, 0], sizes = [2560, 1], strides = [1, 1]} : vector<2560x2xf32> to vector<2560x1xf32>
    %slice3A_73 = vector.extract_strided_slice %slice3A_72 {offsets = [0, 0], sizes = [320, 1], strides = [1, 1]} : vector<2560x1xf32> to vector<320x1xf32>
    %eq3A = vector.broadcast %slice3A_73 : vector<320x1xf32> to vector<320x320xf32>
    %eq3A_74 = vector.broadcast %get3A_70 : vector<1x320xf32> to vector<320x320xf32>
    %eq3A_75 = arith.cmpf oeq, %eq3A, %eq3A_74 : vector<320x320xf32>
    %convert_element_type3A = arith.extui %eq3A_75 : vector<320x320xi1> to vector<320x320xi32>
    %convert_element_type3A_76 = arith.sitofp %convert_element_type3A : vector<320x320xi32> to vector<320x320xf32>
    %mul3A_77 = arith.mulf %get3A_67, %convert_element_type3A_76 : vector<320x320xf32>
    %slice3A_78 = vector.extract_strided_slice %concatenate3A {offsets = [0, 0], sizes = [320, 384], strides = [1, 1]} : vector<2560x384xf32> to vector<320x384xf32>
    %convert_element_type3A_79 = arith.truncf %slice3A_78 : vector<320x384xf32> to vector<320x384xbf16>
    %convert_element_type3A_80 = arith.truncf %mul3A_77 : vector<320x320xf32> to vector<320x320xbf16>
    %dot_general3A = arith.constant dense<0.000000e+00> : vector<320x384xf32>
    %dot_general3A_81 = tpu.matmul %convert_element_type3A_80, %convert_element_type3A_79, %dot_general3A {dimension_numbers = #tpu.dot_dimension_numbers<[1], [0], [0], [1], [0, 0, 1, 1], [], []>, transpose_lhs_hint = false} : vector<320x320xbf16>, vector<320x384xbf16>, vector<320x384xf32> -> vector<320x384xf32>
    %slice3A_82 = vector.extract_strided_slice %slice3A_72 {offsets = [320, 0], sizes = [320, 1], strides = [1, 1]} : vector<2560x1xf32> to vector<320x1xf32>
    %eq3A_83 = vector.broadcast %slice3A_82 : vector<320x1xf32> to vector<320x320xf32>
    %eq3A_84 = vector.broadcast %get3A_70 : vector<1x320xf32> to vector<320x320xf32>
    %eq3A_85 = arith.cmpf oeq, %eq3A_83, %eq3A_84 : vector<320x320xf32>
    %convert_element_type3A_86 = arith.extui %eq3A_85 : vector<320x320xi1> to vector<320x320xi32>
    %convert_element_type3A_87 = arith.sitofp %convert_element_type3A_86 : vector<320x320xi32> to vector<320x320xf32>
    %mul3A_88 = arith.mulf %get3A_67, %convert_element_type3A_87 : vector<320x320xf32>
    %slice3A_89 = vector.extract_strided_slice %concatenate3A {offsets = [320, 0], sizes = [320, 384], strides = [1, 1]} : vector<2560x384xf32> to vector<320x384xf32>
    %convert_element_type3A_90 = arith.truncf %slice3A_89 : vector<320x384xf32> to vector<320x384xbf16>
    %convert_element_type3A_91 = arith.truncf %mul3A_88 : vector<320x320xf32> to vector<320x320xbf16>
    %dot_general3A_92 = arith.constant dense<0.000000e+00> : vector<320x384xf32>
    %dot_general3A_93 = tpu.matmul %convert_element_type3A_91, %convert_element_type3A_90, %dot_general3A_92 {dimension_numbers = #tpu.dot_dimension_numbers<[1], [0], [0], [1], [0, 0, 1, 1], [], []>, transpose_lhs_hint = false} : vector<320x320xbf16>, vector<320x384xbf16>, vector<320x384xf32> -> vector<320x384xf32>
    %slice3A_94 = vector.extract_strided_slice %slice3A_72 {offsets = [640, 0], sizes = [320, 1], strides = [1, 1]} : vector<2560x1xf32> to vector<320x1xf32>
    %eq3A_95 = vector.broadcast %slice3A_94 : vector<320x1xf32> to vector<320x320xf32>
    %eq3A_96 = vector.broadcast %get3A_70 : vector<1x320xf32> to vector<320x320xf32>
    %eq3A_97 = arith.cmpf oeq, %eq3A_95, %eq3A_96 : vector<320x320xf32>
    %convert_element_type3A_98 = arith.extui %eq3A_97 : vector<320x320xi1> to vector<320x320xi32>
    %convert_element_type3A_99 = arith.sitofp %convert_element_type3A_98 : vector<320x320xi32> to vector<320x320xf32>
    %mul3A_100 = arith.mulf %get3A_67, %convert_element_type3A_99 : vector<320x320xf32>
    %slice3A_101 = vector.extract_strided_slice %concatenate3A {offsets = [640, 0], sizes = [320, 384], strides = [1, 1]} : vector<2560x384xf32> to vector<320x384xf32>
    %convert_element_type3A_102 = arith.truncf %slice3A_101 : vector<320x384xf32> to vector<320x384xbf16>
    %convert_element_type3A_103 = arith.truncf %mul3A_100 : vector<320x320xf32> to vector<320x320xbf16>
    %dot_general3A_104 = arith.constant dense<0.000000e+00> : vector<320x384xf32>
    %dot_general3A_105 = tpu.matmul %convert_element_type3A_103, %convert_element_type3A_102, %dot_general3A_104 {dimension_numbers = #tpu.dot_dimension_numbers<[1], [0], [0], [1], [0, 0, 1, 1], [], []>, transpose_lhs_hint = false} : vector<320x320xbf16>, vector<320x384xbf16>, vector<320x384xf32> -> vector<320x384xf32>
    %slice3A_106 = vector.extract_strided_slice %slice3A_72 {offsets = [960, 0], sizes = [320, 1], strides = [1, 1]} : vector<2560x1xf32> to vector<320x1xf32>
    %eq3A_107 = vector.broadcast %slice3A_106 : vector<320x1xf32> to vector<320x320xf32>
    %eq3A_108 = vector.broadcast %get3A_70 : vector<1x320xf32> to vector<320x320xf32>
    %eq3A_109 = arith.cmpf oeq, %eq3A_107, %eq3A_108 : vector<320x320xf32>
    %convert_element_type3A_110 = arith.extui %eq3A_109 : vector<320x320xi1> to vector<320x320xi32>
    %convert_element_type3A_111 = arith.sitofp %convert_element_type3A_110 : vector<320x320xi32> to vector<320x320xf32>
    %mul3A_112 = arith.mulf %get3A_67, %convert_element_type3A_111 : vector<320x320xf32>
    %slice3A_113 = vector.extract_strided_slice %concatenate3A {offsets = [960, 0], sizes = [320, 384], strides = [1, 1]} : vector<2560x384xf32> to vector<320x384xf32>
    %convert_element_type3A_114 = arith.truncf %slice3A_113 : vector<320x384xf32> to vector<320x384xbf16>
    %convert_element_type3A_115 = arith.truncf %mul3A_112 : vector<320x320xf32> to vector<320x320xbf16>
    %dot_general3A_116 = arith.constant dense<0.000000e+00> : vector<320x384xf32>
    %dot_general3A_117 = tpu.matmul %convert_element_type3A_115, %convert_element_type3A_114, %dot_general3A_116 {dimension_numbers = #tpu.dot_dimension_numbers<[1], [0], [0], [1], [0, 0, 1, 1], [], []>, transpose_lhs_hint = false} : vector<320x320xbf16>, vector<320x384xbf16>, vector<320x384xf32> -> vector<320x384xf32>
    %slice3A_118 = vector.extract_strided_slice %slice3A_72 {offsets = [1280, 0], sizes = [320, 1], strides = [1, 1]} : vector<2560x1xf32> to vector<320x1xf32>
    %eq3A_119 = vector.broadcast %slice3A_118 : vector<320x1xf32> to vector<320x320xf32>
    %eq3A_120 = vector.broadcast %get3A_70 : vector<1x320xf32> to vector<320x320xf32>
    %eq3A_121 = arith.cmpf oeq, %eq3A_119, %eq3A_120 : vector<320x320xf32>
    %convert_element_type3A_122 = arith.extui %eq3A_121 : vector<320x320xi1> to vector<320x320xi32>
    %convert_element_type3A_123 = arith.sitofp %convert_element_type3A_122 : vector<320x320xi32> to vector<320x320xf32>
    %mul3A_124 = arith.mulf %get3A_67, %convert_element_type3A_123 : vector<320x320xf32>
    %slice3A_125 = vector.extract_strided_slice %concatenate3A {offsets = [1280, 0], sizes = [320, 384], strides = [1, 1]} : vector<2560x384xf32> to vector<320x384xf32>
    %convert_element_type3A_126 = arith.truncf %slice3A_125 : vector<320x384xf32> to vector<320x384xbf16>
    %convert_element_type3A_127 = arith.truncf %mul3A_124 : vector<320x320xf32> to vector<320x320xbf16>
    %dot_general3A_128 = arith.constant dense<0.000000e+00> : vector<320x384xf32>
    %dot_general3A_129 = tpu.matmul %convert_element_type3A_127, %convert_element_type3A_126, %dot_general3A_128 {dimension_numbers = #tpu.dot_dimension_numbers<[1], [0], [0], [1], [0, 0, 1, 1], [], []>, transpose_lhs_hint = false} : vector<320x320xbf16>, vector<320x384xbf16>, vector<320x384xf32> -> vector<320x384xf32>
    %slice3A_130 = vector.extract_strided_slice %slice3A_72 {offsets = [1600, 0], sizes = [320, 1], strides = [1, 1]} : vector<2560x1xf32> to vector<320x1xf32>
    %eq3A_131 = vector.broadcast %slice3A_130 : vector<320x1xf32> to vector<320x320xf32>
    %eq3A_132 = vector.broadcast %get3A_70 : vector<1x320xf32> to vector<320x320xf32>
    %eq3A_133 = arith.cmpf oeq, %eq3A_131, %eq3A_132 : vector<320x320xf32>
    %convert_element_type3A_134 = arith.extui %eq3A_133 : vector<320x320xi1> to vector<320x320xi32>
    %convert_element_type3A_135 = arith.sitofp %convert_element_type3A_134 : vector<320x320xi32> to vector<320x320xf32>
    %mul3A_136 = arith.mulf %get3A_67, %convert_element_type3A_135 : vector<320x320xf32>
    %slice3A_137 = vector.extract_strided_slice %concatenate3A {offsets = [1600, 0], sizes = [320, 384], strides = [1, 1]} : vector<2560x384xf32> to vector<320x384xf32>
    %convert_element_type3A_138 = arith.truncf %slice3A_137 : vector<320x384xf32> to vector<320x384xbf16>
    %convert_element_type3A_139 = arith.truncf %mul3A_136 : vector<320x320xf32> to vector<320x320xbf16>
    %dot_general3A_140 = arith.constant dense<0.000000e+00> : vector<320x384xf32>
    %dot_general3A_141 = tpu.matmul %convert_element_type3A_139, %convert_element_type3A_138, %dot_general3A_140 {dimension_numbers = #tpu.dot_dimension_numbers<[1], [0], [0], [1], [0, 0, 1, 1], [], []>, transpose_lhs_hint = false} : vector<320x320xbf16>, vector<320x384xbf16>, vector<320x384xf32> -> vector<320x384xf32>
    %slice3A_142 = vector.extract_strided_slice %slice3A_72 {offsets = [1920, 0], sizes = [320, 1], strides = [1, 1]} : vector<2560x1xf32> to vector<320x1xf32>
    %eq3A_143 = vector.broadcast %slice3A_142 : vector<320x1xf32> to vector<320x320xf32>
    %eq3A_144 = vector.broadcast %get3A_70 : vector<1x320xf32> to vector<320x320xf32>
    %eq3A_145 = arith.cmpf oeq, %eq3A_143, %eq3A_144 : vector<320x320xf32>
    %convert_element_type3A_146 = arith.extui %eq3A_145 : vector<320x320xi1> to vector<320x320xi32>
    %convert_element_type3A_147 = arith.sitofp %convert_element_type3A_146 : vector<320x320xi32> to vector<320x320xf32>
    %mul3A_148 = arith.mulf %get3A_67, %convert_element_type3A_147 : vector<320x320xf32>
    %slice3A_149 = vector.extract_strided_slice %concatenate3A {offsets = [1920, 0], sizes = [320, 384], strides = [1, 1]} : vector<2560x384xf32> to vector<320x384xf32>
    %convert_element_type3A_150 = arith.truncf %slice3A_149 : vector<320x384xf32> to vector<320x384xbf16>
    %convert_element_type3A_151 = arith.truncf %mul3A_148 : vector<320x320xf32> to vector<320x320xbf16>
    %dot_general3A_152 = arith.constant dense<0.000000e+00> : vector<320x384xf32>
    %dot_general3A_153 = tpu.matmul %convert_element_type3A_151, %convert_element_type3A_150, %dot_general3A_152 {dimension_numbers = #tpu.dot_dimension_numbers<[1], [0], [0], [1], [0, 0, 1, 1], [], []>, transpose_lhs_hint = false} : vector<320x320xbf16>, vector<320x384xbf16>, vector<320x384xf32> -> vector<320x384xf32>
    %slice3A_154 = vector.extract_strided_slice %slice3A_72 {offsets = [2240, 0], sizes = [320, 1], strides = [1, 1]} : vector<2560x1xf32> to vector<320x1xf32>
    %eq3A_155 = vector.broadcast %slice3A_154 : vector<320x1xf32> to vector<320x320xf32>
    %eq3A_156 = vector.broadcast %get3A_70 : vector<1x320xf32> to vector<320x320xf32>
    %eq3A_157 = arith.cmpf oeq, %eq3A_155, %eq3A_156 : vector<320x320xf32>
    %convert_element_type3A_158 = arith.extui %eq3A_157 : vector<320x320xi1> to vector<320x320xi32>
    %convert_element_type3A_159 = arith.sitofp %convert_element_type3A_158 : vector<320x320xi32> to vector<320x320xf32>
    %mul3A_160 = arith.mulf %get3A_67, %convert_element_type3A_159 : vector<320x320xf32>
    %slice3A_161 = vector.extract_strided_slice %concatenate3A {offsets = [2240, 0], sizes = [320, 384], strides = [1, 1]} : vector<2560x384xf32> to vector<320x384xf32>
    %convert_element_type3A_162 = arith.truncf %slice3A_161 : vector<320x384xf32> to vector<320x384xbf16>
    %convert_element_type3A_163 = arith.truncf %mul3A_160 : vector<320x320xf32> to vector<320x320xbf16>
    %dot_general3A_164 = arith.constant dense<0.000000e+00> : vector<320x384xf32>
    %dot_general3A_165 = tpu.matmul %convert_element_type3A_163, %convert_element_type3A_162, %dot_general3A_164 {dimension_numbers = #tpu.dot_dimension_numbers<[1], [0], [0], [1], [0, 0, 1, 1], [], []>, transpose_lhs_hint = false} : vector<320x320xbf16>, vector<320x384xbf16>, vector<320x384xf32> -> vector<320x384xf32>
    %concatenate3A_166 = tpu.concatenate %dot_general3A_81, %dot_general3A_93, %dot_general3A_105, %dot_general3A_117, %dot_general3A_129, %dot_general3A_141, %dot_general3A_153, %dot_general3A_165 in 0 : vector<320x384xf32>, vector<320x384xf32>, vector<320x384xf32>, vector<320x384xf32>, vector<320x384xf32>, vector<320x384xf32>, vector<320x384xf32>, vector<320x384xf32> -> vector<2560x384xf32>
    %get3A_167 = arith.constant 0 : index
    %get3A_168 = arith.constant 0 : index
    %get3A_169 = vector.load %arg9[%get3A_167, %get3A_168] : memref<1152x384xbf16, #tpu.memory_space<vmem>>, vector<1152x384xbf16>
    %convert_element_type3A_170 = arith.truncf %concatenate3A_166 : vector<2560x384xf32> to vector<2560x384xbf16>
    %dot_general3A_171 = arith.constant dense<0.000000e+00> : vector<2560x1152xf32>
    %dot_general3A_172 = tpu.matmul %convert_element_type3A_170, %get3A_169, %dot_general3A_171 {dimension_numbers = #tpu.dot_dimension_numbers<[1], [1], [0], [0], [0, 0, 1, 0], [], []>, transpose_lhs_hint = false} : vector<2560x384xbf16>, vector<1152x384xbf16>, vector<2560x1152xf32> -> vector<2560x1152xf32>
    %get3A_173 = arith.constant 0 : index
    %get3A_174 = arith.constant 0 : index
    %get3A_175 = vector.load %arg11[%get3A_173, %get3A_174] : memref<1x1152xf32, #tpu.memory_space<vmem>>, vector<1x1152xf32>
    %add3A_176 = vector.broadcast %get3A_175 : vector<1x1152xf32> to vector<2560x1152xf32>
    %add3A_177 = arith.addf %dot_general3A_172, %add3A_176 : vector<2560x1152xf32>
    %get3A_178 = arith.constant 0 : index
    %get3A_179 = arith.constant 0 : index
    %get3A_180 = vector.load %arg10[%get3A_178, %get3A_179] : memref<1152x384xbf16, #tpu.memory_space<vmem>>, vector<1152x384xbf16>
    %convert_element_type3A_181 = arith.truncf %broadcast_in_dim3A_71 : vector<2560x384xf32> to vector<2560x384xbf16>
    %dot_general3A_182 = arith.constant dense<0.000000e+00> : vector<2560x1152xf32>
    %dot_general3A_183 = tpu.matmul %convert_element_type3A_181, %get3A_180, %dot_general3A_182 {dimension_numbers = #tpu.dot_dimension_numbers<[1], [1], [0], [0], [0, 0, 1, 0], [], []>, transpose_lhs_hint = false} : vector<2560x384xbf16>, vector<1152x384xbf16>, vector<2560x1152xf32> -> vector<2560x1152xf32>
    %get3A_184 = arith.constant 0 : index
    %get3A_185 = arith.constant 0 : index
    %get3A_186 = vector.load %arg12[%get3A_184, %get3A_185] : memref<1x1152xf32, #tpu.memory_space<vmem>>, vector<1x1152xf32>
    %add3A_187 = vector.broadcast %get3A_186 : vector<1x1152xf32> to vector<2560x1152xf32>
    %add3A_188 = arith.addf %dot_general3A_183, %add3A_187 : vector<2560x1152xf32>
    %slice3A_189 = vector.extract_strided_slice %add3A_177 {offsets = [0, 0], sizes = [2560, 384], strides = [1, 1]} : vector<2560x1152xf32> to vector<2560x384xf32>
    %slice3A_190 = vector.extract_strided_slice %add3A_188 {offsets = [0, 0], sizes = [2560, 384], strides = [1, 1]} : vector<2560x1152xf32> to vector<2560x384xf32>
    %add3A_191 = arith.addf %slice3A_189, %slice3A_190 : vector<2560x384xf32>
    %logistic3A = arith.negf %add3A_191 : vector<2560x384xf32>
    %logistic3A_192 = math.exp %logistic3A : vector<2560x384xf32>
    %logistic3A_193 = arith.constant 1.000000e+00 : f32
    %logistic3A_194 = vector.broadcast %logistic3A_193 : f32 to vector<2560x384xf32>
    %logistic3A_195 = arith.addf %logistic3A_194, %logistic3A_192 : vector<2560x384xf32>
    %logistic3A_196 = arith.divf %logistic3A_194, %logistic3A_195 : vector<2560x384xf32>
    %slice3A_197 = vector.extract_strided_slice %add3A_177 {offsets = [0, 384], sizes = [2560, 384], strides = [1, 1]} : vector<2560x1152xf32> to vector<2560x384xf32>
    %slice3A_198 = vector.extract_strided_slice %add3A_188 {offsets = [0, 384], sizes = [2560, 384], strides = [1, 1]} : vector<2560x1152xf32> to vector<2560x384xf32>
    %add3A_199 = arith.addf %slice3A_197, %slice3A_198 : vector<2560x384xf32>
    %logistic3A_200 = arith.negf %add3A_199 : vector<2560x384xf32>
    %logistic3A_201 = math.exp %logistic3A_200 : vector<2560x384xf32>
    %logistic3A_202 = arith.constant 1.000000e+00 : f32
    %logistic3A_203 = vector.broadcast %logistic3A_202 : f32 to vector<2560x384xf32>
    %logistic3A_204 = arith.addf %logistic3A_203, %logistic3A_201 : vector<2560x384xf32>
    %logistic3A_205 = arith.divf %logistic3A_203, %logistic3A_204 : vector<2560x384xf32>
    %slice3A_206 = vector.extract_strided_slice %add3A_177 {offsets = [0, 768], sizes = [2560, 384], strides = [1, 1]} : vector<2560x1152xf32> to vector<2560x384xf32>
    %slice3A_207 = vector.extract_strided_slice %add3A_188 {offsets = [0, 768], sizes = [2560, 384], strides = [1, 1]} : vector<2560x1152xf32> to vector<2560x384xf32>
    %mul3A_208 = arith.mulf %logistic3A_196, %slice3A_207 : vector<2560x384xf32>
    %add3A_209 = arith.addf %slice3A_206, %mul3A_208 : vector<2560x384xf32>
    %tanh3A = math.tanh %add3A_209 : vector<2560x384xf32>
    %sub3A_210 = arith.constant 1.000000e+00 : f32
    %sub3A_211 = vector.broadcast %sub3A_210 : f32 to vector<2560x384xf32>
    %sub3A_212 = arith.subf %sub3A_211, %logistic3A_205 : vector<2560x384xf32>
    %mul3A_213 = arith.mulf %sub3A_212, %tanh3A : vector<2560x384xf32>
    %mul3A_214 = arith.mulf %logistic3A_205, %broadcast_in_dim3A_71 : vector<2560x384xf32>
    %add3A_215 = arith.addf %mul3A_213, %mul3A_214 : vector<2560x384xf32>
    %slice3A_216 = vector.extract_strided_slice %get3A_64 {offsets = [0, 1], sizes = [2560, 1], strides = [1, 1]} : vector<2560x2xf32> to vector<2560x1xf32>
    %slice3A_217 = vector.extract_strided_slice %slice3A_216 {offsets = [0, 0], sizes = [320, 1], strides = [1, 1]} : vector<2560x1xf32> to vector<320x1xf32>
    %eq3A_218 = vector.broadcast %slice3A_217 : vector<320x1xf32> to vector<320x320xf32>
    %eq3A_219 = vector.broadcast %get3A_70 : vector<1x320xf32> to vector<320x320xf32>
    %eq3A_220 = arith.cmpf oeq, %eq3A_218, %eq3A_219 : vector<320x320xf32>
    %convert_element_type3A_221 = arith.extui %eq3A_220 : vector<320x320xi1> to vector<320x320xi32>
    %convert_element_type3A_222 = arith.sitofp %convert_element_type3A_221 : vector<320x320xi32> to vector<320x320xf32>
    %mul3A_223 = arith.mulf %get3A_67, %convert_element_type3A_222 : vector<320x320xf32>
    %slice3A_224 = vector.extract_strided_slice %concatenate3A {offsets = [0, 0], sizes = [320, 384], strides = [1, 1]} : vector<2560x384xf32> to vector<320x384xf32>
    %convert_element_type3A_225 = arith.truncf %slice3A_224 : vector<320x384xf32> to vector<320x384xbf16>
    %convert_element_type3A_226 = arith.truncf %mul3A_223 : vector<320x320xf32> to vector<320x320xbf16>
    %dot_general3A_227 = arith.constant dense<0.000000e+00> : vector<320x384xf32>
    %dot_general3A_228 = tpu.matmul %convert_element_type3A_226, %convert_element_type3A_225, %dot_general3A_227 {dimension_numbers = #tpu.dot_dimension_numbers<[1], [0], [0], [1], [0, 0, 1, 1], [], []>, transpose_lhs_hint = false} : vector<320x320xbf16>, vector<320x384xbf16>, vector<320x384xf32> -> vector<320x384xf32>
    %slice3A_229 = vector.extract_strided_slice %slice3A_216 {offsets = [320, 0], sizes = [320, 1], strides = [1, 1]} : vector<2560x1xf32> to vector<320x1xf32>
    %eq3A_230 = vector.broadcast %slice3A_229 : vector<320x1xf32> to vector<320x320xf32>
    %eq3A_231 = vector.broadcast %get3A_70 : vector<1x320xf32> to vector<320x320xf32>
    %eq3A_232 = arith.cmpf oeq, %eq3A_230, %eq3A_231 : vector<320x320xf32>
    %convert_element_type3A_233 = arith.extui %eq3A_232 : vector<320x320xi1> to vector<320x320xi32>
    %convert_element_type3A_234 = arith.sitofp %convert_element_type3A_233 : vector<320x320xi32> to vector<320x320xf32>
    %mul3A_235 = arith.mulf %get3A_67, %convert_element_type3A_234 : vector<320x320xf32>
    %slice3A_236 = vector.extract_strided_slice %concatenate3A {offsets = [320, 0], sizes = [320, 384], strides = [1, 1]} : vector<2560x384xf32> to vector<320x384xf32>
    %convert_element_type3A_237 = arith.truncf %slice3A_236 : vector<320x384xf32> to vector<320x384xbf16>
    %convert_element_type3A_238 = arith.truncf %mul3A_235 : vector<320x320xf32> to vector<320x320xbf16>
    %dot_general3A_239 = arith.constant dense<0.000000e+00> : vector<320x384xf32>
    %dot_general3A_240 = tpu.matmul %convert_element_type3A_238, %convert_element_type3A_237, %dot_general3A_239 {dimension_numbers = #tpu.dot_dimension_numbers<[1], [0], [0], [1], [0, 0, 1, 1], [], []>, transpose_lhs_hint = false} : vector<320x320xbf16>, vector<320x384xbf16>, vector<320x384xf32> -> vector<320x384xf32>
    %slice3A_241 = vector.extract_strided_slice %slice3A_216 {offsets = [640, 0], sizes = [320, 1], strides = [1, 1]} : vector<2560x1xf32> to vector<320x1xf32>
    %eq3A_242 = vector.broadcast %slice3A_241 : vector<320x1xf32> to vector<320x320xf32>
    %eq3A_243 = vector.broadcast %get3A_70 : vector<1x320xf32> to vector<320x320xf32>
    %eq3A_244 = arith.cmpf oeq, %eq3A_242, %eq3A_243 : vector<320x320xf32>
    %convert_element_type3A_245 = arith.extui %eq3A_244 : vector<320x320xi1> to vector<320x320xi32>
    %convert_element_type3A_246 = arith.sitofp %convert_element_type3A_245 : vector<320x320xi32> to vector<320x320xf32>
    %mul3A_247 = arith.mulf %get3A_67, %convert_element_type3A_246 : vector<320x320xf32>
    %slice3A_248 = vector.extract_strided_slice %concatenate3A {offsets = [640, 0], sizes = [320, 384], strides = [1, 1]} : vector<2560x384xf32> to vector<320x384xf32>
    %convert_element_type3A_249 = arith.truncf %slice3A_248 : vector<320x384xf32> to vector<320x384xbf16>
    %convert_element_type3A_250 = arith.truncf %mul3A_247 : vector<320x320xf32> to vector<320x320xbf16>
    %dot_general3A_251 = arith.constant dense<0.000000e+00> : vector<320x384xf32>
    %dot_general3A_252 = tpu.matmul %convert_element_type3A_250, %convert_element_type3A_249, %dot_general3A_251 {dimension_numbers = #tpu.dot_dimension_numbers<[1], [0], [0], [1], [0, 0, 1, 1], [], []>, transpose_lhs_hint = false} : vector<320x320xbf16>, vector<320x384xbf16>, vector<320x384xf32> -> vector<320x384xf32>
    %slice3A_253 = vector.extract_strided_slice %slice3A_216 {offsets = [960, 0], sizes = [320, 1], strides = [1, 1]} : vector<2560x1xf32> to vector<320x1xf32>
    %eq3A_254 = vector.broadcast %slice3A_253 : vector<320x1xf32> to vector<320x320xf32>
    %eq3A_255 = vector.broadcast %get3A_70 : vector<1x320xf32> to vector<320x320xf32>
    %eq3A_256 = arith.cmpf oeq, %eq3A_254, %eq3A_255 : vector<320x320xf32>
    %convert_element_type3A_257 = arith.extui %eq3A_256 : vector<320x320xi1> to vector<320x320xi32>
    %convert_element_type3A_258 = arith.sitofp %convert_element_type3A_257 : vector<320x320xi32> to vector<320x320xf32>
    %mul3A_259 = arith.mulf %get3A_67, %convert_element_type3A_258 : vector<320x320xf32>
    %slice3A_260 = vector.extract_strided_slice %concatenate3A {offsets = [960, 0], sizes = [320, 384], strides = [1, 1]} : vector<2560x384xf32> to vector<320x384xf32>
    %convert_element_type3A_261 = arith.truncf %slice3A_260 : vector<320x384xf32> to vector<320x384xbf16>
    %convert_element_type3A_262 = arith.truncf %mul3A_259 : vector<320x320xf32> to vector<320x320xbf16>
    %dot_general3A_263 = arith.constant dense<0.000000e+00> : vector<320x384xf32>
    %dot_general3A_264 = tpu.matmul %convert_element_type3A_262, %convert_element_type3A_261, %dot_general3A_263 {dimension_numbers = #tpu.dot_dimension_numbers<[1], [0], [0], [1], [0, 0, 1, 1], [], []>, transpose_lhs_hint = false} : vector<320x320xbf16>, vector<320x384xbf16>, vector<320x384xf32> -> vector<320x384xf32>
    %slice3A_265 = vector.extract_strided_slice %slice3A_216 {offsets = [1280, 0], sizes = [320, 1], strides = [1, 1]} : vector<2560x1xf32> to vector<320x1xf32>
    %eq3A_266 = vector.broadcast %slice3A_265 : vector<320x1xf32> to vector<320x320xf32>
    %eq3A_267 = vector.broadcast %get3A_70 : vector<1x320xf32> to vector<320x320xf32>
    %eq3A_268 = arith.cmpf oeq, %eq3A_266, %eq3A_267 : vector<320x320xf32>
    %convert_element_type3A_269 = arith.extui %eq3A_268 : vector<320x320xi1> to vector<320x320xi32>
    %convert_element_type3A_270 = arith.sitofp %convert_element_type3A_269 : vector<320x320xi32> to vector<320x320xf32>
    %mul3A_271 = arith.mulf %get3A_67, %convert_element_type3A_270 : vector<320x320xf32>
    %slice3A_272 = vector.extract_strided_slice %concatenate3A {offsets = [1280, 0], sizes = [320, 384], strides = [1, 1]} : vector<2560x384xf32> to vector<320x384xf32>
    %convert_element_type3A_273 = arith.truncf %slice3A_272 : vector<320x384xf32> to vector<320x384xbf16>
    %convert_element_type3A_274 = arith.truncf %mul3A_271 : vector<320x320xf32> to vector<320x320xbf16>
    %dot_general3A_275 = arith.constant dense<0.000000e+00> : vector<320x384xf32>
    %dot_general3A_276 = tpu.matmul %convert_element_type3A_274, %convert_element_type3A_273, %dot_general3A_275 {dimension_numbers = #tpu.dot_dimension_numbers<[1], [0], [0], [1], [0, 0, 1, 1], [], []>, transpose_lhs_hint = false} : vector<320x320xbf16>, vector<320x384xbf16>, vector<320x384xf32> -> vector<320x384xf32>
    %slice3A_277 = vector.extract_strided_slice %slice3A_216 {offsets = [1600, 0], sizes = [320, 1], strides = [1, 1]} : vector<2560x1xf32> to vector<320x1xf32>
    %eq3A_278 = vector.broadcast %slice3A_277 : vector<320x1xf32> to vector<320x320xf32>
    %eq3A_279 = vector.broadcast %get3A_70 : vector<1x320xf32> to vector<320x320xf32>
    %eq3A_280 = arith.cmpf oeq, %eq3A_278, %eq3A_279 : vector<320x320xf32>
    %convert_element_type3A_281 = arith.extui %eq3A_280 : vector<320x320xi1> to vector<320x320xi32>
    %convert_element_type3A_282 = arith.sitofp %convert_element_type3A_281 : vector<320x320xi32> to vector<320x320xf32>
    %mul3A_283 = arith.mulf %get3A_67, %convert_element_type3A_282 : vector<320x320xf32>
    %slice3A_284 = vector.extract_strided_slice %concatenate3A {offsets = [1600, 0], sizes = [320, 384], strides = [1, 1]} : vector<2560x384xf32> to vector<320x384xf32>
    %convert_element_type3A_285 = arith.truncf %slice3A_284 : vector<320x384xf32> to vector<320x384xbf16>
    %convert_element_type3A_286 = arith.truncf %mul3A_283 : vector<320x320xf32> to vector<320x320xbf16>
    %dot_general3A_287 = arith.constant dense<0.000000e+00> : vector<320x384xf32>
    %dot_general3A_288 = tpu.matmul %convert_element_type3A_286, %convert_element_type3A_285, %dot_general3A_287 {dimension_numbers = #tpu.dot_dimension_numbers<[1], [0], [0], [1], [0, 0, 1, 1], [], []>, transpose_lhs_hint = false} : vector<320x320xbf16>, vector<320x384xbf16>, vector<320x384xf32> -> vector<320x384xf32>
    %slice3A_289 = vector.extract_strided_slice %slice3A_216 {offsets = [1920, 0], sizes = [320, 1], strides = [1, 1]} : vector<2560x1xf32> to vector<320x1xf32>
    %eq3A_290 = vector.broadcast %slice3A_289 : vector<320x1xf32> to vector<320x320xf32>
    %eq3A_291 = vector.broadcast %get3A_70 : vector<1x320xf32> to vector<320x320xf32>
    %eq3A_292 = arith.cmpf oeq, %eq3A_290, %eq3A_291 : vector<320x320xf32>
    %convert_element_type3A_293 = arith.extui %eq3A_292 : vector<320x320xi1> to vector<320x320xi32>
    %convert_element_type3A_294 = arith.sitofp %convert_element_type3A_293 : vector<320x320xi32> to vector<320x320xf32>
    %mul3A_295 = arith.mulf %get3A_67, %convert_element_type3A_294 : vector<320x320xf32>
    %slice3A_296 = vector.extract_strided_slice %concatenate3A {offsets = [1920, 0], sizes = [320, 384], strides = [1, 1]} : vector<2560x384xf32> to vector<320x384xf32>
    %convert_element_type3A_297 = arith.truncf %slice3A_296 : vector<320x384xf32> to vector<320x384xbf16>
    %convert_element_type3A_298 = arith.truncf %mul3A_295 : vector<320x320xf32> to vector<320x320xbf16>
    %dot_general3A_299 = arith.constant dense<0.000000e+00> : vector<320x384xf32>
    %dot_general3A_300 = tpu.matmul %convert_element_type3A_298, %convert_element_type3A_297, %dot_general3A_299 {dimension_numbers = #tpu.dot_dimension_numbers<[1], [0], [0], [1], [0, 0, 1, 1], [], []>, transpose_lhs_hint = false} : vector<320x320xbf16>, vector<320x384xbf16>, vector<320x384xf32> -> vector<320x384xf32>
    %slice3A_301 = vector.extract_strided_slice %slice3A_216 {offsets = [2240, 0], sizes = [320, 1], strides = [1, 1]} : vector<2560x1xf32> to vector<320x1xf32>
    %eq3A_302 = vector.broadcast %slice3A_301 : vector<320x1xf32> to vector<320x320xf32>
    %eq3A_303 = vector.broadcast %get3A_70 : vector<1x320xf32> to vector<320x320xf32>
    %eq3A_304 = arith.cmpf oeq, %eq3A_302, %eq3A_303 : vector<320x320xf32>
    %convert_element_type3A_305 = arith.extui %eq3A_304 : vector<320x320xi1> to vector<320x320xi32>
    %convert_element_type3A_306 = arith.sitofp %convert_element_type3A_305 : vector<320x320xi32> to vector<320x320xf32>
    %mul3A_307 = arith.mulf %get3A_67, %convert_element_type3A_306 : vector<320x320xf32>
    %slice3A_308 = vector.extract_strided_slice %concatenate3A {offsets = [2240, 0], sizes = [320, 384], strides = [1, 1]} : vector<2560x384xf32> to vector<320x384xf32>
    %convert_element_type3A_309 = arith.truncf %slice3A_308 : vector<320x384xf32> to vector<320x384xbf16>
    %convert_element_type3A_310 = arith.truncf %mul3A_307 : vector<320x320xf32> to vector<320x320xbf16>
    %dot_general3A_311 = arith.constant dense<0.000000e+00> : vector<320x384xf32>
    %dot_general3A_312 = tpu.matmul %convert_element_type3A_310, %convert_element_type3A_309, %dot_general3A_311 {dimension_numbers = #tpu.dot_dimension_numbers<[1], [0], [0], [1], [0, 0, 1, 1], [], []>, transpose_lhs_hint = false} : vector<320x320xbf16>, vector<320x384xbf16>, vector<320x384xf32> -> vector<320x384xf32>
    %concatenate3A_313 = tpu.concatenate %dot_general3A_228, %dot_general3A_240, %dot_general3A_252, %dot_general3A_264, %dot_general3A_276, %dot_general3A_288, %dot_general3A_300, %dot_general3A_312 in 0 : vector<320x384xf32>, vector<320x384xf32>, vector<320x384xf32>, vector<320x384xf32>, vector<320x384xf32>, vector<320x384xf32>, vector<320x384xf32>, vector<320x384xf32> -> vector<2560x384xf32>
    %get3A_314 = arith.constant 0 : index
    %get3A_315 = arith.constant 0 : index
    %get3A_316 = vector.load %arg9[%get3A_314, %get3A_315] : memref<1152x384xbf16, #tpu.memory_space<vmem>>, vector<1152x384xbf16>
    %convert_element_type3A_317 = arith.truncf %concatenate3A_313 : vector<2560x384xf32> to vector<2560x384xbf16>
    %dot_general3A_318 = arith.constant dense<0.000000e+00> : vector<2560x1152xf32>
    %dot_general3A_319 = tpu.matmul %convert_element_type3A_317, %get3A_316, %dot_general3A_318 {dimension_numbers = #tpu.dot_dimension_numbers<[1], [1], [0], [0], [0, 0, 1, 0], [], []>, transpose_lhs_hint = false} : vector<2560x384xbf16>, vector<1152x384xbf16>, vector<2560x1152xf32> -> vector<2560x1152xf32>
    %get3A_320 = arith.constant 0 : index
    %get3A_321 = arith.constant 0 : index
    %get3A_322 = vector.load %arg11[%get3A_320, %get3A_321] : memref<1x1152xf32, #tpu.memory_space<vmem>>, vector<1x1152xf32>
    %add3A_323 = vector.broadcast %get3A_322 : vector<1x1152xf32> to vector<2560x1152xf32>
    %add3A_324 = arith.addf %dot_general3A_319, %add3A_323 : vector<2560x1152xf32>
    %get3A_325 = arith.constant 0 : index
    %get3A_326 = arith.constant 0 : index
    %get3A_327 = vector.load %arg10[%get3A_325, %get3A_326] : memref<1152x384xbf16, #tpu.memory_space<vmem>>, vector<1152x384xbf16>
    %convert_element_type3A_328 = arith.truncf %add3A_215 : vector<2560x384xf32> to vector<2560x384xbf16>
    %dot_general3A_329 = arith.constant dense<0.000000e+00> : vector<2560x1152xf32>
    %dot_general3A_330 = tpu.matmul %convert_element_type3A_328, %get3A_327, %dot_general3A_329 {dimension_numbers = #tpu.dot_dimension_numbers<[1], [1], [0], [0], [0, 0, 1, 0], [], []>, transpose_lhs_hint = false} : vector<2560x384xbf16>, vector<1152x384xbf16>, vector<2560x1152xf32> -> vector<2560x1152xf32>
    %get3A_331 = arith.constant 0 : index
    %get3A_332 = arith.constant 0 : index
    %get3A_333 = vector.load %arg12[%get3A_331, %get3A_332] : memref<1x1152xf32, #tpu.memory_space<vmem>>, vector<1x1152xf32>
    %add3A_334 = vector.broadcast %get3A_333 : vector<1x1152xf32> to vector<2560x1152xf32>
    %add3A_335 = arith.addf %dot_general3A_330, %add3A_334 : vector<2560x1152xf32>
    %slice3A_336 = vector.extract_strided_slice %add3A_324 {offsets = [0, 0], sizes = [2560, 384], strides = [1, 1]} : vector<2560x1152xf32> to vector<2560x384xf32>
    %slice3A_337 = vector.extract_strided_slice %add3A_335 {offsets = [0, 0], sizes = [2560, 384], strides = [1, 1]} : vector<2560x1152xf32> to vector<2560x384xf32>
    %add3A_338 = arith.addf %slice3A_336, %slice3A_337 : vector<2560x384xf32>
    %logistic3A_339 = arith.negf %add3A_338 : vector<2560x384xf32>
    %logistic3A_340 = math.exp %logistic3A_339 : vector<2560x384xf32>
    %logistic3A_341 = arith.constant 1.000000e+00 : f32
    %logistic3A_342 = vector.broadcast %logistic3A_341 : f32 to vector<2560x384xf32>
    %logistic3A_343 = arith.addf %logistic3A_342, %logistic3A_340 : vector<2560x384xf32>
    %logistic3A_344 = arith.divf %logistic3A_342, %logistic3A_343 : vector<2560x384xf32>
    %slice3A_345 = vector.extract_strided_slice %add3A_324 {offsets = [0, 384], sizes = [2560, 384], strides = [1, 1]} : vector<2560x1152xf32> to vector<2560x384xf32>
    %slice3A_346 = vector.extract_strided_slice %add3A_335 {offsets = [0, 384], sizes = [2560, 384], strides = [1, 1]} : vector<2560x1152xf32> to vector<2560x384xf32>
    %add3A_347 = arith.addf %slice3A_345, %slice3A_346 : vector<2560x384xf32>
    %logistic3A_348 = arith.negf %add3A_347 : vector<2560x384xf32>
    %logistic3A_349 = math.exp %logistic3A_348 : vector<2560x384xf32>
    %logistic3A_350 = arith.constant 1.000000e+00 : f32
    %logistic3A_351 = vector.broadcast %logistic3A_350 : f32 to vector<2560x384xf32>
    %logistic3A_352 = arith.addf %logistic3A_351, %logistic3A_349 : vector<2560x384xf32>
    %logistic3A_353 = arith.divf %logistic3A_351, %logistic3A_352 : vector<2560x384xf32>
    %slice3A_354 = vector.extract_strided_slice %add3A_324 {offsets = [0, 768], sizes = [2560, 384], strides = [1, 1]} : vector<2560x1152xf32> to vector<2560x384xf32>
    %slice3A_355 = vector.extract_strided_slice %add3A_335 {offsets = [0, 768], sizes = [2560, 384], strides = [1, 1]} : vector<2560x1152xf32> to vector<2560x384xf32>
    %mul3A_356 = arith.mulf %logistic3A_344, %slice3A_355 : vector<2560x384xf32>
    %add3A_357 = arith.addf %slice3A_354, %mul3A_356 : vector<2560x384xf32>
    %tanh3A_358 = math.tanh %add3A_357 : vector<2560x384xf32>
    %sub3A_359 = arith.constant 1.000000e+00 : f32
    %sub3A_360 = vector.broadcast %sub3A_359 : f32 to vector<2560x384xf32>
    %sub3A_361 = arith.subf %sub3A_360, %logistic3A_353 : vector<2560x384xf32>
    %mul3A_362 = arith.mulf %sub3A_361, %tanh3A_358 : vector<2560x384xf32>
    %mul3A_363 = arith.mulf %logistic3A_353, %add3A_215 : vector<2560x384xf32>
    %add3A_364 = arith.addf %mul3A_362, %mul3A_363 : vector<2560x384xf32>
    %get3A_365 = arith.constant 0 : index
    %get3A_366 = arith.constant 0 : index
    %get3A_367 = vector.load %arg13[%get3A_365, %get3A_366] : memref<128x384xbf16, #tpu.memory_space<vmem>>, vector<128x384xbf16>
    %convert_element_type3A_368 = arith.truncf %concatenate3A : vector<2560x384xf32> to vector<2560x384xbf16>
    %dot_general3A_369 = arith.constant dense<0.000000e+00> : vector<2560x128xf32>
    %dot_general3A_370 = tpu.matmul %convert_element_type3A_368, %get3A_367, %dot_general3A_369 {dimension_numbers = #tpu.dot_dimension_numbers<[1], [1], [0], [0], [0, 0, 1, 0], [], []>, transpose_lhs_hint = false} : vector<2560x384xbf16>, vector<128x384xbf16>, vector<2560x128xf32> -> vector<2560x128xf32>
    %get3A_371 = arith.constant 0 : index
    %get3A_372 = arith.constant 0 : index
    %get3A_373 = vector.load %arg14[%get3A_371, %get3A_372] : memref<128x384xbf16, #tpu.memory_space<vmem>>, vector<128x384xbf16>
    %convert_element_type3A_374 = arith.truncf %add3A_364 : vector<2560x384xf32> to vector<2560x384xbf16>
    %dot_general3A_375 = arith.constant dense<0.000000e+00> : vector<2560x128xf32>
    %dot_general3A_376 = tpu.matmul %convert_element_type3A_374, %get3A_373, %dot_general3A_375 {dimension_numbers = #tpu.dot_dimension_numbers<[1], [1], [0], [0], [0, 0, 1, 0], [], []>, transpose_lhs_hint = false} : vector<2560x384xbf16>, vector<128x384xbf16>, vector<2560x128xf32> -> vector<2560x128xf32>
    %add3A_377 = arith.addf %dot_general3A_370, %dot_general3A_376 : vector<2560x128xf32>
    %get3A_378 = arith.constant 0 : index
    %get3A_379 = arith.constant 0 : index
    %get3A_380 = vector.load %arg15[%get3A_378, %get3A_379] : memref<1x128xf32, #tpu.memory_space<vmem>>, vector<1x128xf32>
    %max3A = arith.constant 0.000000e+00 : f32
    %max3A_381 = vector.broadcast %max3A : f32 to vector<2560x128xf32>
    %max3A_382 = arith.maximumf %add3A_377, %max3A_381 : vector<2560x128xf32>
    %min3A = arith.constant 0.000000e+00 : f32
    %min3A_383 = vector.broadcast %min3A : f32 to vector<2560x128xf32>
    %min3A_384 = arith.minimumf %add3A_377, %min3A_383 : vector<2560x128xf32>
    %mul3A_385 = vector.broadcast %get3A_380 : vector<1x128xf32> to vector<2560x128xf32>
    %mul3A_386 = arith.mulf %mul3A_385, %min3A_384 : vector<2560x128xf32>
    %add3A_387 = arith.addf %max3A_382, %mul3A_386 : vector<2560x128xf32>
    %swap3A = arith.constant 0 : index
    %swap3A_388 = arith.constant 0 : index
    %swap3A_389 = vector.load %arg16[%swap3A, %swap3A_388] : memref<2560x128xf32, #tpu.memory_space<vmem>>, vector<2560x128xf32>
    tpu.vector_store %arg16[%swap3A, %swap3A_388], %add3A_387 {strides = array<i32>} : memref<2560x128xf32, #tpu.memory_space<vmem>>, vector<2560x128xf32>,
    %eq3A_390 = arith.constant 0 : i32
    %eq3A_391 = arith.cmpi eq, %arg0, %eq3A_390 : i32
    %convert_element_type3A_392 = arith.extui %eq3A_391 : i1 to i32
    %cond3A = arith.constant 0 : i32
    %cond3A_393 = arith.cmpi ne, %convert_element_type3A_392, %cond3A : i32
    scf.if %cond3A_393 {
      %broadcast_in_dim3A_414 = arith.constant 0.000000e+00 : f32
      %broadcast_in_dim3A_415 = vector.broadcast %broadcast_in_dim3A_414 : f32 to vector<1x128xf32>
      %swap3A_416 = arith.constant 0 : index
      %swap3A_417 = arith.constant 0 : index
      %swap3A_418 = vector.load %arg17[%swap3A_416, %swap3A_417] : memref<1x128xf32, #tpu.memory_space<vmem>>, vector<1x128xf32>
      tpu.vector_store %arg17[%swap3A_416, %swap3A_417], %broadcast_in_dim3A_415 {strides = array<i32>} : memref<1x128xf32, #tpu.memory_space<vmem>>, vector<1x128xf32>,
      %broadcast_in_dim3A_419 = arith.constant 0.000000e+00 : f32
      %broadcast_in_dim3A_420 = vector.broadcast %broadcast_in_dim3A_419 : f32 to vector<1x128xf32>
      %swap3A_421 = arith.constant 0 : index
      %swap3A_422 = arith.constant 0 : index
      %swap3A_423 = vector.load %arg18[%swap3A_421, %swap3A_422] : memref<1x128xf32, #tpu.memory_space<vmem>>, vector<1x128xf32>
      tpu.vector_store %arg18[%swap3A_421, %swap3A_422], %broadcast_in_dim3A_420 {strides = array<i32>} : memref<1x128xf32, #tpu.memory_space<vmem>>, vector<1x128xf32>,
    } else {
    }
    %get3A_394 = arith.constant 0 : index
    %get3A_395 = arith.constant 0 : index
    %get3A_396 = vector.load %arg17[%get3A_394, %get3A_395] : memref<1x128xf32, #tpu.memory_space<vmem>>, vector<1x128xf32>
    %reduce_sum3A = arith.constant dense<0.000000e+00> : vector<128xf32>
    %reduce_sum3A_397 = vector.multi_reduction <add>, %add3A_387, %reduce_sum3A [0] : vector<2560x128xf32> to vector<128xf32>
    %broadcast_in_dim3A_398 = vector.shape_cast %reduce_sum3A_397 : vector<128xf32> to vector<1x128xf32>
    %add3A_399 = arith.addf %get3A_396, %broadcast_in_dim3A_398 : vector<1x128xf32>
    %swap3A_400 = arith.constant 0 : index
    %swap3A_401 = arith.constant 0 : index
    %swap3A_402 = vector.load %arg17[%swap3A_400, %swap3A_401] : memref<1x128xf32, #tpu.memory_space<vmem>>, vector<1x128xf32>
    tpu.vector_store %arg17[%swap3A_400, %swap3A_401], %add3A_399 {strides = array<i32>} : memref<1x128xf32, #tpu.memory_space<vmem>>, vector<1x128xf32>,
    %get3A_403 = arith.constant 0 : index
    %get3A_404 = arith.constant 0 : index
    %get3A_405 = vector.load %arg18[%get3A_403, %get3A_404] : memref<1x128xf32, #tpu.memory_space<vmem>>, vector<1x128xf32>
    %mul3A_406 = arith.mulf %add3A_387, %add3A_387 : vector<2560x128xf32>
    %reduce_sum3A_407 = arith.constant dense<0.000000e+00> : vector<128xf32>
    %reduce_sum3A_408 = vector.multi_reduction <add>, %mul3A_406, %reduce_sum3A_407 [0] : vector<2560x128xf32> to vector<128xf32>
    %broadcast_in_dim3A_409 = vector.shape_cast %reduce_sum3A_408 : vector<128xf32> to vector<1x128xf32>
    %add3A_410 = arith.addf %get3A_405, %broadcast_in_dim3A_409 : vector<1x128xf32>
    %swap3A_411 = arith.constant 0 : index
    %swap3A_412 = arith.constant 0 : index
    %swap3A_413 = vector.load %arg18[%swap3A_411, %swap3A_412] : memref<1x128xf32, #tpu.memory_space<vmem>>, vector<1x128xf32>
    tpu.vector_store %arg18[%swap3A_411, %swap3A_412], %add3A_410 {strides = array<i32>} : memref<1x128xf32, #tpu.memory_space<vmem>>, vector<1x128xf32>,
    return
  }
  func.func @transform_0(%arg0: i32) -> (i32, i32) {
    %c0_i32 = arith.constant 0 : i32
    %c0_i32_0 = arith.constant 0 : i32
    return %arg0, %c0_i32 : i32, i32
  }
  func.func @transform_1(%arg0: i32) -> (i32, i32) {
    %c0_i32 = arith.constant 0 : i32
    %c0_i32_0 = arith.constant 0 : i32
    return %arg0, %c0_i32 : i32, i32
  }
  func.func @transform_2(%arg0: i32) -> (i32, i32) {
    %c0_i32 = arith.constant 0 : i32
    %c0_i32_0 = arith.constant 0 : i32
    return %arg0, %c0_i32 : i32, i32
  }
  func.func @transform_3(%arg0: i32) -> (i32, i32) {
    %c0_i32 = arith.constant 0 : i32
    %c0_i32_0 = arith.constant 0 : i32
    return %arg0, %c0_i32 : i32, i32
  }
  func.func @transform_4(%arg0: i32) -> (i32, i32) {
    %c0_i32 = arith.constant 0 : i32
    %c0_i32_0 = arith.constant 0 : i32
    %c0_i32_1 = arith.constant 0 : i32
    return %c0_i32, %c0_i32_0 : i32, i32
  }
  func.func @transform_5(%arg0: i32) -> (i32, i32) {
    %c0_i32 = arith.constant 0 : i32
    %c0_i32_0 = arith.constant 0 : i32
    %c0_i32_1 = arith.constant 0 : i32
    return %c0_i32, %c0_i32_0 : i32, i32
  }
  func.func @transform_6(%arg0: i32) -> (i32, i32) {
    %c0_i32 = arith.constant 0 : i32
    %c0_i32_0 = arith.constant 0 : i32
    %c0_i32_1 = arith.constant 0 : i32
    return %c0_i32, %c0_i32_0 : i32, i32
  }
  func.func @transform_7(%arg0: i32) -> (i32, i32) {
    %c0_i32 = arith.constant 0 : i32
    %c0_i32_0 = arith.constant 0 : i32
    %c0_i32_1 = arith.constant 0 : i32
    return %c0_i32, %c0_i32_0 : i32, i32
  }
  func.func @transform_8(%arg0: i32) -> (i32, i32) {
    %c0_i32 = arith.constant 0 : i32
    %c0_i32_0 = arith.constant 0 : i32
    %c0_i32_1 = arith.constant 0 : i32
    return %c0_i32, %c0_i32_0 : i32, i32
  }
  func.func @transform_9(%arg0: i32) -> (i32, i32) {
    %c0_i32 = arith.constant 0 : i32
    %c0_i32_0 = arith.constant 0 : i32
    %c0_i32_1 = arith.constant 0 : i32
    return %c0_i32, %c0_i32_0 : i32, i32
  }
  func.func @transform_10(%arg0: i32) -> (i32, i32) {
    %c0_i32 = arith.constant 0 : i32
    %c0_i32_0 = arith.constant 0 : i32
    %c0_i32_1 = arith.constant 0 : i32
    return %c0_i32, %c0_i32_0 : i32, i32
  }
  func.func @transform_11(%arg0: i32) -> (i32, i32) {
    %c0_i32 = arith.constant 0 : i32
    %c0_i32_0 = arith.constant 0 : i32
    %c0_i32_1 = arith.constant 0 : i32
    return %c0_i32, %c0_i32_0 : i32, i32
  }
  func.func @transform_12(%arg0: i32) -> (i32, i32) {
    %c0_i32 = arith.constant 0 : i32
    %c0_i32_0 = arith.constant 0 : i32
    %c0_i32_1 = arith.constant 0 : i32
    return %c0_i32, %c0_i32_0 : i32, i32
  }
  func.func @transform_13(%arg0: i32) -> (i32, i32) {
    %c0_i32 = arith.constant 0 : i32
    %c0_i32_0 = arith.constant 0 : i32
    %c0_i32_1 = arith.constant 0 : i32
    return %c0_i32, %c0_i32_0 : i32, i32
  }
  func.func @transform_14(%arg0: i32) -> (i32, i32) {
    %c0_i32 = arith.constant 0 : i32
    %c0_i32_0 = arith.constant 0 : i32
    %c0_i32_1 = arith.constant 0 : i32
    return %c0_i32, %c0_i32_0 : i32, i32
  }
  func.func @transform_15(%arg0: i32) -> (i32, i32) {
    %c0_i32 = arith.constant 0 : i32
    %c0_i32_0 = arith.constant 0 : i32
    return %arg0, %c0_i32 : i32, i32
  }
  func.func @transform_16(%arg0: i32) -> (i32, i32) {
    %c0_i32 = arith.constant 0 : i32
    %c0_i32_0 = arith.constant 0 : i32
    %c0_i32_1 = arith.constant 0 : i32
    return %c0_i32, %c0_i32_0 : i32, i32
  }
  func.func @transform_17(%arg0: i32) -> (i32, i32) {
    %c0_i32 = arith.constant 0 : i32
    %c0_i32_0 = arith.constant 0 : i32
    %c0_i32_1 = arith.constant 0 : i32
    return %c0_i32, %c0_i32_0 : i32, i32
  }
}

module attributes {stable_mosaic.version = 14 : i64} {
  func.func @_sgat_body(%arg0: i32, %arg1: memref<2560x128xf32, #tpu.memory_space<vmem>>, %arg2: memref<2560x128xf32, #tpu.memory_space<vmem>>, %arg3: memref<2560x4xf32, #tpu.memory_space<vmem>>, %arg4: memref<8x128xf32, #tpu.memory_space<vmem>>, %arg5: memref<8x128xf32, #tpu.memory_space<vmem>>, %arg6: memref<320x320xf32, #tpu.memory_space<vmem>>, %arg7: memref<1x320xf32, #tpu.memory_space<vmem>>, %arg8: memref<128x256xbf16, #tpu.memory_space<vmem>>, %arg9: memref<1x128xf32, #tpu.memory_space<vmem>>, %arg10: memref<128x256xbf16, #tpu.memory_space<vmem>>, %arg11: memref<128x256xbf16, #tpu.memory_space<vmem>>, %arg12: memref<1x128xf32, #tpu.memory_space<vmem>>, %arg13: memref<1x128xf32, #tpu.memory_space<vmem>>, %arg14: memref<2560x128xf32, #tpu.memory_space<vmem>>, %arg15: memref<1x128xf32, #tpu.memory_space<vmem>>, %arg16: memref<1x128xf32, #tpu.memory_space<vmem>>) attributes {dimension_semantics = [#tpu.dimension_semantics<arbitrary>], iteration_bounds = array<i64: 8>, scalar_prefetch = 0 : i64, scratch_operands = 0 : i64, tpu.core_type = #tpu.core_type<tc>, window_params = [{transform_indices = @transform_0, window_bounds = array<i64: 2560, 128>}, {transform_indices = @transform_1, window_bounds = array<i64: 2560, 128>}, {transform_indices = @transform_2, window_bounds = array<i64: 2560, 4>}, {pipeline_mode = #tpu.pipeline_mode<synchronous>, transform_indices = @transform_3, window_bounds = array<i64: 8, 128>}, {pipeline_mode = #tpu.pipeline_mode<synchronous>, transform_indices = @transform_4, window_bounds = array<i64: 8, 128>}, {pipeline_mode = #tpu.pipeline_mode<synchronous>, transform_indices = @transform_5, window_bounds = array<i64: 320, 320>}, {pipeline_mode = #tpu.pipeline_mode<synchronous>, transform_indices = @transform_6, window_bounds = array<i64: 1, 320>}, {pipeline_mode = #tpu.pipeline_mode<synchronous>, transform_indices = @transform_7, window_bounds = array<i64: 128, 256>}, {pipeline_mode = #tpu.pipeline_mode<synchronous>, transform_indices = @transform_8, window_bounds = array<i64: 1, 128>}, {pipeline_mode = #tpu.pipeline_mode<synchronous>, transform_indices = @transform_9, window_bounds = array<i64: 128, 256>}, {pipeline_mode = #tpu.pipeline_mode<synchronous>, transform_indices = @transform_10, window_bounds = array<i64: 128, 256>}, {pipeline_mode = #tpu.pipeline_mode<synchronous>, transform_indices = @transform_11, window_bounds = array<i64: 1, 128>}, {pipeline_mode = #tpu.pipeline_mode<synchronous>, transform_indices = @transform_12, window_bounds = array<i64: 1, 128>}, {transform_indices = @transform_13, window_bounds = array<i64: 2560, 128>}, {pipeline_mode = #tpu.pipeline_mode<synchronous>, transform_indices = @transform_14, window_bounds = array<i64: 1, 128>}, {pipeline_mode = #tpu.pipeline_mode<synchronous>, transform_indices = @transform_15, window_bounds = array<i64: 1, 128>}]} {
    %get3A = arith.constant 0 : index
    %get3A_0 = arith.constant 0 : index
    %get3A_1 = vector.load %arg4[%get3A, %get3A_0] : memref<8x128xf32, #tpu.memory_space<vmem>>, vector<8x128xf32>
    %get3A_2 = arith.constant 0 : index
    %get3A_3 = arith.constant 0 : index
    %get3A_4 = vector.load %arg5[%get3A_2, %get3A_3] : memref<8x128xf32, #tpu.memory_space<vmem>>, vector<8x128xf32>
    %get3A_5 = arith.constant 0 : index
    %get3A_6 = arith.constant 0 : index
    %get3A_7 = vector.load %arg1[%get3A_5, %get3A_6] : memref<2560x128xf32, #tpu.memory_space<vmem>>, vector<2560x128xf32>
    %slice3A = vector.extract_strided_slice %get3A_1 {offsets = [0, 0], sizes = [1, 128], strides = [1, 1]} : vector<8x128xf32> to vector<1x128xf32>
    %slice3A_8 = vector.extract_strided_slice %get3A_4 {offsets = [0, 0], sizes = [1, 128], strides = [1, 1]} : vector<8x128xf32> to vector<1x128xf32>
    %div3A = arith.constant 2.048000e+04 : f32
    %div3A_9 = vector.broadcast %div3A : f32 to vector<1x128xf32>
    %div3A_10 = arith.divf %slice3A, %div3A_9 : vector<1x128xf32>
    %div3A_11 = arith.constant 2.048000e+04 : f32
    %div3A_12 = vector.broadcast %div3A_11 : f32 to vector<1x128xf32>
    %div3A_13 = arith.divf %slice3A_8, %div3A_12 : vector<1x128xf32>
    %mul3A = arith.mulf %div3A_10, %div3A_10 : vector<1x128xf32>
    %sub3A = arith.subf %div3A_13, %mul3A : vector<1x128xf32>
    %sub3A_14 = vector.broadcast %div3A_10 : vector<1x128xf32> to vector<2560x128xf32>
    %sub3A_15 = arith.subf %get3A_7, %sub3A_14 : vector<2560x128xf32>
    %add3A = arith.constant 9.99999974E-6 : f32
    %add3A_16 = vector.broadcast %add3A : f32 to vector<1x128xf32>
    %add3A_17 = arith.addf %sub3A, %add3A_16 : vector<1x128xf32>
    %rsqrt3A = math.rsqrt %add3A_17 : vector<1x128xf32>
    %mul3A_18 = vector.broadcast %rsqrt3A : vector<1x128xf32> to vector<2560x128xf32>
    %mul3A_19 = arith.mulf %sub3A_15, %mul3A_18 : vector<2560x128xf32>
    %get3A_20 = arith.constant 0 : index
    %get3A_21 = arith.constant 0 : index
    %get3A_22 = vector.load %arg2[%get3A_20, %get3A_21] : memref<2560x128xf32, #tpu.memory_space<vmem>>, vector<2560x128xf32>
    %slice3A_23 = vector.extract_strided_slice %get3A_1 {offsets = [1, 0], sizes = [1, 128], strides = [1, 1]} : vector<8x128xf32> to vector<1x128xf32>
    %slice3A_24 = vector.extract_strided_slice %get3A_4 {offsets = [1, 0], sizes = [1, 128], strides = [1, 1]} : vector<8x128xf32> to vector<1x128xf32>
    %div3A_25 = arith.constant 2.048000e+04 : f32
    %div3A_26 = vector.broadcast %div3A_25 : f32 to vector<1x128xf32>
    %div3A_27 = arith.divf %slice3A_23, %div3A_26 : vector<1x128xf32>
    %div3A_28 = arith.constant 2.048000e+04 : f32
    %div3A_29 = vector.broadcast %div3A_28 : f32 to vector<1x128xf32>
    %div3A_30 = arith.divf %slice3A_24, %div3A_29 : vector<1x128xf32>
    %mul3A_31 = arith.mulf %div3A_27, %div3A_27 : vector<1x128xf32>
    %sub3A_32 = arith.subf %div3A_30, %mul3A_31 : vector<1x128xf32>
    %sub3A_33 = vector.broadcast %div3A_27 : vector<1x128xf32> to vector<2560x128xf32>
    %sub3A_34 = arith.subf %get3A_22, %sub3A_33 : vector<2560x128xf32>
    %add3A_35 = arith.constant 9.99999974E-6 : f32
    %add3A_36 = vector.broadcast %add3A_35 : f32 to vector<1x128xf32>
    %add3A_37 = arith.addf %sub3A_32, %add3A_36 : vector<1x128xf32>
    %rsqrt3A_38 = math.rsqrt %add3A_37 : vector<1x128xf32>
    %mul3A_39 = vector.broadcast %rsqrt3A_38 : vector<1x128xf32> to vector<2560x128xf32>
    %mul3A_40 = arith.mulf %sub3A_34, %mul3A_39 : vector<2560x128xf32>
    %concatenate3A = tpu.concatenate %mul3A_19, %mul3A_40 in 1 : vector<2560x128xf32>, vector<2560x128xf32> -> vector<2560x256xf32>
    %get3A_41 = arith.constant 0 : index
    %get3A_42 = arith.constant 0 : index
    %get3A_43 = vector.load %arg8[%get3A_41, %get3A_42] : memref<128x256xbf16, #tpu.memory_space<vmem>>, vector<128x256xbf16>
    %convert_element_type3A = arith.truncf %concatenate3A : vector<2560x256xf32> to vector<2560x256xbf16>
    %dot_general3A = arith.constant dense<0.000000e+00> : vector<2560x128xf32>
    %dot_general3A_44 = tpu.matmul %convert_element_type3A, %get3A_43, %dot_general3A {dimension_numbers = #tpu.dot_dimension_numbers<[1], [1], [0], [0], [0, 0, 1, 0], [], []>, transpose_lhs_hint = false} : vector<2560x256xbf16>, vector<128x256xbf16>, vector<2560x128xf32> -> vector<2560x128xf32>
    %get3A_45 = arith.constant 0 : index
    %get3A_46 = arith.constant 0 : index
    %get3A_47 = vector.load %arg9[%get3A_45, %get3A_46] : memref<1x128xf32, #tpu.memory_space<vmem>>, vector<1x128xf32>
    %add3A_48 = vector.broadcast %get3A_47 : vector<1x128xf32> to vector<2560x128xf32>
    %add3A_49 = arith.addf %dot_general3A_44, %add3A_48 : vector<2560x128xf32>
    %get3A_50 = arith.constant 0 : index
    %get3A_51 = arith.constant 0 : index
    %get3A_52 = vector.load %arg10[%get3A_50, %get3A_51] : memref<128x256xbf16, #tpu.memory_space<vmem>>, vector<128x256xbf16>
    %convert_element_type3A_53 = arith.truncf %concatenate3A : vector<2560x256xf32> to vector<2560x256xbf16>
    %dot_general3A_54 = arith.constant dense<0.000000e+00> : vector<2560x128xf32>
    %dot_general3A_55 = tpu.matmul %convert_element_type3A_53, %get3A_52, %dot_general3A_54 {dimension_numbers = #tpu.dot_dimension_numbers<[1], [1], [0], [0], [0, 0, 1, 0], [], []>, transpose_lhs_hint = false} : vector<2560x256xbf16>, vector<128x256xbf16>, vector<2560x128xf32> -> vector<2560x128xf32>
    %get3A_56 = arith.constant 0 : index
    %get3A_57 = arith.constant 0 : index
    %get3A_58 = vector.load %arg11[%get3A_56, %get3A_57] : memref<128x256xbf16, #tpu.memory_space<vmem>>, vector<128x256xbf16>
    %convert_element_type3A_59 = arith.truncf %concatenate3A : vector<2560x256xf32> to vector<2560x256xbf16>
    %dot_general3A_60 = arith.constant dense<0.000000e+00> : vector<2560x128xf32>
    %dot_general3A_61 = tpu.matmul %convert_element_type3A_59, %get3A_58, %dot_general3A_60 {dimension_numbers = #tpu.dot_dimension_numbers<[1], [1], [0], [0], [0, 0, 1, 0], [], []>, transpose_lhs_hint = false} : vector<2560x256xbf16>, vector<128x256xbf16>, vector<2560x128xf32> -> vector<2560x128xf32>
    %convert_element_type3A_62 = arith.truncf %dot_general3A_61 : vector<2560x128xf32> to vector<2560x128xbf16>
    %get3A_63 = arith.constant 0 : index
    %get3A_64 = arith.constant 0 : index
    %get3A_65 = vector.load %arg3[%get3A_63, %get3A_64] : memref<2560x4xf32, #tpu.memory_space<vmem>>, vector<2560x4xf32>
    %get3A_66 = arith.constant 0 : index
    %get3A_67 = arith.constant 0 : index
    %get3A_68 = vector.load %arg6[%get3A_66, %get3A_67] : memref<320x320xf32, #tpu.memory_space<vmem>>, vector<320x320xf32>
    %get3A_69 = arith.constant 0 : index
    %get3A_70 = arith.constant 0 : index
    %get3A_71 = vector.load %arg7[%get3A_69, %get3A_70] : memref<1x320xf32, #tpu.memory_space<vmem>>, vector<1x320xf32>
    %get3A_72 = arith.constant 0 : index
    %get3A_73 = arith.constant 0 : index
    %get3A_74 = vector.load %arg12[%get3A_72, %get3A_73] : memref<1x128xf32, #tpu.memory_space<vmem>>, vector<1x128xf32>
    %slice3A_75 = vector.extract_strided_slice %get3A_65 {offsets = [0, 0], sizes = [2560, 1], strides = [1, 1]} : vector<2560x4xf32> to vector<2560x1xf32>
    %slice3A_76 = vector.extract_strided_slice %slice3A_75 {offsets = [0, 0], sizes = [320, 1], strides = [1, 1]} : vector<2560x1xf32> to vector<320x1xf32>
    %eq3A = vector.broadcast %slice3A_76 : vector<320x1xf32> to vector<320x320xf32>
    %eq3A_77 = vector.broadcast %get3A_71 : vector<1x320xf32> to vector<320x320xf32>
    %eq3A_78 = arith.cmpf oeq, %eq3A, %eq3A_77 : vector<320x320xf32>
    %convert_element_type3A_79 = arith.extui %eq3A_78 : vector<320x320xi1> to vector<320x320xi32>
    %convert_element_type3A_80 = arith.sitofp %convert_element_type3A_79 : vector<320x320xi32> to vector<320x320xf32>
    %mul3A_81 = arith.mulf %get3A_68, %convert_element_type3A_80 : vector<320x320xf32>
    %slice3A_82 = vector.extract_strided_slice %add3A_49 {offsets = [0, 0], sizes = [320, 128], strides = [1, 1]} : vector<2560x128xf32> to vector<320x128xf32>
    %convert_element_type3A_83 = arith.truncf %slice3A_82 : vector<320x128xf32> to vector<320x128xbf16>
    %convert_element_type3A_84 = arith.truncf %mul3A_81 : vector<320x320xf32> to vector<320x320xbf16>
    %dot_general3A_85 = arith.constant dense<0.000000e+00> : vector<320x128xf32>
    %dot_general3A_86 = tpu.matmul %convert_element_type3A_84, %convert_element_type3A_83, %dot_general3A_85 {dimension_numbers = #tpu.dot_dimension_numbers<[1], [0], [0], [1], [0, 0, 1, 1], [], []>, transpose_lhs_hint = false} : vector<320x320xbf16>, vector<320x128xbf16>, vector<320x128xf32> -> vector<320x128xf32>
    %slice3A_87 = vector.extract_strided_slice %slice3A_75 {offsets = [320, 0], sizes = [320, 1], strides = [1, 1]} : vector<2560x1xf32> to vector<320x1xf32>
    %eq3A_88 = vector.broadcast %slice3A_87 : vector<320x1xf32> to vector<320x320xf32>
    %eq3A_89 = vector.broadcast %get3A_71 : vector<1x320xf32> to vector<320x320xf32>
    %eq3A_90 = arith.cmpf oeq, %eq3A_88, %eq3A_89 : vector<320x320xf32>
    %convert_element_type3A_91 = arith.extui %eq3A_90 : vector<320x320xi1> to vector<320x320xi32>
    %convert_element_type3A_92 = arith.sitofp %convert_element_type3A_91 : vector<320x320xi32> to vector<320x320xf32>
    %mul3A_93 = arith.mulf %get3A_68, %convert_element_type3A_92 : vector<320x320xf32>
    %slice3A_94 = vector.extract_strided_slice %add3A_49 {offsets = [320, 0], sizes = [320, 128], strides = [1, 1]} : vector<2560x128xf32> to vector<320x128xf32>
    %convert_element_type3A_95 = arith.truncf %slice3A_94 : vector<320x128xf32> to vector<320x128xbf16>
    %convert_element_type3A_96 = arith.truncf %mul3A_93 : vector<320x320xf32> to vector<320x320xbf16>
    %dot_general3A_97 = arith.constant dense<0.000000e+00> : vector<320x128xf32>
    %dot_general3A_98 = tpu.matmul %convert_element_type3A_96, %convert_element_type3A_95, %dot_general3A_97 {dimension_numbers = #tpu.dot_dimension_numbers<[1], [0], [0], [1], [0, 0, 1, 1], [], []>, transpose_lhs_hint = false} : vector<320x320xbf16>, vector<320x128xbf16>, vector<320x128xf32> -> vector<320x128xf32>
    %slice3A_99 = vector.extract_strided_slice %slice3A_75 {offsets = [640, 0], sizes = [320, 1], strides = [1, 1]} : vector<2560x1xf32> to vector<320x1xf32>
    %eq3A_100 = vector.broadcast %slice3A_99 : vector<320x1xf32> to vector<320x320xf32>
    %eq3A_101 = vector.broadcast %get3A_71 : vector<1x320xf32> to vector<320x320xf32>
    %eq3A_102 = arith.cmpf oeq, %eq3A_100, %eq3A_101 : vector<320x320xf32>
    %convert_element_type3A_103 = arith.extui %eq3A_102 : vector<320x320xi1> to vector<320x320xi32>
    %convert_element_type3A_104 = arith.sitofp %convert_element_type3A_103 : vector<320x320xi32> to vector<320x320xf32>
    %mul3A_105 = arith.mulf %get3A_68, %convert_element_type3A_104 : vector<320x320xf32>
    %slice3A_106 = vector.extract_strided_slice %add3A_49 {offsets = [640, 0], sizes = [320, 128], strides = [1, 1]} : vector<2560x128xf32> to vector<320x128xf32>
    %convert_element_type3A_107 = arith.truncf %slice3A_106 : vector<320x128xf32> to vector<320x128xbf16>
    %convert_element_type3A_108 = arith.truncf %mul3A_105 : vector<320x320xf32> to vector<320x320xbf16>
    %dot_general3A_109 = arith.constant dense<0.000000e+00> : vector<320x128xf32>
    %dot_general3A_110 = tpu.matmul %convert_element_type3A_108, %convert_element_type3A_107, %dot_general3A_109 {dimension_numbers = #tpu.dot_dimension_numbers<[1], [0], [0], [1], [0, 0, 1, 1], [], []>, transpose_lhs_hint = false} : vector<320x320xbf16>, vector<320x128xbf16>, vector<320x128xf32> -> vector<320x128xf32>
    %slice3A_111 = vector.extract_strided_slice %slice3A_75 {offsets = [960, 0], sizes = [320, 1], strides = [1, 1]} : vector<2560x1xf32> to vector<320x1xf32>
    %eq3A_112 = vector.broadcast %slice3A_111 : vector<320x1xf32> to vector<320x320xf32>
    %eq3A_113 = vector.broadcast %get3A_71 : vector<1x320xf32> to vector<320x320xf32>
    %eq3A_114 = arith.cmpf oeq, %eq3A_112, %eq3A_113 : vector<320x320xf32>
    %convert_element_type3A_115 = arith.extui %eq3A_114 : vector<320x320xi1> to vector<320x320xi32>
    %convert_element_type3A_116 = arith.sitofp %convert_element_type3A_115 : vector<320x320xi32> to vector<320x320xf32>
    %mul3A_117 = arith.mulf %get3A_68, %convert_element_type3A_116 : vector<320x320xf32>
    %slice3A_118 = vector.extract_strided_slice %add3A_49 {offsets = [960, 0], sizes = [320, 128], strides = [1, 1]} : vector<2560x128xf32> to vector<320x128xf32>
    %convert_element_type3A_119 = arith.truncf %slice3A_118 : vector<320x128xf32> to vector<320x128xbf16>
    %convert_element_type3A_120 = arith.truncf %mul3A_117 : vector<320x320xf32> to vector<320x320xbf16>
    %dot_general3A_121 = arith.constant dense<0.000000e+00> : vector<320x128xf32>
    %dot_general3A_122 = tpu.matmul %convert_element_type3A_120, %convert_element_type3A_119, %dot_general3A_121 {dimension_numbers = #tpu.dot_dimension_numbers<[1], [0], [0], [1], [0, 0, 1, 1], [], []>, transpose_lhs_hint = false} : vector<320x320xbf16>, vector<320x128xbf16>, vector<320x128xf32> -> vector<320x128xf32>
    %slice3A_123 = vector.extract_strided_slice %slice3A_75 {offsets = [1280, 0], sizes = [320, 1], strides = [1, 1]} : vector<2560x1xf32> to vector<320x1xf32>
    %eq3A_124 = vector.broadcast %slice3A_123 : vector<320x1xf32> to vector<320x320xf32>
    %eq3A_125 = vector.broadcast %get3A_71 : vector<1x320xf32> to vector<320x320xf32>
    %eq3A_126 = arith.cmpf oeq, %eq3A_124, %eq3A_125 : vector<320x320xf32>
    %convert_element_type3A_127 = arith.extui %eq3A_126 : vector<320x320xi1> to vector<320x320xi32>
    %convert_element_type3A_128 = arith.sitofp %convert_element_type3A_127 : vector<320x320xi32> to vector<320x320xf32>
    %mul3A_129 = arith.mulf %get3A_68, %convert_element_type3A_128 : vector<320x320xf32>
    %slice3A_130 = vector.extract_strided_slice %add3A_49 {offsets = [1280, 0], sizes = [320, 128], strides = [1, 1]} : vector<2560x128xf32> to vector<320x128xf32>
    %convert_element_type3A_131 = arith.truncf %slice3A_130 : vector<320x128xf32> to vector<320x128xbf16>
    %convert_element_type3A_132 = arith.truncf %mul3A_129 : vector<320x320xf32> to vector<320x320xbf16>
    %dot_general3A_133 = arith.constant dense<0.000000e+00> : vector<320x128xf32>
    %dot_general3A_134 = tpu.matmul %convert_element_type3A_132, %convert_element_type3A_131, %dot_general3A_133 {dimension_numbers = #tpu.dot_dimension_numbers<[1], [0], [0], [1], [0, 0, 1, 1], [], []>, transpose_lhs_hint = false} : vector<320x320xbf16>, vector<320x128xbf16>, vector<320x128xf32> -> vector<320x128xf32>
    %slice3A_135 = vector.extract_strided_slice %slice3A_75 {offsets = [1600, 0], sizes = [320, 1], strides = [1, 1]} : vector<2560x1xf32> to vector<320x1xf32>
    %eq3A_136 = vector.broadcast %slice3A_135 : vector<320x1xf32> to vector<320x320xf32>
    %eq3A_137 = vector.broadcast %get3A_71 : vector<1x320xf32> to vector<320x320xf32>
    %eq3A_138 = arith.cmpf oeq, %eq3A_136, %eq3A_137 : vector<320x320xf32>
    %convert_element_type3A_139 = arith.extui %eq3A_138 : vector<320x320xi1> to vector<320x320xi32>
    %convert_element_type3A_140 = arith.sitofp %convert_element_type3A_139 : vector<320x320xi32> to vector<320x320xf32>
    %mul3A_141 = arith.mulf %get3A_68, %convert_element_type3A_140 : vector<320x320xf32>
    %slice3A_142 = vector.extract_strided_slice %add3A_49 {offsets = [1600, 0], sizes = [320, 128], strides = [1, 1]} : vector<2560x128xf32> to vector<320x128xf32>
    %convert_element_type3A_143 = arith.truncf %slice3A_142 : vector<320x128xf32> to vector<320x128xbf16>
    %convert_element_type3A_144 = arith.truncf %mul3A_141 : vector<320x320xf32> to vector<320x320xbf16>
    %dot_general3A_145 = arith.constant dense<0.000000e+00> : vector<320x128xf32>
    %dot_general3A_146 = tpu.matmul %convert_element_type3A_144, %convert_element_type3A_143, %dot_general3A_145 {dimension_numbers = #tpu.dot_dimension_numbers<[1], [0], [0], [1], [0, 0, 1, 1], [], []>, transpose_lhs_hint = false} : vector<320x320xbf16>, vector<320x128xbf16>, vector<320x128xf32> -> vector<320x128xf32>
    %slice3A_147 = vector.extract_strided_slice %slice3A_75 {offsets = [1920, 0], sizes = [320, 1], strides = [1, 1]} : vector<2560x1xf32> to vector<320x1xf32>
    %eq3A_148 = vector.broadcast %slice3A_147 : vector<320x1xf32> to vector<320x320xf32>
    %eq3A_149 = vector.broadcast %get3A_71 : vector<1x320xf32> to vector<320x320xf32>
    %eq3A_150 = arith.cmpf oeq, %eq3A_148, %eq3A_149 : vector<320x320xf32>
    %convert_element_type3A_151 = arith.extui %eq3A_150 : vector<320x320xi1> to vector<320x320xi32>
    %convert_element_type3A_152 = arith.sitofp %convert_element_type3A_151 : vector<320x320xi32> to vector<320x320xf32>
    %mul3A_153 = arith.mulf %get3A_68, %convert_element_type3A_152 : vector<320x320xf32>
    %slice3A_154 = vector.extract_strided_slice %add3A_49 {offsets = [1920, 0], sizes = [320, 128], strides = [1, 1]} : vector<2560x128xf32> to vector<320x128xf32>
    %convert_element_type3A_155 = arith.truncf %slice3A_154 : vector<320x128xf32> to vector<320x128xbf16>
    %convert_element_type3A_156 = arith.truncf %mul3A_153 : vector<320x320xf32> to vector<320x320xbf16>
    %dot_general3A_157 = arith.constant dense<0.000000e+00> : vector<320x128xf32>
    %dot_general3A_158 = tpu.matmul %convert_element_type3A_156, %convert_element_type3A_155, %dot_general3A_157 {dimension_numbers = #tpu.dot_dimension_numbers<[1], [0], [0], [1], [0, 0, 1, 1], [], []>, transpose_lhs_hint = false} : vector<320x320xbf16>, vector<320x128xbf16>, vector<320x128xf32> -> vector<320x128xf32>
    %slice3A_159 = vector.extract_strided_slice %slice3A_75 {offsets = [2240, 0], sizes = [320, 1], strides = [1, 1]} : vector<2560x1xf32> to vector<320x1xf32>
    %eq3A_160 = vector.broadcast %slice3A_159 : vector<320x1xf32> to vector<320x320xf32>
    %eq3A_161 = vector.broadcast %get3A_71 : vector<1x320xf32> to vector<320x320xf32>
    %eq3A_162 = arith.cmpf oeq, %eq3A_160, %eq3A_161 : vector<320x320xf32>
    %convert_element_type3A_163 = arith.extui %eq3A_162 : vector<320x320xi1> to vector<320x320xi32>
    %convert_element_type3A_164 = arith.sitofp %convert_element_type3A_163 : vector<320x320xi32> to vector<320x320xf32>
    %mul3A_165 = arith.mulf %get3A_68, %convert_element_type3A_164 : vector<320x320xf32>
    %slice3A_166 = vector.extract_strided_slice %add3A_49 {offsets = [2240, 0], sizes = [320, 128], strides = [1, 1]} : vector<2560x128xf32> to vector<320x128xf32>
    %convert_element_type3A_167 = arith.truncf %slice3A_166 : vector<320x128xf32> to vector<320x128xbf16>
    %convert_element_type3A_168 = arith.truncf %mul3A_165 : vector<320x320xf32> to vector<320x320xbf16>
    %dot_general3A_169 = arith.constant dense<0.000000e+00> : vector<320x128xf32>
    %dot_general3A_170 = tpu.matmul %convert_element_type3A_168, %convert_element_type3A_167, %dot_general3A_169 {dimension_numbers = #tpu.dot_dimension_numbers<[1], [0], [0], [1], [0, 0, 1, 1], [], []>, transpose_lhs_hint = false} : vector<320x320xbf16>, vector<320x128xbf16>, vector<320x128xf32> -> vector<320x128xf32>
    %concatenate3A_171 = tpu.concatenate %dot_general3A_86, %dot_general3A_98, %dot_general3A_110, %dot_general3A_122, %dot_general3A_134, %dot_general3A_146, %dot_general3A_158, %dot_general3A_170 in 0 : vector<320x128xf32>, vector<320x128xf32>, vector<320x128xf32>, vector<320x128xf32>, vector<320x128xf32>, vector<320x128xf32>, vector<320x128xf32>, vector<320x128xf32> -> vector<2560x128xf32>
    %add3A_172 = arith.addf %concatenate3A_171, %dot_general3A_55 : vector<2560x128xf32>
    %logistic3A = arith.negf %add3A_172 : vector<2560x128xf32>
    %logistic3A_173 = math.exp %logistic3A : vector<2560x128xf32>
    %logistic3A_174 = arith.constant 1.000000e+00 : f32
    %logistic3A_175 = vector.broadcast %logistic3A_174 : f32 to vector<2560x128xf32>
    %logistic3A_176 = arith.addf %logistic3A_175, %logistic3A_173 : vector<2560x128xf32>
    %logistic3A_177 = arith.divf %logistic3A_175, %logistic3A_176 : vector<2560x128xf32>
    %mul3A_178 = vector.broadcast %get3A_74 : vector<1x128xf32> to vector<2560x128xf32>
    %mul3A_179 = arith.mulf %logistic3A_177, %mul3A_178 : vector<2560x128xf32>
    %reduce_sum3A = arith.constant dense<0.000000e+00> : vector<2560xf32>
    %reduce_sum3A_180 = vector.multi_reduction <add>, %mul3A_179, %reduce_sum3A [1] : vector<2560x128xf32> to vector<2560xf32>
    %broadcast_in_dim3A = vector.shape_cast %reduce_sum3A_180 : vector<2560xf32> to vector<2560x1xf32>
    %exp3A = math.exp %broadcast_in_dim3A : vector<2560x1xf32>
    %slice3A_181 = vector.extract_strided_slice %get3A_65 {offsets = [0, 1], sizes = [2560, 1], strides = [1, 1]} : vector<2560x4xf32> to vector<2560x1xf32>
    %slice3A_182 = vector.extract_strided_slice %slice3A_181 {offsets = [0, 0], sizes = [320, 1], strides = [1, 1]} : vector<2560x1xf32> to vector<320x1xf32>
    %eq3A_183 = vector.broadcast %slice3A_182 : vector<320x1xf32> to vector<320x320xf32>
    %eq3A_184 = vector.broadcast %get3A_71 : vector<1x320xf32> to vector<320x320xf32>
    %eq3A_185 = arith.cmpf oeq, %eq3A_183, %eq3A_184 : vector<320x320xf32>
    %convert_element_type3A_186 = arith.extui %eq3A_185 : vector<320x320xi1> to vector<320x320xi32>
    %convert_element_type3A_187 = arith.sitofp %convert_element_type3A_186 : vector<320x320xi32> to vector<320x320xf32>
    %mul3A_188 = arith.mulf %get3A_68, %convert_element_type3A_187 : vector<320x320xf32>
    %slice3A_189 = vector.extract_strided_slice %add3A_49 {offsets = [0, 0], sizes = [320, 128], strides = [1, 1]} : vector<2560x128xf32> to vector<320x128xf32>
    %convert_element_type3A_190 = arith.truncf %slice3A_189 : vector<320x128xf32> to vector<320x128xbf16>
    %convert_element_type3A_191 = arith.truncf %mul3A_188 : vector<320x320xf32> to vector<320x320xbf16>
    %dot_general3A_192 = arith.constant dense<0.000000e+00> : vector<320x128xf32>
    %dot_general3A_193 = tpu.matmul %convert_element_type3A_191, %convert_element_type3A_190, %dot_general3A_192 {dimension_numbers = #tpu.dot_dimension_numbers<[1], [0], [0], [1], [0, 0, 1, 1], [], []>, transpose_lhs_hint = false} : vector<320x320xbf16>, vector<320x128xbf16>, vector<320x128xf32> -> vector<320x128xf32>
    %slice3A_194 = vector.extract_strided_slice %slice3A_181 {offsets = [320, 0], sizes = [320, 1], strides = [1, 1]} : vector<2560x1xf32> to vector<320x1xf32>
    %eq3A_195 = vector.broadcast %slice3A_194 : vector<320x1xf32> to vector<320x320xf32>
    %eq3A_196 = vector.broadcast %get3A_71 : vector<1x320xf32> to vector<320x320xf32>
    %eq3A_197 = arith.cmpf oeq, %eq3A_195, %eq3A_196 : vector<320x320xf32>
    %convert_element_type3A_198 = arith.extui %eq3A_197 : vector<320x320xi1> to vector<320x320xi32>
    %convert_element_type3A_199 = arith.sitofp %convert_element_type3A_198 : vector<320x320xi32> to vector<320x320xf32>
    %mul3A_200 = arith.mulf %get3A_68, %convert_element_type3A_199 : vector<320x320xf32>
    %slice3A_201 = vector.extract_strided_slice %add3A_49 {offsets = [320, 0], sizes = [320, 128], strides = [1, 1]} : vector<2560x128xf32> to vector<320x128xf32>
    %convert_element_type3A_202 = arith.truncf %slice3A_201 : vector<320x128xf32> to vector<320x128xbf16>
    %convert_element_type3A_203 = arith.truncf %mul3A_200 : vector<320x320xf32> to vector<320x320xbf16>
    %dot_general3A_204 = arith.constant dense<0.000000e+00> : vector<320x128xf32>
    %dot_general3A_205 = tpu.matmul %convert_element_type3A_203, %convert_element_type3A_202, %dot_general3A_204 {dimension_numbers = #tpu.dot_dimension_numbers<[1], [0], [0], [1], [0, 0, 1, 1], [], []>, transpose_lhs_hint = false} : vector<320x320xbf16>, vector<320x128xbf16>, vector<320x128xf32> -> vector<320x128xf32>
    %slice3A_206 = vector.extract_strided_slice %slice3A_181 {offsets = [640, 0], sizes = [320, 1], strides = [1, 1]} : vector<2560x1xf32> to vector<320x1xf32>
    %eq3A_207 = vector.broadcast %slice3A_206 : vector<320x1xf32> to vector<320x320xf32>
    %eq3A_208 = vector.broadcast %get3A_71 : vector<1x320xf32> to vector<320x320xf32>
    %eq3A_209 = arith.cmpf oeq, %eq3A_207, %eq3A_208 : vector<320x320xf32>
    %convert_element_type3A_210 = arith.extui %eq3A_209 : vector<320x320xi1> to vector<320x320xi32>
    %convert_element_type3A_211 = arith.sitofp %convert_element_type3A_210 : vector<320x320xi32> to vector<320x320xf32>
    %mul3A_212 = arith.mulf %get3A_68, %convert_element_type3A_211 : vector<320x320xf32>
    %slice3A_213 = vector.extract_strided_slice %add3A_49 {offsets = [640, 0], sizes = [320, 128], strides = [1, 1]} : vector<2560x128xf32> to vector<320x128xf32>
    %convert_element_type3A_214 = arith.truncf %slice3A_213 : vector<320x128xf32> to vector<320x128xbf16>
    %convert_element_type3A_215 = arith.truncf %mul3A_212 : vector<320x320xf32> to vector<320x320xbf16>
    %dot_general3A_216 = arith.constant dense<0.000000e+00> : vector<320x128xf32>
    %dot_general3A_217 = tpu.matmul %convert_element_type3A_215, %convert_element_type3A_214, %dot_general3A_216 {dimension_numbers = #tpu.dot_dimension_numbers<[1], [0], [0], [1], [0, 0, 1, 1], [], []>, transpose_lhs_hint = false} : vector<320x320xbf16>, vector<320x128xbf16>, vector<320x128xf32> -> vector<320x128xf32>
    %slice3A_218 = vector.extract_strided_slice %slice3A_181 {offsets = [960, 0], sizes = [320, 1], strides = [1, 1]} : vector<2560x1xf32> to vector<320x1xf32>
    %eq3A_219 = vector.broadcast %slice3A_218 : vector<320x1xf32> to vector<320x320xf32>
    %eq3A_220 = vector.broadcast %get3A_71 : vector<1x320xf32> to vector<320x320xf32>
    %eq3A_221 = arith.cmpf oeq, %eq3A_219, %eq3A_220 : vector<320x320xf32>
    %convert_element_type3A_222 = arith.extui %eq3A_221 : vector<320x320xi1> to vector<320x320xi32>
    %convert_element_type3A_223 = arith.sitofp %convert_element_type3A_222 : vector<320x320xi32> to vector<320x320xf32>
    %mul3A_224 = arith.mulf %get3A_68, %convert_element_type3A_223 : vector<320x320xf32>
    %slice3A_225 = vector.extract_strided_slice %add3A_49 {offsets = [960, 0], sizes = [320, 128], strides = [1, 1]} : vector<2560x128xf32> to vector<320x128xf32>
    %convert_element_type3A_226 = arith.truncf %slice3A_225 : vector<320x128xf32> to vector<320x128xbf16>
    %convert_element_type3A_227 = arith.truncf %mul3A_224 : vector<320x320xf32> to vector<320x320xbf16>
    %dot_general3A_228 = arith.constant dense<0.000000e+00> : vector<320x128xf32>
    %dot_general3A_229 = tpu.matmul %convert_element_type3A_227, %convert_element_type3A_226, %dot_general3A_228 {dimension_numbers = #tpu.dot_dimension_numbers<[1], [0], [0], [1], [0, 0, 1, 1], [], []>, transpose_lhs_hint = false} : vector<320x320xbf16>, vector<320x128xbf16>, vector<320x128xf32> -> vector<320x128xf32>
    %slice3A_230 = vector.extract_strided_slice %slice3A_181 {offsets = [1280, 0], sizes = [320, 1], strides = [1, 1]} : vector<2560x1xf32> to vector<320x1xf32>
    %eq3A_231 = vector.broadcast %slice3A_230 : vector<320x1xf32> to vector<320x320xf32>
    %eq3A_232 = vector.broadcast %get3A_71 : vector<1x320xf32> to vector<320x320xf32>
    %eq3A_233 = arith.cmpf oeq, %eq3A_231, %eq3A_232 : vector<320x320xf32>
    %convert_element_type3A_234 = arith.extui %eq3A_233 : vector<320x320xi1> to vector<320x320xi32>
    %convert_element_type3A_235 = arith.sitofp %convert_element_type3A_234 : vector<320x320xi32> to vector<320x320xf32>
    %mul3A_236 = arith.mulf %get3A_68, %convert_element_type3A_235 : vector<320x320xf32>
    %slice3A_237 = vector.extract_strided_slice %add3A_49 {offsets = [1280, 0], sizes = [320, 128], strides = [1, 1]} : vector<2560x128xf32> to vector<320x128xf32>
    %convert_element_type3A_238 = arith.truncf %slice3A_237 : vector<320x128xf32> to vector<320x128xbf16>
    %convert_element_type3A_239 = arith.truncf %mul3A_236 : vector<320x320xf32> to vector<320x320xbf16>
    %dot_general3A_240 = arith.constant dense<0.000000e+00> : vector<320x128xf32>
    %dot_general3A_241 = tpu.matmul %convert_element_type3A_239, %convert_element_type3A_238, %dot_general3A_240 {dimension_numbers = #tpu.dot_dimension_numbers<[1], [0], [0], [1], [0, 0, 1, 1], [], []>, transpose_lhs_hint = false} : vector<320x320xbf16>, vector<320x128xbf16>, vector<320x128xf32> -> vector<320x128xf32>
    %slice3A_242 = vector.extract_strided_slice %slice3A_181 {offsets = [1600, 0], sizes = [320, 1], strides = [1, 1]} : vector<2560x1xf32> to vector<320x1xf32>
    %eq3A_243 = vector.broadcast %slice3A_242 : vector<320x1xf32> to vector<320x320xf32>
    %eq3A_244 = vector.broadcast %get3A_71 : vector<1x320xf32> to vector<320x320xf32>
    %eq3A_245 = arith.cmpf oeq, %eq3A_243, %eq3A_244 : vector<320x320xf32>
    %convert_element_type3A_246 = arith.extui %eq3A_245 : vector<320x320xi1> to vector<320x320xi32>
    %convert_element_type3A_247 = arith.sitofp %convert_element_type3A_246 : vector<320x320xi32> to vector<320x320xf32>
    %mul3A_248 = arith.mulf %get3A_68, %convert_element_type3A_247 : vector<320x320xf32>
    %slice3A_249 = vector.extract_strided_slice %add3A_49 {offsets = [1600, 0], sizes = [320, 128], strides = [1, 1]} : vector<2560x128xf32> to vector<320x128xf32>
    %convert_element_type3A_250 = arith.truncf %slice3A_249 : vector<320x128xf32> to vector<320x128xbf16>
    %convert_element_type3A_251 = arith.truncf %mul3A_248 : vector<320x320xf32> to vector<320x320xbf16>
    %dot_general3A_252 = arith.constant dense<0.000000e+00> : vector<320x128xf32>
    %dot_general3A_253 = tpu.matmul %convert_element_type3A_251, %convert_element_type3A_250, %dot_general3A_252 {dimension_numbers = #tpu.dot_dimension_numbers<[1], [0], [0], [1], [0, 0, 1, 1], [], []>, transpose_lhs_hint = false} : vector<320x320xbf16>, vector<320x128xbf16>, vector<320x128xf32> -> vector<320x128xf32>
    %slice3A_254 = vector.extract_strided_slice %slice3A_181 {offsets = [1920, 0], sizes = [320, 1], strides = [1, 1]} : vector<2560x1xf32> to vector<320x1xf32>
    %eq3A_255 = vector.broadcast %slice3A_254 : vector<320x1xf32> to vector<320x320xf32>
    %eq3A_256 = vector.broadcast %get3A_71 : vector<1x320xf32> to vector<320x320xf32>
    %eq3A_257 = arith.cmpf oeq, %eq3A_255, %eq3A_256 : vector<320x320xf32>
    %convert_element_type3A_258 = arith.extui %eq3A_257 : vector<320x320xi1> to vector<320x320xi32>
    %convert_element_type3A_259 = arith.sitofp %convert_element_type3A_258 : vector<320x320xi32> to vector<320x320xf32>
    %mul3A_260 = arith.mulf %get3A_68, %convert_element_type3A_259 : vector<320x320xf32>
    %slice3A_261 = vector.extract_strided_slice %add3A_49 {offsets = [1920, 0], sizes = [320, 128], strides = [1, 1]} : vector<2560x128xf32> to vector<320x128xf32>
    %convert_element_type3A_262 = arith.truncf %slice3A_261 : vector<320x128xf32> to vector<320x128xbf16>
    %convert_element_type3A_263 = arith.truncf %mul3A_260 : vector<320x320xf32> to vector<320x320xbf16>
    %dot_general3A_264 = arith.constant dense<0.000000e+00> : vector<320x128xf32>
    %dot_general3A_265 = tpu.matmul %convert_element_type3A_263, %convert_element_type3A_262, %dot_general3A_264 {dimension_numbers = #tpu.dot_dimension_numbers<[1], [0], [0], [1], [0, 0, 1, 1], [], []>, transpose_lhs_hint = false} : vector<320x320xbf16>, vector<320x128xbf16>, vector<320x128xf32> -> vector<320x128xf32>
    %slice3A_266 = vector.extract_strided_slice %slice3A_181 {offsets = [2240, 0], sizes = [320, 1], strides = [1, 1]} : vector<2560x1xf32> to vector<320x1xf32>
    %eq3A_267 = vector.broadcast %slice3A_266 : vector<320x1xf32> to vector<320x320xf32>
    %eq3A_268 = vector.broadcast %get3A_71 : vector<1x320xf32> to vector<320x320xf32>
    %eq3A_269 = arith.cmpf oeq, %eq3A_267, %eq3A_268 : vector<320x320xf32>
    %convert_element_type3A_270 = arith.extui %eq3A_269 : vector<320x320xi1> to vector<320x320xi32>
    %convert_element_type3A_271 = arith.sitofp %convert_element_type3A_270 : vector<320x320xi32> to vector<320x320xf32>
    %mul3A_272 = arith.mulf %get3A_68, %convert_element_type3A_271 : vector<320x320xf32>
    %slice3A_273 = vector.extract_strided_slice %add3A_49 {offsets = [2240, 0], sizes = [320, 128], strides = [1, 1]} : vector<2560x128xf32> to vector<320x128xf32>
    %convert_element_type3A_274 = arith.truncf %slice3A_273 : vector<320x128xf32> to vector<320x128xbf16>
    %convert_element_type3A_275 = arith.truncf %mul3A_272 : vector<320x320xf32> to vector<320x320xbf16>
    %dot_general3A_276 = arith.constant dense<0.000000e+00> : vector<320x128xf32>
    %dot_general3A_277 = tpu.matmul %convert_element_type3A_275, %convert_element_type3A_274, %dot_general3A_276 {dimension_numbers = #tpu.dot_dimension_numbers<[1], [0], [0], [1], [0, 0, 1, 1], [], []>, transpose_lhs_hint = false} : vector<320x320xbf16>, vector<320x128xbf16>, vector<320x128xf32> -> vector<320x128xf32>
    %concatenate3A_278 = tpu.concatenate %dot_general3A_193, %dot_general3A_205, %dot_general3A_217, %dot_general3A_229, %dot_general3A_241, %dot_general3A_253, %dot_general3A_265, %dot_general3A_277 in 0 : vector<320x128xf32>, vector<320x128xf32>, vector<320x128xf32>, vector<320x128xf32>, vector<320x128xf32>, vector<320x128xf32>, vector<320x128xf32>, vector<320x128xf32> -> vector<2560x128xf32>
    %add3A_279 = arith.addf %concatenate3A_278, %dot_general3A_55 : vector<2560x128xf32>
    %logistic3A_280 = arith.negf %add3A_279 : vector<2560x128xf32>
    %logistic3A_281 = math.exp %logistic3A_280 : vector<2560x128xf32>
    %logistic3A_282 = arith.constant 1.000000e+00 : f32
    %logistic3A_283 = vector.broadcast %logistic3A_282 : f32 to vector<2560x128xf32>
    %logistic3A_284 = arith.addf %logistic3A_283, %logistic3A_281 : vector<2560x128xf32>
    %logistic3A_285 = arith.divf %logistic3A_283, %logistic3A_284 : vector<2560x128xf32>
    %mul3A_286 = vector.broadcast %get3A_74 : vector<1x128xf32> to vector<2560x128xf32>
    %mul3A_287 = arith.mulf %logistic3A_285, %mul3A_286 : vector<2560x128xf32>
    %reduce_sum3A_288 = arith.constant dense<0.000000e+00> : vector<2560xf32>
    %reduce_sum3A_289 = vector.multi_reduction <add>, %mul3A_287, %reduce_sum3A_288 [1] : vector<2560x128xf32> to vector<2560xf32>
    %broadcast_in_dim3A_290 = vector.shape_cast %reduce_sum3A_289 : vector<2560xf32> to vector<2560x1xf32>
    %exp3A_291 = math.exp %broadcast_in_dim3A_290 : vector<2560x1xf32>
    %slice3A_292 = vector.extract_strided_slice %get3A_65 {offsets = [0, 2], sizes = [2560, 1], strides = [1, 1]} : vector<2560x4xf32> to vector<2560x1xf32>
    %slice3A_293 = vector.extract_strided_slice %slice3A_292 {offsets = [0, 0], sizes = [320, 1], strides = [1, 1]} : vector<2560x1xf32> to vector<320x1xf32>
    %eq3A_294 = vector.broadcast %slice3A_293 : vector<320x1xf32> to vector<320x320xf32>
    %eq3A_295 = vector.broadcast %get3A_71 : vector<1x320xf32> to vector<320x320xf32>
    %eq3A_296 = arith.cmpf oeq, %eq3A_294, %eq3A_295 : vector<320x320xf32>
    %convert_element_type3A_297 = arith.extui %eq3A_296 : vector<320x320xi1> to vector<320x320xi32>
    %convert_element_type3A_298 = arith.sitofp %convert_element_type3A_297 : vector<320x320xi32> to vector<320x320xf32>
    %mul3A_299 = arith.mulf %get3A_68, %convert_element_type3A_298 : vector<320x320xf32>
    %slice3A_300 = vector.extract_strided_slice %add3A_49 {offsets = [0, 0], sizes = [320, 128], strides = [1, 1]} : vector<2560x128xf32> to vector<320x128xf32>
    %convert_element_type3A_301 = arith.truncf %slice3A_300 : vector<320x128xf32> to vector<320x128xbf16>
    %convert_element_type3A_302 = arith.truncf %mul3A_299 : vector<320x320xf32> to vector<320x320xbf16>
    %dot_general3A_303 = arith.constant dense<0.000000e+00> : vector<320x128xf32>
    %dot_general3A_304 = tpu.matmul %convert_element_type3A_302, %convert_element_type3A_301, %dot_general3A_303 {dimension_numbers = #tpu.dot_dimension_numbers<[1], [0], [0], [1], [0, 0, 1, 1], [], []>, transpose_lhs_hint = false} : vector<320x320xbf16>, vector<320x128xbf16>, vector<320x128xf32> -> vector<320x128xf32>
    %slice3A_305 = vector.extract_strided_slice %slice3A_292 {offsets = [320, 0], sizes = [320, 1], strides = [1, 1]} : vector<2560x1xf32> to vector<320x1xf32>
    %eq3A_306 = vector.broadcast %slice3A_305 : vector<320x1xf32> to vector<320x320xf32>
    %eq3A_307 = vector.broadcast %get3A_71 : vector<1x320xf32> to vector<320x320xf32>
    %eq3A_308 = arith.cmpf oeq, %eq3A_306, %eq3A_307 : vector<320x320xf32>
    %convert_element_type3A_309 = arith.extui %eq3A_308 : vector<320x320xi1> to vector<320x320xi32>
    %convert_element_type3A_310 = arith.sitofp %convert_element_type3A_309 : vector<320x320xi32> to vector<320x320xf32>
    %mul3A_311 = arith.mulf %get3A_68, %convert_element_type3A_310 : vector<320x320xf32>
    %slice3A_312 = vector.extract_strided_slice %add3A_49 {offsets = [320, 0], sizes = [320, 128], strides = [1, 1]} : vector<2560x128xf32> to vector<320x128xf32>
    %convert_element_type3A_313 = arith.truncf %slice3A_312 : vector<320x128xf32> to vector<320x128xbf16>
    %convert_element_type3A_314 = arith.truncf %mul3A_311 : vector<320x320xf32> to vector<320x320xbf16>
    %dot_general3A_315 = arith.constant dense<0.000000e+00> : vector<320x128xf32>
    %dot_general3A_316 = tpu.matmul %convert_element_type3A_314, %convert_element_type3A_313, %dot_general3A_315 {dimension_numbers = #tpu.dot_dimension_numbers<[1], [0], [0], [1], [0, 0, 1, 1], [], []>, transpose_lhs_hint = false} : vector<320x320xbf16>, vector<320x128xbf16>, vector<320x128xf32> -> vector<320x128xf32>
    %slice3A_317 = vector.extract_strided_slice %slice3A_292 {offsets = [640, 0], sizes = [320, 1], strides = [1, 1]} : vector<2560x1xf32> to vector<320x1xf32>
    %eq3A_318 = vector.broadcast %slice3A_317 : vector<320x1xf32> to vector<320x320xf32>
    %eq3A_319 = vector.broadcast %get3A_71 : vector<1x320xf32> to vector<320x320xf32>
    %eq3A_320 = arith.cmpf oeq, %eq3A_318, %eq3A_319 : vector<320x320xf32>
    %convert_element_type3A_321 = arith.extui %eq3A_320 : vector<320x320xi1> to vector<320x320xi32>
    %convert_element_type3A_322 = arith.sitofp %convert_element_type3A_321 : vector<320x320xi32> to vector<320x320xf32>
    %mul3A_323 = arith.mulf %get3A_68, %convert_element_type3A_322 : vector<320x320xf32>
    %slice3A_324 = vector.extract_strided_slice %add3A_49 {offsets = [640, 0], sizes = [320, 128], strides = [1, 1]} : vector<2560x128xf32> to vector<320x128xf32>
    %convert_element_type3A_325 = arith.truncf %slice3A_324 : vector<320x128xf32> to vector<320x128xbf16>
    %convert_element_type3A_326 = arith.truncf %mul3A_323 : vector<320x320xf32> to vector<320x320xbf16>
    %dot_general3A_327 = arith.constant dense<0.000000e+00> : vector<320x128xf32>
    %dot_general3A_328 = tpu.matmul %convert_element_type3A_326, %convert_element_type3A_325, %dot_general3A_327 {dimension_numbers = #tpu.dot_dimension_numbers<[1], [0], [0], [1], [0, 0, 1, 1], [], []>, transpose_lhs_hint = false} : vector<320x320xbf16>, vector<320x128xbf16>, vector<320x128xf32> -> vector<320x128xf32>
    %slice3A_329 = vector.extract_strided_slice %slice3A_292 {offsets = [960, 0], sizes = [320, 1], strides = [1, 1]} : vector<2560x1xf32> to vector<320x1xf32>
    %eq3A_330 = vector.broadcast %slice3A_329 : vector<320x1xf32> to vector<320x320xf32>
    %eq3A_331 = vector.broadcast %get3A_71 : vector<1x320xf32> to vector<320x320xf32>
    %eq3A_332 = arith.cmpf oeq, %eq3A_330, %eq3A_331 : vector<320x320xf32>
    %convert_element_type3A_333 = arith.extui %eq3A_332 : vector<320x320xi1> to vector<320x320xi32>
    %convert_element_type3A_334 = arith.sitofp %convert_element_type3A_333 : vector<320x320xi32> to vector<320x320xf32>
    %mul3A_335 = arith.mulf %get3A_68, %convert_element_type3A_334 : vector<320x320xf32>
    %slice3A_336 = vector.extract_strided_slice %add3A_49 {offsets = [960, 0], sizes = [320, 128], strides = [1, 1]} : vector<2560x128xf32> to vector<320x128xf32>
    %convert_element_type3A_337 = arith.truncf %slice3A_336 : vector<320x128xf32> to vector<320x128xbf16>
    %convert_element_type3A_338 = arith.truncf %mul3A_335 : vector<320x320xf32> to vector<320x320xbf16>
    %dot_general3A_339 = arith.constant dense<0.000000e+00> : vector<320x128xf32>
    %dot_general3A_340 = tpu.matmul %convert_element_type3A_338, %convert_element_type3A_337, %dot_general3A_339 {dimension_numbers = #tpu.dot_dimension_numbers<[1], [0], [0], [1], [0, 0, 1, 1], [], []>, transpose_lhs_hint = false} : vector<320x320xbf16>, vector<320x128xbf16>, vector<320x128xf32> -> vector<320x128xf32>
    %slice3A_341 = vector.extract_strided_slice %slice3A_292 {offsets = [1280, 0], sizes = [320, 1], strides = [1, 1]} : vector<2560x1xf32> to vector<320x1xf32>
    %eq3A_342 = vector.broadcast %slice3A_341 : vector<320x1xf32> to vector<320x320xf32>
    %eq3A_343 = vector.broadcast %get3A_71 : vector<1x320xf32> to vector<320x320xf32>
    %eq3A_344 = arith.cmpf oeq, %eq3A_342, %eq3A_343 : vector<320x320xf32>
    %convert_element_type3A_345 = arith.extui %eq3A_344 : vector<320x320xi1> to vector<320x320xi32>
    %convert_element_type3A_346 = arith.sitofp %convert_element_type3A_345 : vector<320x320xi32> to vector<320x320xf32>
    %mul3A_347 = arith.mulf %get3A_68, %convert_element_type3A_346 : vector<320x320xf32>
    %slice3A_348 = vector.extract_strided_slice %add3A_49 {offsets = [1280, 0], sizes = [320, 128], strides = [1, 1]} : vector<2560x128xf32> to vector<320x128xf32>
    %convert_element_type3A_349 = arith.truncf %slice3A_348 : vector<320x128xf32> to vector<320x128xbf16>
    %convert_element_type3A_350 = arith.truncf %mul3A_347 : vector<320x320xf32> to vector<320x320xbf16>
    %dot_general3A_351 = arith.constant dense<0.000000e+00> : vector<320x128xf32>
    %dot_general3A_352 = tpu.matmul %convert_element_type3A_350, %convert_element_type3A_349, %dot_general3A_351 {dimension_numbers = #tpu.dot_dimension_numbers<[1], [0], [0], [1], [0, 0, 1, 1], [], []>, transpose_lhs_hint = false} : vector<320x320xbf16>, vector<320x128xbf16>, vector<320x128xf32> -> vector<320x128xf32>
    %slice3A_353 = vector.extract_strided_slice %slice3A_292 {offsets = [1600, 0], sizes = [320, 1], strides = [1, 1]} : vector<2560x1xf32> to vector<320x1xf32>
    %eq3A_354 = vector.broadcast %slice3A_353 : vector<320x1xf32> to vector<320x320xf32>
    %eq3A_355 = vector.broadcast %get3A_71 : vector<1x320xf32> to vector<320x320xf32>
    %eq3A_356 = arith.cmpf oeq, %eq3A_354, %eq3A_355 : vector<320x320xf32>
    %convert_element_type3A_357 = arith.extui %eq3A_356 : vector<320x320xi1> to vector<320x320xi32>
    %convert_element_type3A_358 = arith.sitofp %convert_element_type3A_357 : vector<320x320xi32> to vector<320x320xf32>
    %mul3A_359 = arith.mulf %get3A_68, %convert_element_type3A_358 : vector<320x320xf32>
    %slice3A_360 = vector.extract_strided_slice %add3A_49 {offsets = [1600, 0], sizes = [320, 128], strides = [1, 1]} : vector<2560x128xf32> to vector<320x128xf32>
    %convert_element_type3A_361 = arith.truncf %slice3A_360 : vector<320x128xf32> to vector<320x128xbf16>
    %convert_element_type3A_362 = arith.truncf %mul3A_359 : vector<320x320xf32> to vector<320x320xbf16>
    %dot_general3A_363 = arith.constant dense<0.000000e+00> : vector<320x128xf32>
    %dot_general3A_364 = tpu.matmul %convert_element_type3A_362, %convert_element_type3A_361, %dot_general3A_363 {dimension_numbers = #tpu.dot_dimension_numbers<[1], [0], [0], [1], [0, 0, 1, 1], [], []>, transpose_lhs_hint = false} : vector<320x320xbf16>, vector<320x128xbf16>, vector<320x128xf32> -> vector<320x128xf32>
    %slice3A_365 = vector.extract_strided_slice %slice3A_292 {offsets = [1920, 0], sizes = [320, 1], strides = [1, 1]} : vector<2560x1xf32> to vector<320x1xf32>
    %eq3A_366 = vector.broadcast %slice3A_365 : vector<320x1xf32> to vector<320x320xf32>
    %eq3A_367 = vector.broadcast %get3A_71 : vector<1x320xf32> to vector<320x320xf32>
    %eq3A_368 = arith.cmpf oeq, %eq3A_366, %eq3A_367 : vector<320x320xf32>
    %convert_element_type3A_369 = arith.extui %eq3A_368 : vector<320x320xi1> to vector<320x320xi32>
    %convert_element_type3A_370 = arith.sitofp %convert_element_type3A_369 : vector<320x320xi32> to vector<320x320xf32>
    %mul3A_371 = arith.mulf %get3A_68, %convert_element_type3A_370 : vector<320x320xf32>
    %slice3A_372 = vector.extract_strided_slice %add3A_49 {offsets = [1920, 0], sizes = [320, 128], strides = [1, 1]} : vector<2560x128xf32> to vector<320x128xf32>
    %convert_element_type3A_373 = arith.truncf %slice3A_372 : vector<320x128xf32> to vector<320x128xbf16>
    %convert_element_type3A_374 = arith.truncf %mul3A_371 : vector<320x320xf32> to vector<320x320xbf16>
    %dot_general3A_375 = arith.constant dense<0.000000e+00> : vector<320x128xf32>
    %dot_general3A_376 = tpu.matmul %convert_element_type3A_374, %convert_element_type3A_373, %dot_general3A_375 {dimension_numbers = #tpu.dot_dimension_numbers<[1], [0], [0], [1], [0, 0, 1, 1], [], []>, transpose_lhs_hint = false} : vector<320x320xbf16>, vector<320x128xbf16>, vector<320x128xf32> -> vector<320x128xf32>
    %slice3A_377 = vector.extract_strided_slice %slice3A_292 {offsets = [2240, 0], sizes = [320, 1], strides = [1, 1]} : vector<2560x1xf32> to vector<320x1xf32>
    %eq3A_378 = vector.broadcast %slice3A_377 : vector<320x1xf32> to vector<320x320xf32>
    %eq3A_379 = vector.broadcast %get3A_71 : vector<1x320xf32> to vector<320x320xf32>
    %eq3A_380 = arith.cmpf oeq, %eq3A_378, %eq3A_379 : vector<320x320xf32>
    %convert_element_type3A_381 = arith.extui %eq3A_380 : vector<320x320xi1> to vector<320x320xi32>
    %convert_element_type3A_382 = arith.sitofp %convert_element_type3A_381 : vector<320x320xi32> to vector<320x320xf32>
    %mul3A_383 = arith.mulf %get3A_68, %convert_element_type3A_382 : vector<320x320xf32>
    %slice3A_384 = vector.extract_strided_slice %add3A_49 {offsets = [2240, 0], sizes = [320, 128], strides = [1, 1]} : vector<2560x128xf32> to vector<320x128xf32>
    %convert_element_type3A_385 = arith.truncf %slice3A_384 : vector<320x128xf32> to vector<320x128xbf16>
    %convert_element_type3A_386 = arith.truncf %mul3A_383 : vector<320x320xf32> to vector<320x320xbf16>
    %dot_general3A_387 = arith.constant dense<0.000000e+00> : vector<320x128xf32>
    %dot_general3A_388 = tpu.matmul %convert_element_type3A_386, %convert_element_type3A_385, %dot_general3A_387 {dimension_numbers = #tpu.dot_dimension_numbers<[1], [0], [0], [1], [0, 0, 1, 1], [], []>, transpose_lhs_hint = false} : vector<320x320xbf16>, vector<320x128xbf16>, vector<320x128xf32> -> vector<320x128xf32>
    %concatenate3A_389 = tpu.concatenate %dot_general3A_304, %dot_general3A_316, %dot_general3A_328, %dot_general3A_340, %dot_general3A_352, %dot_general3A_364, %dot_general3A_376, %dot_general3A_388 in 0 : vector<320x128xf32>, vector<320x128xf32>, vector<320x128xf32>, vector<320x128xf32>, vector<320x128xf32>, vector<320x128xf32>, vector<320x128xf32>, vector<320x128xf32> -> vector<2560x128xf32>
    %add3A_390 = arith.addf %concatenate3A_389, %dot_general3A_55 : vector<2560x128xf32>
    %logistic3A_391 = arith.negf %add3A_390 : vector<2560x128xf32>
    %logistic3A_392 = math.exp %logistic3A_391 : vector<2560x128xf32>
    %logistic3A_393 = arith.constant 1.000000e+00 : f32
    %logistic3A_394 = vector.broadcast %logistic3A_393 : f32 to vector<2560x128xf32>
    %logistic3A_395 = arith.addf %logistic3A_394, %logistic3A_392 : vector<2560x128xf32>
    %logistic3A_396 = arith.divf %logistic3A_394, %logistic3A_395 : vector<2560x128xf32>
    %mul3A_397 = vector.broadcast %get3A_74 : vector<1x128xf32> to vector<2560x128xf32>
    %mul3A_398 = arith.mulf %logistic3A_396, %mul3A_397 : vector<2560x128xf32>
    %reduce_sum3A_399 = arith.constant dense<0.000000e+00> : vector<2560xf32>
    %reduce_sum3A_400 = vector.multi_reduction <add>, %mul3A_398, %reduce_sum3A_399 [1] : vector<2560x128xf32> to vector<2560xf32>
    %broadcast_in_dim3A_401 = vector.shape_cast %reduce_sum3A_400 : vector<2560xf32> to vector<2560x1xf32>
    %exp3A_402 = math.exp %broadcast_in_dim3A_401 : vector<2560x1xf32>
    %slice3A_403 = vector.extract_strided_slice %get3A_65 {offsets = [0, 3], sizes = [2560, 1], strides = [1, 1]} : vector<2560x4xf32> to vector<2560x1xf32>
    %slice3A_404 = vector.extract_strided_slice %slice3A_403 {offsets = [0, 0], sizes = [320, 1], strides = [1, 1]} : vector<2560x1xf32> to vector<320x1xf32>
    %eq3A_405 = vector.broadcast %slice3A_404 : vector<320x1xf32> to vector<320x320xf32>
    %eq3A_406 = vector.broadcast %get3A_71 : vector<1x320xf32> to vector<320x320xf32>
    %eq3A_407 = arith.cmpf oeq, %eq3A_405, %eq3A_406 : vector<320x320xf32>
    %convert_element_type3A_408 = arith.extui %eq3A_407 : vector<320x320xi1> to vector<320x320xi32>
    %convert_element_type3A_409 = arith.sitofp %convert_element_type3A_408 : vector<320x320xi32> to vector<320x320xf32>
    %mul3A_410 = arith.mulf %get3A_68, %convert_element_type3A_409 : vector<320x320xf32>
    %slice3A_411 = vector.extract_strided_slice %add3A_49 {offsets = [0, 0], sizes = [320, 128], strides = [1, 1]} : vector<2560x128xf32> to vector<320x128xf32>
    %convert_element_type3A_412 = arith.truncf %slice3A_411 : vector<320x128xf32> to vector<320x128xbf16>
    %convert_element_type3A_413 = arith.truncf %mul3A_410 : vector<320x320xf32> to vector<320x320xbf16>
    %dot_general3A_414 = arith.constant dense<0.000000e+00> : vector<320x128xf32>
    %dot_general3A_415 = tpu.matmul %convert_element_type3A_413, %convert_element_type3A_412, %dot_general3A_414 {dimension_numbers = #tpu.dot_dimension_numbers<[1], [0], [0], [1], [0, 0, 1, 1], [], []>, transpose_lhs_hint = false} : vector<320x320xbf16>, vector<320x128xbf16>, vector<320x128xf32> -> vector<320x128xf32>
    %slice3A_416 = vector.extract_strided_slice %slice3A_403 {offsets = [320, 0], sizes = [320, 1], strides = [1, 1]} : vector<2560x1xf32> to vector<320x1xf32>
    %eq3A_417 = vector.broadcast %slice3A_416 : vector<320x1xf32> to vector<320x320xf32>
    %eq3A_418 = vector.broadcast %get3A_71 : vector<1x320xf32> to vector<320x320xf32>
    %eq3A_419 = arith.cmpf oeq, %eq3A_417, %eq3A_418 : vector<320x320xf32>
    %convert_element_type3A_420 = arith.extui %eq3A_419 : vector<320x320xi1> to vector<320x320xi32>
    %convert_element_type3A_421 = arith.sitofp %convert_element_type3A_420 : vector<320x320xi32> to vector<320x320xf32>
    %mul3A_422 = arith.mulf %get3A_68, %convert_element_type3A_421 : vector<320x320xf32>
    %slice3A_423 = vector.extract_strided_slice %add3A_49 {offsets = [320, 0], sizes = [320, 128], strides = [1, 1]} : vector<2560x128xf32> to vector<320x128xf32>
    %convert_element_type3A_424 = arith.truncf %slice3A_423 : vector<320x128xf32> to vector<320x128xbf16>
    %convert_element_type3A_425 = arith.truncf %mul3A_422 : vector<320x320xf32> to vector<320x320xbf16>
    %dot_general3A_426 = arith.constant dense<0.000000e+00> : vector<320x128xf32>
    %dot_general3A_427 = tpu.matmul %convert_element_type3A_425, %convert_element_type3A_424, %dot_general3A_426 {dimension_numbers = #tpu.dot_dimension_numbers<[1], [0], [0], [1], [0, 0, 1, 1], [], []>, transpose_lhs_hint = false} : vector<320x320xbf16>, vector<320x128xbf16>, vector<320x128xf32> -> vector<320x128xf32>
    %slice3A_428 = vector.extract_strided_slice %slice3A_403 {offsets = [640, 0], sizes = [320, 1], strides = [1, 1]} : vector<2560x1xf32> to vector<320x1xf32>
    %eq3A_429 = vector.broadcast %slice3A_428 : vector<320x1xf32> to vector<320x320xf32>
    %eq3A_430 = vector.broadcast %get3A_71 : vector<1x320xf32> to vector<320x320xf32>
    %eq3A_431 = arith.cmpf oeq, %eq3A_429, %eq3A_430 : vector<320x320xf32>
    %convert_element_type3A_432 = arith.extui %eq3A_431 : vector<320x320xi1> to vector<320x320xi32>
    %convert_element_type3A_433 = arith.sitofp %convert_element_type3A_432 : vector<320x320xi32> to vector<320x320xf32>
    %mul3A_434 = arith.mulf %get3A_68, %convert_element_type3A_433 : vector<320x320xf32>
    %slice3A_435 = vector.extract_strided_slice %add3A_49 {offsets = [640, 0], sizes = [320, 128], strides = [1, 1]} : vector<2560x128xf32> to vector<320x128xf32>
    %convert_element_type3A_436 = arith.truncf %slice3A_435 : vector<320x128xf32> to vector<320x128xbf16>
    %convert_element_type3A_437 = arith.truncf %mul3A_434 : vector<320x320xf32> to vector<320x320xbf16>
    %dot_general3A_438 = arith.constant dense<0.000000e+00> : vector<320x128xf32>
    %dot_general3A_439 = tpu.matmul %convert_element_type3A_437, %convert_element_type3A_436, %dot_general3A_438 {dimension_numbers = #tpu.dot_dimension_numbers<[1], [0], [0], [1], [0, 0, 1, 1], [], []>, transpose_lhs_hint = false} : vector<320x320xbf16>, vector<320x128xbf16>, vector<320x128xf32> -> vector<320x128xf32>
    %slice3A_440 = vector.extract_strided_slice %slice3A_403 {offsets = [960, 0], sizes = [320, 1], strides = [1, 1]} : vector<2560x1xf32> to vector<320x1xf32>
    %eq3A_441 = vector.broadcast %slice3A_440 : vector<320x1xf32> to vector<320x320xf32>
    %eq3A_442 = vector.broadcast %get3A_71 : vector<1x320xf32> to vector<320x320xf32>
    %eq3A_443 = arith.cmpf oeq, %eq3A_441, %eq3A_442 : vector<320x320xf32>
    %convert_element_type3A_444 = arith.extui %eq3A_443 : vector<320x320xi1> to vector<320x320xi32>
    %convert_element_type3A_445 = arith.sitofp %convert_element_type3A_444 : vector<320x320xi32> to vector<320x320xf32>
    %mul3A_446 = arith.mulf %get3A_68, %convert_element_type3A_445 : vector<320x320xf32>
    %slice3A_447 = vector.extract_strided_slice %add3A_49 {offsets = [960, 0], sizes = [320, 128], strides = [1, 1]} : vector<2560x128xf32> to vector<320x128xf32>
    %convert_element_type3A_448 = arith.truncf %slice3A_447 : vector<320x128xf32> to vector<320x128xbf16>
    %convert_element_type3A_449 = arith.truncf %mul3A_446 : vector<320x320xf32> to vector<320x320xbf16>
    %dot_general3A_450 = arith.constant dense<0.000000e+00> : vector<320x128xf32>
    %dot_general3A_451 = tpu.matmul %convert_element_type3A_449, %convert_element_type3A_448, %dot_general3A_450 {dimension_numbers = #tpu.dot_dimension_numbers<[1], [0], [0], [1], [0, 0, 1, 1], [], []>, transpose_lhs_hint = false} : vector<320x320xbf16>, vector<320x128xbf16>, vector<320x128xf32> -> vector<320x128xf32>
    %slice3A_452 = vector.extract_strided_slice %slice3A_403 {offsets = [1280, 0], sizes = [320, 1], strides = [1, 1]} : vector<2560x1xf32> to vector<320x1xf32>
    %eq3A_453 = vector.broadcast %slice3A_452 : vector<320x1xf32> to vector<320x320xf32>
    %eq3A_454 = vector.broadcast %get3A_71 : vector<1x320xf32> to vector<320x320xf32>
    %eq3A_455 = arith.cmpf oeq, %eq3A_453, %eq3A_454 : vector<320x320xf32>
    %convert_element_type3A_456 = arith.extui %eq3A_455 : vector<320x320xi1> to vector<320x320xi32>
    %convert_element_type3A_457 = arith.sitofp %convert_element_type3A_456 : vector<320x320xi32> to vector<320x320xf32>
    %mul3A_458 = arith.mulf %get3A_68, %convert_element_type3A_457 : vector<320x320xf32>
    %slice3A_459 = vector.extract_strided_slice %add3A_49 {offsets = [1280, 0], sizes = [320, 128], strides = [1, 1]} : vector<2560x128xf32> to vector<320x128xf32>
    %convert_element_type3A_460 = arith.truncf %slice3A_459 : vector<320x128xf32> to vector<320x128xbf16>
    %convert_element_type3A_461 = arith.truncf %mul3A_458 : vector<320x320xf32> to vector<320x320xbf16>
    %dot_general3A_462 = arith.constant dense<0.000000e+00> : vector<320x128xf32>
    %dot_general3A_463 = tpu.matmul %convert_element_type3A_461, %convert_element_type3A_460, %dot_general3A_462 {dimension_numbers = #tpu.dot_dimension_numbers<[1], [0], [0], [1], [0, 0, 1, 1], [], []>, transpose_lhs_hint = false} : vector<320x320xbf16>, vector<320x128xbf16>, vector<320x128xf32> -> vector<320x128xf32>
    %slice3A_464 = vector.extract_strided_slice %slice3A_403 {offsets = [1600, 0], sizes = [320, 1], strides = [1, 1]} : vector<2560x1xf32> to vector<320x1xf32>
    %eq3A_465 = vector.broadcast %slice3A_464 : vector<320x1xf32> to vector<320x320xf32>
    %eq3A_466 = vector.broadcast %get3A_71 : vector<1x320xf32> to vector<320x320xf32>
    %eq3A_467 = arith.cmpf oeq, %eq3A_465, %eq3A_466 : vector<320x320xf32>
    %convert_element_type3A_468 = arith.extui %eq3A_467 : vector<320x320xi1> to vector<320x320xi32>
    %convert_element_type3A_469 = arith.sitofp %convert_element_type3A_468 : vector<320x320xi32> to vector<320x320xf32>
    %mul3A_470 = arith.mulf %get3A_68, %convert_element_type3A_469 : vector<320x320xf32>
    %slice3A_471 = vector.extract_strided_slice %add3A_49 {offsets = [1600, 0], sizes = [320, 128], strides = [1, 1]} : vector<2560x128xf32> to vector<320x128xf32>
    %convert_element_type3A_472 = arith.truncf %slice3A_471 : vector<320x128xf32> to vector<320x128xbf16>
    %convert_element_type3A_473 = arith.truncf %mul3A_470 : vector<320x320xf32> to vector<320x320xbf16>
    %dot_general3A_474 = arith.constant dense<0.000000e+00> : vector<320x128xf32>
    %dot_general3A_475 = tpu.matmul %convert_element_type3A_473, %convert_element_type3A_472, %dot_general3A_474 {dimension_numbers = #tpu.dot_dimension_numbers<[1], [0], [0], [1], [0, 0, 1, 1], [], []>, transpose_lhs_hint = false} : vector<320x320xbf16>, vector<320x128xbf16>, vector<320x128xf32> -> vector<320x128xf32>
    %slice3A_476 = vector.extract_strided_slice %slice3A_403 {offsets = [1920, 0], sizes = [320, 1], strides = [1, 1]} : vector<2560x1xf32> to vector<320x1xf32>
    %eq3A_477 = vector.broadcast %slice3A_476 : vector<320x1xf32> to vector<320x320xf32>
    %eq3A_478 = vector.broadcast %get3A_71 : vector<1x320xf32> to vector<320x320xf32>
    %eq3A_479 = arith.cmpf oeq, %eq3A_477, %eq3A_478 : vector<320x320xf32>
    %convert_element_type3A_480 = arith.extui %eq3A_479 : vector<320x320xi1> to vector<320x320xi32>
    %convert_element_type3A_481 = arith.sitofp %convert_element_type3A_480 : vector<320x320xi32> to vector<320x320xf32>
    %mul3A_482 = arith.mulf %get3A_68, %convert_element_type3A_481 : vector<320x320xf32>
    %slice3A_483 = vector.extract_strided_slice %add3A_49 {offsets = [1920, 0], sizes = [320, 128], strides = [1, 1]} : vector<2560x128xf32> to vector<320x128xf32>
    %convert_element_type3A_484 = arith.truncf %slice3A_483 : vector<320x128xf32> to vector<320x128xbf16>
    %convert_element_type3A_485 = arith.truncf %mul3A_482 : vector<320x320xf32> to vector<320x320xbf16>
    %dot_general3A_486 = arith.constant dense<0.000000e+00> : vector<320x128xf32>
    %dot_general3A_487 = tpu.matmul %convert_element_type3A_485, %convert_element_type3A_484, %dot_general3A_486 {dimension_numbers = #tpu.dot_dimension_numbers<[1], [0], [0], [1], [0, 0, 1, 1], [], []>, transpose_lhs_hint = false} : vector<320x320xbf16>, vector<320x128xbf16>, vector<320x128xf32> -> vector<320x128xf32>
    %slice3A_488 = vector.extract_strided_slice %slice3A_403 {offsets = [2240, 0], sizes = [320, 1], strides = [1, 1]} : vector<2560x1xf32> to vector<320x1xf32>
    %eq3A_489 = vector.broadcast %slice3A_488 : vector<320x1xf32> to vector<320x320xf32>
    %eq3A_490 = vector.broadcast %get3A_71 : vector<1x320xf32> to vector<320x320xf32>
    %eq3A_491 = arith.cmpf oeq, %eq3A_489, %eq3A_490 : vector<320x320xf32>
    %convert_element_type3A_492 = arith.extui %eq3A_491 : vector<320x320xi1> to vector<320x320xi32>
    %convert_element_type3A_493 = arith.sitofp %convert_element_type3A_492 : vector<320x320xi32> to vector<320x320xf32>
    %mul3A_494 = arith.mulf %get3A_68, %convert_element_type3A_493 : vector<320x320xf32>
    %slice3A_495 = vector.extract_strided_slice %add3A_49 {offsets = [2240, 0], sizes = [320, 128], strides = [1, 1]} : vector<2560x128xf32> to vector<320x128xf32>
    %convert_element_type3A_496 = arith.truncf %slice3A_495 : vector<320x128xf32> to vector<320x128xbf16>
    %convert_element_type3A_497 = arith.truncf %mul3A_494 : vector<320x320xf32> to vector<320x320xbf16>
    %dot_general3A_498 = arith.constant dense<0.000000e+00> : vector<320x128xf32>
    %dot_general3A_499 = tpu.matmul %convert_element_type3A_497, %convert_element_type3A_496, %dot_general3A_498 {dimension_numbers = #tpu.dot_dimension_numbers<[1], [0], [0], [1], [0, 0, 1, 1], [], []>, transpose_lhs_hint = false} : vector<320x320xbf16>, vector<320x128xbf16>, vector<320x128xf32> -> vector<320x128xf32>
    %concatenate3A_500 = tpu.concatenate %dot_general3A_415, %dot_general3A_427, %dot_general3A_439, %dot_general3A_451, %dot_general3A_463, %dot_general3A_475, %dot_general3A_487, %dot_general3A_499 in 0 : vector<320x128xf32>, vector<320x128xf32>, vector<320x128xf32>, vector<320x128xf32>, vector<320x128xf32>, vector<320x128xf32>, vector<320x128xf32>, vector<320x128xf32> -> vector<2560x128xf32>
    %add3A_501 = arith.addf %concatenate3A_500, %dot_general3A_55 : vector<2560x128xf32>
    %logistic3A_502 = arith.negf %add3A_501 : vector<2560x128xf32>
    %logistic3A_503 = math.exp %logistic3A_502 : vector<2560x128xf32>
    %logistic3A_504 = arith.constant 1.000000e+00 : f32
    %logistic3A_505 = vector.broadcast %logistic3A_504 : f32 to vector<2560x128xf32>
    %logistic3A_506 = arith.addf %logistic3A_505, %logistic3A_503 : vector<2560x128xf32>
    %logistic3A_507 = arith.divf %logistic3A_505, %logistic3A_506 : vector<2560x128xf32>
    %mul3A_508 = vector.broadcast %get3A_74 : vector<1x128xf32> to vector<2560x128xf32>
    %mul3A_509 = arith.mulf %logistic3A_507, %mul3A_508 : vector<2560x128xf32>
    %reduce_sum3A_510 = arith.constant dense<0.000000e+00> : vector<2560xf32>
    %reduce_sum3A_511 = vector.multi_reduction <add>, %mul3A_509, %reduce_sum3A_510 [1] : vector<2560x128xf32> to vector<2560xf32>
    %broadcast_in_dim3A_512 = vector.shape_cast %reduce_sum3A_511 : vector<2560xf32> to vector<2560x1xf32>
    %exp3A_513 = math.exp %broadcast_in_dim3A_512 : vector<2560x1xf32>
    %add3A_514 = arith.addf %exp3A, %exp3A_291 : vector<2560x1xf32>
    %add3A_515 = arith.addf %add3A_514, %exp3A_402 : vector<2560x1xf32>
    %add3A_516 = arith.addf %add3A_515, %exp3A_513 : vector<2560x1xf32>
    %div3A_517 = arith.divf %exp3A, %add3A_516 : vector<2560x1xf32>
    %div3A_518 = arith.divf %exp3A_291, %add3A_516 : vector<2560x1xf32>
    %div3A_519 = arith.divf %exp3A_402, %add3A_516 : vector<2560x1xf32>
    %div3A_520 = arith.divf %exp3A_513, %add3A_516 : vector<2560x1xf32>
    %broadcast_in_dim3A_521 = arith.constant 0.000000e+00 : f32
    %broadcast_in_dim3A_522 = vector.broadcast %broadcast_in_dim3A_521 : f32 to vector<320x320xf32>
    %slice3A_523 = vector.extract_strided_slice %div3A_517 {offsets = [0, 0], sizes = [320, 1], strides = [1, 1]} : vector<2560x1xf32> to vector<320x1xf32>
    %slice3A_524 = vector.extract_strided_slice %get3A_65 {offsets = [0, 0], sizes = [320, 1], strides = [1, 1]} : vector<2560x4xf32> to vector<320x1xf32>
    %eq3A_525 = vector.broadcast %slice3A_524 : vector<320x1xf32> to vector<320x320xf32>
    %eq3A_526 = vector.broadcast %get3A_71 : vector<1x320xf32> to vector<320x320xf32>
    %eq3A_527 = arith.cmpf oeq, %eq3A_525, %eq3A_526 : vector<320x320xf32>
    %convert_element_type3A_528 = arith.extui %eq3A_527 : vector<320x320xi1> to vector<320x320xi32>
    %convert_element_type3A_529 = arith.sitofp %convert_element_type3A_528 : vector<320x320xi32> to vector<320x320xf32>
    %mul3A_530 = arith.mulf %get3A_68, %convert_element_type3A_529 : vector<320x320xf32>
    %mul3A_531 = vector.broadcast %slice3A_523 : vector<320x1xf32> to vector<320x320xf32>
    %mul3A_532 = arith.mulf %mul3A_531, %mul3A_530 : vector<320x320xf32>
    %add3A_533 = arith.addf %broadcast_in_dim3A_522, %mul3A_532 : vector<320x320xf32>
    %slice3A_534 = vector.extract_strided_slice %div3A_518 {offsets = [0, 0], sizes = [320, 1], strides = [1, 1]} : vector<2560x1xf32> to vector<320x1xf32>
    %slice3A_535 = vector.extract_strided_slice %get3A_65 {offsets = [0, 1], sizes = [320, 1], strides = [1, 1]} : vector<2560x4xf32> to vector<320x1xf32>
    %eq3A_536 = vector.broadcast %slice3A_535 : vector<320x1xf32> to vector<320x320xf32>
    %eq3A_537 = vector.broadcast %get3A_71 : vector<1x320xf32> to vector<320x320xf32>
    %eq3A_538 = arith.cmpf oeq, %eq3A_536, %eq3A_537 : vector<320x320xf32>
    %convert_element_type3A_539 = arith.extui %eq3A_538 : vector<320x320xi1> to vector<320x320xi32>
    %convert_element_type3A_540 = arith.sitofp %convert_element_type3A_539 : vector<320x320xi32> to vector<320x320xf32>
    %mul3A_541 = arith.mulf %get3A_68, %convert_element_type3A_540 : vector<320x320xf32>
    %mul3A_542 = vector.broadcast %slice3A_534 : vector<320x1xf32> to vector<320x320xf32>
    %mul3A_543 = arith.mulf %mul3A_542, %mul3A_541 : vector<320x320xf32>
    %add3A_544 = arith.addf %add3A_533, %mul3A_543 : vector<320x320xf32>
    %slice3A_545 = vector.extract_strided_slice %div3A_519 {offsets = [0, 0], sizes = [320, 1], strides = [1, 1]} : vector<2560x1xf32> to vector<320x1xf32>
    %slice3A_546 = vector.extract_strided_slice %get3A_65 {offsets = [0, 2], sizes = [320, 1], strides = [1, 1]} : vector<2560x4xf32> to vector<320x1xf32>
    %eq3A_547 = vector.broadcast %slice3A_546 : vector<320x1xf32> to vector<320x320xf32>
    %eq3A_548 = vector.broadcast %get3A_71 : vector<1x320xf32> to vector<320x320xf32>
    %eq3A_549 = arith.cmpf oeq, %eq3A_547, %eq3A_548 : vector<320x320xf32>
    %convert_element_type3A_550 = arith.extui %eq3A_549 : vector<320x320xi1> to vector<320x320xi32>
    %convert_element_type3A_551 = arith.sitofp %convert_element_type3A_550 : vector<320x320xi32> to vector<320x320xf32>
    %mul3A_552 = arith.mulf %get3A_68, %convert_element_type3A_551 : vector<320x320xf32>
    %mul3A_553 = vector.broadcast %slice3A_545 : vector<320x1xf32> to vector<320x320xf32>
    %mul3A_554 = arith.mulf %mul3A_553, %mul3A_552 : vector<320x320xf32>
    %add3A_555 = arith.addf %add3A_544, %mul3A_554 : vector<320x320xf32>
    %slice3A_556 = vector.extract_strided_slice %div3A_520 {offsets = [0, 0], sizes = [320, 1], strides = [1, 1]} : vector<2560x1xf32> to vector<320x1xf32>
    %slice3A_557 = vector.extract_strided_slice %get3A_65 {offsets = [0, 3], sizes = [320, 1], strides = [1, 1]} : vector<2560x4xf32> to vector<320x1xf32>
    %eq3A_558 = vector.broadcast %slice3A_557 : vector<320x1xf32> to vector<320x320xf32>
    %eq3A_559 = vector.broadcast %get3A_71 : vector<1x320xf32> to vector<320x320xf32>
    %eq3A_560 = arith.cmpf oeq, %eq3A_558, %eq3A_559 : vector<320x320xf32>
    %convert_element_type3A_561 = arith.extui %eq3A_560 : vector<320x320xi1> to vector<320x320xi32>
    %convert_element_type3A_562 = arith.sitofp %convert_element_type3A_561 : vector<320x320xi32> to vector<320x320xf32>
    %mul3A_563 = arith.mulf %get3A_68, %convert_element_type3A_562 : vector<320x320xf32>
    %mul3A_564 = vector.broadcast %slice3A_556 : vector<320x1xf32> to vector<320x320xf32>
    %mul3A_565 = arith.mulf %mul3A_564, %mul3A_563 : vector<320x320xf32>
    %add3A_566 = arith.addf %add3A_555, %mul3A_565 : vector<320x320xf32>
    %slice3A_567 = vector.extract_strided_slice %convert_element_type3A_62 {offsets = [0, 0], sizes = [320, 128], strides = [1, 1]} : vector<2560x128xbf16> to vector<320x128xbf16>
    %convert_element_type3A_568 = arith.truncf %add3A_566 : vector<320x320xf32> to vector<320x320xbf16>
    %dot_general3A_569 = arith.constant dense<0.000000e+00> : vector<320x128xf32>
    %dot_general3A_570 = tpu.matmul %convert_element_type3A_568, %slice3A_567, %dot_general3A_569 {dimension_numbers = #tpu.dot_dimension_numbers<[1], [0], [0], [1], [0, 0, 1, 1], [], []>, transpose_lhs_hint = false} : vector<320x320xbf16>, vector<320x128xbf16>, vector<320x128xf32> -> vector<320x128xf32>
    %broadcast_in_dim3A_571 = arith.constant 0.000000e+00 : f32
    %broadcast_in_dim3A_572 = vector.broadcast %broadcast_in_dim3A_571 : f32 to vector<320x320xf32>
    %slice3A_573 = vector.extract_strided_slice %div3A_517 {offsets = [320, 0], sizes = [320, 1], strides = [1, 1]} : vector<2560x1xf32> to vector<320x1xf32>
    %slice3A_574 = vector.extract_strided_slice %get3A_65 {offsets = [320, 0], sizes = [320, 1], strides = [1, 1]} : vector<2560x4xf32> to vector<320x1xf32>
    %eq3A_575 = vector.broadcast %slice3A_574 : vector<320x1xf32> to vector<320x320xf32>
    %eq3A_576 = vector.broadcast %get3A_71 : vector<1x320xf32> to vector<320x320xf32>
    %eq3A_577 = arith.cmpf oeq, %eq3A_575, %eq3A_576 : vector<320x320xf32>
    %convert_element_type3A_578 = arith.extui %eq3A_577 : vector<320x320xi1> to vector<320x320xi32>
    %convert_element_type3A_579 = arith.sitofp %convert_element_type3A_578 : vector<320x320xi32> to vector<320x320xf32>
    %mul3A_580 = arith.mulf %get3A_68, %convert_element_type3A_579 : vector<320x320xf32>
    %mul3A_581 = vector.broadcast %slice3A_573 : vector<320x1xf32> to vector<320x320xf32>
    %mul3A_582 = arith.mulf %mul3A_581, %mul3A_580 : vector<320x320xf32>
    %add3A_583 = arith.addf %broadcast_in_dim3A_572, %mul3A_582 : vector<320x320xf32>
    %slice3A_584 = vector.extract_strided_slice %div3A_518 {offsets = [320, 0], sizes = [320, 1], strides = [1, 1]} : vector<2560x1xf32> to vector<320x1xf32>
    %slice3A_585 = vector.extract_strided_slice %get3A_65 {offsets = [320, 1], sizes = [320, 1], strides = [1, 1]} : vector<2560x4xf32> to vector<320x1xf32>
    %eq3A_586 = vector.broadcast %slice3A_585 : vector<320x1xf32> to vector<320x320xf32>
    %eq3A_587 = vector.broadcast %get3A_71 : vector<1x320xf32> to vector<320x320xf32>
    %eq3A_588 = arith.cmpf oeq, %eq3A_586, %eq3A_587 : vector<320x320xf32>
    %convert_element_type3A_589 = arith.extui %eq3A_588 : vector<320x320xi1> to vector<320x320xi32>
    %convert_element_type3A_590 = arith.sitofp %convert_element_type3A_589 : vector<320x320xi32> to vector<320x320xf32>
    %mul3A_591 = arith.mulf %get3A_68, %convert_element_type3A_590 : vector<320x320xf32>
    %mul3A_592 = vector.broadcast %slice3A_584 : vector<320x1xf32> to vector<320x320xf32>
    %mul3A_593 = arith.mulf %mul3A_592, %mul3A_591 : vector<320x320xf32>
    %add3A_594 = arith.addf %add3A_583, %mul3A_593 : vector<320x320xf32>
    %slice3A_595 = vector.extract_strided_slice %div3A_519 {offsets = [320, 0], sizes = [320, 1], strides = [1, 1]} : vector<2560x1xf32> to vector<320x1xf32>
    %slice3A_596 = vector.extract_strided_slice %get3A_65 {offsets = [320, 2], sizes = [320, 1], strides = [1, 1]} : vector<2560x4xf32> to vector<320x1xf32>
    %eq3A_597 = vector.broadcast %slice3A_596 : vector<320x1xf32> to vector<320x320xf32>
    %eq3A_598 = vector.broadcast %get3A_71 : vector<1x320xf32> to vector<320x320xf32>
    %eq3A_599 = arith.cmpf oeq, %eq3A_597, %eq3A_598 : vector<320x320xf32>
    %convert_element_type3A_600 = arith.extui %eq3A_599 : vector<320x320xi1> to vector<320x320xi32>
    %convert_element_type3A_601 = arith.sitofp %convert_element_type3A_600 : vector<320x320xi32> to vector<320x320xf32>
    %mul3A_602 = arith.mulf %get3A_68, %convert_element_type3A_601 : vector<320x320xf32>
    %mul3A_603 = vector.broadcast %slice3A_595 : vector<320x1xf32> to vector<320x320xf32>
    %mul3A_604 = arith.mulf %mul3A_603, %mul3A_602 : vector<320x320xf32>
    %add3A_605 = arith.addf %add3A_594, %mul3A_604 : vector<320x320xf32>
    %slice3A_606 = vector.extract_strided_slice %div3A_520 {offsets = [320, 0], sizes = [320, 1], strides = [1, 1]} : vector<2560x1xf32> to vector<320x1xf32>
    %slice3A_607 = vector.extract_strided_slice %get3A_65 {offsets = [320, 3], sizes = [320, 1], strides = [1, 1]} : vector<2560x4xf32> to vector<320x1xf32>
    %eq3A_608 = vector.broadcast %slice3A_607 : vector<320x1xf32> to vector<320x320xf32>
    %eq3A_609 = vector.broadcast %get3A_71 : vector<1x320xf32> to vector<320x320xf32>
    %eq3A_610 = arith.cmpf oeq, %eq3A_608, %eq3A_609 : vector<320x320xf32>
    %convert_element_type3A_611 = arith.extui %eq3A_610 : vector<320x320xi1> to vector<320x320xi32>
    %convert_element_type3A_612 = arith.sitofp %convert_element_type3A_611 : vector<320x320xi32> to vector<320x320xf32>
    %mul3A_613 = arith.mulf %get3A_68, %convert_element_type3A_612 : vector<320x320xf32>
    %mul3A_614 = vector.broadcast %slice3A_606 : vector<320x1xf32> to vector<320x320xf32>
    %mul3A_615 = arith.mulf %mul3A_614, %mul3A_613 : vector<320x320xf32>
    %add3A_616 = arith.addf %add3A_605, %mul3A_615 : vector<320x320xf32>
    %slice3A_617 = vector.extract_strided_slice %convert_element_type3A_62 {offsets = [320, 0], sizes = [320, 128], strides = [1, 1]} : vector<2560x128xbf16> to vector<320x128xbf16>
    %convert_element_type3A_618 = arith.truncf %add3A_616 : vector<320x320xf32> to vector<320x320xbf16>
    %dot_general3A_619 = arith.constant dense<0.000000e+00> : vector<320x128xf32>
    %dot_general3A_620 = tpu.matmul %convert_element_type3A_618, %slice3A_617, %dot_general3A_619 {dimension_numbers = #tpu.dot_dimension_numbers<[1], [0], [0], [1], [0, 0, 1, 1], [], []>, transpose_lhs_hint = false} : vector<320x320xbf16>, vector<320x128xbf16>, vector<320x128xf32> -> vector<320x128xf32>
    %broadcast_in_dim3A_621 = arith.constant 0.000000e+00 : f32
    %broadcast_in_dim3A_622 = vector.broadcast %broadcast_in_dim3A_621 : f32 to vector<320x320xf32>
    %slice3A_623 = vector.extract_strided_slice %div3A_517 {offsets = [640, 0], sizes = [320, 1], strides = [1, 1]} : vector<2560x1xf32> to vector<320x1xf32>
    %slice3A_624 = vector.extract_strided_slice %get3A_65 {offsets = [640, 0], sizes = [320, 1], strides = [1, 1]} : vector<2560x4xf32> to vector<320x1xf32>
    %eq3A_625 = vector.broadcast %slice3A_624 : vector<320x1xf32> to vector<320x320xf32>
    %eq3A_626 = vector.broadcast %get3A_71 : vector<1x320xf32> to vector<320x320xf32>
    %eq3A_627 = arith.cmpf oeq, %eq3A_625, %eq3A_626 : vector<320x320xf32>
    %convert_element_type3A_628 = arith.extui %eq3A_627 : vector<320x320xi1> to vector<320x320xi32>
    %convert_element_type3A_629 = arith.sitofp %convert_element_type3A_628 : vector<320x320xi32> to vector<320x320xf32>
    %mul3A_630 = arith.mulf %get3A_68, %convert_element_type3A_629 : vector<320x320xf32>
    %mul3A_631 = vector.broadcast %slice3A_623 : vector<320x1xf32> to vector<320x320xf32>
    %mul3A_632 = arith.mulf %mul3A_631, %mul3A_630 : vector<320x320xf32>
    %add3A_633 = arith.addf %broadcast_in_dim3A_622, %mul3A_632 : vector<320x320xf32>
    %slice3A_634 = vector.extract_strided_slice %div3A_518 {offsets = [640, 0], sizes = [320, 1], strides = [1, 1]} : vector<2560x1xf32> to vector<320x1xf32>
    %slice3A_635 = vector.extract_strided_slice %get3A_65 {offsets = [640, 1], sizes = [320, 1], strides = [1, 1]} : vector<2560x4xf32> to vector<320x1xf32>
    %eq3A_636 = vector.broadcast %slice3A_635 : vector<320x1xf32> to vector<320x320xf32>
    %eq3A_637 = vector.broadcast %get3A_71 : vector<1x320xf32> to vector<320x320xf32>
    %eq3A_638 = arith.cmpf oeq, %eq3A_636, %eq3A_637 : vector<320x320xf32>
    %convert_element_type3A_639 = arith.extui %eq3A_638 : vector<320x320xi1> to vector<320x320xi32>
    %convert_element_type3A_640 = arith.sitofp %convert_element_type3A_639 : vector<320x320xi32> to vector<320x320xf32>
    %mul3A_641 = arith.mulf %get3A_68, %convert_element_type3A_640 : vector<320x320xf32>
    %mul3A_642 = vector.broadcast %slice3A_634 : vector<320x1xf32> to vector<320x320xf32>
    %mul3A_643 = arith.mulf %mul3A_642, %mul3A_641 : vector<320x320xf32>
    %add3A_644 = arith.addf %add3A_633, %mul3A_643 : vector<320x320xf32>
    %slice3A_645 = vector.extract_strided_slice %div3A_519 {offsets = [640, 0], sizes = [320, 1], strides = [1, 1]} : vector<2560x1xf32> to vector<320x1xf32>
    %slice3A_646 = vector.extract_strided_slice %get3A_65 {offsets = [640, 2], sizes = [320, 1], strides = [1, 1]} : vector<2560x4xf32> to vector<320x1xf32>
    %eq3A_647 = vector.broadcast %slice3A_646 : vector<320x1xf32> to vector<320x320xf32>
    %eq3A_648 = vector.broadcast %get3A_71 : vector<1x320xf32> to vector<320x320xf32>
    %eq3A_649 = arith.cmpf oeq, %eq3A_647, %eq3A_648 : vector<320x320xf32>
    %convert_element_type3A_650 = arith.extui %eq3A_649 : vector<320x320xi1> to vector<320x320xi32>
    %convert_element_type3A_651 = arith.sitofp %convert_element_type3A_650 : vector<320x320xi32> to vector<320x320xf32>
    %mul3A_652 = arith.mulf %get3A_68, %convert_element_type3A_651 : vector<320x320xf32>
    %mul3A_653 = vector.broadcast %slice3A_645 : vector<320x1xf32> to vector<320x320xf32>
    %mul3A_654 = arith.mulf %mul3A_653, %mul3A_652 : vector<320x320xf32>
    %add3A_655 = arith.addf %add3A_644, %mul3A_654 : vector<320x320xf32>
    %slice3A_656 = vector.extract_strided_slice %div3A_520 {offsets = [640, 0], sizes = [320, 1], strides = [1, 1]} : vector<2560x1xf32> to vector<320x1xf32>
    %slice3A_657 = vector.extract_strided_slice %get3A_65 {offsets = [640, 3], sizes = [320, 1], strides = [1, 1]} : vector<2560x4xf32> to vector<320x1xf32>
    %eq3A_658 = vector.broadcast %slice3A_657 : vector<320x1xf32> to vector<320x320xf32>
    %eq3A_659 = vector.broadcast %get3A_71 : vector<1x320xf32> to vector<320x320xf32>
    %eq3A_660 = arith.cmpf oeq, %eq3A_658, %eq3A_659 : vector<320x320xf32>
    %convert_element_type3A_661 = arith.extui %eq3A_660 : vector<320x320xi1> to vector<320x320xi32>
    %convert_element_type3A_662 = arith.sitofp %convert_element_type3A_661 : vector<320x320xi32> to vector<320x320xf32>
    %mul3A_663 = arith.mulf %get3A_68, %convert_element_type3A_662 : vector<320x320xf32>
    %mul3A_664 = vector.broadcast %slice3A_656 : vector<320x1xf32> to vector<320x320xf32>
    %mul3A_665 = arith.mulf %mul3A_664, %mul3A_663 : vector<320x320xf32>
    %add3A_666 = arith.addf %add3A_655, %mul3A_665 : vector<320x320xf32>
    %slice3A_667 = vector.extract_strided_slice %convert_element_type3A_62 {offsets = [640, 0], sizes = [320, 128], strides = [1, 1]} : vector<2560x128xbf16> to vector<320x128xbf16>
    %convert_element_type3A_668 = arith.truncf %add3A_666 : vector<320x320xf32> to vector<320x320xbf16>
    %dot_general3A_669 = arith.constant dense<0.000000e+00> : vector<320x128xf32>
    %dot_general3A_670 = tpu.matmul %convert_element_type3A_668, %slice3A_667, %dot_general3A_669 {dimension_numbers = #tpu.dot_dimension_numbers<[1], [0], [0], [1], [0, 0, 1, 1], [], []>, transpose_lhs_hint = false} : vector<320x320xbf16>, vector<320x128xbf16>, vector<320x128xf32> -> vector<320x128xf32>
    %broadcast_in_dim3A_671 = arith.constant 0.000000e+00 : f32
    %broadcast_in_dim3A_672 = vector.broadcast %broadcast_in_dim3A_671 : f32 to vector<320x320xf32>
    %slice3A_673 = vector.extract_strided_slice %div3A_517 {offsets = [960, 0], sizes = [320, 1], strides = [1, 1]} : vector<2560x1xf32> to vector<320x1xf32>
    %slice3A_674 = vector.extract_strided_slice %get3A_65 {offsets = [960, 0], sizes = [320, 1], strides = [1, 1]} : vector<2560x4xf32> to vector<320x1xf32>
    %eq3A_675 = vector.broadcast %slice3A_674 : vector<320x1xf32> to vector<320x320xf32>
    %eq3A_676 = vector.broadcast %get3A_71 : vector<1x320xf32> to vector<320x320xf32>
    %eq3A_677 = arith.cmpf oeq, %eq3A_675, %eq3A_676 : vector<320x320xf32>
    %convert_element_type3A_678 = arith.extui %eq3A_677 : vector<320x320xi1> to vector<320x320xi32>
    %convert_element_type3A_679 = arith.sitofp %convert_element_type3A_678 : vector<320x320xi32> to vector<320x320xf32>
    %mul3A_680 = arith.mulf %get3A_68, %convert_element_type3A_679 : vector<320x320xf32>
    %mul3A_681 = vector.broadcast %slice3A_673 : vector<320x1xf32> to vector<320x320xf32>
    %mul3A_682 = arith.mulf %mul3A_681, %mul3A_680 : vector<320x320xf32>
    %add3A_683 = arith.addf %broadcast_in_dim3A_672, %mul3A_682 : vector<320x320xf32>
    %slice3A_684 = vector.extract_strided_slice %div3A_518 {offsets = [960, 0], sizes = [320, 1], strides = [1, 1]} : vector<2560x1xf32> to vector<320x1xf32>
    %slice3A_685 = vector.extract_strided_slice %get3A_65 {offsets = [960, 1], sizes = [320, 1], strides = [1, 1]} : vector<2560x4xf32> to vector<320x1xf32>
    %eq3A_686 = vector.broadcast %slice3A_685 : vector<320x1xf32> to vector<320x320xf32>
    %eq3A_687 = vector.broadcast %get3A_71 : vector<1x320xf32> to vector<320x320xf32>
    %eq3A_688 = arith.cmpf oeq, %eq3A_686, %eq3A_687 : vector<320x320xf32>
    %convert_element_type3A_689 = arith.extui %eq3A_688 : vector<320x320xi1> to vector<320x320xi32>
    %convert_element_type3A_690 = arith.sitofp %convert_element_type3A_689 : vector<320x320xi32> to vector<320x320xf32>
    %mul3A_691 = arith.mulf %get3A_68, %convert_element_type3A_690 : vector<320x320xf32>
    %mul3A_692 = vector.broadcast %slice3A_684 : vector<320x1xf32> to vector<320x320xf32>
    %mul3A_693 = arith.mulf %mul3A_692, %mul3A_691 : vector<320x320xf32>
    %add3A_694 = arith.addf %add3A_683, %mul3A_693 : vector<320x320xf32>
    %slice3A_695 = vector.extract_strided_slice %div3A_519 {offsets = [960, 0], sizes = [320, 1], strides = [1, 1]} : vector<2560x1xf32> to vector<320x1xf32>
    %slice3A_696 = vector.extract_strided_slice %get3A_65 {offsets = [960, 2], sizes = [320, 1], strides = [1, 1]} : vector<2560x4xf32> to vector<320x1xf32>
    %eq3A_697 = vector.broadcast %slice3A_696 : vector<320x1xf32> to vector<320x320xf32>
    %eq3A_698 = vector.broadcast %get3A_71 : vector<1x320xf32> to vector<320x320xf32>
    %eq3A_699 = arith.cmpf oeq, %eq3A_697, %eq3A_698 : vector<320x320xf32>
    %convert_element_type3A_700 = arith.extui %eq3A_699 : vector<320x320xi1> to vector<320x320xi32>
    %convert_element_type3A_701 = arith.sitofp %convert_element_type3A_700 : vector<320x320xi32> to vector<320x320xf32>
    %mul3A_702 = arith.mulf %get3A_68, %convert_element_type3A_701 : vector<320x320xf32>
    %mul3A_703 = vector.broadcast %slice3A_695 : vector<320x1xf32> to vector<320x320xf32>
    %mul3A_704 = arith.mulf %mul3A_703, %mul3A_702 : vector<320x320xf32>
    %add3A_705 = arith.addf %add3A_694, %mul3A_704 : vector<320x320xf32>
    %slice3A_706 = vector.extract_strided_slice %div3A_520 {offsets = [960, 0], sizes = [320, 1], strides = [1, 1]} : vector<2560x1xf32> to vector<320x1xf32>
    %slice3A_707 = vector.extract_strided_slice %get3A_65 {offsets = [960, 3], sizes = [320, 1], strides = [1, 1]} : vector<2560x4xf32> to vector<320x1xf32>
    %eq3A_708 = vector.broadcast %slice3A_707 : vector<320x1xf32> to vector<320x320xf32>
    %eq3A_709 = vector.broadcast %get3A_71 : vector<1x320xf32> to vector<320x320xf32>
    %eq3A_710 = arith.cmpf oeq, %eq3A_708, %eq3A_709 : vector<320x320xf32>
    %convert_element_type3A_711 = arith.extui %eq3A_710 : vector<320x320xi1> to vector<320x320xi32>
    %convert_element_type3A_712 = arith.sitofp %convert_element_type3A_711 : vector<320x320xi32> to vector<320x320xf32>
    %mul3A_713 = arith.mulf %get3A_68, %convert_element_type3A_712 : vector<320x320xf32>
    %mul3A_714 = vector.broadcast %slice3A_706 : vector<320x1xf32> to vector<320x320xf32>
    %mul3A_715 = arith.mulf %mul3A_714, %mul3A_713 : vector<320x320xf32>
    %add3A_716 = arith.addf %add3A_705, %mul3A_715 : vector<320x320xf32>
    %slice3A_717 = vector.extract_strided_slice %convert_element_type3A_62 {offsets = [960, 0], sizes = [320, 128], strides = [1, 1]} : vector<2560x128xbf16> to vector<320x128xbf16>
    %convert_element_type3A_718 = arith.truncf %add3A_716 : vector<320x320xf32> to vector<320x320xbf16>
    %dot_general3A_719 = arith.constant dense<0.000000e+00> : vector<320x128xf32>
    %dot_general3A_720 = tpu.matmul %convert_element_type3A_718, %slice3A_717, %dot_general3A_719 {dimension_numbers = #tpu.dot_dimension_numbers<[1], [0], [0], [1], [0, 0, 1, 1], [], []>, transpose_lhs_hint = false} : vector<320x320xbf16>, vector<320x128xbf16>, vector<320x128xf32> -> vector<320x128xf32>
    %broadcast_in_dim3A_721 = arith.constant 0.000000e+00 : f32
    %broadcast_in_dim3A_722 = vector.broadcast %broadcast_in_dim3A_721 : f32 to vector<320x320xf32>
    %slice3A_723 = vector.extract_strided_slice %div3A_517 {offsets = [1280, 0], sizes = [320, 1], strides = [1, 1]} : vector<2560x1xf32> to vector<320x1xf32>
    %slice3A_724 = vector.extract_strided_slice %get3A_65 {offsets = [1280, 0], sizes = [320, 1], strides = [1, 1]} : vector<2560x4xf32> to vector<320x1xf32>
    %eq3A_725 = vector.broadcast %slice3A_724 : vector<320x1xf32> to vector<320x320xf32>
    %eq3A_726 = vector.broadcast %get3A_71 : vector<1x320xf32> to vector<320x320xf32>
    %eq3A_727 = arith.cmpf oeq, %eq3A_725, %eq3A_726 : vector<320x320xf32>
    %convert_element_type3A_728 = arith.extui %eq3A_727 : vector<320x320xi1> to vector<320x320xi32>
    %convert_element_type3A_729 = arith.sitofp %convert_element_type3A_728 : vector<320x320xi32> to vector<320x320xf32>
    %mul3A_730 = arith.mulf %get3A_68, %convert_element_type3A_729 : vector<320x320xf32>
    %mul3A_731 = vector.broadcast %slice3A_723 : vector<320x1xf32> to vector<320x320xf32>
    %mul3A_732 = arith.mulf %mul3A_731, %mul3A_730 : vector<320x320xf32>
    %add3A_733 = arith.addf %broadcast_in_dim3A_722, %mul3A_732 : vector<320x320xf32>
    %slice3A_734 = vector.extract_strided_slice %div3A_518 {offsets = [1280, 0], sizes = [320, 1], strides = [1, 1]} : vector<2560x1xf32> to vector<320x1xf32>
    %slice3A_735 = vector.extract_strided_slice %get3A_65 {offsets = [1280, 1], sizes = [320, 1], strides = [1, 1]} : vector<2560x4xf32> to vector<320x1xf32>
    %eq3A_736 = vector.broadcast %slice3A_735 : vector<320x1xf32> to vector<320x320xf32>
    %eq3A_737 = vector.broadcast %get3A_71 : vector<1x320xf32> to vector<320x320xf32>
    %eq3A_738 = arith.cmpf oeq, %eq3A_736, %eq3A_737 : vector<320x320xf32>
    %convert_element_type3A_739 = arith.extui %eq3A_738 : vector<320x320xi1> to vector<320x320xi32>
    %convert_element_type3A_740 = arith.sitofp %convert_element_type3A_739 : vector<320x320xi32> to vector<320x320xf32>
    %mul3A_741 = arith.mulf %get3A_68, %convert_element_type3A_740 : vector<320x320xf32>
    %mul3A_742 = vector.broadcast %slice3A_734 : vector<320x1xf32> to vector<320x320xf32>
    %mul3A_743 = arith.mulf %mul3A_742, %mul3A_741 : vector<320x320xf32>
    %add3A_744 = arith.addf %add3A_733, %mul3A_743 : vector<320x320xf32>
    %slice3A_745 = vector.extract_strided_slice %div3A_519 {offsets = [1280, 0], sizes = [320, 1], strides = [1, 1]} : vector<2560x1xf32> to vector<320x1xf32>
    %slice3A_746 = vector.extract_strided_slice %get3A_65 {offsets = [1280, 2], sizes = [320, 1], strides = [1, 1]} : vector<2560x4xf32> to vector<320x1xf32>
    %eq3A_747 = vector.broadcast %slice3A_746 : vector<320x1xf32> to vector<320x320xf32>
    %eq3A_748 = vector.broadcast %get3A_71 : vector<1x320xf32> to vector<320x320xf32>
    %eq3A_749 = arith.cmpf oeq, %eq3A_747, %eq3A_748 : vector<320x320xf32>
    %convert_element_type3A_750 = arith.extui %eq3A_749 : vector<320x320xi1> to vector<320x320xi32>
    %convert_element_type3A_751 = arith.sitofp %convert_element_type3A_750 : vector<320x320xi32> to vector<320x320xf32>
    %mul3A_752 = arith.mulf %get3A_68, %convert_element_type3A_751 : vector<320x320xf32>
    %mul3A_753 = vector.broadcast %slice3A_745 : vector<320x1xf32> to vector<320x320xf32>
    %mul3A_754 = arith.mulf %mul3A_753, %mul3A_752 : vector<320x320xf32>
    %add3A_755 = arith.addf %add3A_744, %mul3A_754 : vector<320x320xf32>
    %slice3A_756 = vector.extract_strided_slice %div3A_520 {offsets = [1280, 0], sizes = [320, 1], strides = [1, 1]} : vector<2560x1xf32> to vector<320x1xf32>
    %slice3A_757 = vector.extract_strided_slice %get3A_65 {offsets = [1280, 3], sizes = [320, 1], strides = [1, 1]} : vector<2560x4xf32> to vector<320x1xf32>
    %eq3A_758 = vector.broadcast %slice3A_757 : vector<320x1xf32> to vector<320x320xf32>
    %eq3A_759 = vector.broadcast %get3A_71 : vector<1x320xf32> to vector<320x320xf32>
    %eq3A_760 = arith.cmpf oeq, %eq3A_758, %eq3A_759 : vector<320x320xf32>
    %convert_element_type3A_761 = arith.extui %eq3A_760 : vector<320x320xi1> to vector<320x320xi32>
    %convert_element_type3A_762 = arith.sitofp %convert_element_type3A_761 : vector<320x320xi32> to vector<320x320xf32>
    %mul3A_763 = arith.mulf %get3A_68, %convert_element_type3A_762 : vector<320x320xf32>
    %mul3A_764 = vector.broadcast %slice3A_756 : vector<320x1xf32> to vector<320x320xf32>
    %mul3A_765 = arith.mulf %mul3A_764, %mul3A_763 : vector<320x320xf32>
    %add3A_766 = arith.addf %add3A_755, %mul3A_765 : vector<320x320xf32>
    %slice3A_767 = vector.extract_strided_slice %convert_element_type3A_62 {offsets = [1280, 0], sizes = [320, 128], strides = [1, 1]} : vector<2560x128xbf16> to vector<320x128xbf16>
    %convert_element_type3A_768 = arith.truncf %add3A_766 : vector<320x320xf32> to vector<320x320xbf16>
    %dot_general3A_769 = arith.constant dense<0.000000e+00> : vector<320x128xf32>
    %dot_general3A_770 = tpu.matmul %convert_element_type3A_768, %slice3A_767, %dot_general3A_769 {dimension_numbers = #tpu.dot_dimension_numbers<[1], [0], [0], [1], [0, 0, 1, 1], [], []>, transpose_lhs_hint = false} : vector<320x320xbf16>, vector<320x128xbf16>, vector<320x128xf32> -> vector<320x128xf32>
    %broadcast_in_dim3A_771 = arith.constant 0.000000e+00 : f32
    %broadcast_in_dim3A_772 = vector.broadcast %broadcast_in_dim3A_771 : f32 to vector<320x320xf32>
    %slice3A_773 = vector.extract_strided_slice %div3A_517 {offsets = [1600, 0], sizes = [320, 1], strides = [1, 1]} : vector<2560x1xf32> to vector<320x1xf32>
    %slice3A_774 = vector.extract_strided_slice %get3A_65 {offsets = [1600, 0], sizes = [320, 1], strides = [1, 1]} : vector<2560x4xf32> to vector<320x1xf32>
    %eq3A_775 = vector.broadcast %slice3A_774 : vector<320x1xf32> to vector<320x320xf32>
    %eq3A_776 = vector.broadcast %get3A_71 : vector<1x320xf32> to vector<320x320xf32>
    %eq3A_777 = arith.cmpf oeq, %eq3A_775, %eq3A_776 : vector<320x320xf32>
    %convert_element_type3A_778 = arith.extui %eq3A_777 : vector<320x320xi1> to vector<320x320xi32>
    %convert_element_type3A_779 = arith.sitofp %convert_element_type3A_778 : vector<320x320xi32> to vector<320x320xf32>
    %mul3A_780 = arith.mulf %get3A_68, %convert_element_type3A_779 : vector<320x320xf32>
    %mul3A_781 = vector.broadcast %slice3A_773 : vector<320x1xf32> to vector<320x320xf32>
    %mul3A_782 = arith.mulf %mul3A_781, %mul3A_780 : vector<320x320xf32>
    %add3A_783 = arith.addf %broadcast_in_dim3A_772, %mul3A_782 : vector<320x320xf32>
    %slice3A_784 = vector.extract_strided_slice %div3A_518 {offsets = [1600, 0], sizes = [320, 1], strides = [1, 1]} : vector<2560x1xf32> to vector<320x1xf32>
    %slice3A_785 = vector.extract_strided_slice %get3A_65 {offsets = [1600, 1], sizes = [320, 1], strides = [1, 1]} : vector<2560x4xf32> to vector<320x1xf32>
    %eq3A_786 = vector.broadcast %slice3A_785 : vector<320x1xf32> to vector<320x320xf32>
    %eq3A_787 = vector.broadcast %get3A_71 : vector<1x320xf32> to vector<320x320xf32>
    %eq3A_788 = arith.cmpf oeq, %eq3A_786, %eq3A_787 : vector<320x320xf32>
    %convert_element_type3A_789 = arith.extui %eq3A_788 : vector<320x320xi1> to vector<320x320xi32>
    %convert_element_type3A_790 = arith.sitofp %convert_element_type3A_789 : vector<320x320xi32> to vector<320x320xf32>
    %mul3A_791 = arith.mulf %get3A_68, %convert_element_type3A_790 : vector<320x320xf32>
    %mul3A_792 = vector.broadcast %slice3A_784 : vector<320x1xf32> to vector<320x320xf32>
    %mul3A_793 = arith.mulf %mul3A_792, %mul3A_791 : vector<320x320xf32>
    %add3A_794 = arith.addf %add3A_783, %mul3A_793 : vector<320x320xf32>
    %slice3A_795 = vector.extract_strided_slice %div3A_519 {offsets = [1600, 0], sizes = [320, 1], strides = [1, 1]} : vector<2560x1xf32> to vector<320x1xf32>
    %slice3A_796 = vector.extract_strided_slice %get3A_65 {offsets = [1600, 2], sizes = [320, 1], strides = [1, 1]} : vector<2560x4xf32> to vector<320x1xf32>
    %eq3A_797 = vector.broadcast %slice3A_796 : vector<320x1xf32> to vector<320x320xf32>
    %eq3A_798 = vector.broadcast %get3A_71 : vector<1x320xf32> to vector<320x320xf32>
    %eq3A_799 = arith.cmpf oeq, %eq3A_797, %eq3A_798 : vector<320x320xf32>
    %convert_element_type3A_800 = arith.extui %eq3A_799 : vector<320x320xi1> to vector<320x320xi32>
    %convert_element_type3A_801 = arith.sitofp %convert_element_type3A_800 : vector<320x320xi32> to vector<320x320xf32>
    %mul3A_802 = arith.mulf %get3A_68, %convert_element_type3A_801 : vector<320x320xf32>
    %mul3A_803 = vector.broadcast %slice3A_795 : vector<320x1xf32> to vector<320x320xf32>
    %mul3A_804 = arith.mulf %mul3A_803, %mul3A_802 : vector<320x320xf32>
    %add3A_805 = arith.addf %add3A_794, %mul3A_804 : vector<320x320xf32>
    %slice3A_806 = vector.extract_strided_slice %div3A_520 {offsets = [1600, 0], sizes = [320, 1], strides = [1, 1]} : vector<2560x1xf32> to vector<320x1xf32>
    %slice3A_807 = vector.extract_strided_slice %get3A_65 {offsets = [1600, 3], sizes = [320, 1], strides = [1, 1]} : vector<2560x4xf32> to vector<320x1xf32>
    %eq3A_808 = vector.broadcast %slice3A_807 : vector<320x1xf32> to vector<320x320xf32>
    %eq3A_809 = vector.broadcast %get3A_71 : vector<1x320xf32> to vector<320x320xf32>
    %eq3A_810 = arith.cmpf oeq, %eq3A_808, %eq3A_809 : vector<320x320xf32>
    %convert_element_type3A_811 = arith.extui %eq3A_810 : vector<320x320xi1> to vector<320x320xi32>
    %convert_element_type3A_812 = arith.sitofp %convert_element_type3A_811 : vector<320x320xi32> to vector<320x320xf32>
    %mul3A_813 = arith.mulf %get3A_68, %convert_element_type3A_812 : vector<320x320xf32>
    %mul3A_814 = vector.broadcast %slice3A_806 : vector<320x1xf32> to vector<320x320xf32>
    %mul3A_815 = arith.mulf %mul3A_814, %mul3A_813 : vector<320x320xf32>
    %add3A_816 = arith.addf %add3A_805, %mul3A_815 : vector<320x320xf32>
    %slice3A_817 = vector.extract_strided_slice %convert_element_type3A_62 {offsets = [1600, 0], sizes = [320, 128], strides = [1, 1]} : vector<2560x128xbf16> to vector<320x128xbf16>
    %convert_element_type3A_818 = arith.truncf %add3A_816 : vector<320x320xf32> to vector<320x320xbf16>
    %dot_general3A_819 = arith.constant dense<0.000000e+00> : vector<320x128xf32>
    %dot_general3A_820 = tpu.matmul %convert_element_type3A_818, %slice3A_817, %dot_general3A_819 {dimension_numbers = #tpu.dot_dimension_numbers<[1], [0], [0], [1], [0, 0, 1, 1], [], []>, transpose_lhs_hint = false} : vector<320x320xbf16>, vector<320x128xbf16>, vector<320x128xf32> -> vector<320x128xf32>
    %broadcast_in_dim3A_821 = arith.constant 0.000000e+00 : f32
    %broadcast_in_dim3A_822 = vector.broadcast %broadcast_in_dim3A_821 : f32 to vector<320x320xf32>
    %slice3A_823 = vector.extract_strided_slice %div3A_517 {offsets = [1920, 0], sizes = [320, 1], strides = [1, 1]} : vector<2560x1xf32> to vector<320x1xf32>
    %slice3A_824 = vector.extract_strided_slice %get3A_65 {offsets = [1920, 0], sizes = [320, 1], strides = [1, 1]} : vector<2560x4xf32> to vector<320x1xf32>
    %eq3A_825 = vector.broadcast %slice3A_824 : vector<320x1xf32> to vector<320x320xf32>
    %eq3A_826 = vector.broadcast %get3A_71 : vector<1x320xf32> to vector<320x320xf32>
    %eq3A_827 = arith.cmpf oeq, %eq3A_825, %eq3A_826 : vector<320x320xf32>
    %convert_element_type3A_828 = arith.extui %eq3A_827 : vector<320x320xi1> to vector<320x320xi32>
    %convert_element_type3A_829 = arith.sitofp %convert_element_type3A_828 : vector<320x320xi32> to vector<320x320xf32>
    %mul3A_830 = arith.mulf %get3A_68, %convert_element_type3A_829 : vector<320x320xf32>
    %mul3A_831 = vector.broadcast %slice3A_823 : vector<320x1xf32> to vector<320x320xf32>
    %mul3A_832 = arith.mulf %mul3A_831, %mul3A_830 : vector<320x320xf32>
    %add3A_833 = arith.addf %broadcast_in_dim3A_822, %mul3A_832 : vector<320x320xf32>
    %slice3A_834 = vector.extract_strided_slice %div3A_518 {offsets = [1920, 0], sizes = [320, 1], strides = [1, 1]} : vector<2560x1xf32> to vector<320x1xf32>
    %slice3A_835 = vector.extract_strided_slice %get3A_65 {offsets = [1920, 1], sizes = [320, 1], strides = [1, 1]} : vector<2560x4xf32> to vector<320x1xf32>
    %eq3A_836 = vector.broadcast %slice3A_835 : vector<320x1xf32> to vector<320x320xf32>
    %eq3A_837 = vector.broadcast %get3A_71 : vector<1x320xf32> to vector<320x320xf32>
    %eq3A_838 = arith.cmpf oeq, %eq3A_836, %eq3A_837 : vector<320x320xf32>
    %convert_element_type3A_839 = arith.extui %eq3A_838 : vector<320x320xi1> to vector<320x320xi32>
    %convert_element_type3A_840 = arith.sitofp %convert_element_type3A_839 : vector<320x320xi32> to vector<320x320xf32>
    %mul3A_841 = arith.mulf %get3A_68, %convert_element_type3A_840 : vector<320x320xf32>
    %mul3A_842 = vector.broadcast %slice3A_834 : vector<320x1xf32> to vector<320x320xf32>
    %mul3A_843 = arith.mulf %mul3A_842, %mul3A_841 : vector<320x320xf32>
    %add3A_844 = arith.addf %add3A_833, %mul3A_843 : vector<320x320xf32>
    %slice3A_845 = vector.extract_strided_slice %div3A_519 {offsets = [1920, 0], sizes = [320, 1], strides = [1, 1]} : vector<2560x1xf32> to vector<320x1xf32>
    %slice3A_846 = vector.extract_strided_slice %get3A_65 {offsets = [1920, 2], sizes = [320, 1], strides = [1, 1]} : vector<2560x4xf32> to vector<320x1xf32>
    %eq3A_847 = vector.broadcast %slice3A_846 : vector<320x1xf32> to vector<320x320xf32>
    %eq3A_848 = vector.broadcast %get3A_71 : vector<1x320xf32> to vector<320x320xf32>
    %eq3A_849 = arith.cmpf oeq, %eq3A_847, %eq3A_848 : vector<320x320xf32>
    %convert_element_type3A_850 = arith.extui %eq3A_849 : vector<320x320xi1> to vector<320x320xi32>
    %convert_element_type3A_851 = arith.sitofp %convert_element_type3A_850 : vector<320x320xi32> to vector<320x320xf32>
    %mul3A_852 = arith.mulf %get3A_68, %convert_element_type3A_851 : vector<320x320xf32>
    %mul3A_853 = vector.broadcast %slice3A_845 : vector<320x1xf32> to vector<320x320xf32>
    %mul3A_854 = arith.mulf %mul3A_853, %mul3A_852 : vector<320x320xf32>
    %add3A_855 = arith.addf %add3A_844, %mul3A_854 : vector<320x320xf32>
    %slice3A_856 = vector.extract_strided_slice %div3A_520 {offsets = [1920, 0], sizes = [320, 1], strides = [1, 1]} : vector<2560x1xf32> to vector<320x1xf32>
    %slice3A_857 = vector.extract_strided_slice %get3A_65 {offsets = [1920, 3], sizes = [320, 1], strides = [1, 1]} : vector<2560x4xf32> to vector<320x1xf32>
    %eq3A_858 = vector.broadcast %slice3A_857 : vector<320x1xf32> to vector<320x320xf32>
    %eq3A_859 = vector.broadcast %get3A_71 : vector<1x320xf32> to vector<320x320xf32>
    %eq3A_860 = arith.cmpf oeq, %eq3A_858, %eq3A_859 : vector<320x320xf32>
    %convert_element_type3A_861 = arith.extui %eq3A_860 : vector<320x320xi1> to vector<320x320xi32>
    %convert_element_type3A_862 = arith.sitofp %convert_element_type3A_861 : vector<320x320xi32> to vector<320x320xf32>
    %mul3A_863 = arith.mulf %get3A_68, %convert_element_type3A_862 : vector<320x320xf32>
    %mul3A_864 = vector.broadcast %slice3A_856 : vector<320x1xf32> to vector<320x320xf32>
    %mul3A_865 = arith.mulf %mul3A_864, %mul3A_863 : vector<320x320xf32>
    %add3A_866 = arith.addf %add3A_855, %mul3A_865 : vector<320x320xf32>
    %slice3A_867 = vector.extract_strided_slice %convert_element_type3A_62 {offsets = [1920, 0], sizes = [320, 128], strides = [1, 1]} : vector<2560x128xbf16> to vector<320x128xbf16>
    %convert_element_type3A_868 = arith.truncf %add3A_866 : vector<320x320xf32> to vector<320x320xbf16>
    %dot_general3A_869 = arith.constant dense<0.000000e+00> : vector<320x128xf32>
    %dot_general3A_870 = tpu.matmul %convert_element_type3A_868, %slice3A_867, %dot_general3A_869 {dimension_numbers = #tpu.dot_dimension_numbers<[1], [0], [0], [1], [0, 0, 1, 1], [], []>, transpose_lhs_hint = false} : vector<320x320xbf16>, vector<320x128xbf16>, vector<320x128xf32> -> vector<320x128xf32>
    %broadcast_in_dim3A_871 = arith.constant 0.000000e+00 : f32
    %broadcast_in_dim3A_872 = vector.broadcast %broadcast_in_dim3A_871 : f32 to vector<320x320xf32>
    %slice3A_873 = vector.extract_strided_slice %div3A_517 {offsets = [2240, 0], sizes = [320, 1], strides = [1, 1]} : vector<2560x1xf32> to vector<320x1xf32>
    %slice3A_874 = vector.extract_strided_slice %get3A_65 {offsets = [2240, 0], sizes = [320, 1], strides = [1, 1]} : vector<2560x4xf32> to vector<320x1xf32>
    %eq3A_875 = vector.broadcast %slice3A_874 : vector<320x1xf32> to vector<320x320xf32>
    %eq3A_876 = vector.broadcast %get3A_71 : vector<1x320xf32> to vector<320x320xf32>
    %eq3A_877 = arith.cmpf oeq, %eq3A_875, %eq3A_876 : vector<320x320xf32>
    %convert_element_type3A_878 = arith.extui %eq3A_877 : vector<320x320xi1> to vector<320x320xi32>
    %convert_element_type3A_879 = arith.sitofp %convert_element_type3A_878 : vector<320x320xi32> to vector<320x320xf32>
    %mul3A_880 = arith.mulf %get3A_68, %convert_element_type3A_879 : vector<320x320xf32>
    %mul3A_881 = vector.broadcast %slice3A_873 : vector<320x1xf32> to vector<320x320xf32>
    %mul3A_882 = arith.mulf %mul3A_881, %mul3A_880 : vector<320x320xf32>
    %add3A_883 = arith.addf %broadcast_in_dim3A_872, %mul3A_882 : vector<320x320xf32>
    %slice3A_884 = vector.extract_strided_slice %div3A_518 {offsets = [2240, 0], sizes = [320, 1], strides = [1, 1]} : vector<2560x1xf32> to vector<320x1xf32>
    %slice3A_885 = vector.extract_strided_slice %get3A_65 {offsets = [2240, 1], sizes = [320, 1], strides = [1, 1]} : vector<2560x4xf32> to vector<320x1xf32>
    %eq3A_886 = vector.broadcast %slice3A_885 : vector<320x1xf32> to vector<320x320xf32>
    %eq3A_887 = vector.broadcast %get3A_71 : vector<1x320xf32> to vector<320x320xf32>
    %eq3A_888 = arith.cmpf oeq, %eq3A_886, %eq3A_887 : vector<320x320xf32>
    %convert_element_type3A_889 = arith.extui %eq3A_888 : vector<320x320xi1> to vector<320x320xi32>
    %convert_element_type3A_890 = arith.sitofp %convert_element_type3A_889 : vector<320x320xi32> to vector<320x320xf32>
    %mul3A_891 = arith.mulf %get3A_68, %convert_element_type3A_890 : vector<320x320xf32>
    %mul3A_892 = vector.broadcast %slice3A_884 : vector<320x1xf32> to vector<320x320xf32>
    %mul3A_893 = arith.mulf %mul3A_892, %mul3A_891 : vector<320x320xf32>
    %add3A_894 = arith.addf %add3A_883, %mul3A_893 : vector<320x320xf32>
    %slice3A_895 = vector.extract_strided_slice %div3A_519 {offsets = [2240, 0], sizes = [320, 1], strides = [1, 1]} : vector<2560x1xf32> to vector<320x1xf32>
    %slice3A_896 = vector.extract_strided_slice %get3A_65 {offsets = [2240, 2], sizes = [320, 1], strides = [1, 1]} : vector<2560x4xf32> to vector<320x1xf32>
    %eq3A_897 = vector.broadcast %slice3A_896 : vector<320x1xf32> to vector<320x320xf32>
    %eq3A_898 = vector.broadcast %get3A_71 : vector<1x320xf32> to vector<320x320xf32>
    %eq3A_899 = arith.cmpf oeq, %eq3A_897, %eq3A_898 : vector<320x320xf32>
    %convert_element_type3A_900 = arith.extui %eq3A_899 : vector<320x320xi1> to vector<320x320xi32>
    %convert_element_type3A_901 = arith.sitofp %convert_element_type3A_900 : vector<320x320xi32> to vector<320x320xf32>
    %mul3A_902 = arith.mulf %get3A_68, %convert_element_type3A_901 : vector<320x320xf32>
    %mul3A_903 = vector.broadcast %slice3A_895 : vector<320x1xf32> to vector<320x320xf32>
    %mul3A_904 = arith.mulf %mul3A_903, %mul3A_902 : vector<320x320xf32>
    %add3A_905 = arith.addf %add3A_894, %mul3A_904 : vector<320x320xf32>
    %slice3A_906 = vector.extract_strided_slice %div3A_520 {offsets = [2240, 0], sizes = [320, 1], strides = [1, 1]} : vector<2560x1xf32> to vector<320x1xf32>
    %slice3A_907 = vector.extract_strided_slice %get3A_65 {offsets = [2240, 3], sizes = [320, 1], strides = [1, 1]} : vector<2560x4xf32> to vector<320x1xf32>
    %eq3A_908 = vector.broadcast %slice3A_907 : vector<320x1xf32> to vector<320x320xf32>
    %eq3A_909 = vector.broadcast %get3A_71 : vector<1x320xf32> to vector<320x320xf32>
    %eq3A_910 = arith.cmpf oeq, %eq3A_908, %eq3A_909 : vector<320x320xf32>
    %convert_element_type3A_911 = arith.extui %eq3A_910 : vector<320x320xi1> to vector<320x320xi32>
    %convert_element_type3A_912 = arith.sitofp %convert_element_type3A_911 : vector<320x320xi32> to vector<320x320xf32>
    %mul3A_913 = arith.mulf %get3A_68, %convert_element_type3A_912 : vector<320x320xf32>
    %mul3A_914 = vector.broadcast %slice3A_906 : vector<320x1xf32> to vector<320x320xf32>
    %mul3A_915 = arith.mulf %mul3A_914, %mul3A_913 : vector<320x320xf32>
    %add3A_916 = arith.addf %add3A_905, %mul3A_915 : vector<320x320xf32>
    %slice3A_917 = vector.extract_strided_slice %convert_element_type3A_62 {offsets = [2240, 0], sizes = [320, 128], strides = [1, 1]} : vector<2560x128xbf16> to vector<320x128xbf16>
    %convert_element_type3A_918 = arith.truncf %add3A_916 : vector<320x320xf32> to vector<320x320xbf16>
    %dot_general3A_919 = arith.constant dense<0.000000e+00> : vector<320x128xf32>
    %dot_general3A_920 = tpu.matmul %convert_element_type3A_918, %slice3A_917, %dot_general3A_919 {dimension_numbers = #tpu.dot_dimension_numbers<[1], [0], [0], [1], [0, 0, 1, 1], [], []>, transpose_lhs_hint = false} : vector<320x320xbf16>, vector<320x128xbf16>, vector<320x128xf32> -> vector<320x128xf32>
    %concatenate3A_921 = tpu.concatenate %dot_general3A_570, %dot_general3A_620, %dot_general3A_670, %dot_general3A_720, %dot_general3A_770, %dot_general3A_820, %dot_general3A_870, %dot_general3A_920 in 0 : vector<320x128xf32>, vector<320x128xf32>, vector<320x128xf32>, vector<320x128xf32>, vector<320x128xf32>, vector<320x128xf32>, vector<320x128xf32>, vector<320x128xf32> -> vector<2560x128xf32>
    %get3A_922 = arith.constant 0 : index
    %get3A_923 = arith.constant 0 : index
    %get3A_924 = vector.load %arg13[%get3A_922, %get3A_923] : memref<1x128xf32, #tpu.memory_space<vmem>>, vector<1x128xf32>
    %max3A = arith.constant 0.000000e+00 : f32
    %max3A_925 = vector.broadcast %max3A : f32 to vector<2560x128xf32>
    %max3A_926 = arith.maximumf %concatenate3A_921, %max3A_925 : vector<2560x128xf32>
    %min3A = arith.constant 0.000000e+00 : f32
    %min3A_927 = vector.broadcast %min3A : f32 to vector<2560x128xf32>
    %min3A_928 = arith.minimumf %concatenate3A_921, %min3A_927 : vector<2560x128xf32>
    %mul3A_929 = vector.broadcast %get3A_924 : vector<1x128xf32> to vector<2560x128xf32>
    %mul3A_930 = arith.mulf %mul3A_929, %min3A_928 : vector<2560x128xf32>
    %add3A_931 = arith.addf %max3A_926, %mul3A_930 : vector<2560x128xf32>
    %swap3A = arith.constant 0 : index
    %swap3A_932 = arith.constant 0 : index
    %swap3A_933 = vector.load %arg14[%swap3A, %swap3A_932] : memref<2560x128xf32, #tpu.memory_space<vmem>>, vector<2560x128xf32>
    tpu.vector_store %arg14[%swap3A, %swap3A_932], %add3A_931 {strides = array<i32>} : memref<2560x128xf32, #tpu.memory_space<vmem>>, vector<2560x128xf32>,
    %eq3A_934 = arith.constant 0 : i32
    %eq3A_935 = arith.cmpi eq, %arg0, %eq3A_934 : i32
    %convert_element_type3A_936 = arith.extui %eq3A_935 : i1 to i32
    %cond3A = arith.constant 0 : i32
    %cond3A_937 = arith.cmpi ne, %convert_element_type3A_936, %cond3A : i32
    scf.if %cond3A_937 {
      %broadcast_in_dim3A_959 = arith.constant 0.000000e+00 : f32
      %broadcast_in_dim3A_960 = vector.broadcast %broadcast_in_dim3A_959 : f32 to vector<1x128xf32>
      %swap3A_961 = arith.constant 0 : index
      %swap3A_962 = arith.constant 0 : index
      %swap3A_963 = vector.load %arg15[%swap3A_961, %swap3A_962] : memref<1x128xf32, #tpu.memory_space<vmem>>, vector<1x128xf32>
      tpu.vector_store %arg15[%swap3A_961, %swap3A_962], %broadcast_in_dim3A_960 {strides = array<i32>} : memref<1x128xf32, #tpu.memory_space<vmem>>, vector<1x128xf32>,
      %broadcast_in_dim3A_964 = arith.constant 0.000000e+00 : f32
      %broadcast_in_dim3A_965 = vector.broadcast %broadcast_in_dim3A_964 : f32 to vector<1x128xf32>
      %swap3A_966 = arith.constant 0 : index
      %swap3A_967 = arith.constant 0 : index
      %swap3A_968 = vector.load %arg16[%swap3A_966, %swap3A_967] : memref<1x128xf32, #tpu.memory_space<vmem>>, vector<1x128xf32>
      tpu.vector_store %arg16[%swap3A_966, %swap3A_967], %broadcast_in_dim3A_965 {strides = array<i32>} : memref<1x128xf32, #tpu.memory_space<vmem>>, vector<1x128xf32>,
    } else {
    }
    %get3A_938 = arith.constant 0 : index
    %get3A_939 = arith.constant 0 : index
    %get3A_940 = vector.load %arg15[%get3A_938, %get3A_939] : memref<1x128xf32, #tpu.memory_space<vmem>>, vector<1x128xf32>
    %reduce_sum3A_941 = arith.constant dense<0.000000e+00> : vector<128xf32>
    %reduce_sum3A_942 = vector.multi_reduction <add>, %add3A_931, %reduce_sum3A_941 [0] : vector<2560x128xf32> to vector<128xf32>
    %broadcast_in_dim3A_943 = vector.shape_cast %reduce_sum3A_942 : vector<128xf32> to vector<1x128xf32>
    %add3A_944 = arith.addf %get3A_940, %broadcast_in_dim3A_943 : vector<1x128xf32>
    %swap3A_945 = arith.constant 0 : index
    %swap3A_946 = arith.constant 0 : index
    %swap3A_947 = vector.load %arg15[%swap3A_945, %swap3A_946] : memref<1x128xf32, #tpu.memory_space<vmem>>, vector<1x128xf32>
    tpu.vector_store %arg15[%swap3A_945, %swap3A_946], %add3A_944 {strides = array<i32>} : memref<1x128xf32, #tpu.memory_space<vmem>>, vector<1x128xf32>,
    %get3A_948 = arith.constant 0 : index
    %get3A_949 = arith.constant 0 : index
    %get3A_950 = vector.load %arg16[%get3A_948, %get3A_949] : memref<1x128xf32, #tpu.memory_space<vmem>>, vector<1x128xf32>
    %mul3A_951 = arith.mulf %add3A_931, %add3A_931 : vector<2560x128xf32>
    %reduce_sum3A_952 = arith.constant dense<0.000000e+00> : vector<128xf32>
    %reduce_sum3A_953 = vector.multi_reduction <add>, %mul3A_951, %reduce_sum3A_952 [0] : vector<2560x128xf32> to vector<128xf32>
    %broadcast_in_dim3A_954 = vector.shape_cast %reduce_sum3A_953 : vector<128xf32> to vector<1x128xf32>
    %add3A_955 = arith.addf %get3A_950, %broadcast_in_dim3A_954 : vector<1x128xf32>
    %swap3A_956 = arith.constant 0 : index
    %swap3A_957 = arith.constant 0 : index
    %swap3A_958 = vector.load %arg16[%swap3A_956, %swap3A_957] : memref<1x128xf32, #tpu.memory_space<vmem>>, vector<1x128xf32>
    tpu.vector_store %arg16[%swap3A_956, %swap3A_957], %add3A_955 {strides = array<i32>} : memref<1x128xf32, #tpu.memory_space<vmem>>, vector<1x128xf32>,
    return
  }
  func.func @transform_0(%arg0: i32) -> (i32, i32) {
    %c0_i32 = arith.constant 0 : i32
    %c0_i32_0 = arith.constant 0 : i32
    return %arg0, %c0_i32 : i32, i32
  }
  func.func @transform_1(%arg0: i32) -> (i32, i32) {
    %c0_i32 = arith.constant 0 : i32
    %c0_i32_0 = arith.constant 0 : i32
    return %arg0, %c0_i32 : i32, i32
  }
  func.func @transform_2(%arg0: i32) -> (i32, i32) {
    %c0_i32 = arith.constant 0 : i32
    %c0_i32_0 = arith.constant 0 : i32
    return %arg0, %c0_i32 : i32, i32
  }
  func.func @transform_3(%arg0: i32) -> (i32, i32) {
    %c0_i32 = arith.constant 0 : i32
    %c0_i32_0 = arith.constant 0 : i32
    %c0_i32_1 = arith.constant 0 : i32
    return %c0_i32, %c0_i32_0 : i32, i32
  }
  func.func @transform_4(%arg0: i32) -> (i32, i32) {
    %c0_i32 = arith.constant 0 : i32
    %c0_i32_0 = arith.constant 0 : i32
    %c0_i32_1 = arith.constant 0 : i32
    return %c0_i32, %c0_i32_0 : i32, i32
  }
  func.func @transform_5(%arg0: i32) -> (i32, i32) {
    %c0_i32 = arith.constant 0 : i32
    %c0_i32_0 = arith.constant 0 : i32
    %c0_i32_1 = arith.constant 0 : i32
    return %c0_i32, %c0_i32_0 : i32, i32
  }
  func.func @transform_6(%arg0: i32) -> (i32, i32) {
    %c0_i32 = arith.constant 0 : i32
    %c0_i32_0 = arith.constant 0 : i32
    %c0_i32_1 = arith.constant 0 : i32
    return %c0_i32, %c0_i32_0 : i32, i32
  }
  func.func @transform_7(%arg0: i32) -> (i32, i32) {
    %c0_i32 = arith.constant 0 : i32
    %c0_i32_0 = arith.constant 0 : i32
    %c0_i32_1 = arith.constant 0 : i32
    return %c0_i32, %c0_i32_0 : i32, i32
  }
  func.func @transform_8(%arg0: i32) -> (i32, i32) {
    %c0_i32 = arith.constant 0 : i32
    %c0_i32_0 = arith.constant 0 : i32
    %c0_i32_1 = arith.constant 0 : i32
    return %c0_i32, %c0_i32_0 : i32, i32
  }
  func.func @transform_9(%arg0: i32) -> (i32, i32) {
    %c0_i32 = arith.constant 0 : i32
    %c0_i32_0 = arith.constant 0 : i32
    %c0_i32_1 = arith.constant 0 : i32
    return %c0_i32, %c0_i32_0 : i32, i32
  }
  func.func @transform_10(%arg0: i32) -> (i32, i32) {
    %c0_i32 = arith.constant 0 : i32
    %c0_i32_0 = arith.constant 0 : i32
    %c0_i32_1 = arith.constant 0 : i32
    return %c0_i32, %c0_i32_0 : i32, i32
  }
  func.func @transform_11(%arg0: i32) -> (i32, i32) {
    %c0_i32 = arith.constant 0 : i32
    %c0_i32_0 = arith.constant 0 : i32
    %c0_i32_1 = arith.constant 0 : i32
    return %c0_i32, %c0_i32_0 : i32, i32
  }
  func.func @transform_12(%arg0: i32) -> (i32, i32) {
    %c0_i32 = arith.constant 0 : i32
    %c0_i32_0 = arith.constant 0 : i32
    %c0_i32_1 = arith.constant 0 : i32
    return %c0_i32, %c0_i32_0 : i32, i32
  }
  func.func @transform_13(%arg0: i32) -> (i32, i32) {
    %c0_i32 = arith.constant 0 : i32
    %c0_i32_0 = arith.constant 0 : i32
    return %arg0, %c0_i32 : i32, i32
  }
  func.func @transform_14(%arg0: i32) -> (i32, i32) {
    %c0_i32 = arith.constant 0 : i32
    %c0_i32_0 = arith.constant 0 : i32
    %c0_i32_1 = arith.constant 0 : i32
    return %c0_i32, %c0_i32_0 : i32, i32
  }
  func.func @transform_15(%arg0: i32) -> (i32, i32) {
    %c0_i32 = arith.constant 0 : i32
    %c0_i32_0 = arith.constant 0 : i32
    %c0_i32_1 = arith.constant 0 : i32
    return %c0_i32, %c0_i32_0 : i32, i32
  }
}

module attributes {stable_mosaic.version = 14 : i64} {
  func.func @_intend_body(%arg0: memref<20x1024x128xf32, #tpu.memory_space<vmem>>, %arg1: memref<1024x128xf32, #tpu.memory_space<vmem>>, %arg2: memref<1536x128xbf16, #tpu.memory_space<vmem>>, %arg3: memref<1536x512xbf16, #tpu.memory_space<vmem>>, %arg4: memref<1x1536xf32, #tpu.memory_space<vmem>>, %arg5: memref<1x1536xf32, #tpu.memory_space<vmem>>, %arg6: memref<512x128xbf16, #tpu.memory_space<vmem>>, %arg7: memref<1x512xf32, #tpu.memory_space<vmem>>, %arg8: memref<1024x512xf32, #tpu.memory_space<vmem>>, %arg9: memref<20x1024x128xbf16, #tpu.memory_space<vmem>>) attributes {dimension_semantics = [], scalar_prefetch = 0 : i64, scratch_operands = 1 : i64, tpu.core_type = #tpu.core_type<tc>} {
    %get3A = arith.constant 0 : index
    %get3A_0 = arith.constant 0 : index
    %get3A_1 = arith.constant 0 : index
    %get3A_2 = vector.load %arg0[%get3A, %get3A_0, %get3A_1] : memref<20x1024x128xf32, #tpu.memory_space<vmem>>, vector<20x1024x128xf32>
    %mul3A = arith.mulf %get3A_2, %get3A_2 : vector<20x1024x128xf32>
    %reduce_sum3A = arith.constant dense<0.000000e+00> : vector<20x1024xf32>
    %reduce_sum3A_3 = vector.multi_reduction <add>, %mul3A, %reduce_sum3A [2] : vector<20x1024x128xf32> to vector<20x1024xf32>
    %broadcast_in_dim3A = vector.shape_cast %reduce_sum3A_3 : vector<20x1024xf32> to vector<20x1024x1xf32>
    %sqrt3A = math.sqrt %broadcast_in_dim3A : vector<20x1024x1xf32>
    %max3A = arith.constant 9.99999996E-13 : f32
    %max3A_4 = vector.broadcast %max3A : f32 to vector<20x1024x1xf32>
    %max3A_5 = arith.maximumf %sqrt3A, %max3A_4 : vector<20x1024x1xf32>
    %div3A = arith.constant 1.000000e+00 : f32
    %div3A_6 = vector.broadcast %div3A : f32 to vector<20x1024x1xf32>
    %div3A_7 = arith.divf %div3A_6, %max3A_5 : vector<20x1024x1xf32>
    %min3A = arith.constant 1.000000e+00 : f32
    %min3A_8 = vector.broadcast %min3A : f32 to vector<20x1024x1xf32>
    %min3A_9 = arith.minimumf %min3A_8, %div3A_7 : vector<20x1024x1xf32>
    %mul3A_10 = vector.broadcast %min3A_9 : vector<20x1024x1xf32> to vector<20x1024x128xf32>
    %mul3A_11 = arith.mulf %get3A_2, %mul3A_10 : vector<20x1024x128xf32>
    %reduce_sum3A_12 = arith.constant dense<0.000000e+00> : vector<20xf32>
    %reduce_sum3A_13 = vector.multi_reduction <add>, %mul3A_11, %reduce_sum3A_12 [1, 2] : vector<20x1024x128xf32> to vector<20xf32>
    %broadcast_in_dim3A_14 = vector.shape_cast %reduce_sum3A_13 : vector<20xf32> to vector<20x1x1xf32>
    %div3A_15 = arith.constant 1.310720e+05 : f32
    %div3A_16 = vector.broadcast %div3A_15 : f32 to vector<20x1x1xf32>
    %div3A_17 = arith.divf %broadcast_in_dim3A_14, %div3A_16 : vector<20x1x1xf32>
    %mul3A_18 = arith.mulf %mul3A_11, %mul3A_11 : vector<20x1024x128xf32>
    %reduce_sum3A_19 = arith.constant dense<0.000000e+00> : vector<20xf32>
    %reduce_sum3A_20 = vector.multi_reduction <add>, %mul3A_18, %reduce_sum3A_19 [1, 2] : vector<20x1024x128xf32> to vector<20xf32>
    %broadcast_in_dim3A_21 = vector.shape_cast %reduce_sum3A_20 : vector<20xf32> to vector<20x1x1xf32>
    %div3A_22 = arith.constant 1.310720e+05 : f32
    %div3A_23 = vector.broadcast %div3A_22 : f32 to vector<20x1x1xf32>
    %div3A_24 = arith.divf %broadcast_in_dim3A_21, %div3A_23 : vector<20x1x1xf32>
    %mul3A_25 = arith.mulf %div3A_17, %div3A_17 : vector<20x1x1xf32>
    %sub3A = arith.subf %div3A_24, %mul3A_25 : vector<20x1x1xf32>
    %sub3A_26 = vector.broadcast %div3A_17 : vector<20x1x1xf32> to vector<20x1024x128xf32>
    %sub3A_27 = arith.subf %mul3A_11, %sub3A_26 : vector<20x1024x128xf32>
    %add3A = arith.constant 9.99999974E-6 : f32
    %add3A_28 = vector.broadcast %add3A : f32 to vector<20x1x1xf32>
    %add3A_29 = arith.addf %sub3A, %add3A_28 : vector<20x1x1xf32>
    %rsqrt3A = math.rsqrt %add3A_29 : vector<20x1x1xf32>
    %mul3A_30 = vector.broadcast %rsqrt3A : vector<20x1x1xf32> to vector<20x1024x128xf32>
    %mul3A_31 = arith.mulf %sub3A_27, %mul3A_30 : vector<20x1024x128xf32>
    %convert_element_type3A = arith.truncf %mul3A_31 : vector<20x1024x128xf32> to vector<20x1024x128xbf16>
    %swap3A = arith.constant 0 : index
    %swap3A_32 = arith.constant 0 : index
    %swap3A_33 = arith.constant 0 : index
    %swap3A_34 = vector.load %arg9[%swap3A, %swap3A_32, %swap3A_33] : memref<20x1024x128xbf16, #tpu.memory_space<vmem>>, vector<20x1024x128xbf16>
    tpu.vector_store %arg9[%swap3A, %swap3A_32, %swap3A_33], %convert_element_type3A {strides = array<i32>} : memref<20x1024x128xbf16, #tpu.memory_space<vmem>>, vector<20x1024x128xbf16>,
    %get3A_35 = arith.constant 0 : index
    %get3A_36 = arith.constant 0 : index
    %get3A_37 = vector.load %arg2[%get3A_35, %get3A_36] : memref<1536x128xbf16, #tpu.memory_space<vmem>>, vector<1536x128xbf16>
    %get3A_38 = arith.constant 0 : index
    %get3A_39 = arith.constant 0 : index
    %get3A_40 = vector.load %arg3[%get3A_38, %get3A_39] : memref<1536x512xbf16, #tpu.memory_space<vmem>>, vector<1536x512xbf16>
    %broadcast_in_dim3A_41 = arith.constant 0.000000e+00 : f32
    %broadcast_in_dim3A_42 = vector.broadcast %broadcast_in_dim3A_41 : f32 to vector<1024x512xf32>
    %scan3A = arith.constant 0 : i32
    %scan3A_43 = arith.constant 20 : i32
    %scan3A_44 = arith.addi %scan3A, %scan3A_43 : i32
    %scan3A_45 = arith.constant 1 : i32
    %scan3A_46 = scf.for %scan3A_112 = %scan3A to %scan3A_44 step %scan3A_45 iter_args(%scan3A_113 = %broadcast_in_dim3A_42) -> (vector<1024x512xf32>)  : i32 {
      %get3A_114 = arith.index_cast %scan3A_112 : i32 to index
      %get3A_115 = arith.constant 0 : index
      %get3A_116 = arith.constant 0 : index
      %get3A_117 = vector.load %arg9[%get3A_114, %get3A_115, %get3A_116] : memref<20x1024x128xbf16, #tpu.memory_space<vmem>>, vector<1x1024x128xbf16>
      %get3A_118 = vector.shape_cast %get3A_117 : vector<1x1024x128xbf16> to vector<1024x128xbf16>
      %dot_general3A_119 = arith.constant dense<0.000000e+00> : vector<1024x1536xf32>
      %dot_general3A_120 = tpu.matmul %get3A_118, %get3A_37, %dot_general3A_119 {dimension_numbers = #tpu.dot_dimension_numbers<[1], [1], [0], [0], [0, 0, 1, 0], [], []>, transpose_lhs_hint = false} : vector<1024x128xbf16>, vector<1536x128xbf16>, vector<1024x1536xf32> -> vector<1024x1536xf32>
      %get3A_121 = arith.constant 0 : index
      %get3A_122 = arith.constant 0 : index
      %get3A_123 = vector.load %arg4[%get3A_121, %get3A_122] : memref<1x1536xf32, #tpu.memory_space<vmem>>, vector<1x1536xf32>
      %add3A_124 = vector.broadcast %get3A_123 : vector<1x1536xf32> to vector<1024x1536xf32>
      %add3A_125 = arith.addf %dot_general3A_120, %add3A_124 : vector<1024x1536xf32>
      %convert_element_type3A_126 = arith.truncf %scan3A_113 : vector<1024x512xf32> to vector<1024x512xbf16>
      %dot_general3A_127 = arith.constant dense<0.000000e+00> : vector<1024x1536xf32>
      %dot_general3A_128 = tpu.matmul %convert_element_type3A_126, %get3A_40, %dot_general3A_127 {dimension_numbers = #tpu.dot_dimension_numbers<[1], [1], [0], [0], [0, 0, 1, 0], [], []>, transpose_lhs_hint = false} : vector<1024x512xbf16>, vector<1536x512xbf16>, vector<1024x1536xf32> -> vector<1024x1536xf32>
      %get3A_129 = arith.constant 0 : index
      %get3A_130 = arith.constant 0 : index
      %get3A_131 = vector.load %arg5[%get3A_129, %get3A_130] : memref<1x1536xf32, #tpu.memory_space<vmem>>, vector<1x1536xf32>
      %add3A_132 = vector.broadcast %get3A_131 : vector<1x1536xf32> to vector<1024x1536xf32>
      %add3A_133 = arith.addf %dot_general3A_128, %add3A_132 : vector<1024x1536xf32>
      %slice3A = vector.extract_strided_slice %add3A_125 {offsets = [0, 0], sizes = [1024, 512], strides = [1, 1]} : vector<1024x1536xf32> to vector<1024x512xf32>
      %slice3A_134 = vector.extract_strided_slice %add3A_133 {offsets = [0, 0], sizes = [1024, 512], strides = [1, 1]} : vector<1024x1536xf32> to vector<1024x512xf32>
      %add3A_135 = arith.addf %slice3A, %slice3A_134 : vector<1024x512xf32>
      %logistic3A_136 = arith.negf %add3A_135 : vector<1024x512xf32>
      %logistic3A_137 = math.exp %logistic3A_136 : vector<1024x512xf32>
      %logistic3A_138 = arith.constant 1.000000e+00 : f32
      %logistic3A_139 = vector.broadcast %logistic3A_138 : f32 to vector<1024x512xf32>
      %logistic3A_140 = arith.addf %logistic3A_139, %logistic3A_137 : vector<1024x512xf32>
      %logistic3A_141 = arith.divf %logistic3A_139, %logistic3A_140 : vector<1024x512xf32>
      %slice3A_142 = vector.extract_strided_slice %add3A_125 {offsets = [0, 512], sizes = [1024, 512], strides = [1, 1]} : vector<1024x1536xf32> to vector<1024x512xf32>
      %slice3A_143 = vector.extract_strided_slice %add3A_133 {offsets = [0, 512], sizes = [1024, 512], strides = [1, 1]} : vector<1024x1536xf32> to vector<1024x512xf32>
      %add3A_144 = arith.addf %slice3A_142, %slice3A_143 : vector<1024x512xf32>
      %logistic3A_145 = arith.negf %add3A_144 : vector<1024x512xf32>
      %logistic3A_146 = math.exp %logistic3A_145 : vector<1024x512xf32>
      %logistic3A_147 = arith.constant 1.000000e+00 : f32
      %logistic3A_148 = vector.broadcast %logistic3A_147 : f32 to vector<1024x512xf32>
      %logistic3A_149 = arith.addf %logistic3A_148, %logistic3A_146 : vector<1024x512xf32>
      %logistic3A_150 = arith.divf %logistic3A_148, %logistic3A_149 : vector<1024x512xf32>
      %slice3A_151 = vector.extract_strided_slice %add3A_125 {offsets = [0, 1024], sizes = [1024, 512], strides = [1, 1]} : vector<1024x1536xf32> to vector<1024x512xf32>
      %slice3A_152 = vector.extract_strided_slice %add3A_133 {offsets = [0, 1024], sizes = [1024, 512], strides = [1, 1]} : vector<1024x1536xf32> to vector<1024x512xf32>
      %mul3A_153 = arith.mulf %logistic3A_141, %slice3A_152 : vector<1024x512xf32>
      %add3A_154 = arith.addf %slice3A_151, %mul3A_153 : vector<1024x512xf32>
      %tanh3A = math.tanh %add3A_154 : vector<1024x512xf32>
      %sub3A_155 = arith.constant 1.000000e+00 : f32
      %sub3A_156 = vector.broadcast %sub3A_155 : f32 to vector<1024x512xf32>
      %sub3A_157 = arith.subf %sub3A_156, %logistic3A_150 : vector<1024x512xf32>
      %mul3A_158 = arith.mulf %sub3A_157, %tanh3A : vector<1024x512xf32>
      %mul3A_159 = arith.mulf %logistic3A_150, %scan3A_113 : vector<1024x512xf32>
      %add3A_160 = arith.addf %mul3A_158, %mul3A_159 : vector<1024x512xf32>
      scf.yield %add3A_160 : vector<1024x512xf32>
    }
    %scan3A_47 = arith.constant 20 : i32
    %get3A_48 = arith.constant 0 : index
    %get3A_49 = arith.constant 0 : index
    %get3A_50 = vector.load %arg1[%get3A_48, %get3A_49] : memref<1024x128xf32, #tpu.memory_space<vmem>>, vector<1024x128xf32>
    %mul3A_51 = arith.mulf %get3A_50, %get3A_50 : vector<1024x128xf32>
    %reduce_sum3A_52 = arith.constant dense<0.000000e+00> : vector<1024xf32>
    %reduce_sum3A_53 = vector.multi_reduction <add>, %mul3A_51, %reduce_sum3A_52 [1] : vector<1024x128xf32> to vector<1024xf32>
    %broadcast_in_dim3A_54 = vector.shape_cast %reduce_sum3A_53 : vector<1024xf32> to vector<1024x1xf32>
    %sqrt3A_55 = math.sqrt %broadcast_in_dim3A_54 : vector<1024x1xf32>
    %max3A_56 = arith.constant 9.99999996E-13 : f32
    %max3A_57 = vector.broadcast %max3A_56 : f32 to vector<1024x1xf32>
    %max3A_58 = arith.maximumf %sqrt3A_55, %max3A_57 : vector<1024x1xf32>
    %div3A_59 = arith.constant 1.000000e+00 : f32
    %div3A_60 = vector.broadcast %div3A_59 : f32 to vector<1024x1xf32>
    %div3A_61 = arith.divf %div3A_60, %max3A_58 : vector<1024x1xf32>
    %min3A_62 = arith.constant 1.000000e+00 : f32
    %min3A_63 = vector.broadcast %min3A_62 : f32 to vector<1024x1xf32>
    %min3A_64 = arith.minimumf %min3A_63, %div3A_61 : vector<1024x1xf32>
    %mul3A_65 = vector.broadcast %min3A_64 : vector<1024x1xf32> to vector<1024x128xf32>
    %mul3A_66 = arith.mulf %get3A_50, %mul3A_65 : vector<1024x128xf32>
    %reduce_sum3A_67 = arith.constant dense<0.000000e+00> : vector<128xf32>
    %reduce_sum3A_68 = vector.multi_reduction <add>, %mul3A_66, %reduce_sum3A_67 [0] : vector<1024x128xf32> to vector<128xf32>
    %broadcast_in_dim3A_69 = vector.shape_cast %reduce_sum3A_68 : vector<128xf32> to vector<1x128xf32>
    %div3A_70 = arith.constant 1.024000e+03 : f32
    %div3A_71 = vector.broadcast %div3A_70 : f32 to vector<1x128xf32>
    %div3A_72 = arith.divf %broadcast_in_dim3A_69, %div3A_71 : vector<1x128xf32>
    %mul3A_73 = arith.mulf %mul3A_66, %mul3A_66 : vector<1024x128xf32>
    %reduce_sum3A_74 = arith.constant dense<0.000000e+00> : vector<128xf32>
    %reduce_sum3A_75 = vector.multi_reduction <add>, %mul3A_73, %reduce_sum3A_74 [0] : vector<1024x128xf32> to vector<128xf32>
    %broadcast_in_dim3A_76 = vector.shape_cast %reduce_sum3A_75 : vector<128xf32> to vector<1x128xf32>
    %div3A_77 = arith.constant 1.024000e+03 : f32
    %div3A_78 = vector.broadcast %div3A_77 : f32 to vector<1x128xf32>
    %div3A_79 = arith.divf %broadcast_in_dim3A_76, %div3A_78 : vector<1x128xf32>
    %mul3A_80 = arith.mulf %div3A_72, %div3A_72 : vector<1x128xf32>
    %sub3A_81 = arith.subf %div3A_79, %mul3A_80 : vector<1x128xf32>
    %sub3A_82 = vector.broadcast %div3A_72 : vector<1x128xf32> to vector<1024x128xf32>
    %sub3A_83 = arith.subf %mul3A_66, %sub3A_82 : vector<1024x128xf32>
    %add3A_84 = arith.constant 9.99999974E-6 : f32
    %add3A_85 = vector.broadcast %add3A_84 : f32 to vector<1x128xf32>
    %add3A_86 = arith.addf %sub3A_81, %add3A_85 : vector<1x128xf32>
    %rsqrt3A_87 = math.rsqrt %add3A_86 : vector<1x128xf32>
    %mul3A_88 = vector.broadcast %rsqrt3A_87 : vector<1x128xf32> to vector<1024x128xf32>
    %mul3A_89 = arith.mulf %sub3A_83, %mul3A_88 : vector<1024x128xf32>
    %get3A_90 = arith.constant 0 : index
    %get3A_91 = arith.constant 0 : index
    %get3A_92 = vector.load %arg6[%get3A_90, %get3A_91] : memref<512x128xbf16, #tpu.memory_space<vmem>>, vector<512x128xbf16>
    %convert_element_type3A_93 = arith.truncf %mul3A_89 : vector<1024x128xf32> to vector<1024x128xbf16>
    %dot_general3A = arith.constant dense<0.000000e+00> : vector<1024x512xf32>
    %dot_general3A_94 = tpu.matmul %convert_element_type3A_93, %get3A_92, %dot_general3A {dimension_numbers = #tpu.dot_dimension_numbers<[1], [1], [0], [0], [0, 0, 1, 0], [], []>, transpose_lhs_hint = false} : vector<1024x128xbf16>, vector<512x128xbf16>, vector<1024x512xf32> -> vector<1024x512xf32>
    %get3A_95 = arith.constant 0 : index
    %get3A_96 = arith.constant 0 : index
    %get3A_97 = vector.load %arg7[%get3A_95, %get3A_96] : memref<1x512xf32, #tpu.memory_space<vmem>>, vector<1x512xf32>
    %add3A_98 = vector.broadcast %get3A_97 : vector<1x512xf32> to vector<1024x512xf32>
    %add3A_99 = arith.addf %dot_general3A_94, %add3A_98 : vector<1024x512xf32>
    %logistic3A = arith.negf %add3A_99 : vector<1024x512xf32>
    %logistic3A_100 = math.exp %logistic3A : vector<1024x512xf32>
    %logistic3A_101 = arith.constant 1.000000e+00 : f32
    %logistic3A_102 = vector.broadcast %logistic3A_101 : f32 to vector<1024x512xf32>
    %logistic3A_103 = arith.addf %logistic3A_102, %logistic3A_100 : vector<1024x512xf32>
    %logistic3A_104 = arith.divf %logistic3A_102, %logistic3A_103 : vector<1024x512xf32>
    %max3A_105 = arith.constant 0.000000e+00 : f32
    %max3A_106 = vector.broadcast %max3A_105 : f32 to vector<1024x512xf32>
    %max3A_107 = arith.maximumf %scan3A_46, %max3A_106 : vector<1024x512xf32>
    %mul3A_108 = arith.mulf %max3A_107, %logistic3A_104 : vector<1024x512xf32>
    %swap3A_109 = arith.constant 0 : index
    %swap3A_110 = arith.constant 0 : index
    %swap3A_111 = vector.load %arg8[%swap3A_109, %swap3A_110] : memref<1024x512xf32, #tpu.memory_space<vmem>>, vector<1024x512xf32>
    tpu.vector_store %arg8[%swap3A_109, %swap3A_110], %mul3A_108 {strides = array<i32>} : memref<1024x512xf32, #tpu.memory_space<vmem>>, vector<1024x512xf32>,
    return
  }
}

module attributes {stable_mosaic.version = 14 : i64} {
  func.func @_ro_body(%arg0: i32, %arg1: memref<2560x128xf32, #tpu.memory_space<vmem>>, %arg2: memref<2560x128xf32, #tpu.memory_space<vmem>>, %arg3: memref<2560x128xf32, #tpu.memory_space<vmem>>, %arg4: memref<2560x128xf32, #tpu.memory_space<vmem>>, %arg5: memref<128x512xf32, #tpu.memory_space<vmem>>, %arg6: memref<8x128xf32, #tpu.memory_space<vmem>>, %arg7: memref<8x128xf32, #tpu.memory_space<vmem>>, %arg8: memref<128x2560xbf16, #tpu.memory_space<vmem>>, %arg9: memref<128x2560xbf16, #tpu.memory_space<vmem>>, %arg10: memref<2560x128xbf16, #tpu.memory_space<vmem>>, %arg11: memref<128x512xbf16, #tpu.memory_space<vmem>>, %arg12: memref<128x512xbf16, #tpu.memory_space<vmem>>, %arg13: memref<1x128xf32, #tpu.memory_space<vmem>>, %arg14: memref<128x512xbf16, #tpu.memory_space<vmem>>, %arg15: memref<1x128xf32, #tpu.memory_space<vmem>>, %arg16: memref<1x128xf32, #tpu.memory_space<vmem>>, %arg17: memref<128x512xbf16, #tpu.memory_space<vmem>>, %arg18: memref<1x128xf32, #tpu.memory_space<vmem>>, %arg19: memref<128x128xf32, #tpu.memory_space<vmem>>, %arg20: memref<128x128xf32, #tpu.memory_space<vmem>>, %arg21: memref<128x128xf32, #tpu.memory_space<vmem>>, %arg22: memref<128x128xf32, #tpu.memory_space<vmem>>, %arg23: memref<128x128xf32, #tpu.memory_space<vmem>>, %arg24: memref<8x128xf32, #tpu.memory_space<vmem>>, %arg25: memref<8x128xf32, #tpu.memory_space<vmem>>) attributes {dimension_semantics = [#tpu.dimension_semantics<arbitrary>], iteration_bounds = array<i64: 8>, scalar_prefetch = 0 : i64, scratch_operands = 0 : i64, tpu.core_type = #tpu.core_type<tc>, window_params = [{transform_indices = @transform_0, window_bounds = array<i64: 2560, 128>}, {transform_indices = @transform_1, window_bounds = array<i64: 2560, 128>}, {transform_indices = @transform_2, window_bounds = array<i64: 2560, 128>}, {transform_indices = @transform_3, window_bounds = array<i64: 2560, 128>}, {transform_indices = @transform_4, window_bounds = array<i64: 128, 512>}, {pipeline_mode = #tpu.pipeline_mode<synchronous>, transform_indices = @transform_5, window_bounds = array<i64: 8, 128>}, {pipeline_mode = #tpu.pipeline_mode<synchronous>, transform_indices = @transform_6, window_bounds = array<i64: 8, 128>}, {pipeline_mode = #tpu.pipeline_mode<synchronous>, transform_indices = @transform_7, window_bounds = array<i64: 128, 2560>}, {pipeline_mode = #tpu.pipeline_mode<synchronous>, transform_indices = @transform_8, window_bounds = array<i64: 128, 2560>}, {pipeline_mode = #tpu.pipeline_mode<synchronous>, transform_indices = @transform_9, window_bounds = array<i64: 2560, 128>}, {pipeline_mode = #tpu.pipeline_mode<synchronous>, transform_indices = @transform_10, window_bounds = array<i64: 128, 512>}, {pipeline_mode = #tpu.pipeline_mode<synchronous>, transform_indices = @transform_11, window_bounds = array<i64: 128, 512>}, {pipeline_mode = #tpu.pipeline_mode<synchronous>, transform_indices = @transform_12, window_bounds = array<i64: 1, 128>}, {pipeline_mode = #tpu.pipeline_mode<synchronous>, transform_indices = @transform_13, window_bounds = array<i64: 128, 512>}, {pipeline_mode = #tpu.pipeline_mode<synchronous>, transform_indices = @transform_14, window_bounds = array<i64: 1, 128>}, {pipeline_mode = #tpu.pipeline_mode<synchronous>, transform_indices = @transform_15, window_bounds = array<i64: 1, 128>}, {pipeline_mode = #tpu.pipeline_mode<synchronous>, transform_indices = @transform_16, window_bounds = array<i64: 128, 512>}, {pipeline_mode = #tpu.pipeline_mode<synchronous>, transform_indices = @transform_17, window_bounds = array<i64: 1, 128>}, {transform_indices = @transform_18, window_bounds = array<i64: 128, 128>}, {transform_indices = @transform_19, window_bounds = array<i64: 128, 128>}, {transform_indices = @transform_20, window_bounds = array<i64: 128, 128>}, {transform_indices = @transform_21, window_bounds = array<i64: 128, 128>}, {transform_indices = @transform_22, window_bounds = array<i64: 128, 128>}, {pipeline_mode = #tpu.pipeline_mode<synchronous>, transform_indices = @transform_23, window_bounds = array<i64: 8, 128>}, {pipeline_mode = #tpu.pipeline_mode<synchronous>, transform_indices = @transform_24, window_bounds = array<i64: 8, 128>}]} {
    %get3A = arith.constant 0 : index
    %get3A_0 = arith.constant 0 : index
    %get3A_1 = vector.load %arg6[%get3A, %get3A_0] : memref<8x128xf32, #tpu.memory_space<vmem>>, vector<8x128xf32>
    %get3A_2 = arith.constant 0 : index
    %get3A_3 = arith.constant 0 : index
    %get3A_4 = vector.load %arg7[%get3A_2, %get3A_3] : memref<8x128xf32, #tpu.memory_space<vmem>>, vector<8x128xf32>
    %get3A_5 = arith.constant 0 : index
    %get3A_6 = arith.constant 0 : index
    %get3A_7 = vector.load %arg1[%get3A_5, %get3A_6] : memref<2560x128xf32, #tpu.memory_space<vmem>>, vector<2560x128xf32>
    %slice3A = vector.extract_strided_slice %get3A_1 {offsets = [0, 0], sizes = [1, 128], strides = [1, 1]} : vector<8x128xf32> to vector<1x128xf32>
    %slice3A_8 = vector.extract_strided_slice %get3A_4 {offsets = [0, 0], sizes = [1, 128], strides = [1, 1]} : vector<8x128xf32> to vector<1x128xf32>
    %div3A = arith.constant 2.048000e+04 : f32
    %div3A_9 = vector.broadcast %div3A : f32 to vector<1x128xf32>
    %div3A_10 = arith.divf %slice3A, %div3A_9 : vector<1x128xf32>
    %div3A_11 = arith.constant 2.048000e+04 : f32
    %div3A_12 = vector.broadcast %div3A_11 : f32 to vector<1x128xf32>
    %div3A_13 = arith.divf %slice3A_8, %div3A_12 : vector<1x128xf32>
    %mul3A = arith.mulf %div3A_10, %div3A_10 : vector<1x128xf32>
    %sub3A = arith.subf %div3A_13, %mul3A : vector<1x128xf32>
    %sub3A_14 = vector.broadcast %div3A_10 : vector<1x128xf32> to vector<2560x128xf32>
    %sub3A_15 = arith.subf %get3A_7, %sub3A_14 : vector<2560x128xf32>
    %add3A = arith.constant 9.99999974E-6 : f32
    %add3A_16 = vector.broadcast %add3A : f32 to vector<1x128xf32>
    %add3A_17 = arith.addf %sub3A, %add3A_16 : vector<1x128xf32>
    %rsqrt3A = math.rsqrt %add3A_17 : vector<1x128xf32>
    %mul3A_18 = vector.broadcast %rsqrt3A : vector<1x128xf32> to vector<2560x128xf32>
    %mul3A_19 = arith.mulf %sub3A_15, %mul3A_18 : vector<2560x128xf32>
    %get3A_20 = arith.constant 0 : index
    %get3A_21 = arith.constant 0 : index
    %get3A_22 = vector.load %arg2[%get3A_20, %get3A_21] : memref<2560x128xf32, #tpu.memory_space<vmem>>, vector<2560x128xf32>
    %slice3A_23 = vector.extract_strided_slice %get3A_1 {offsets = [1, 0], sizes = [1, 128], strides = [1, 1]} : vector<8x128xf32> to vector<1x128xf32>
    %slice3A_24 = vector.extract_strided_slice %get3A_4 {offsets = [1, 0], sizes = [1, 128], strides = [1, 1]} : vector<8x128xf32> to vector<1x128xf32>
    %div3A_25 = arith.constant 2.048000e+04 : f32
    %div3A_26 = vector.broadcast %div3A_25 : f32 to vector<1x128xf32>
    %div3A_27 = arith.divf %slice3A_23, %div3A_26 : vector<1x128xf32>
    %div3A_28 = arith.constant 2.048000e+04 : f32
    %div3A_29 = vector.broadcast %div3A_28 : f32 to vector<1x128xf32>
    %div3A_30 = arith.divf %slice3A_24, %div3A_29 : vector<1x128xf32>
    %mul3A_31 = arith.mulf %div3A_27, %div3A_27 : vector<1x128xf32>
    %sub3A_32 = arith.subf %div3A_30, %mul3A_31 : vector<1x128xf32>
    %sub3A_33 = vector.broadcast %div3A_27 : vector<1x128xf32> to vector<2560x128xf32>
    %sub3A_34 = arith.subf %get3A_22, %sub3A_33 : vector<2560x128xf32>
    %add3A_35 = arith.constant 9.99999974E-6 : f32
    %add3A_36 = vector.broadcast %add3A_35 : f32 to vector<1x128xf32>
    %add3A_37 = arith.addf %sub3A_32, %add3A_36 : vector<1x128xf32>
    %rsqrt3A_38 = math.rsqrt %add3A_37 : vector<1x128xf32>
    %mul3A_39 = vector.broadcast %rsqrt3A_38 : vector<1x128xf32> to vector<2560x128xf32>
    %mul3A_40 = arith.mulf %sub3A_34, %mul3A_39 : vector<2560x128xf32>
    %get3A_41 = arith.constant 0 : index
    %get3A_42 = arith.constant 0 : index
    %get3A_43 = vector.load %arg3[%get3A_41, %get3A_42] : memref<2560x128xf32, #tpu.memory_space<vmem>>, vector<2560x128xf32>
    %slice3A_44 = vector.extract_strided_slice %get3A_1 {offsets = [2, 0], sizes = [1, 128], strides = [1, 1]} : vector<8x128xf32> to vector<1x128xf32>
    %slice3A_45 = vector.extract_strided_slice %get3A_4 {offsets = [2, 0], sizes = [1, 128], strides = [1, 1]} : vector<8x128xf32> to vector<1x128xf32>
    %div3A_46 = arith.constant 2.048000e+04 : f32
    %div3A_47 = vector.broadcast %div3A_46 : f32 to vector<1x128xf32>
    %div3A_48 = arith.divf %slice3A_44, %div3A_47 : vector<1x128xf32>
    %div3A_49 = arith.constant 2.048000e+04 : f32
    %div3A_50 = vector.broadcast %div3A_49 : f32 to vector<1x128xf32>
    %div3A_51 = arith.divf %slice3A_45, %div3A_50 : vector<1x128xf32>
    %mul3A_52 = arith.mulf %div3A_48, %div3A_48 : vector<1x128xf32>
    %sub3A_53 = arith.subf %div3A_51, %mul3A_52 : vector<1x128xf32>
    %sub3A_54 = vector.broadcast %div3A_48 : vector<1x128xf32> to vector<2560x128xf32>
    %sub3A_55 = arith.subf %get3A_43, %sub3A_54 : vector<2560x128xf32>
    %add3A_56 = arith.constant 9.99999974E-6 : f32
    %add3A_57 = vector.broadcast %add3A_56 : f32 to vector<1x128xf32>
    %add3A_58 = arith.addf %sub3A_53, %add3A_57 : vector<1x128xf32>
    %rsqrt3A_59 = math.rsqrt %add3A_58 : vector<1x128xf32>
    %mul3A_60 = vector.broadcast %rsqrt3A_59 : vector<1x128xf32> to vector<2560x128xf32>
    %mul3A_61 = arith.mulf %sub3A_55, %mul3A_60 : vector<2560x128xf32>
    %get3A_62 = arith.constant 0 : index
    %get3A_63 = arith.constant 0 : index
    %get3A_64 = vector.load %arg4[%get3A_62, %get3A_63] : memref<2560x128xf32, #tpu.memory_space<vmem>>, vector<2560x128xf32>
    %slice3A_65 = vector.extract_strided_slice %get3A_1 {offsets = [3, 0], sizes = [1, 128], strides = [1, 1]} : vector<8x128xf32> to vector<1x128xf32>
    %slice3A_66 = vector.extract_strided_slice %get3A_4 {offsets = [3, 0], sizes = [1, 128], strides = [1, 1]} : vector<8x128xf32> to vector<1x128xf32>
    %div3A_67 = arith.constant 2.048000e+04 : f32
    %div3A_68 = vector.broadcast %div3A_67 : f32 to vector<1x128xf32>
    %div3A_69 = arith.divf %slice3A_65, %div3A_68 : vector<1x128xf32>
    %div3A_70 = arith.constant 2.048000e+04 : f32
    %div3A_71 = vector.broadcast %div3A_70 : f32 to vector<1x128xf32>
    %div3A_72 = arith.divf %slice3A_66, %div3A_71 : vector<1x128xf32>
    %mul3A_73 = arith.mulf %div3A_69, %div3A_69 : vector<1x128xf32>
    %sub3A_74 = arith.subf %div3A_72, %mul3A_73 : vector<1x128xf32>
    %sub3A_75 = vector.broadcast %div3A_69 : vector<1x128xf32> to vector<2560x128xf32>
    %sub3A_76 = arith.subf %get3A_64, %sub3A_75 : vector<2560x128xf32>
    %add3A_77 = arith.constant 9.99999974E-6 : f32
    %add3A_78 = vector.broadcast %add3A_77 : f32 to vector<1x128xf32>
    %add3A_79 = arith.addf %sub3A_74, %add3A_78 : vector<1x128xf32>
    %rsqrt3A_80 = math.rsqrt %add3A_79 : vector<1x128xf32>
    %mul3A_81 = vector.broadcast %rsqrt3A_80 : vector<1x128xf32> to vector<2560x128xf32>
    %mul3A_82 = arith.mulf %sub3A_76, %mul3A_81 : vector<2560x128xf32>
    %concatenate3A = tpu.concatenate %mul3A_19, %mul3A_40, %mul3A_61, %mul3A_82 in 1 : vector<2560x128xf32>, vector<2560x128xf32>, vector<2560x128xf32>, vector<2560x128xf32> -> vector<2560x512xf32>
    %get3A_83 = arith.constant 0 : index
    %get3A_84 = arith.constant 0 : index
    %get3A_85 = vector.load %arg8[%get3A_83, %get3A_84] : memref<128x2560xbf16, #tpu.memory_space<vmem>>, vector<128x2560xbf16>
    %get3A_86 = arith.constant 0 : index
    %get3A_87 = arith.constant 0 : index
    %get3A_88 = vector.load %arg9[%get3A_86, %get3A_87] : memref<128x2560xbf16, #tpu.memory_space<vmem>>, vector<128x2560xbf16>
    %get3A_89 = arith.constant 0 : index
    %get3A_90 = arith.constant 0 : index
    %get3A_91 = vector.load %arg10[%get3A_89, %get3A_90] : memref<2560x128xbf16, #tpu.memory_space<vmem>>, vector<2560x128xbf16>
    %get3A_92 = arith.constant 0 : index
    %get3A_93 = arith.constant 0 : index
    %get3A_94 = vector.load %arg11[%get3A_92, %get3A_93] : memref<128x512xbf16, #tpu.memory_space<vmem>>, vector<128x512xbf16>
    %convert_element_type3A = arith.truncf %concatenate3A : vector<2560x512xf32> to vector<2560x512xbf16>
    %dot_general3A = arith.constant dense<0.000000e+00> : vector<2560x128xf32>
    %dot_general3A_95 = tpu.matmul %convert_element_type3A, %get3A_94, %dot_general3A {dimension_numbers = #tpu.dot_dimension_numbers<[1], [1], [0], [0], [0, 0, 1, 0], [], []>, transpose_lhs_hint = false} : vector<2560x512xbf16>, vector<128x512xbf16>, vector<2560x128xf32> -> vector<2560x128xf32>
    %convert_element_type3A_96 = arith.truncf %concatenate3A : vector<2560x512xf32> to vector<2560x512xbf16>
    %dot_general3A_97 = arith.constant dense<0.000000e+00> : vector<128x512xf32>
    %dot_general3A_98 = tpu.matmul %get3A_88, %convert_element_type3A_96, %dot_general3A_97 {dimension_numbers = #tpu.dot_dimension_numbers<[1], [0], [0], [1], [0, 0, 1, 1], [], []>, transpose_lhs_hint = false} : vector<128x2560xbf16>, vector<2560x512xbf16>, vector<128x512xf32> -> vector<128x512xf32>
    %get3A_99 = arith.constant 0 : index
    %get3A_100 = arith.constant 0 : index
    %get3A_101 = vector.load %arg12[%get3A_99, %get3A_100] : memref<128x512xbf16, #tpu.memory_space<vmem>>, vector<128x512xbf16>
    %convert_element_type3A_102 = arith.truncf %dot_general3A_98 : vector<128x512xf32> to vector<128x512xbf16>
    %dot_general3A_103 = arith.constant dense<0.000000e+00> : vector<128x128xf32>
    %dot_general3A_104 = tpu.matmul %convert_element_type3A_102, %get3A_101, %dot_general3A_103 {dimension_numbers = #tpu.dot_dimension_numbers<[1], [1], [0], [0], [0, 0, 1, 0], [], []>, transpose_lhs_hint = false} : vector<128x512xbf16>, vector<128x512xbf16>, vector<128x128xf32> -> vector<128x128xf32>
    %get3A_105 = arith.constant 0 : index
    %get3A_106 = arith.constant 0 : index
    %get3A_107 = vector.load %arg13[%get3A_105, %get3A_106] : memref<1x128xf32, #tpu.memory_space<vmem>>, vector<1x128xf32>
    %add3A_108 = vector.broadcast %get3A_107 : vector<1x128xf32> to vector<128x128xf32>
    %add3A_109 = arith.addf %dot_general3A_104, %add3A_108 : vector<128x128xf32>
    %get3A_110 = arith.constant 0 : index
    %get3A_111 = arith.constant 0 : index
    %get3A_112 = vector.load %arg5[%get3A_110, %get3A_111] : memref<128x512xf32, #tpu.memory_space<vmem>>, vector<128x512xf32>
    %get3A_113 = arith.constant 0 : index
    %get3A_114 = arith.constant 0 : index
    %get3A_115 = vector.load %arg14[%get3A_113, %get3A_114] : memref<128x512xbf16, #tpu.memory_space<vmem>>, vector<128x512xbf16>
    %convert_element_type3A_116 = arith.truncf %get3A_112 : vector<128x512xf32> to vector<128x512xbf16>
    %dot_general3A_117 = arith.constant dense<0.000000e+00> : vector<128x128xf32>
    %dot_general3A_118 = tpu.matmul %convert_element_type3A_116, %get3A_115, %dot_general3A_117 {dimension_numbers = #tpu.dot_dimension_numbers<[1], [1], [0], [0], [0, 0, 1, 0], [], []>, transpose_lhs_hint = false} : vector<128x512xbf16>, vector<128x512xbf16>, vector<128x128xf32> -> vector<128x128xf32>
    %get3A_119 = arith.constant 0 : index
    %get3A_120 = arith.constant 0 : index
    %get3A_121 = vector.load %arg15[%get3A_119, %get3A_120] : memref<1x128xf32, #tpu.memory_space<vmem>>, vector<1x128xf32>
    %add3A_122 = vector.broadcast %get3A_121 : vector<1x128xf32> to vector<128x128xf32>
    %add3A_123 = arith.addf %dot_general3A_118, %add3A_122 : vector<128x128xf32>
    %add3A_124 = arith.addf %add3A_123, %add3A_109 : vector<128x128xf32>
    %convert_element_type3A_125 = arith.truncf %add3A_124 : vector<128x128xf32> to vector<128x128xbf16>
    %dot_general3A_126 = arith.constant dense<0.000000e+00> : vector<2560x128xf32>
    %dot_general3A_127 = tpu.matmul %get3A_91, %convert_element_type3A_125, %dot_general3A_126 {dimension_numbers = #tpu.dot_dimension_numbers<[1], [0], [0], [1], [0, 0, 1, 1], [], []>, transpose_lhs_hint = false} : vector<2560x128xbf16>, vector<128x128xbf16>, vector<2560x128xf32> -> vector<2560x128xf32>
    %add3A_128 = arith.addf %dot_general3A_95, %dot_general3A_127 : vector<2560x128xf32>
    %logistic3A = arith.negf %add3A_128 : vector<2560x128xf32>
    %logistic3A_129 = math.exp %logistic3A : vector<2560x128xf32>
    %logistic3A_130 = arith.constant 1.000000e+00 : f32
    %logistic3A_131 = vector.broadcast %logistic3A_130 : f32 to vector<2560x128xf32>
    %logistic3A_132 = arith.addf %logistic3A_131, %logistic3A_129 : vector<2560x128xf32>
    %logistic3A_133 = arith.divf %logistic3A_131, %logistic3A_132 : vector<2560x128xf32>
    %get3A_134 = arith.constant 0 : index
    %get3A_135 = arith.constant 0 : index
    %get3A_136 = vector.load %arg16[%get3A_134, %get3A_135] : memref<1x128xf32, #tpu.memory_space<vmem>>, vector<1x128xf32>
    %mul3A_137 = vector.broadcast %get3A_136 : vector<1x128xf32> to vector<2560x128xf32>
    %mul3A_138 = arith.mulf %logistic3A_133, %mul3A_137 : vector<2560x128xf32>
    %reduce_sum3A = arith.constant dense<0.000000e+00> : vector<2560xf32>
    %reduce_sum3A_139 = vector.multi_reduction <add>, %mul3A_138, %reduce_sum3A [1] : vector<2560x128xf32> to vector<2560xf32>
    %broadcast_in_dim3A = vector.shape_cast %reduce_sum3A_139 : vector<2560xf32> to vector<2560x1xf32>
    %exp3A = math.exp %broadcast_in_dim3A : vector<2560x1xf32>
    %convert_element_type3A_140 = arith.truncf %exp3A : vector<2560x1xf32> to vector<2560x1xbf16>
    %dot_general3A_141 = arith.constant dense<0.000000e+00> : vector<128x1xf32>
    %dot_general3A_142 = tpu.matmul %get3A_85, %convert_element_type3A_140, %dot_general3A_141 {dimension_numbers = #tpu.dot_dimension_numbers<[1], [0], [0], [1], [0, 0, 1, 1], [], []>, transpose_lhs_hint = false} : vector<128x2560xbf16>, vector<2560x1xbf16>, vector<128x1xf32> -> vector<128x1xf32>
    %mul3A_143 = vector.broadcast %exp3A : vector<2560x1xf32> to vector<2560x512xf32>
    %mul3A_144 = arith.mulf %mul3A_143, %concatenate3A : vector<2560x512xf32>
    %convert_element_type3A_145 = arith.truncf %mul3A_144 : vector<2560x512xf32> to vector<2560x512xbf16>
    %dot_general3A_146 = arith.constant dense<0.000000e+00> : vector<128x512xf32>
    %dot_general3A_147 = tpu.matmul %get3A_85, %convert_element_type3A_145, %dot_general3A_146 {dimension_numbers = #tpu.dot_dimension_numbers<[1], [0], [0], [1], [0, 0, 1, 1], [], []>, transpose_lhs_hint = false} : vector<128x2560xbf16>, vector<2560x512xbf16>, vector<128x512xf32> -> vector<128x512xf32>
    %div3A_148 = vector.broadcast %dot_general3A_142 : vector<128x1xf32> to vector<128x512xf32>
    %div3A_149 = arith.divf %dot_general3A_147, %div3A_148 : vector<128x512xf32>
    %get3A_150 = arith.constant 0 : index
    %get3A_151 = arith.constant 0 : index
    %get3A_152 = vector.load %arg17[%get3A_150, %get3A_151] : memref<128x512xbf16, #tpu.memory_space<vmem>>, vector<128x512xbf16>
    %convert_element_type3A_153 = arith.truncf %div3A_149 : vector<128x512xf32> to vector<128x512xbf16>
    %dot_general3A_154 = arith.constant dense<0.000000e+00> : vector<128x128xf32>
    %dot_general3A_155 = tpu.matmul %convert_element_type3A_153, %get3A_152, %dot_general3A_154 {dimension_numbers = #tpu.dot_dimension_numbers<[1], [1], [0], [0], [0, 0, 1, 0], [], []>, transpose_lhs_hint = false} : vector<128x512xbf16>, vector<128x512xbf16>, vector<128x128xf32> -> vector<128x128xf32>
    %get3A_156 = arith.constant 0 : index
    %get3A_157 = arith.constant 0 : index
    %get3A_158 = vector.load %arg18[%get3A_156, %get3A_157] : memref<1x128xf32, #tpu.memory_space<vmem>>, vector<1x128xf32>
    %max3A = arith.constant 0.000000e+00 : f32
    %max3A_159 = vector.broadcast %max3A : f32 to vector<128x128xf32>
    %max3A_160 = arith.maximumf %dot_general3A_155, %max3A_159 : vector<128x128xf32>
    %min3A = arith.constant 0.000000e+00 : f32
    %min3A_161 = vector.broadcast %min3A : f32 to vector<128x128xf32>
    %min3A_162 = arith.minimumf %dot_general3A_155, %min3A_161 : vector<128x128xf32>
    %mul3A_163 = vector.broadcast %get3A_158 : vector<1x128xf32> to vector<128x128xf32>
    %mul3A_164 = arith.mulf %mul3A_163, %min3A_162 : vector<128x128xf32>
    %add3A_165 = arith.addf %max3A_160, %mul3A_164 : vector<128x128xf32>
    %swap3A = arith.constant 0 : index
    %swap3A_166 = arith.constant 0 : index
    %swap3A_167 = vector.load %arg19[%swap3A, %swap3A_166] : memref<128x128xf32, #tpu.memory_space<vmem>>, vector<128x128xf32>
    tpu.vector_store %arg19[%swap3A, %swap3A_166], %add3A_165 {strides = array<i32>} : memref<128x128xf32, #tpu.memory_space<vmem>>, vector<128x128xf32>,
    %get3A_168 = arith.constant 0 : index
    %get3A_169 = arith.constant 0 : index
    %get3A_170 = vector.load %arg1[%get3A_168, %get3A_169] : memref<2560x128xf32, #tpu.memory_space<vmem>>, vector<2560x128xf32>
    %convert_element_type3A_171 = arith.truncf %get3A_170 : vector<2560x128xf32> to vector<2560x128xbf16>
    %dot_general3A_172 = arith.constant dense<0.000000e+00> : vector<128x128xf32>
    %dot_general3A_173 = tpu.matmul %get3A_88, %convert_element_type3A_171, %dot_general3A_172 {dimension_numbers = #tpu.dot_dimension_numbers<[1], [0], [0], [1], [0, 0, 1, 1], [], []>, transpose_lhs_hint = false} : vector<128x2560xbf16>, vector<2560x128xbf16>, vector<128x128xf32> -> vector<128x128xf32>
    %get3A_174 = arith.constant 0 : index
    %get3A_175 = arith.constant 0 : index
    %get3A_176 = vector.load %arg2[%get3A_174, %get3A_175] : memref<2560x128xf32, #tpu.memory_space<vmem>>, vector<2560x128xf32>
    %convert_element_type3A_177 = arith.truncf %get3A_176 : vector<2560x128xf32> to vector<2560x128xbf16>
    %dot_general3A_178 = arith.constant dense<0.000000e+00> : vector<128x128xf32>
    %dot_general3A_179 = tpu.matmul %get3A_88, %convert_element_type3A_177, %dot_general3A_178 {dimension_numbers = #tpu.dot_dimension_numbers<[1], [0], [0], [1], [0, 0, 1, 1], [], []>, transpose_lhs_hint = false} : vector<128x2560xbf16>, vector<2560x128xbf16>, vector<128x128xf32> -> vector<128x128xf32>
    %get3A_180 = arith.constant 0 : index
    %get3A_181 = arith.constant 0 : index
    %get3A_182 = vector.load %arg3[%get3A_180, %get3A_181] : memref<2560x128xf32, #tpu.memory_space<vmem>>, vector<2560x128xf32>
    %convert_element_type3A_183 = arith.truncf %get3A_182 : vector<2560x128xf32> to vector<2560x128xbf16>
    %dot_general3A_184 = arith.constant dense<0.000000e+00> : vector<128x128xf32>
    %dot_general3A_185 = tpu.matmul %get3A_88, %convert_element_type3A_183, %dot_general3A_184 {dimension_numbers = #tpu.dot_dimension_numbers<[1], [0], [0], [1], [0, 0, 1, 1], [], []>, transpose_lhs_hint = false} : vector<128x2560xbf16>, vector<2560x128xbf16>, vector<128x128xf32> -> vector<128x128xf32>
    %get3A_186 = arith.constant 0 : index
    %get3A_187 = arith.constant 0 : index
    %get3A_188 = vector.load %arg4[%get3A_186, %get3A_187] : memref<2560x128xf32, #tpu.memory_space<vmem>>, vector<2560x128xf32>
    %convert_element_type3A_189 = arith.truncf %get3A_188 : vector<2560x128xf32> to vector<2560x128xbf16>
    %dot_general3A_190 = arith.constant dense<0.000000e+00> : vector<128x128xf32>
    %dot_general3A_191 = tpu.matmul %get3A_88, %convert_element_type3A_189, %dot_general3A_190 {dimension_numbers = #tpu.dot_dimension_numbers<[1], [0], [0], [1], [0, 0, 1, 1], [], []>, transpose_lhs_hint = false} : vector<128x2560xbf16>, vector<2560x128xbf16>, vector<128x128xf32> -> vector<128x128xf32>
    %swap3A_192 = arith.constant 0 : index
    %swap3A_193 = arith.constant 0 : index
    %swap3A_194 = vector.load %arg20[%swap3A_192, %swap3A_193] : memref<128x128xf32, #tpu.memory_space<vmem>>, vector<128x128xf32>
    tpu.vector_store %arg20[%swap3A_192, %swap3A_193], %dot_general3A_173 {strides = array<i32>} : memref<128x128xf32, #tpu.memory_space<vmem>>, vector<128x128xf32>,
    %swap3A_195 = arith.constant 0 : index
    %swap3A_196 = arith.constant 0 : index
    %swap3A_197 = vector.load %arg21[%swap3A_195, %swap3A_196] : memref<128x128xf32, #tpu.memory_space<vmem>>, vector<128x128xf32>
    tpu.vector_store %arg21[%swap3A_195, %swap3A_196], %dot_general3A_179 {strides = array<i32>} : memref<128x128xf32, #tpu.memory_space<vmem>>, vector<128x128xf32>,
    %swap3A_198 = arith.constant 0 : index
    %swap3A_199 = arith.constant 0 : index
    %swap3A_200 = vector.load %arg22[%swap3A_198, %swap3A_199] : memref<128x128xf32, #tpu.memory_space<vmem>>, vector<128x128xf32>
    tpu.vector_store %arg22[%swap3A_198, %swap3A_199], %dot_general3A_185 {strides = array<i32>} : memref<128x128xf32, #tpu.memory_space<vmem>>, vector<128x128xf32>,
    %swap3A_201 = arith.constant 0 : index
    %swap3A_202 = arith.constant 0 : index
    %swap3A_203 = vector.load %arg23[%swap3A_201, %swap3A_202] : memref<128x128xf32, #tpu.memory_space<vmem>>, vector<128x128xf32>
    tpu.vector_store %arg23[%swap3A_201, %swap3A_202], %dot_general3A_191 {strides = array<i32>} : memref<128x128xf32, #tpu.memory_space<vmem>>, vector<128x128xf32>,
    %reduce_sum3A_204 = arith.constant dense<0.000000e+00> : vector<128xf32>
    %reduce_sum3A_205 = vector.multi_reduction <add>, %dot_general3A_173, %reduce_sum3A_204 [0] : vector<128x128xf32> to vector<128xf32>
    %broadcast_in_dim3A_206 = vector.shape_cast %reduce_sum3A_205 : vector<128xf32> to vector<1x128xf32>
    %reduce_sum3A_207 = arith.constant dense<0.000000e+00> : vector<128xf32>
    %reduce_sum3A_208 = vector.multi_reduction <add>, %dot_general3A_179, %reduce_sum3A_207 [0] : vector<128x128xf32> to vector<128xf32>
    %broadcast_in_dim3A_209 = vector.shape_cast %reduce_sum3A_208 : vector<128xf32> to vector<1x128xf32>
    %reduce_sum3A_210 = arith.constant dense<0.000000e+00> : vector<128xf32>
    %reduce_sum3A_211 = vector.multi_reduction <add>, %dot_general3A_185, %reduce_sum3A_210 [0] : vector<128x128xf32> to vector<128xf32>
    %broadcast_in_dim3A_212 = vector.shape_cast %reduce_sum3A_211 : vector<128xf32> to vector<1x128xf32>
    %reduce_sum3A_213 = arith.constant dense<0.000000e+00> : vector<128xf32>
    %reduce_sum3A_214 = vector.multi_reduction <add>, %dot_general3A_191, %reduce_sum3A_213 [0] : vector<128x128xf32> to vector<128xf32>
    %broadcast_in_dim3A_215 = vector.shape_cast %reduce_sum3A_214 : vector<128xf32> to vector<1x128xf32>
    %reduce_sum3A_216 = arith.constant dense<0.000000e+00> : vector<128xf32>
    %reduce_sum3A_217 = vector.multi_reduction <add>, %add3A_165, %reduce_sum3A_216 [0] : vector<128x128xf32> to vector<128xf32>
    %broadcast_in_dim3A_218 = vector.shape_cast %reduce_sum3A_217 : vector<128xf32> to vector<1x128xf32>
    %broadcast_in_dim3A_219 = arith.constant 0.000000e+00 : f32
    %broadcast_in_dim3A_220 = vector.broadcast %broadcast_in_dim3A_219 : f32 to vector<3x128xf32>
    %concatenate3A_221 = tpu.concatenate %broadcast_in_dim3A_206, %broadcast_in_dim3A_209, %broadcast_in_dim3A_212, %broadcast_in_dim3A_215, %broadcast_in_dim3A_218, %broadcast_in_dim3A_220 in 0 : vector<1x128xf32>, vector<1x128xf32>, vector<1x128xf32>, vector<1x128xf32>, vector<1x128xf32>, vector<3x128xf32> -> vector<8x128xf32>
    %mul3A_222 = arith.mulf %dot_general3A_173, %dot_general3A_173 : vector<128x128xf32>
    %reduce_sum3A_223 = arith.constant dense<0.000000e+00> : vector<128xf32>
    %reduce_sum3A_224 = vector.multi_reduction <add>, %mul3A_222, %reduce_sum3A_223 [0] : vector<128x128xf32> to vector<128xf32>
    %broadcast_in_dim3A_225 = vector.shape_cast %reduce_sum3A_224 : vector<128xf32> to vector<1x128xf32>
    %mul3A_226 = arith.mulf %dot_general3A_179, %dot_general3A_179 : vector<128x128xf32>
    %reduce_sum3A_227 = arith.constant dense<0.000000e+00> : vector<128xf32>
    %reduce_sum3A_228 = vector.multi_reduction <add>, %mul3A_226, %reduce_sum3A_227 [0] : vector<128x128xf32> to vector<128xf32>
    %broadcast_in_dim3A_229 = vector.shape_cast %reduce_sum3A_228 : vector<128xf32> to vector<1x128xf32>
    %mul3A_230 = arith.mulf %dot_general3A_185, %dot_general3A_185 : vector<128x128xf32>
    %reduce_sum3A_231 = arith.constant dense<0.000000e+00> : vector<128xf32>
    %reduce_sum3A_232 = vector.multi_reduction <add>, %mul3A_230, %reduce_sum3A_231 [0] : vector<128x128xf32> to vector<128xf32>
    %broadcast_in_dim3A_233 = vector.shape_cast %reduce_sum3A_232 : vector<128xf32> to vector<1x128xf32>
    %mul3A_234 = arith.mulf %dot_general3A_191, %dot_general3A_191 : vector<128x128xf32>
    %reduce_sum3A_235 = arith.constant dense<0.000000e+00> : vector<128xf32>
    %reduce_sum3A_236 = vector.multi_reduction <add>, %mul3A_234, %reduce_sum3A_235 [0] : vector<128x128xf32> to vector<128xf32>
    %broadcast_in_dim3A_237 = vector.shape_cast %reduce_sum3A_236 : vector<128xf32> to vector<1x128xf32>
    %mul3A_238 = arith.mulf %add3A_165, %add3A_165 : vector<128x128xf32>
    %reduce_sum3A_239 = arith.constant dense<0.000000e+00> : vector<128xf32>
    %reduce_sum3A_240 = vector.multi_reduction <add>, %mul3A_238, %reduce_sum3A_239 [0] : vector<128x128xf32> to vector<128xf32>
    %broadcast_in_dim3A_241 = vector.shape_cast %reduce_sum3A_240 : vector<128xf32> to vector<1x128xf32>
    %broadcast_in_dim3A_242 = arith.constant 0.000000e+00 : f32
    %broadcast_in_dim3A_243 = vector.broadcast %broadcast_in_dim3A_242 : f32 to vector<3x128xf32>
    %concatenate3A_244 = tpu.concatenate %broadcast_in_dim3A_225, %broadcast_in_dim3A_229, %broadcast_in_dim3A_233, %broadcast_in_dim3A_237, %broadcast_in_dim3A_241, %broadcast_in_dim3A_243 in 0 : vector<1x128xf32>, vector<1x128xf32>, vector<1x128xf32>, vector<1x128xf32>, vector<1x128xf32>, vector<3x128xf32> -> vector<8x128xf32>
    %eq3A = arith.constant 0 : i32
    %eq3A_245 = arith.cmpi eq, %arg0, %eq3A : i32
    %convert_element_type3A_246 = arith.extui %eq3A_245 : i1 to i32
    %cond3A = arith.constant 0 : i32
    %cond3A_247 = arith.cmpi ne, %convert_element_type3A_246, %cond3A : i32
    scf.if %cond3A_247 {
      %broadcast_in_dim3A_262 = arith.constant 0.000000e+00 : f32
      %broadcast_in_dim3A_263 = vector.broadcast %broadcast_in_dim3A_262 : f32 to vector<8x128xf32>
      %swap3A_264 = arith.constant 0 : index
      %swap3A_265 = arith.constant 0 : index
      %swap3A_266 = vector.load %arg24[%swap3A_264, %swap3A_265] : memref<8x128xf32, #tpu.memory_space<vmem>>, vector<8x128xf32>
      tpu.vector_store %arg24[%swap3A_264, %swap3A_265], %broadcast_in_dim3A_263 {strides = array<i32>} : memref<8x128xf32, #tpu.memory_space<vmem>>, vector<8x128xf32>,
      %broadcast_in_dim3A_267 = arith.constant 0.000000e+00 : f32
      %broadcast_in_dim3A_268 = vector.broadcast %broadcast_in_dim3A_267 : f32 to vector<8x128xf32>
      %swap3A_269 = arith.constant 0 : index
      %swap3A_270 = arith.constant 0 : index
      %swap3A_271 = vector.load %arg25[%swap3A_269, %swap3A_270] : memref<8x128xf32, #tpu.memory_space<vmem>>, vector<8x128xf32>
      tpu.vector_store %arg25[%swap3A_269, %swap3A_270], %broadcast_in_dim3A_268 {strides = array<i32>} : memref<8x128xf32, #tpu.memory_space<vmem>>, vector<8x128xf32>,
    } else {
    }
    %get3A_248 = arith.constant 0 : index
    %get3A_249 = arith.constant 0 : index
    %get3A_250 = vector.load %arg24[%get3A_248, %get3A_249] : memref<8x128xf32, #tpu.memory_space<vmem>>, vector<8x128xf32>
    %add3A_251 = arith.addf %get3A_250, %concatenate3A_221 : vector<8x128xf32>
    %swap3A_252 = arith.constant 0 : index
    %swap3A_253 = arith.constant 0 : index
    %swap3A_254 = vector.load %arg24[%swap3A_252, %swap3A_253] : memref<8x128xf32, #tpu.memory_space<vmem>>, vector<8x128xf32>
    tpu.vector_store %arg24[%swap3A_252, %swap3A_253], %add3A_251 {strides = array<i32>} : memref<8x128xf32, #tpu.memory_space<vmem>>, vector<8x128xf32>,
    %get3A_255 = arith.constant 0 : index
    %get3A_256 = arith.constant 0 : index
    %get3A_257 = vector.load %arg25[%get3A_255, %get3A_256] : memref<8x128xf32, #tpu.memory_space<vmem>>, vector<8x128xf32>
    %add3A_258 = arith.addf %get3A_257, %concatenate3A_244 : vector<8x128xf32>
    %swap3A_259 = arith.constant 0 : index
    %swap3A_260 = arith.constant 0 : index
    %swap3A_261 = vector.load %arg25[%swap3A_259, %swap3A_260] : memref<8x128xf32, #tpu.memory_space<vmem>>, vector<8x128xf32>
    tpu.vector_store %arg25[%swap3A_259, %swap3A_260], %add3A_258 {strides = array<i32>} : memref<8x128xf32, #tpu.memory_space<vmem>>, vector<8x128xf32>,
    return
  }
  func.func @transform_0(%arg0: i32) -> (i32, i32) {
    %c0_i32 = arith.constant 0 : i32
    %c0_i32_0 = arith.constant 0 : i32
    return %arg0, %c0_i32 : i32, i32
  }
  func.func @transform_1(%arg0: i32) -> (i32, i32) {
    %c0_i32 = arith.constant 0 : i32
    %c0_i32_0 = arith.constant 0 : i32
    return %arg0, %c0_i32 : i32, i32
  }
  func.func @transform_2(%arg0: i32) -> (i32, i32) {
    %c0_i32 = arith.constant 0 : i32
    %c0_i32_0 = arith.constant 0 : i32
    return %arg0, %c0_i32 : i32, i32
  }
  func.func @transform_3(%arg0: i32) -> (i32, i32) {
    %c0_i32 = arith.constant 0 : i32
    %c0_i32_0 = arith.constant 0 : i32
    return %arg0, %c0_i32 : i32, i32
  }
  func.func @transform_4(%arg0: i32) -> (i32, i32) {
    %c0_i32 = arith.constant 0 : i32
    %c0_i32_0 = arith.constant 0 : i32
    return %arg0, %c0_i32 : i32, i32
  }
  func.func @transform_5(%arg0: i32) -> (i32, i32) {
    %c0_i32 = arith.constant 0 : i32
    %c0_i32_0 = arith.constant 0 : i32
    %c0_i32_1 = arith.constant 0 : i32
    return %c0_i32, %c0_i32_0 : i32, i32
  }
  func.func @transform_6(%arg0: i32) -> (i32, i32) {
    %c0_i32 = arith.constant 0 : i32
    %c0_i32_0 = arith.constant 0 : i32
    %c0_i32_1 = arith.constant 0 : i32
    return %c0_i32, %c0_i32_0 : i32, i32
  }
  func.func @transform_7(%arg0: i32) -> (i32, i32) {
    %c0_i32 = arith.constant 0 : i32
    %c0_i32_0 = arith.constant 0 : i32
    %c0_i32_1 = arith.constant 0 : i32
    return %c0_i32, %c0_i32_0 : i32, i32
  }
  func.func @transform_8(%arg0: i32) -> (i32, i32) {
    %c0_i32 = arith.constant 0 : i32
    %c0_i32_0 = arith.constant 0 : i32
    %c0_i32_1 = arith.constant 0 : i32
    return %c0_i32, %c0_i32_0 : i32, i32
  }
  func.func @transform_9(%arg0: i32) -> (i32, i32) {
    %c0_i32 = arith.constant 0 : i32
    %c0_i32_0 = arith.constant 0 : i32
    %c0_i32_1 = arith.constant 0 : i32
    return %c0_i32, %c0_i32_0 : i32, i32
  }
  func.func @transform_10(%arg0: i32) -> (i32, i32) {
    %c0_i32 = arith.constant 0 : i32
    %c0_i32_0 = arith.constant 0 : i32
    %c0_i32_1 = arith.constant 0 : i32
    return %c0_i32, %c0_i32_0 : i32, i32
  }
  func.func @transform_11(%arg0: i32) -> (i32, i32) {
    %c0_i32 = arith.constant 0 : i32
    %c0_i32_0 = arith.constant 0 : i32
    %c0_i32_1 = arith.constant 0 : i32
    return %c0_i32, %c0_i32_0 : i32, i32
  }
  func.func @transform_12(%arg0: i32) -> (i32, i32) {
    %c0_i32 = arith.constant 0 : i32
    %c0_i32_0 = arith.constant 0 : i32
    %c0_i32_1 = arith.constant 0 : i32
    return %c0_i32, %c0_i32_0 : i32, i32
  }
  func.func @transform_13(%arg0: i32) -> (i32, i32) {
    %c0_i32 = arith.constant 0 : i32
    %c0_i32_0 = arith.constant 0 : i32
    %c0_i32_1 = arith.constant 0 : i32
    return %c0_i32, %c0_i32_0 : i32, i32
  }
  func.func @transform_14(%arg0: i32) -> (i32, i32) {
    %c0_i32 = arith.constant 0 : i32
    %c0_i32_0 = arith.constant 0 : i32
    %c0_i32_1 = arith.constant 0 : i32
    return %c0_i32, %c0_i32_0 : i32, i32
  }
  func.func @transform_15(%arg0: i32) -> (i32, i32) {
    %c0_i32 = arith.constant 0 : i32
    %c0_i32_0 = arith.constant 0 : i32
    %c0_i32_1 = arith.constant 0 : i32
    return %c0_i32, %c0_i32_0 : i32, i32
  }
  func.func @transform_16(%arg0: i32) -> (i32, i32) {
    %c0_i32 = arith.constant 0 : i32
    %c0_i32_0 = arith.constant 0 : i32
    %c0_i32_1 = arith.constant 0 : i32
    return %c0_i32, %c0_i32_0 : i32, i32
  }
  func.func @transform_17(%arg0: i32) -> (i32, i32) {
    %c0_i32 = arith.constant 0 : i32
    %c0_i32_0 = arith.constant 0 : i32
    %c0_i32_1 = arith.constant 0 : i32
    return %c0_i32, %c0_i32_0 : i32, i32
  }
  func.func @transform_18(%arg0: i32) -> (i32, i32) {
    %c0_i32 = arith.constant 0 : i32
    %c0_i32_0 = arith.constant 0 : i32
    return %arg0, %c0_i32 : i32, i32
  }
  func.func @transform_19(%arg0: i32) -> (i32, i32) {
    %c0_i32 = arith.constant 0 : i32
    %c0_i32_0 = arith.constant 0 : i32
    return %arg0, %c0_i32 : i32, i32
  }
  func.func @transform_20(%arg0: i32) -> (i32, i32) {
    %c0_i32 = arith.constant 0 : i32
    %c0_i32_0 = arith.constant 0 : i32
    return %arg0, %c0_i32 : i32, i32
  }
  func.func @transform_21(%arg0: i32) -> (i32, i32) {
    %c0_i32 = arith.constant 0 : i32
    %c0_i32_0 = arith.constant 0 : i32
    return %arg0, %c0_i32 : i32, i32
  }
  func.func @transform_22(%arg0: i32) -> (i32, i32) {
    %c0_i32 = arith.constant 0 : i32
    %c0_i32_0 = arith.constant 0 : i32
    return %arg0, %c0_i32 : i32, i32
  }
  func.func @transform_23(%arg0: i32) -> (i32, i32) {
    %c0_i32 = arith.constant 0 : i32
    %c0_i32_0 = arith.constant 0 : i32
    %c0_i32_1 = arith.constant 0 : i32
    return %c0_i32, %c0_i32_0 : i32, i32
  }
  func.func @transform_24(%arg0: i32) -> (i32, i32) {
    %c0_i32 = arith.constant 0 : i32
    %c0_i32_0 = arith.constant 0 : i32
    %c0_i32_1 = arith.constant 0 : i32
    return %c0_i32, %c0_i32_0 : i32, i32
  }
}

module attributes {stable_mosaic.version = 14 : i64} {
  func.func @_final_body(%arg0: i32, %arg1: memref<1024x128xf32, #tpu.memory_space<vmem>>, %arg2: memref<1024x128xf32, #tpu.memory_space<vmem>>, %arg3: memref<1024x128xf32, #tpu.memory_space<vmem>>, %arg4: memref<1024x128xf32, #tpu.memory_space<vmem>>, %arg5: memref<1024x128xf32, #tpu.memory_space<vmem>>, %arg6: memref<8x128xf32, #tpu.memory_space<vmem>>, %arg7: memref<8x128xf32, #tpu.memory_space<vmem>>, %arg8: memref<128x640xbf16, #tpu.memory_space<vmem>>, %arg9: memref<2176x128xf32, #tpu.memory_space<vmem>>, %arg10: memref<1024x2176xf32, #tpu.memory_space<vmem>>, %arg11: memref<1024x128xf32, #tpu.memory_space<vmem>>) attributes {dimension_semantics = [#tpu.dimension_semantics<arbitrary>], iteration_bounds = array<i64: 46>, scalar_prefetch = 0 : i64, scratch_operands = 1 : i64, tpu.core_type = #tpu.core_type<tc>, window_params = [{pipeline_mode = #tpu.pipeline_mode<synchronous>, transform_indices = @transform_0, window_bounds = array<i64: 1024, 128>}, {pipeline_mode = #tpu.pipeline_mode<synchronous>, transform_indices = @transform_1, window_bounds = array<i64: 1024, 128>}, {pipeline_mode = #tpu.pipeline_mode<synchronous>, transform_indices = @transform_2, window_bounds = array<i64: 1024, 128>}, {pipeline_mode = #tpu.pipeline_mode<synchronous>, transform_indices = @transform_3, window_bounds = array<i64: 1024, 128>}, {pipeline_mode = #tpu.pipeline_mode<synchronous>, transform_indices = @transform_4, window_bounds = array<i64: 1024, 128>}, {pipeline_mode = #tpu.pipeline_mode<synchronous>, transform_indices = @transform_5, window_bounds = array<i64: 8, 128>}, {pipeline_mode = #tpu.pipeline_mode<synchronous>, transform_indices = @transform_6, window_bounds = array<i64: 8, 128>}, {pipeline_mode = #tpu.pipeline_mode<synchronous>, transform_indices = @transform_7, window_bounds = array<i64: 128, 640>}, {transform_indices = @transform_8, window_bounds = array<i64: 2176, 128>}, {transform_indices = @transform_9, window_bounds = array<i64: 1024, 2176>}]} {
    %eq3A = arith.constant 0 : i32
    %eq3A_0 = arith.cmpi eq, %arg0, %eq3A : i32
    %convert_element_type3A = arith.extui %eq3A_0 : i1 to i32
    %cond3A = arith.constant 0 : i32
    %cond3A_1 = arith.cmpi ne, %convert_element_type3A, %cond3A : i32
    scf.if %cond3A_1 {
      %get3A_21 = arith.constant 0 : index
      %get3A_22 = arith.constant 0 : index
      %get3A_23 = vector.load %arg6[%get3A_21, %get3A_22] : memref<8x128xf32, #tpu.memory_space<vmem>>, vector<8x128xf32>
      %get3A_24 = arith.constant 0 : index
      %get3A_25 = arith.constant 0 : index
      %get3A_26 = vector.load %arg7[%get3A_24, %get3A_25] : memref<8x128xf32, #tpu.memory_space<vmem>>, vector<8x128xf32>
      %get3A_27 = arith.constant 0 : index
      %get3A_28 = arith.constant 0 : index
      %get3A_29 = vector.load %arg1[%get3A_27, %get3A_28] : memref<1024x128xf32, #tpu.memory_space<vmem>>, vector<1024x128xf32>
      %slice3A = vector.extract_strided_slice %get3A_23 {offsets = [0, 0], sizes = [1, 128], strides = [1, 1]} : vector<8x128xf32> to vector<1x128xf32>
      %slice3A_30 = vector.extract_strided_slice %get3A_26 {offsets = [0, 0], sizes = [1, 128], strides = [1, 1]} : vector<8x128xf32> to vector<1x128xf32>
      %div3A_31 = arith.constant 1.024000e+03 : f32
      %div3A_32 = vector.broadcast %div3A_31 : f32 to vector<1x128xf32>
      %div3A_33 = arith.divf %slice3A, %div3A_32 : vector<1x128xf32>
      %div3A_34 = arith.constant 1.024000e+03 : f32
      %div3A_35 = vector.broadcast %div3A_34 : f32 to vector<1x128xf32>
      %div3A_36 = arith.divf %slice3A_30, %div3A_35 : vector<1x128xf32>
      %mul3A_37 = arith.mulf %div3A_33, %div3A_33 : vector<1x128xf32>
      %sub3A = arith.subf %div3A_36, %mul3A_37 : vector<1x128xf32>
      %sub3A_38 = vector.broadcast %div3A_33 : vector<1x128xf32> to vector<1024x128xf32>
      %sub3A_39 = arith.subf %get3A_29, %sub3A_38 : vector<1024x128xf32>
      %add3A = arith.constant 9.99999974E-6 : f32
      %add3A_40 = vector.broadcast %add3A : f32 to vector<1x128xf32>
      %add3A_41 = arith.addf %sub3A, %add3A_40 : vector<1x128xf32>
      %rsqrt3A = math.rsqrt %add3A_41 : vector<1x128xf32>
      %mul3A_42 = vector.broadcast %rsqrt3A : vector<1x128xf32> to vector<1024x128xf32>
      %mul3A_43 = arith.mulf %sub3A_39, %mul3A_42 : vector<1024x128xf32>
      %get3A_44 = arith.constant 0 : index
      %get3A_45 = arith.constant 0 : index
      %get3A_46 = vector.load %arg2[%get3A_44, %get3A_45] : memref<1024x128xf32, #tpu.memory_space<vmem>>, vector<1024x128xf32>
      %slice3A_47 = vector.extract_strided_slice %get3A_23 {offsets = [1, 0], sizes = [1, 128], strides = [1, 1]} : vector<8x128xf32> to vector<1x128xf32>
      %slice3A_48 = vector.extract_strided_slice %get3A_26 {offsets = [1, 0], sizes = [1, 128], strides = [1, 1]} : vector<8x128xf32> to vector<1x128xf32>
      %div3A_49 = arith.constant 1.024000e+03 : f32
      %div3A_50 = vector.broadcast %div3A_49 : f32 to vector<1x128xf32>
      %div3A_51 = arith.divf %slice3A_47, %div3A_50 : vector<1x128xf32>
      %div3A_52 = arith.constant 1.024000e+03 : f32
      %div3A_53 = vector.broadcast %div3A_52 : f32 to vector<1x128xf32>
      %div3A_54 = arith.divf %slice3A_48, %div3A_53 : vector<1x128xf32>
      %mul3A_55 = arith.mulf %div3A_51, %div3A_51 : vector<1x128xf32>
      %sub3A_56 = arith.subf %div3A_54, %mul3A_55 : vector<1x128xf32>
      %sub3A_57 = vector.broadcast %div3A_51 : vector<1x128xf32> to vector<1024x128xf32>
      %sub3A_58 = arith.subf %get3A_46, %sub3A_57 : vector<1024x128xf32>
      %add3A_59 = arith.constant 9.99999974E-6 : f32
      %add3A_60 = vector.broadcast %add3A_59 : f32 to vector<1x128xf32>
      %add3A_61 = arith.addf %sub3A_56, %add3A_60 : vector<1x128xf32>
      %rsqrt3A_62 = math.rsqrt %add3A_61 : vector<1x128xf32>
      %mul3A_63 = vector.broadcast %rsqrt3A_62 : vector<1x128xf32> to vector<1024x128xf32>
      %mul3A_64 = arith.mulf %sub3A_58, %mul3A_63 : vector<1024x128xf32>
      %get3A_65 = arith.constant 0 : index
      %get3A_66 = arith.constant 0 : index
      %get3A_67 = vector.load %arg3[%get3A_65, %get3A_66] : memref<1024x128xf32, #tpu.memory_space<vmem>>, vector<1024x128xf32>
      %slice3A_68 = vector.extract_strided_slice %get3A_23 {offsets = [2, 0], sizes = [1, 128], strides = [1, 1]} : vector<8x128xf32> to vector<1x128xf32>
      %slice3A_69 = vector.extract_strided_slice %get3A_26 {offsets = [2, 0], sizes = [1, 128], strides = [1, 1]} : vector<8x128xf32> to vector<1x128xf32>
      %div3A_70 = arith.constant 1.024000e+03 : f32
      %div3A_71 = vector.broadcast %div3A_70 : f32 to vector<1x128xf32>
      %div3A_72 = arith.divf %slice3A_68, %div3A_71 : vector<1x128xf32>
      %div3A_73 = arith.constant 1.024000e+03 : f32
      %div3A_74 = vector.broadcast %div3A_73 : f32 to vector<1x128xf32>
      %div3A_75 = arith.divf %slice3A_69, %div3A_74 : vector<1x128xf32>
      %mul3A_76 = arith.mulf %div3A_72, %div3A_72 : vector<1x128xf32>
      %sub3A_77 = arith.subf %div3A_75, %mul3A_76 : vector<1x128xf32>
      %sub3A_78 = vector.broadcast %div3A_72 : vector<1x128xf32> to vector<1024x128xf32>
      %sub3A_79 = arith.subf %get3A_67, %sub3A_78 : vector<1024x128xf32>
      %add3A_80 = arith.constant 9.99999974E-6 : f32
      %add3A_81 = vector.broadcast %add3A_80 : f32 to vector<1x128xf32>
      %add3A_82 = arith.addf %sub3A_77, %add3A_81 : vector<1x128xf32>
      %rsqrt3A_83 = math.rsqrt %add3A_82 : vector<1x128xf32>
      %mul3A_84 = vector.broadcast %rsqrt3A_83 : vector<1x128xf32> to vector<1024x128xf32>
      %mul3A_85 = arith.mulf %sub3A_79, %mul3A_84 : vector<1024x128xf32>
      %get3A_86 = arith.constant 0 : index
      %get3A_87 = arith.constant 0 : index
      %get3A_88 = vector.load %arg4[%get3A_86, %get3A_87] : memref<1024x128xf32, #tpu.memory_space<vmem>>, vector<1024x128xf32>
      %slice3A_89 = vector.extract_strided_slice %get3A_23 {offsets = [3, 0], sizes = [1, 128], strides = [1, 1]} : vector<8x128xf32> to vector<1x128xf32>
      %slice3A_90 = vector.extract_strided_slice %get3A_26 {offsets = [3, 0], sizes = [1, 128], strides = [1, 1]} : vector<8x128xf32> to vector<1x128xf32>
      %div3A_91 = arith.constant 1.024000e+03 : f32
      %div3A_92 = vector.broadcast %div3A_91 : f32 to vector<1x128xf32>
      %div3A_93 = arith.divf %slice3A_89, %div3A_92 : vector<1x128xf32>
      %div3A_94 = arith.constant 1.024000e+03 : f32
      %div3A_95 = vector.broadcast %div3A_94 : f32 to vector<1x128xf32>
      %div3A_96 = arith.divf %slice3A_90, %div3A_95 : vector<1x128xf32>
      %mul3A_97 = arith.mulf %div3A_93, %div3A_93 : vector<1x128xf32>
      %sub3A_98 = arith.subf %div3A_96, %mul3A_97 : vector<1x128xf32>
      %sub3A_99 = vector.broadcast %div3A_93 : vector<1x128xf32> to vector<1024x128xf32>
      %sub3A_100 = arith.subf %get3A_88, %sub3A_99 : vector<1024x128xf32>
      %add3A_101 = arith.constant 9.99999974E-6 : f32
      %add3A_102 = vector.broadcast %add3A_101 : f32 to vector<1x128xf32>
      %add3A_103 = arith.addf %sub3A_98, %add3A_102 : vector<1x128xf32>
      %rsqrt3A_104 = math.rsqrt %add3A_103 : vector<1x128xf32>
      %mul3A_105 = vector.broadcast %rsqrt3A_104 : vector<1x128xf32> to vector<1024x128xf32>
      %mul3A_106 = arith.mulf %sub3A_100, %mul3A_105 : vector<1024x128xf32>
      %get3A_107 = arith.constant 0 : index
      %get3A_108 = arith.constant 0 : index
      %get3A_109 = vector.load %arg5[%get3A_107, %get3A_108] : memref<1024x128xf32, #tpu.memory_space<vmem>>, vector<1024x128xf32>
      %slice3A_110 = vector.extract_strided_slice %get3A_23 {offsets = [4, 0], sizes = [1, 128], strides = [1, 1]} : vector<8x128xf32> to vector<1x128xf32>
      %slice3A_111 = vector.extract_strided_slice %get3A_26 {offsets = [4, 0], sizes = [1, 128], strides = [1, 1]} : vector<8x128xf32> to vector<1x128xf32>
      %div3A_112 = arith.constant 1.024000e+03 : f32
      %div3A_113 = vector.broadcast %div3A_112 : f32 to vector<1x128xf32>
      %div3A_114 = arith.divf %slice3A_110, %div3A_113 : vector<1x128xf32>
      %div3A_115 = arith.constant 1.024000e+03 : f32
      %div3A_116 = vector.broadcast %div3A_115 : f32 to vector<1x128xf32>
      %div3A_117 = arith.divf %slice3A_111, %div3A_116 : vector<1x128xf32>
      %mul3A_118 = arith.mulf %div3A_114, %div3A_114 : vector<1x128xf32>
      %sub3A_119 = arith.subf %div3A_117, %mul3A_118 : vector<1x128xf32>
      %sub3A_120 = vector.broadcast %div3A_114 : vector<1x128xf32> to vector<1024x128xf32>
      %sub3A_121 = arith.subf %get3A_109, %sub3A_120 : vector<1024x128xf32>
      %add3A_122 = arith.constant 9.99999974E-6 : f32
      %add3A_123 = vector.broadcast %add3A_122 : f32 to vector<1x128xf32>
      %add3A_124 = arith.addf %sub3A_119, %add3A_123 : vector<1x128xf32>
      %rsqrt3A_125 = math.rsqrt %add3A_124 : vector<1x128xf32>
      %mul3A_126 = vector.broadcast %rsqrt3A_125 : vector<1x128xf32> to vector<1024x128xf32>
      %mul3A_127 = arith.mulf %sub3A_121, %mul3A_126 : vector<1024x128xf32>
      %concatenate3A = tpu.concatenate %mul3A_43, %mul3A_64, %mul3A_85, %mul3A_106, %mul3A_127 in 1 : vector<1024x128xf32>, vector<1024x128xf32>, vector<1024x128xf32>, vector<1024x128xf32>, vector<1024x128xf32> -> vector<1024x640xf32>
      %get3A_128 = arith.constant 0 : index
      %get3A_129 = arith.constant 0 : index
      %get3A_130 = vector.load %arg8[%get3A_128, %get3A_129] : memref<128x640xbf16, #tpu.memory_space<vmem>>, vector<128x640xbf16>
      %convert_element_type3A_131 = arith.truncf %concatenate3A : vector<1024x640xf32> to vector<1024x640xbf16>
      %dot_general3A_132 = arith.constant dense<0.000000e+00> : vector<1024x128xf32>
      %dot_general3A_133 = tpu.matmul %convert_element_type3A_131, %get3A_130, %dot_general3A_132 {dimension_numbers = #tpu.dot_dimension_numbers<[1], [1], [0], [0], [0, 0, 1, 0], [], []>, transpose_lhs_hint = false} : vector<1024x640xbf16>, vector<128x640xbf16>, vector<1024x128xf32> -> vector<1024x128xf32>
      %swap3A_134 = arith.constant 0 : index
      %swap3A_135 = arith.constant 0 : index
      %swap3A_136 = vector.load %arg11[%swap3A_134, %swap3A_135] : memref<1024x128xf32, #tpu.memory_space<vmem>>, vector<1024x128xf32>
      tpu.vector_store %arg11[%swap3A_134, %swap3A_135], %dot_general3A_133 {strides = array<i32>} : memref<1024x128xf32, #tpu.memory_space<vmem>>, vector<1024x128xf32>,
    } else {
    }
    %get3A = arith.constant 0 : index
    %get3A_2 = arith.constant 0 : index
    %get3A_3 = vector.load %arg9[%get3A, %get3A_2] : memref<2176x128xf32, #tpu.memory_space<vmem>>, vector<2176x128xf32>
    %mul3A = arith.mulf %get3A_3, %get3A_3 : vector<2176x128xf32>
    %reduce_sum3A = arith.constant dense<0.000000e+00> : vector<2176xf32>
    %reduce_sum3A_4 = vector.multi_reduction <add>, %mul3A, %reduce_sum3A [1] : vector<2176x128xf32> to vector<2176xf32>
    %broadcast_in_dim3A = vector.shape_cast %reduce_sum3A_4 : vector<2176xf32> to vector<2176x1xf32>
    %sqrt3A = math.sqrt %broadcast_in_dim3A : vector<2176x1xf32>
    %max3A = arith.constant 9.99999996E-13 : f32
    %max3A_5 = vector.broadcast %max3A : f32 to vector<2176x1xf32>
    %max3A_6 = arith.maximumf %sqrt3A, %max3A_5 : vector<2176x1xf32>
    %div3A = arith.constant 1.000000e+00 : f32
    %div3A_7 = vector.broadcast %div3A : f32 to vector<2176x1xf32>
    %div3A_8 = arith.divf %div3A_7, %max3A_6 : vector<2176x1xf32>
    %min3A = arith.constant 1.000000e+00 : f32
    %min3A_9 = vector.broadcast %min3A : f32 to vector<2176x1xf32>
    %min3A_10 = arith.minimumf %min3A_9, %div3A_8 : vector<2176x1xf32>
    %mul3A_11 = vector.broadcast %min3A_10 : vector<2176x1xf32> to vector<2176x128xf32>
    %mul3A_12 = arith.mulf %get3A_3, %mul3A_11 : vector<2176x128xf32>
    %get3A_13 = arith.constant 0 : index
    %get3A_14 = arith.constant 0 : index
    %get3A_15 = vector.load %arg11[%get3A_13, %get3A_14] : memref<1024x128xf32, #tpu.memory_space<vmem>>, vector<1024x128xf32>
    %convert_element_type3A_16 = arith.truncf %get3A_15 : vector<1024x128xf32> to vector<1024x128xbf16>
    %convert_element_type3A_17 = arith.truncf %mul3A_12 : vector<2176x128xf32> to vector<2176x128xbf16>
    %dot_general3A = arith.constant dense<0.000000e+00> : vector<1024x2176xf32>
    %dot_general3A_18 = tpu.matmul %convert_element_type3A_16, %convert_element_type3A_17, %dot_general3A {dimension_numbers = #tpu.dot_dimension_numbers<[1], [1], [0], [0], [0, 0, 1, 0], [], []>, transpose_lhs_hint = false} : vector<1024x128xbf16>, vector<2176x128xbf16>, vector<1024x2176xf32> -> vector<1024x2176xf32>
    %swap3A = arith.constant 0 : index
    %swap3A_19 = arith.constant 0 : index
    %swap3A_20 = vector.load %arg10[%swap3A, %swap3A_19] : memref<1024x2176xf32, #tpu.memory_space<vmem>>, vector<1024x2176xf32>
    tpu.vector_store %arg10[%swap3A, %swap3A_19], %dot_general3A_18 {strides = array<i32>} : memref<1024x2176xf32, #tpu.memory_space<vmem>>, vector<1024x2176xf32>,
    return
  }
  func.func @transform_0(%arg0: i32) -> (i32, i32) {
    %c0_i32 = arith.constant 0 : i32
    %c0_i32_0 = arith.constant 0 : i32
    %c0_i32_1 = arith.constant 0 : i32
    return %c0_i32, %c0_i32_0 : i32, i32
  }
  func.func @transform_1(%arg0: i32) -> (i32, i32) {
    %c0_i32 = arith.constant 0 : i32
    %c0_i32_0 = arith.constant 0 : i32
    %c0_i32_1 = arith.constant 0 : i32
    return %c0_i32, %c0_i32_0 : i32, i32
  }
  func.func @transform_2(%arg0: i32) -> (i32, i32) {
    %c0_i32 = arith.constant 0 : i32
    %c0_i32_0 = arith.constant 0 : i32
    %c0_i32_1 = arith.constant 0 : i32
    return %c0_i32, %c0_i32_0 : i32, i32
  }
  func.func @transform_3(%arg0: i32) -> (i32, i32) {
    %c0_i32 = arith.constant 0 : i32
    %c0_i32_0 = arith.constant 0 : i32
    %c0_i32_1 = arith.constant 0 : i32
    return %c0_i32, %c0_i32_0 : i32, i32
  }
  func.func @transform_4(%arg0: i32) -> (i32, i32) {
    %c0_i32 = arith.constant 0 : i32
    %c0_i32_0 = arith.constant 0 : i32
    %c0_i32_1 = arith.constant 0 : i32
    return %c0_i32, %c0_i32_0 : i32, i32
  }
  func.func @transform_5(%arg0: i32) -> (i32, i32) {
    %c0_i32 = arith.constant 0 : i32
    %c0_i32_0 = arith.constant 0 : i32
    %c0_i32_1 = arith.constant 0 : i32
    return %c0_i32, %c0_i32_0 : i32, i32
  }
  func.func @transform_6(%arg0: i32) -> (i32, i32) {
    %c0_i32 = arith.constant 0 : i32
    %c0_i32_0 = arith.constant 0 : i32
    %c0_i32_1 = arith.constant 0 : i32
    return %c0_i32, %c0_i32_0 : i32, i32
  }
  func.func @transform_7(%arg0: i32) -> (i32, i32) {
    %c0_i32 = arith.constant 0 : i32
    %c0_i32_0 = arith.constant 0 : i32
    %c0_i32_1 = arith.constant 0 : i32
    return %c0_i32, %c0_i32_0 : i32, i32
  }
  func.func @transform_8(%arg0: i32) -> (i32, i32) {
    %c0_i32 = arith.constant 0 : i32
    %c0_i32_0 = arith.constant 0 : i32
    return %arg0, %c0_i32 : i32, i32
  }
  func.func @transform_9(%arg0: i32) -> (i32, i32) {
    %c0_i32 = arith.constant 0 : i32
    %c0_i32_0 = arith.constant 0 : i32
    return %c0_i32, %arg0 : i32, i32
  }
}

</mosaic_0001>

<sc_bundles>
// kernel: kernel.12.cloned.1.call-start
scs
__scs_entry_jumppad:
0x0: {  	(pc) =	sbr.rel $0x88, $3  }
0x1: {  	(tag) =	ssettag $0x0;
	lr =	simm.s32 $0x1  }
0x2: {  	[smem:$0x3F75] =	sst lr;
	_ =	strace $0xD0000000  }
0x3: {  	_ = 	snop  }
0x4: {  	_ = 	snop  }
0x5: {  	_ = 	snop  }
0x6: {  	_ = 	snop  }
0x7: {  	_ = 	snop  }
__scs_overlays_trampoline_lowered:
0x8: {  	[smem:$0x3F84] =	sst s0  }
0x9: {  	[smem:$0x3F85] =	sst s1  }
0xa: {  	[smem:$0x3F86] =	sst s2  }
0xb: {  	[smem:$0x3F87] =	sst s3  }
0xc: {  	[smem:$0x3F88] =	sst s4  }
0xd: {  	[smem:$0x3F89] =	sst s5  }
0xe: {  	[smem:$0x3F8A] =	sst s6  }
0xf: {  	[smem:$0x3F8B] =	sst s7  }
0x10: {  	[smem:$0x3F8C] =	sst s8  }
0x11: {  	[smem:$0x3F8D] =	sst s9;
	s0 =	simm.s32 @!p0 $0x0  }
0x12: {  	s1 =	sld [smem:$0x3F73];
	s0 =	simm.s32 @p0 $0x1  }
0x13: {  	[smem:$0x3F8E] =	sst s0;
	s0 =	simm.s32 @!p1 $0x0  }
0x14: {  	s2 =	sld [smem:$0x3F72];
	s0 =	simm.s32 @p1 $0x1  }
0x15: {  	[smem:$0x3F8F] =	sst s0;
	s0 =	simm.s32 @!p2 $0x0  }
0x16: {  	s3 =	sld [smem:$0x3FDB];
	s0 =	simm.s32 @p2 $0x1  }
0x17: {  	s4 =	simm.s32 $0x1BF5;
	[smem:$0x3F91] =	sst s0  }
0x18: {  	s0 =	sld [smem:$0x3F74];
	_ =	swait.ge [sflag:s4], $0x0  }
0x19: {  	s7 =	sld [smem:$0x3F75]  }
0x1a: {  	s8 =	sadd.s32 $0xFFFFE003, lr  }
0x1b: {  	s9 =	sadd.s32 $0xFFFFFEF7, lr;
	s5 =	simm.s32 $0xFFFFFFFF;
	p2 =	slt.u32 s8, $0xFFFFF086  }
0x1c: {  	p1 =	slt.u32 s9, $0xF7A;
	s5 =	simm.s32 @!p2 $0x0  }
0x1d: {  	s5 =	simm.s32 @p1 $0x1;
	p0 =	seq.s32 s7, s2  }
0x1e: {  	s7 =	smul.u32 @!p0 $0xF7A, s2;
	p2 =	seq.s32 @!p0 s5, $0x0  }
0x1f: {  	s9 =	smul.u32 $0xF7A, s1;
	s8 =	simm.s32 @!p0 $0x1BF5;
	p2 =	por !p2, p0  }
0x20: {  	[sflag:s8] =	ssyncset.s32 @!p0 $0xFFFFF086;
	s6 =	sadd.s32 @!p0 s3, s7;
	s7 =	simm.s32 @!p0 $0x108  }
0x21: {  	s3 =	sadd.s32 s3, s9;
	s6 =	sadd.s32 @!p0 $0x88, s6;
	s7 =	simm.s32 @p2 $0x1082  }
0x22: {  	[simem:s7], [sflag:s8] =	dma.local @!p0 [hbm:s6], $0xF7A  }
0x23: {  	s9 =	sor.u32 $0xD0000000, s2;
	s6 =	simm.s32 $0x108;
	_ =	swait.ge @!p0 [sflag:s8], $0x0  }
0x24: {  	s3 =	sadd.s32 $0x88, s3;
	s6 =	simm.s32 @!p1 $0x1082;
	[sflag:s4] =	ssyncset.s32 $0xFFFFF086  }
0x25: {  	[simem:s6], [sflag:s4] =	dma.local [hbm:s3], $0xF7A  }
0x26: {  	[smem:$0x3F75] =	sst s1;
	(tag) =	ssettag s2;
	_ =	strace s9  }
0x27: {  	s1 =	sld [smem:$0x3F85]  }
0x28: {  	s2 =	sld [smem:$0x3F86]  }
0x29: {  	s4 =	sld [smem:$0x3F88]  }
0x2a: {  	p0 =	seq.s32 s5, $0x0;
	s5 =	sld [smem:$0x3F89]  }
0x2b: {  	s6 =	sld [smem:$0x3F8A]  }
0x2c: {  	s7 =	sld [smem:$0x3F8B]  }
0x2d: {  	s3 =	simm.s32 $0x108;
	s8 =	sld [smem:$0x3F8C]  }
0x2e: {  	s3 =	simm.s32 @!p0 $0x1082;
	s9 =	sld [smem:$0x3F8D]  }
0x2f: {  	lr =	sadd.s32 s0, s3;
	s0 =	sld [smem:$0x3F84]  }
0x30: {  	s3 =	sld [smem:$0x3F87]  }
0x31: {  	[smem:$0x3F90] =	sst s10  }
0x32: {  	s10 =	sld [smem:$0x3F8E];
	_ =	sdelay $0x3  }
0x33: {  	p0 =	seq.s32 s10, $0x1;
	s10 =	sld [smem:$0x3F90];
	_ =	sdelay $0x3  }
0x34: {  	[smem:$0x3F90] =	sst s10  }
0x35: {  	s10 =	sld [smem:$0x3F8F];
	_ =	sdelay $0x3  }
0x36: {  	p1 =	seq.s32 s10, $0x1;
	s10 =	sld [smem:$0x3F90];
	_ =	sdelay $0x3  }
0x37: {  	[smem:$0x3F90] =	sst s10  }
0x38: {  	s10 =	sld [smem:$0x3F91]  }
0x39: {  	_ = 	snop;
	(pc) =	sbr.ind lr, $3  }
0x3a: {  	_ = 	snop  }
0x3b: {  	_ = 	snop  }
0x3c: {  	p2 =	seq.s32 s10, $0x1;
	s10 =	sld [smem:$0x3F90]  }
0x3d: {  	_ =	shalt  }
0x3e: {  	_ =	shalt  }
0x3f: {  	_ =	shalt  }
0x40: {  	_ =	shalt  }
0x41: {  	_ =	shalt  }
0x42: {  	_ =	shalt  }
0x43: {  	_ =	shalt  }
0x44: {  	_ =	shalt  }
0x45: {  	_ =	shalt  }
0x46: {  	_ =	shalt  }
0x47: {  	_ =	shalt  }
0x48: {  	_ =	shalt  }
0x49: {  	_ =	shalt  }
0x4a: {  	_ =	shalt  }
0x4b: {  	_ =	shalt  }
0x4c: {  	_ =	shalt  }
0x4d: {  	_ =	shalt  }
0x4e: {  	_ =	shalt  }
0x4f: {  	_ =	shalt  }
0x50: {  	_ =	shalt  }
0x51: {  	_ =	shalt  }
0x52: {  	_ =	shalt  }
0x53: {  	_ =	shalt  }
0x54: {  	_ =	shalt  }
0x55: {  	_ =	shalt  }
0x56: {  	_ =	shalt  }
0x57: {  	_ =	shalt  }
0x58: {  	_ =	shalt  }
0x59: {  	_ =	shalt  }
0x5a: {  	_ =	shalt  }
0x5b: {  	_ =	shalt  }
0x5c: {  	_ =	shalt  }
0x5d: {  	_ =	shalt  }
0x5e: {  	_ =	shalt  }
0x5f: {  	_ =	shalt  }
0x60: {  	_ =	shalt  }
0x61: {  	_ =	shalt  }
0x62: {  	_ =	shalt  }
0x63: {  	_ =	shalt  }
0x64: {  	_ =	shalt  }
0x65: {  	_ =	shalt  }
0x66: {  	_ =	shalt  }
0x67: {  	_ =	shalt  }
0x68: {  	_ =	shalt  }
0x69: {  	_ =	shalt  }
0x6a: {  	_ =	shalt  }
0x6b: {  	_ =	shalt  }
0x6c: {  	_ =	shalt  }
0x6d: {  	_ =	shalt  }
0x6e: {  	_ =	shalt  }
0x6f: {  	_ =	shalt  }
0x70: {  	_ =	shalt  }
0x71: {  	_ =	shalt  }
0x72: {  	_ =	shalt  }
0x73: {  	_ =	shalt  }
0x74: {  	_ =	shalt  }
0x75: {  	_ =	shalt  }
0x76: {  	_ =	shalt  }
0x77: {  	_ =	shalt  }
0x78: {  	_ =	shalt  }
0x79: {  	_ =	shalt  }
0x7a: {  	_ =	shalt  }
0x7b: {  	_ =	shalt  }
0x7c: {  	_ =	shalt  }
0x7d: {  	_ =	shalt  }
0x7e: {  	_ =	shalt  }
0x7f: {  	_ =	shalt  }
0x80: {  	_ =	shalt  }
0x81: {  	_ =	shalt  }
0x82: {  	_ =	shalt  }
0x83: {  	_ =	shalt  }
0x84: {  	_ =	shalt  }
0x85: {  	_ =	shalt  }
0x86: {  	_ =	shalt  }
0x87: {  	_ =	shalt  }
.Lfunc_end0:
.L_simem_size_0:
called_computation.1_lowered:
.L_overlay_start_0:
0x88: {  	s2 =	sld [smem:$0x3FD9]  }
0x89: {  	s3 =	sld [smem:$0x3FFE];
	_ =	sdelay $0x1  }
0x8a: {  	s1 =	srdreg.scid  }
0x8b: {  	s0 =	sand.u32 $0x1, s1  }
0x8c: {  	s17 =	sshll.u32 s0, $0xA;
	s2 =	sadd.s32 s3, s2  }
0x8d: {  	s2 =	sadd.s32 s2, s17  }
0x8e: {  	[smem:$0x3F9C] =	sst s2  }
0x8f: {  	_ = 	snop  }
0x90: {  	s18 =	sld [smem:$0x3FC9];
	(tm) =	ssettm $0x1  }
0x91: {  	s19 =	sld [smem:$0x3FFB];
	_ =	sdelay $0x3  }
0x92: {  	_ =	strace s19  }
0x93: {  	s2 =	sld [smem:$0x3FFC];
	_ =	sdelay $0x3  }
0x94: {  	_ =	strace s2  }
0x95: {  	s2 =	sld [smem:$0x3FFD];
	_ =	sdelay $0x3  }
0x96: {  	_ =	strace s2  }
0x97: {  	_ =	strace $0x8FFFFFFF  }
0x98: {  	s20 =	sld [smem:$0x3FDB];
	_ =	sdelay $0x1  }
0x99: {  	s4 =	simm.s32 $_scs_section_size  }
0x9a: {  	s5 =	simm.s32 $_size__tile_overlayer_lowered;
	s6 =	simm.s32 $_tile_overlayer_lowered  }
0x9b: {  	s7 =	simm.s32 $0x1BFF;
	s21 =	sshll.u32 s6, $0x1;
	s4 =	sadd.s32 s4, s20  }
0x9c: {  	s22 =	simm.s32 $0x0;
	s5 =	sshll.u32 s5, $0x1;
	s6 =	sadd.s32 s21, s4  }
0x9d: {  	[timem:s22], [sflag:s7] =	dma.local [hbm:s6], s5  }
0x9e: {  	_ =	swait.ge [sflag:s7], s5  }
0x9f: {  	s5 =	ssub.s32 $0x0, s5;
	[sflag:s7] =	ssyncset.done $0x0  }
0xa0: {  	[sflag:s7] =	ssyncadd.s32 s5;
	_ =	sdelay $0x1  }
0xa1: {  	s23 =	simm.s32 $0x1B8B  }
0xa2: {  	_ =	swait.ge [sflag:s23], $0x1  }
0xa3: {  	[sflag:s23] =	ssyncset.done $0x0  }
0xa4: {  	[sflag:s23] =	ssyncadd.s32 $0xFFFFFFFF  }
0xa5: {  	s5 =	sld [smem:$0x0]  }
0xa6: {  	s6 =	sand.u32 $0xFFFFFFFE, s1  }
0xa7: {  	p0 =	sne.s32 s1, s6  }
0xa8: {  	s6 =	sshll.u32 @p0 s6, $0xE  }
0xa9: {  	s6 =	sadd.s32 @p0 $0x11B8D, s6;
	s7 =	sshll.u32 @p0 s5, $0x11  }
0xaa: {  	s6 =	sor.u32 @p0 s7, s6  }
0xab: {  	[sflag:s6] =	ssyncadd.remote.s32 @p0 $0x1;
	_ =	sdelay $0x1  }
0xac: {  	s6 =	simm.s32 @p0 $0x1B8D  }
0xad: {  	_ =	swait.eq @p0 [sflag:s6], $0x1  }
0xae: {  	[sflag:s6] =	ssyncadd.s32 @p0 $0xFFFFFFFF  }
0xaf: {  	s7 =	sshll.u32 @!p0 s1, $0xE  }
0xb0: {  	s7 =	sor.u32 @!p0 $0x4000, s7;
	s6 =	simm.s32 @!p0 $0x1B8D  }
0xb1: {  	s5 =	sshll.u32 @!p0 s5, $0x11;
	s7 =	sadd.s32 @!p0 $0x11B8D, s7;
	_ =	swait.eq @!p0 [sflag:s6], $0x1  }
0xb2: {  	s5 =	sor.u32 @!p0 s5, s7;
	[sflag:s6] =	ssyncadd.s32 @!p0 $0xFFFFFFFF  }
0xb3: {  	s25 =	simm.s32 $0x1B8E;
	s24 =	sld [smem:$0x3FFE];
	[sflag:s5] =	ssyncadd.remote.s32 @!p0 $0x1  }
0xb4: {  	s26 =	simm.s32 $execute0_lowered;
	[smem:$0x3FD2] =	sst s25  }
0xb5: {  	s6 =	sshll.u32 s26, $0x1;
	_ =	strace $0x8000005A;
	[dreg:$0x1] =	wrdreg $0xFFFFFFFF  }
0xb6: {  	s28 =	simm.s32 $_size_execute0_lowered;
	s4 =	sadd.s32 s4, s6;
	[dreg:$0x0] =	wrdreg $0x0  }
0xb7: {  	s6 =	sshll.u32 s28, $0x1;
	[dreg:$0x2] =	wrdreg s4  }
0xb8: {  	[dreg:$0x3] =	wrdreg s6  }
0xb9: {  	[dreg:$0x4] =	wrdreg $0xC0  }
0xba: {  	_ =	task [dreg:s22], $0x5FFFF  }
0xbb: {  	[dreg:$0x1] =	wrdreg $0xFFFFFFFF  }
0xbc: {  	[dreg:$0x0] =	wrdreg $0x60  }
0xbd: {  	[dreg:$0x2] =	wrdreg s18  }
0xbe: {  	[dreg:$0x3] =	wrdreg s24  }
0xbf: {  	[dreg:$0x4] =	wrdreg $0x9  }
0xc0: {  	_ =	task.clear_ibuf [dreg:s22], $0x5FFFF;
	_ =	strace $0x9000005A  }
0xc1: {  	s29 =	simm.s32 $0x9;
	_ =	strace $0x80000063  }
0xc2: {  	_ =	swait.ge [sflag:s29], $0x1  }
0xc3: {  	[sflag:s29] =	ssyncadd.s32 $0xFFFFFFFF  }
0xc4: {  	_ =	strace $0x90000063  }
0xc5: {  	_ =	sfence  }
0xc6: {  	s30 =	sld [smem:$0x0];
	_ =	sdelay $0x2  }
0xc7: {  	s31 =	sshll.u32 s1, $0xD;
	s1 =	sshrl.u32 s1, $0x2  }
0xc8: {  	s4 =	sand.u32 $0x4000, s31;
	s1 =	sadd.s32 s1, s30  }
0xc9: {  	s0 =	sor.u32 s4, s0;
	s1 =	sshll.u32 s1, $0x11  }
0xca: {  	s0 =	sor.u32 s1, s0  }
0xcb: {  	s0 =	sadd.s32 $0x8F2B, s0  }
0xcc: {  	[sflag:s0] =	ssyncadd.remote.s32 $0x1  }
0xcd: {  	_ =	sfence.sel $0xFFFF  }
0xce: {  	[dreg:$0x0] =	wrdreg $0xFFFFFFFF;
	(pc) =	sbr.abs _section_cstart, $3  }
0xcf: {  	[dreg:$0x1] =	wrdreg $0xFFFFFFFF  }
0xd0: {  	_ =	task.clear_ibuf [dreg:s22], $0x2FFFF;
	_ =	strace $0x9FFFFFFF  }
0xd1: {  	(tm) =	ssettm $0x7FFFFFFF  }
tec
execute0_lowered:
.L_overlay_start_1:
0x0: {  	(tag) =	ssettag $0x1  }
0x1: {  	s0 =	rddreg [dreg:$0x0]  }
0x2: {  	s3 =	rddreg [dreg:$0x1]  }
0x3: {  	s1 =	simm.s32 $0x0;
	s2 =	srdreg.scid;
	[dreg:$0x3] =	wrdreg s0  }
0x4: {  	s8 =	simm.s32 $0x80;
	s9 =	simm.s32 $0x4;
	s0 =	rddreg [dreg:$0x2]  }
0x5: {  	s10 =	simm.s32 $0x0;
	[smem:$0x7FF] =	sst s1;
	s4 =	sand.u32 $0x1, s2  }
0x6: {  	s2 =	stileid.u32;
	s5 =	sadd.s32 $0x60600, s3;
	s3 =	sadd.s32 $0x5FC00, s3  }
0x7: {  	_ =	strace $0x8000005B;
	s4 =	ssub.s32 $0x2, s4;
	[dreg:$0x5] =	wrdreg s5  }
0x8: {  	s7 =	smul.u32 $0xA0, s2;
	[dreg:$0x4] =	wrdreg s8;
	s6 =	sshrl.u32 s4, $0x1  }
0x9: {  	s8 =	simm.s32 $0x5;
	s6 =	ssub.s32 s4, s6;
	s4 =	smul.u32 $0xA, s2  }
0xa: {  	s5 =	sadd.s32 s3, s7;
	s7 =	simm.s32 $0x1;
	s6 =	smax.u32 s6, $0x1  }
.LBB2_1:
0xb: {  	_ =	strace $0x8000005C;
	s11 =	simm.s32 $0x1;
	p0 =	por $0x0, $0x0  }
0xc: {  	[tilespmem:s1], [sflag:$0x1] =	stream.linear.gather [hbm4b:s5+s1], $0x80, $0x200038;
	[tilespmem:$0x8100] =	vst v63  }
0xd: {  	s11 =	simm.s32 @p0 $0x0  }
0xe: {  	p4 =	por $0x1, $0x1;
	s20 =	sand.u32 $0x1, s1;
	p1 =	sne.s32 s11, $0x0  }
0xf: {  	p2 =	por $0x1, $0x1;
	s18 =	simm.s32 $0x8;
	p0 =	por !p4, !p1  }
0x10: {  	s16 =	simm.s32 $0x0;
	p5 =	por $0x0, $0x0;
	p0 =	por !p0, !p0  }
0x11: {  	s23 =	sadd.s32 $0x0, s4;
	s30 =	sadd.s32 $0x1, s20;
	s12 =	sadd.s32 @p0 s4, s11  }
0x12: {  	_ =	strace $0x9000005C;
	s13 =	sand.u32 @p0 $0x1, s7;
	s12 =	sshll.u32 @p0 s12, $0x4  }
0x13: {  	_ =	strace @p0 $0x8000005D;
	s15 =	simm.s32 @p0 $0x0;
	s12 =	sand.u32 @p0 $0x1FFFFFF0, s12  }
0x14: {  	s14 =	sshll.u32 @p0 s13, $0x7;
	s13 =	sadd.s32 @p0 $0x1, s13;
	s12 =	sadd.s32 @p0 s3, s12  }
0x15: {  	[tilespmem:s14], [sflag:s13] =	stream.linear.gather @p0 [hbm4b:s12+s15], $0x80, $0x200038;
	[tilespmem:$0x8100] =	vst v63  }
0x16: {  	p3 =	por p2, p2;
	s21 =	sshll.u32 s20, $0xE;
	_ =	strace @p0 $0x9000005D  }
0x17: {  	s16 =	sand.u32 $0x80, s16;
	p2 =	por p5, p5;
	_ =	strace $0x8000005E  }
0x18: {  	s17 =	sadd.s32 $0x1, s11;
	s22 =	sor.u32 $0x100, s21;
	_ =	swait.ge [sflag:s30], $0x80  }
0x19: {  	s21 =	simm.s32 $0x1;
	p6 =	por p1, p1;
	[sflag:s30] =	ssyncset.done $0x0  }
0x1a: {  	p1 =	por p3, p3;
	p4 =	por $0x1, $0x1;
	[sflag:s30] =	ssyncadd.s32 $0xFFFFFF80  }
0x1b: {  	s12 =	simm.s32 $0x9;
	s15 =	sand.u32 @!p3 $0x1, s1;
	_ =	strace $0x9000005E  }
0x1c: {  	s13 =	simm.s32 $0x1;
	p3 =	seq.s32 s17, $0xA;
	_ =	strace $0x8000005F  }
0x1d: {  	s13 =	simm.s32 @!p0 $0x0;
	s17 =	simm.s32 @p3 $0x0;
	s19 =	rddreg [dreg:$0x4]  }
0x1e: {  	p0 =	por $0x0, $0x0;
	s14 =	sadd.s32 $0x1, s13;
	s31 =	rddreg [dreg:$0x3]  }
0x1f: {  	[tilespmem:s22], [sflag:$0x5] =	stream.indirect.gather [hbm4b:s31+s19], $0x80, s16, s19, $0x2000b8;
	[tilespmem:$0x8100] =	vst v63  }
0x20: {  	p3 =	sne.s32 s11, s17;
	s21 =	simm.s32 @!p0 $0x0;
	_ =	swait.ge [sflag:s8], $0x4000  }
0x21: {  	p5 =	por !p4, !p3;
	p4 =	por $0x0, $0x0;
	[sflag:s8] =	ssyncset.done $0x0  }
0x22: {  	s13 =	simm.s32 $0x0;
	p6 =	por p4, p6;
	[sflag:s8] =	ssyncadd.s32 $0xFFFFC000  }
0x23: {  	s16 =	simm.s32 $0x0;
	s19 =	simm.s32 $0x0;
	_ =	strace $0x9000005F  }
.LBB2_2:
0x24: {  	_ =	strace @p6 $0x80000060;
	s13 =	sadd.s32 s21, s13;
	s21 =	smov.u32 s12  }
0x25: {  	s12 =	smov.u32 s18;
	s18 =	sadd.s32 $0xFFFFFFFF, s18;
	p0 =	por p3, p3  }
0x26: {  	s28 =	sshll.u32 @p6 s23, $0xB;
	s20 =	sadd.s32 @p6 $0x3, s20;
	s24 =	simm.s32 @!p0 $0x0  }
0x27: {  	s25 =	rddreg [dreg:$0x5];
	s28 =	sand.u32 @p6 $0x1FFFF800, s28;
	s24 =	simm.s32 @p0 $0x1  }
0x28: {  	s25 =	sadd.s32 @p6 s25, s28;
	s28 =	simm.s32 @p6 $0x0;
	p0 =	sne.s32 s18, $0x0  }
0x29: {  	[hbm4b:s25+s28] =	stream.linear.scatter @p6 [tilespmem:s22], [sflag:s20], $0x4000, $0x200038;
	[tilespmem:$0x8100] =	vst v63  }
0x2a: {  	s20 =	sadd.s32 @!p1 $0x3, s15;
	s15 =	simm.s32 @!p0 $0x0  }
0x2b: {  	s26 =	simm.s32 $0x1;
	[smem:$0x7FC] =	sst s24;
	s15 =	simm.s32 @p0 $0x1  }
0x2c: {  	s26 =	simm.s32 @!p6 $0x0;
	_ =	strace @p6 $0x90000060;
	[smem:$0x7FD] =	sst s15  }
0x2d: {  	p5 =	por !p5, !p5;
	s19 =	sadd.s32 s26, s19;
	_ =	strace @!p1 $0x80000061  }
0x2e: {  	s24 =	sand.u32 @!p2 $0x1, s13;
	s22 =	sand.u32 @p5 $0x1, s14;
	_ =	swait.ge @!p1 [sflag:s20], $0x4000  }
0x2f: {  	s15 =	smov.u32 s24;
	s24 =	sadd.s32 @p5 s4, s17;
	[sflag:s20] =	ssyncset.done @!p1 $0x0  }
0x30: {  	s25 =	sshll.u32 @p5 s22, $0x7;
	s24 =	sshll.u32 @p5 s24, $0x4;
	[sflag:s20] =	ssyncadd.s32 @!p1 $0xFFFFC000  }
0x31: {  	s20 =	sadd.s32 @p5 $0x1, s22;
	s22 =	sand.u32 @p5 $0x1FFFFFF0, s24;
	_ =	strace @!p1 $0x90000061  }
0x32: {  	s24 =	simm.s32 @p5 $0x0;
	s22 =	sadd.s32 @p5 s3, s22;
	_ =	strace @p5 $0x8000005D  }
0x33: {  	[tilespmem:s25], [sflag:s20] =	stream.linear.gather @p5 [hbm4b:s22+s24], $0x80, $0x200038;
	[tilespmem:$0x8100] =	vst v63  }
0x34: {  	s16 =	sadd.s32 s26, s16;
	s26 =	sand.u32 $0x1, s19;
	_ =	strace @p5 $0x9000005D  }
0x35: {  	s24 =	sadd.s32 $0x1, s26;
	_ =	strace $0x8000005E  }
0x36: {  	_ =	swait.ge [sflag:s24], $0x80  }
0x37: {  	[sflag:s24] =	ssyncset.done $0x0  }
0x38: {  	s20 =	simm.s32 $0x1;
	[sflag:s24] =	ssyncadd.s32 $0xFFFFFF80  }
0x39: {  	s20 =	simm.s32 @!p5 $0x0;
	_ =	strace $0x9000005E  }
0x3a: {  	s14 =	sadd.s32 s20, s14;
	s20 =	sand.u32 $0x1, s16;
	_ =	strace $0x8000005F  }
0x3b: {  	s29 =	sshll.u32 s19, $0x7;
	s25 =	sshll.u32 s20, $0xE;
	s26 =	rddreg [dreg:$0x4]  }
0x3c: {  	s29 =	sand.u32 $0x80, s29;
	s22 =	sor.u32 $0x100, s25;
	s30 =	rddreg [dreg:$0x3]  }
0x3d: {  	[tilespmem:s22], [sflag:$0x5] =	stream.indirect.gather [hbm4b:s30+s26], $0x80, s29, s26, $0x2000b8;
	[tilespmem:$0x8100] =	vst v63  }
0x3e: {  	_ =	swait.ge [sflag:s8], $0x4000  }
0x3f: {  	s31 =	sadd.s32 $0x1, s17;
	[sflag:s8] =	ssyncset.done $0x0  }
0x40: {  	s23 =	sadd.s32 s4, s11;
	s11 =	smov.u32 s17;
	[sflag:s8] =	ssyncadd.s32 $0xFFFFC000  }
0x41: {  	p3 =	seq.s32 s31, $0xA;
	s17 =	smov.u32 s31;
	_ =	strace $0x9000005F  }
0x42: {  	s17 =	simm.s32 @p3 $0x0;
	s31 =	sld [smem:$0x7FD]  }
0x43: {  	p6 =	sne.s32 s12, $0x1;
	p0 =	sne.s32 s21, $0xA;
	p3 =	sne.s32 s11, s17  }
0x44: {  	p5 =	por !p6, !p3;
	p6 =	seq.s32 s21, $0x1;
	s21 =	simm.s32 $0x1  }
0x45: {  	s21 =	simm.s32 @!p0 $0x0;
	p0 =	seq.s32 s31, $0x1  }
.Ltmp0:
0x46: {  	s30 =	sld [smem:$0x7FC];
	(pc) =	sbr.rel @p0 .LBB2_2-.Ltmp0, $4  }
0x47: {  	_ = 	snop  }
0x48: {  	p4 =	seq.s32 s12, $0xA  }
0x49: {  	p1 =	por p2, p2;
	p2 =	por p4, p4;
	p4 =	seq.s32 s30, $0x1  }
0x4a: {  	p6 =	por p6, p4  }
0x4b: {  	_ =	strace @p6 $0x80000060;
	s23 =	sshll.u32 @p6 s23, $0xB  }
0x4c: {  	s18 =	rddreg [dreg:$0x5];
	s23 =	sand.u32 @p6 $0x1FFFF800, s23  }
0x4d: {  	s20 =	sadd.s32 @p6 $0x3, s20;
	s18 =	sadd.s32 @p6 s18, s23;
	s23 =	simm.s32 @p6 $0x0  }
0x4e: {  	[hbm4b:s18+s23] =	stream.linear.scatter @p6 [tilespmem:s22], [sflag:s20], $0x4000, $0x200038;
	[tilespmem:$0x8100] =	vst v63  }
0x4f: {  	p0 =	por !p5, !p5;
	_ =	strace @p6 $0x90000060  }
0x50: {  	s15 =	sadd.s32 @!p1 $0x3, s15;
	s17 =	sadd.s32 @p0 s4, s17;
	_ =	strace @!p1 $0x80000061  }
0x51: {  	s14 =	sand.u32 @p0 $0x1, s14;
	s17 =	sshll.u32 @p0 s17, $0x4;
	_ =	swait.ge @!p1 [sflag:s15], $0x4000  }
0x52: {  	s18 =	simm.s32 $0x1;
	s20 =	sshll.u32 @p0 s14, $0x7;
	[sflag:s15] =	ssyncset.done @!p1 $0x0  }
0x53: {  	s14 =	sadd.s32 @p0 $0x1, s14;
	s18 =	simm.s32 @!p6 $0x0;
	[sflag:s15] =	ssyncadd.s32 @!p1 $0xFFFFC000  }
0x54: {  	s19 =	sadd.s32 s18, s19;
	s15 =	sand.u32 @p0 $0x1FFFFFF0, s17;
	_ =	strace @!p1 $0x90000061  }
0x55: {  	s17 =	simm.s32 @p0 $0x0;
	s15 =	sadd.s32 @p0 s3, s15;
	_ =	strace @p0 $0x8000005D  }
0x56: {  	[tilespmem:s20], [sflag:s14] =	stream.linear.gather @p0 [hbm4b:s15+s17], $0x80, $0x200038;
	[tilespmem:$0x8100] =	vst v63  }
0x57: {  	s25 =	sand.u32 $0x1, s19;
	_ =	strace @p0 $0x9000005D  }
0x58: {  	s14 =	sadd.s32 $0x1, s25;
	_ =	strace $0x8000005E  }
0x59: {  	_ =	swait.ge [sflag:s14], $0x80  }
0x5a: {  	[sflag:s14] =	ssyncset.done $0x0  }
0x5b: {  	[sflag:s14] =	ssyncadd.s32 $0xFFFFFF80  }
0x5c: {  	s26 =	sadd.s32 s18, s16;
	_ =	strace $0x9000005E  }
0x5d: {  	s14 =	sand.u32 $0x1, s26;
	_ =	strace $0x8000005F  }
0x5e: {  	s30 =	sshll.u32 s19, $0x7;
	s31 =	sshll.u32 s14, $0xE;
	s28 =	rddreg [dreg:$0x4]  }
0x5f: {  	s17 =	sand.u32 $0x80, s30;
	s18 =	sor.u32 $0x100, s31;
	s29 =	rddreg [dreg:$0x3]  }
0x60: {  	[tilespmem:s18], [sflag:$0x5] =	stream.indirect.gather [hbm4b:s29+s28], $0x80, s17, s28, $0x2000b8;
	[tilespmem:$0x8100] =	vst v63  }
0x61: {  	_ =	swait.ge [sflag:s8], $0x4000  }
0x62: {  	[sflag:s8] =	ssyncset.done $0x0  }
0x63: {  	p5 =	por p3, p3;
	p6 =	seq.s32 s12, $0x1;
	[sflag:s8] =	ssyncadd.s32 $0xFFFFC000  }
0x64: {  	s11 =	sadd.s32 s4, s11;
	p0 =	por p6, p5;
	_ =	strace $0x9000005F  }
0x65: {  	s11 =	sshll.u32 @p0 s11, $0xB;
	_ =	strace @p0 $0x80000060  }
0x66: {  	s13 =	sadd.s32 s21, s13;
	s11 =	sand.u32 @p0 $0x1FFFF800, s11;
	s12 =	rddreg [dreg:$0x5]  }
0x67: {  	s14 =	sadd.s32 @p0 $0x3, s14;
	s11 =	sadd.s32 @p0 s12, s11;
	s12 =	simm.s32 @p0 $0x0  }
0x68: {  	[hbm4b:s11+s12] =	stream.linear.scatter @p0 [tilespmem:s18], [sflag:s14], $0x4000, $0x200038;
	[tilespmem:$0x8100] =	vst v63  }
0x69: {  	p1 =	por p2, p2;
	s11 =	sand.u32 @!p2 $0x1, s13;
	_ =	strace @p0 $0x90000060  }
0x6a: {  	s11 =	sadd.s32 @!p1 $0x3, s11;
	_ =	strace @!p1 $0x80000061  }
0x6b: {  	_ =	swait.ge @!p1 [sflag:s11], $0x4000  }
0x6c: {  	[sflag:s11] =	ssyncset.done @!p1 $0x0  }
0x6d: {  	s10 =	sadd.s32 $0x1, s10;
	[sflag:s11] =	ssyncadd.s32 @!p1 $0xFFFFC000  }
0x6e: {  	p0 =	sne.s32 s10, s6;
	_ =	strace @!p1 $0x90000061  }
.Ltmp1:
0x6f: {  	_ =	strace $0x80000062;
	(pc) =	sbr.rel @p0 .LBB2_1-.Ltmp1, $4  }
0x70: {  	_ =	swait.ge [sflag:s9], $0x4000  }
0x71: {  	[sflag:s9] =	ssyncset.done $0x0  }
0x72: {  	[sflag:s9] =	ssyncadd.s32 $0xFFFFC000  }
0x73: {  	_ =	strace $0x90000062  }
0x74: {  	_ =	sfence.sel $0x180000  }
0x75: {  	[bflag:$0x0] =	sbarrier.arrive $0xFFFF  }
0x76: {  	p0 =	sne.s32 s2, $0x0;
	_ =	strace $0x9000005B  }
0x77: {  	s0 =	sadd.s32 @!p0 $0x100000, s0;
	[bflag:$0x2] =	sbarrier.arrive $0xFFFF  }
0x78: {  	[sflag:s0] =	ssyncadd.tile.s32 @!p0 $0x1;
	_ =	shalt  }
.Lfunc_end2:
_tile_overlayer_lowered:
.L_overlay_start_2:
0x79: {  	(tag) =	ssettag $0x2  }
0x7a: {  	s0 =	rddreg [dreg:$0x0];
	s2 =	stileid.u32  }
0x7b: {  	s1 =	rddreg [dreg:$0x1];
	p0 =	sne.s32 s2, $0x0  }
0x7c: {  	s3 =	rddreg [dreg:$0x2];
	[bflag:$0x3] =	sbarrier.arrive $0xFFFF;
	s2 =	simm.s32 @!p0 $0x1C01  }
0x7d: {  	[timem:s3], [sflag:s2] =	dma.local @!p0 [hbm:s0], s1  }
0x7e: {  	s0 =	simm.s32 @!p0 $0x1  }
0x7f: {  	_ =	swait.ge @!p0 [sflag:s0], s1  }
0x80: {  	s1 =	ssub.s32 @!p0 $0x0, s1;
	[sflag:s0] =	ssyncset.done @!p0 $0x0  }
0x81: {  	[sflag:s0] =	ssyncadd.s32 @!p0 s1  }
0x82: {  	[bflag:$0x3] =	sbarrier.arrive $0xFFFF  }
0x83: {  	_ =	shalt  }

// kernel: kernel.15.cloned.1.call-start
scs
__scs_entry_jumppad:
0x0: {  	(pc) =	sbr.rel $0x88, $3  }
0x1: {  	(tag) =	ssettag $0x0;
	lr =	simm.s32 $0x1  }
0x2: {  	[smem:$0x3F75] =	sst lr;
	_ =	strace $0xD0000000  }
0x3: {  	_ = 	snop  }
0x4: {  	_ = 	snop  }
0x5: {  	_ = 	snop  }
0x6: {  	_ = 	snop  }
0x7: {  	_ = 	snop  }
__scs_overlays_trampoline_lowered:
0x8: {  	[smem:$0x3F84] =	sst s0  }
0x9: {  	[smem:$0x3F85] =	sst s1  }
0xa: {  	[smem:$0x3F86] =	sst s2  }
0xb: {  	[smem:$0x3F87] =	sst s3  }
0xc: {  	[smem:$0x3F88] =	sst s4  }
0xd: {  	[smem:$0x3F89] =	sst s5  }
0xe: {  	[smem:$0x3F8A] =	sst s6  }
0xf: {  	[smem:$0x3F8B] =	sst s7  }
0x10: {  	[smem:$0x3F8C] =	sst s8  }
0x11: {  	[smem:$0x3F8D] =	sst s9;
	s0 =	simm.s32 @!p0 $0x0  }
0x12: {  	s1 =	sld [smem:$0x3F73];
	s0 =	simm.s32 @p0 $0x1  }
0x13: {  	[smem:$0x3F8E] =	sst s0;
	s0 =	simm.s32 @!p1 $0x0  }
0x14: {  	s2 =	sld [smem:$0x3F72];
	s0 =	simm.s32 @p1 $0x1  }
0x15: {  	[smem:$0x3F8F] =	sst s0;
	s0 =	simm.s32 @!p2 $0x0  }
0x16: {  	s3 =	sld [smem:$0x3FDB];
	s0 =	simm.s32 @p2 $0x1  }
0x17: {  	s4 =	simm.s32 $0x1BF5;
	[smem:$0x3F91] =	sst s0  }
0x18: {  	s0 =	sld [smem:$0x3F74];
	_ =	swait.ge [sflag:s4], $0x0  }
0x19: {  	s7 =	sld [smem:$0x3F75]  }
0x1a: {  	s8 =	sadd.s32 $0xFFFFE003, lr  }
0x1b: {  	s9 =	sadd.s32 $0xFFFFFEF7, lr;
	s5 =	simm.s32 $0xFFFFFFFF;
	p2 =	slt.u32 s8, $0xFFFFF086  }
0x1c: {  	p1 =	slt.u32 s9, $0xF7A;
	s5 =	simm.s32 @!p2 $0x0  }
0x1d: {  	s5 =	simm.s32 @p1 $0x1;
	p0 =	seq.s32 s7, s2  }
0x1e: {  	s7 =	smul.u32 @!p0 $0xF7A, s2;
	p2 =	seq.s32 @!p0 s5, $0x0  }
0x1f: {  	s9 =	smul.u32 $0xF7A, s1;
	s8 =	simm.s32 @!p0 $0x1BF5;
	p2 =	por !p2, p0  }
0x20: {  	[sflag:s8] =	ssyncset.s32 @!p0 $0xFFFFF086;
	s6 =	sadd.s32 @!p0 s3, s7;
	s7 =	simm.s32 @!p0 $0x108  }
0x21: {  	s3 =	sadd.s32 s3, s9;
	s6 =	sadd.s32 @!p0 $0x88, s6;
	s7 =	simm.s32 @p2 $0x1082  }
0x22: {  	[simem:s7], [sflag:s8] =	dma.local @!p0 [hbm:s6], $0xF7A  }
0x23: {  	s9 =	sor.u32 $0xD0000000, s2;
	s6 =	simm.s32 $0x108;
	_ =	swait.ge @!p0 [sflag:s8], $0x0  }
0x24: {  	s3 =	sadd.s32 $0x88, s3;
	s6 =	simm.s32 @!p1 $0x1082;
	[sflag:s4] =	ssyncset.s32 $0xFFFFF086  }
0x25: {  	[simem:s6], [sflag:s4] =	dma.local [hbm:s3], $0xF7A  }
0x26: {  	[smem:$0x3F75] =	sst s1;
	(tag) =	ssettag s2;
	_ =	strace s9  }
0x27: {  	s1 =	sld [smem:$0x3F85]  }
0x28: {  	s2 =	sld [smem:$0x3F86]  }
0x29: {  	s4 =	sld [smem:$0x3F88]  }
0x2a: {  	p0 =	seq.s32 s5, $0x0;
	s5 =	sld [smem:$0x3F89]  }
0x2b: {  	s6 =	sld [smem:$0x3F8A]  }
0x2c: {  	s7 =	sld [smem:$0x3F8B]  }
0x2d: {  	s3 =	simm.s32 $0x108;
	s8 =	sld [smem:$0x3F8C]  }
0x2e: {  	s3 =	simm.s32 @!p0 $0x1082;
	s9 =	sld [smem:$0x3F8D]  }
0x2f: {  	lr =	sadd.s32 s0, s3;
	s0 =	sld [smem:$0x3F84]  }
0x30: {  	s3 =	sld [smem:$0x3F87]  }
0x31: {  	[smem:$0x3F90] =	sst s10  }
0x32: {  	s10 =	sld [smem:$0x3F8E];
	_ =	sdelay $0x3  }
0x33: {  	p0 =	seq.s32 s10, $0x1;
	s10 =	sld [smem:$0x3F90];
	_ =	sdelay $0x3  }
0x34: {  	[smem:$0x3F90] =	sst s10  }
0x35: {  	s10 =	sld [smem:$0x3F8F];
	_ =	sdelay $0x3  }
0x36: {  	p1 =	seq.s32 s10, $0x1;
	s10 =	sld [smem:$0x3F90];
	_ =	sdelay $0x3  }
0x37: {  	[smem:$0x3F90] =	sst s10  }
0x38: {  	s10 =	sld [smem:$0x3F91]  }
0x39: {  	_ = 	snop;
	(pc) =	sbr.ind lr, $3  }
0x3a: {  	_ = 	snop  }
0x3b: {  	_ = 	snop  }
0x3c: {  	p2 =	seq.s32 s10, $0x1;
	s10 =	sld [smem:$0x3F90]  }
0x3d: {  	_ =	shalt  }
0x3e: {  	_ =	shalt  }
0x3f: {  	_ =	shalt  }
0x40: {  	_ =	shalt  }
0x41: {  	_ =	shalt  }
0x42: {  	_ =	shalt  }
0x43: {  	_ =	shalt  }
0x44: {  	_ =	shalt  }
0x45: {  	_ =	shalt  }
0x46: {  	_ =	shalt  }
0x47: {  	_ =	shalt  }
0x48: {  	_ =	shalt  }
0x49: {  	_ =	shalt  }
0x4a: {  	_ =	shalt  }
0x4b: {  	_ =	shalt  }
0x4c: {  	_ =	shalt  }
0x4d: {  	_ =	shalt  }
0x4e: {  	_ =	shalt  }
0x4f: {  	_ =	shalt  }
0x50: {  	_ =	shalt  }
0x51: {  	_ =	shalt  }
0x52: {  	_ =	shalt  }
0x53: {  	_ =	shalt  }
0x54: {  	_ =	shalt  }
0x55: {  	_ =	shalt  }
0x56: {  	_ =	shalt  }
0x57: {  	_ =	shalt  }
0x58: {  	_ =	shalt  }
0x59: {  	_ =	shalt  }
0x5a: {  	_ =	shalt  }
0x5b: {  	_ =	shalt  }
0x5c: {  	_ =	shalt  }
0x5d: {  	_ =	shalt  }
0x5e: {  	_ =	shalt  }
0x5f: {  	_ =	shalt  }
0x60: {  	_ =	shalt  }
0x61: {  	_ =	shalt  }
0x62: {  	_ =	shalt  }
0x63: {  	_ =	shalt  }
0x64: {  	_ =	shalt  }
0x65: {  	_ =	shalt  }
0x66: {  	_ =	shalt  }
0x67: {  	_ =	shalt  }
0x68: {  	_ =	shalt  }
0x69: {  	_ =	shalt  }
0x6a: {  	_ =	shalt  }
0x6b: {  	_ =	shalt  }
0x6c: {  	_ =	shalt  }
0x6d: {  	_ =	shalt  }
0x6e: {  	_ =	shalt  }
0x6f: {  	_ =	shalt  }
0x70: {  	_ =	shalt  }
0x71: {  	_ =	shalt  }
0x72: {  	_ =	shalt  }
0x73: {  	_ =	shalt  }
0x74: {  	_ =	shalt  }
0x75: {  	_ =	shalt  }
0x76: {  	_ =	shalt  }
0x77: {  	_ =	shalt  }
0x78: {  	_ =	shalt  }
0x79: {  	_ =	shalt  }
0x7a: {  	_ =	shalt  }
0x7b: {  	_ =	shalt  }
0x7c: {  	_ =	shalt  }
0x7d: {  	_ =	shalt  }
0x7e: {  	_ =	shalt  }
0x7f: {  	_ =	shalt  }
0x80: {  	_ =	shalt  }
0x81: {  	_ =	shalt  }
0x82: {  	_ =	shalt  }
0x83: {  	_ =	shalt  }
0x84: {  	_ =	shalt  }
0x85: {  	_ =	shalt  }
0x86: {  	_ =	shalt  }
0x87: {  	_ =	shalt  }
.Lfunc_end0:
.L_simem_size_0:
called_computation.2_lowered:
.L_overlay_start_0:
0x88: {  	s2 =	sld [smem:$0x3FD9]  }
0x89: {  	s3 =	sld [smem:$0x3FFE];
	_ =	sdelay $0x1  }
0x8a: {  	s1 =	srdreg.scid  }
0x8b: {  	s0 =	sand.u32 $0x1, s1  }
0x8c: {  	s17 =	sshll.u32 s0, $0xA;
	s2 =	sadd.s32 s3, s2  }
0x8d: {  	s2 =	sadd.s32 s2, s17  }
0x8e: {  	[smem:$0x3F9C] =	sst s2  }
0x8f: {  	_ = 	snop  }
0x90: {  	s18 =	sld [smem:$0x3FC7];
	(tm) =	ssettm $0x1  }
0x91: {  	s19 =	sld [smem:$0x3FFB];
	_ =	sdelay $0x3  }
0x92: {  	_ =	strace s19  }
0x93: {  	s2 =	sld [smem:$0x3FFC];
	_ =	sdelay $0x3  }
0x94: {  	_ =	strace s2  }
0x95: {  	s2 =	sld [smem:$0x3FFD];
	_ =	sdelay $0x3  }
0x96: {  	_ =	strace s2  }
0x97: {  	_ =	strace $0x8FFFFFFF  }
0x98: {  	s20 =	sld [smem:$0x3FDB];
	_ =	sdelay $0x1  }
0x99: {  	s4 =	simm.s32 $_scs_section_size  }
0x9a: {  	s5 =	simm.s32 $_size__tile_overlayer_lowered;
	s6 =	simm.s32 $_tile_overlayer_lowered  }
0x9b: {  	s7 =	simm.s32 $0x1BFF;
	s21 =	sshll.u32 s6, $0x1;
	s4 =	sadd.s32 s4, s20  }
0x9c: {  	s22 =	simm.s32 $0x0;
	s5 =	sshll.u32 s5, $0x1;
	s6 =	sadd.s32 s21, s4  }
0x9d: {  	[timem:s22], [sflag:s7] =	dma.local [hbm:s6], s5  }
0x9e: {  	_ =	swait.ge [sflag:s7], s5  }
0x9f: {  	s5 =	ssub.s32 $0x0, s5;
	[sflag:s7] =	ssyncset.done $0x0  }
0xa0: {  	[sflag:s7] =	ssyncadd.s32 s5;
	_ =	sdelay $0x1  }
0xa1: {  	s23 =	simm.s32 $0x1B8B  }
0xa2: {  	_ =	swait.ge [sflag:s23], $0x1  }
0xa3: {  	[sflag:s23] =	ssyncset.done $0x0  }
0xa4: {  	[sflag:s23] =	ssyncadd.s32 $0xFFFFFFFF  }
0xa5: {  	s5 =	sld [smem:$0x0]  }
0xa6: {  	s6 =	sand.u32 $0xFFFFFFFE, s1  }
0xa7: {  	p0 =	sne.s32 s1, s6  }
0xa8: {  	s6 =	sshll.u32 @p0 s6, $0xE  }
0xa9: {  	s6 =	sadd.s32 @p0 $0x11B8D, s6;
	s7 =	sshll.u32 @p0 s5, $0x11  }
0xaa: {  	s6 =	sor.u32 @p0 s7, s6  }
0xab: {  	[sflag:s6] =	ssyncadd.remote.s32 @p0 $0x1;
	_ =	sdelay $0x1  }
0xac: {  	s6 =	simm.s32 @p0 $0x1B8D  }
0xad: {  	_ =	swait.eq @p0 [sflag:s6], $0x1  }
0xae: {  	[sflag:s6] =	ssyncadd.s32 @p0 $0xFFFFFFFF  }
0xaf: {  	s7 =	sshll.u32 @!p0 s1, $0xE  }
0xb0: {  	s7 =	sor.u32 @!p0 $0x4000, s7;
	s6 =	simm.s32 @!p0 $0x1B8D  }
0xb1: {  	s5 =	sshll.u32 @!p0 s5, $0x11;
	s7 =	sadd.s32 @!p0 $0x11B8D, s7;
	_ =	swait.eq @!p0 [sflag:s6], $0x1  }
0xb2: {  	s5 =	sor.u32 @!p0 s5, s7;
	[sflag:s6] =	ssyncadd.s32 @!p0 $0xFFFFFFFF  }
0xb3: {  	s25 =	simm.s32 $0x1B8E;
	s24 =	sld [smem:$0x3FFE];
	[sflag:s5] =	ssyncadd.remote.s32 @!p0 $0x1  }
0xb4: {  	s26 =	simm.s32 $execute0_lowered;
	[smem:$0x3FD2] =	sst s25  }
0xb5: {  	s6 =	sshll.u32 s26, $0x1;
	_ =	strace $0x80000050;
	[dreg:$0x1] =	wrdreg $0xFFFFFFFF  }
0xb6: {  	s28 =	simm.s32 $_size_execute0_lowered;
	s4 =	sadd.s32 s4, s6;
	[dreg:$0x0] =	wrdreg $0x0  }
0xb7: {  	s6 =	sshll.u32 s28, $0x1;
	[dreg:$0x2] =	wrdreg s4  }
0xb8: {  	[dreg:$0x3] =	wrdreg s6  }
0xb9: {  	[dreg:$0x4] =	wrdreg $0xC0  }
0xba: {  	_ =	task [dreg:s22], $0x5FFFF  }
0xbb: {  	[dreg:$0x1] =	wrdreg $0xFFFFFFFF  }
0xbc: {  	[dreg:$0x0] =	wrdreg $0x60  }
0xbd: {  	[dreg:$0x2] =	wrdreg s18  }
0xbe: {  	[dreg:$0x3] =	wrdreg s24  }
0xbf: {  	[dreg:$0x4] =	wrdreg $0xA  }
0xc0: {  	_ =	task.clear_ibuf [dreg:s22], $0x5FFFF;
	_ =	strace $0x90000050  }
0xc1: {  	s29 =	simm.s32 $0xA;
	_ =	strace $0x80000059  }
0xc2: {  	_ =	swait.ge [sflag:s29], $0x1  }
0xc3: {  	[sflag:s29] =	ssyncadd.s32 $0xFFFFFFFF  }
0xc4: {  	_ =	strace $0x90000059  }
0xc5: {  	_ =	sfence  }
0xc6: {  	s30 =	sld [smem:$0x0];
	_ =	sdelay $0x2  }
0xc7: {  	s31 =	sshll.u32 s1, $0xD;
	s1 =	sshrl.u32 s1, $0x2  }
0xc8: {  	s4 =	sand.u32 $0x4000, s31;
	s1 =	sadd.s32 s1, s30  }
0xc9: {  	s0 =	sor.u32 s4, s0;
	s1 =	sshll.u32 s1, $0x11  }
0xca: {  	s0 =	sor.u32 s1, s0  }
0xcb: {  	s0 =	sadd.s32 $0x8F2B, s0  }
0xcc: {  	[sflag:s0] =	ssyncadd.remote.s32 $0x1  }
0xcd: {  	_ =	sfence.sel $0xFFFF  }
0xce: {  	[dreg:$0x0] =	wrdreg $0xFFFFFFFF;
	(pc) =	sbr.abs _section_cstart, $3  }
0xcf: {  	[dreg:$0x1] =	wrdreg $0xFFFFFFFF  }
0xd0: {  	_ =	task.clear_ibuf [dreg:s22], $0x2FFFF;
	_ =	strace $0x9FFFFFFF  }
0xd1: {  	(tm) =	ssettm $0x7FFFFFFF  }
tec
execute0_lowered:
.L_overlay_start_1:
0x0: {  	(tag) =	ssettag $0x1  }
0x1: {  	s1 =	stileid.u32  }
0x2: {  	p0 =	sgt.u32 s1, $0x7  }
.Ltmp0:
0x3: {  	_ = 	snop;
	(pc) =	sbr.rel @p0 .LBB2_4-.Ltmp0, $4  }
0x4: {  	s2 =	rddreg [dreg:$0x0]  }
0x5: {  	s9 =	rddreg [dreg:$0x1];
	s3 =	simm.s32 $0x0  }
0x6: {  	[smem:$0x7FF] =	sst s3  }
0x7: {  	s0 =	rddreg [dreg:$0x2];
	_ =	strace $0x80000051  }
0x8: {  	s10 =	smin.u32 s1, $0x8  }
0x9: {  	s4 =	sshll.u32 s10, $0x4  }
0xa: {  	s4 =	sadd.s32 s4, s9  }
0xb: {  	_ =	strace $0x80000052;
	s4 =	sadd.s32 $0x5BA00, s4  }
0xc: {  	[tilespmem:s3], [sflag:$0x1] =	stream.linear.gather [hbm4b:s4+s3], $0x80, $0x200038;
	[tilespmem:$0x8100] =	vst v63  }
0xd: {  	_ =	strace $0x90000052  }
0xe: {  	s5 =	simm.s32 $0x1;
	_ =	strace $0x80000054  }
0xf: {  	_ =	swait.ge [sflag:s5], $0x80  }
0x10: {  	[sflag:s5] =	ssyncset.done $0x0  }
0x11: {  	s6 =	simm.s32 $0x80;
	s7 =	simm.s32 $0x100;
	[sflag:s5] =	ssyncadd.s32 $0xFFFFFF80  }
0x12: {  	s8 =	simm.s32 $0x5;
	s11 =	srdreg.scid;
	_ =	strace $0x90000054  }
0x13: {  	s10 =	sshll.u32 s10, $0xB;
	s30 =	sand.u32 $0x1, s11;
	_ =	strace $0x80000055  }
0x14: {  	[tilespmem:s7], [sflag:$0x5] =	stream.indirect.gather [hbm4b:s2+s6], $0x80, s3, s6, $0x2000b8;
	[tilespmem:$0x8100] =	vst v63  }
0x15: {  	s29 =	sadd.s32 s10, s9;
	s10 =	ssub.s32 $0x2, s30;
	_ =	swait.ge [sflag:s8], $0x4000  }
0x16: {  	s31 =	sshrl.u32 s10, $0x1;
	[sflag:s8] =	ssyncset.done $0x0  }
0x17: {  	s11 =	ssub.s32 s10, s31;
	[sflag:s8] =	ssyncadd.s32 $0xFFFFC000  }
0x18: {  	s11 =	smax.u32 s11, $0x1;
	_ =	strace $0x90000055  }
0x19: {  	s9 =	sadd.s32 $0x5BC00, s29;
	p0 =	sne.s32 s11, $0x1;
	_ =	strace $0x80000056  }
0x1a: {  	[hbm4b:s9+s3] =	stream.linear.scatter [tilespmem:s7], [sflag:$0x3], $0x4000, $0x200038;
	[tilespmem:$0x8100] =	vst v63  }
.Ltmp1:
0x1b: {  	_ =	strace $0x90000056;
	(pc) =	sbr.rel @!p0 .LBB2_3-.Ltmp1, $4  }
0x1c: {  	s10 =	simm.s32 $0x3;
	_ =	strace $0x80000058  }
0x1d: {  	_ =	swait.ge [sflag:s10], $0x4000  }
0x1e: {  	[sflag:s10] =	ssyncset.done $0x0  }
0x1f: {  	s11 =	sadd.s32 $0xFFFFFFFF, s11;
	[sflag:s10] =	ssyncadd.s32 $0xFFFFC000  }
.LBB2_2:
0x20: {  	p0 =	sne.s32 s11, $0x1;
	s11 =	sadd.s32 $0xFFFFFFFF, s11;
	_ =	strace $0x90000058  }
0x21: {  	_ =	strace $0x80000052  }
0x22: {  	[tilespmem:s3], [sflag:$0x1] =	stream.linear.gather [hbm4b:s4+s3], $0x80, $0x200038;
	[tilespmem:$0x8100] =	vst v63  }
0x23: {  	_ =	strace $0x90000052  }
0x24: {  	_ =	strace $0x80000054  }
0x25: {  	_ =	swait.ge [sflag:s5], $0x80  }
0x26: {  	[sflag:s5] =	ssyncset.done $0x0  }
0x27: {  	[sflag:s5] =	ssyncadd.s32 $0xFFFFFF80  }
0x28: {  	_ =	strace $0x90000054  }
0x29: {  	_ =	strace $0x80000055  }
0x2a: {  	[tilespmem:s7], [sflag:$0x5] =	stream.indirect.gather [hbm4b:s2+s6], $0x80, s3, s6, $0x2000b8;
	[tilespmem:$0x8100] =	vst v63  }
0x2b: {  	_ =	swait.ge [sflag:s8], $0x4000  }
0x2c: {  	[sflag:s8] =	ssyncset.done $0x0  }
0x2d: {  	[sflag:s8] =	ssyncadd.s32 $0xFFFFC000  }
0x2e: {  	_ =	strace $0x90000055  }
0x2f: {  	_ =	strace $0x80000056  }
0x30: {  	[hbm4b:s9+s3] =	stream.linear.scatter [tilespmem:s7], [sflag:$0x3], $0x4000, $0x200038;
	[tilespmem:$0x8100] =	vst v63  }
.Ltmp2:
0x31: {  	_ =	strace $0x90000056;
	(pc) =	sbr.rel @p0 .LBB2_2-.Ltmp2, $4  }
0x32: {  	_ =	strace $0x80000058  }
0x33: {  	_ =	swait.ge [sflag:s10], $0x4000  }
0x34: {  	[sflag:s10] =	ssyncset.done $0x0  }
0x35: {  	[sflag:s10] =	ssyncadd.s32 $0xFFFFC000  }
.LBB2_3:
0x36: {  	_ =	strace $0x90000058  }
.LBB2_4:
0x37: {  	_ =	sfence.sel $0x180000  }
0x38: {  	[bflag:$0x0] =	sbarrier.arrive $0xFFFF  }
0x39: {  	p0 =	sne.s32 s1, $0x0;
	_ =	strace $0x90000051  }
0x3a: {  	s0 =	sadd.s32 @!p0 $0x100000, s0;
	[bflag:$0x2] =	sbarrier.arrive $0xFFFF  }
0x3b: {  	[sflag:s0] =	ssyncadd.tile.s32 @!p0 $0x1;
	_ =	shalt  }
.Lfunc_end2:
_tile_overlayer_lowered:
.L_overlay_start_2:
0x3c: {  	(tag) =	ssettag $0x2  }
0x3d: {  	s0 =	rddreg [dreg:$0x0];
	s2 =	stileid.u32  }
0x3e: {  	s1 =	rddreg [dreg:$0x1];
	p0 =	sne.s32 s2, $0x0  }
0x3f: {  	s3 =	rddreg [dreg:$0x2];
	[bflag:$0x3] =	sbarrier.arrive $0xFFFF;
	s2 =	simm.s32 @!p0 $0x1C01  }
0x40: {  	[timem:s3], [sflag:s2] =	dma.local @!p0 [hbm:s0], s1  }
0x41: {  	s0 =	simm.s32 @!p0 $0x1  }
0x42: {  	_ =	swait.ge @!p0 [sflag:s0], s1  }
0x43: {  	s1 =	ssub.s32 @!p0 $0x0, s1;
	[sflag:s0] =	ssyncset.done @!p0 $0x0  }
0x44: {  	[sflag:s0] =	ssyncadd.s32 @!p0 s1  }
0x45: {  	[bflag:$0x3] =	sbarrier.arrive $0xFFFF  }
0x46: {  	_ =	shalt  }

// kernel: kernel.18.cloned.1.call-start
scs
__scs_entry_jumppad:
0x0: {  	(pc) =	sbr.rel $0x88, $3  }
0x1: {  	(tag) =	ssettag $0x0;
	lr =	simm.s32 $0x1  }
0x2: {  	[smem:$0x3F75] =	sst lr;
	_ =	strace $0xD0000000  }
0x3: {  	_ = 	snop  }
0x4: {  	_ = 	snop  }
0x5: {  	_ = 	snop  }
0x6: {  	_ = 	snop  }
0x7: {  	_ = 	snop  }
__scs_overlays_trampoline_lowered:
0x8: {  	[smem:$0x3F84] =	sst s0  }
0x9: {  	[smem:$0x3F85] =	sst s1  }
0xa: {  	[smem:$0x3F86] =	sst s2  }
0xb: {  	[smem:$0x3F87] =	sst s3  }
0xc: {  	[smem:$0x3F88] =	sst s4  }
0xd: {  	[smem:$0x3F89] =	sst s5  }
0xe: {  	[smem:$0x3F8A] =	sst s6  }
0xf: {  	[smem:$0x3F8B] =	sst s7  }
0x10: {  	[smem:$0x3F8C] =	sst s8  }
0x11: {  	[smem:$0x3F8D] =	sst s9;
	s0 =	simm.s32 @!p0 $0x0  }
0x12: {  	s1 =	sld [smem:$0x3F73];
	s0 =	simm.s32 @p0 $0x1  }
0x13: {  	[smem:$0x3F8E] =	sst s0;
	s0 =	simm.s32 @!p1 $0x0  }
0x14: {  	s2 =	sld [smem:$0x3F72];
	s0 =	simm.s32 @p1 $0x1  }
0x15: {  	[smem:$0x3F8F] =	sst s0;
	s0 =	simm.s32 @!p2 $0x0  }
0x16: {  	s3 =	sld [smem:$0x3FDB];
	s0 =	simm.s32 @p2 $0x1  }
0x17: {  	s4 =	simm.s32 $0x1BF5;
	[smem:$0x3F91] =	sst s0  }
0x18: {  	s0 =	sld [smem:$0x3F74];
	_ =	swait.ge [sflag:s4], $0x0  }
0x19: {  	s7 =	sld [smem:$0x3F75]  }
0x1a: {  	s8 =	sadd.s32 $0xFFFFE003, lr  }
0x1b: {  	s9 =	sadd.s32 $0xFFFFFEF7, lr;
	s5 =	simm.s32 $0xFFFFFFFF;
	p2 =	slt.u32 s8, $0xFFFFF086  }
0x1c: {  	p1 =	slt.u32 s9, $0xF7A;
	s5 =	simm.s32 @!p2 $0x0  }
0x1d: {  	s5 =	simm.s32 @p1 $0x1;
	p0 =	seq.s32 s7, s2  }
0x1e: {  	s7 =	smul.u32 @!p0 $0xF7A, s2;
	p2 =	seq.s32 @!p0 s5, $0x0  }
0x1f: {  	s9 =	smul.u32 $0xF7A, s1;
	s8 =	simm.s32 @!p0 $0x1BF5;
	p2 =	por !p2, p0  }
0x20: {  	[sflag:s8] =	ssyncset.s32 @!p0 $0xFFFFF086;
	s6 =	sadd.s32 @!p0 s3, s7;
	s7 =	simm.s32 @!p0 $0x108  }
0x21: {  	s3 =	sadd.s32 s3, s9;
	s6 =	sadd.s32 @!p0 $0x88, s6;
	s7 =	simm.s32 @p2 $0x1082  }
0x22: {  	[simem:s7], [sflag:s8] =	dma.local @!p0 [hbm:s6], $0xF7A  }
0x23: {  	s9 =	sor.u32 $0xD0000000, s2;
	s6 =	simm.s32 $0x108;
	_ =	swait.ge @!p0 [sflag:s8], $0x0  }
0x24: {  	s3 =	sadd.s32 $0x88, s3;
	s6 =	simm.s32 @!p1 $0x1082;
	[sflag:s4] =	ssyncset.s32 $0xFFFFF086  }
0x25: {  	[simem:s6], [sflag:s4] =	dma.local [hbm:s3], $0xF7A  }
0x26: {  	[smem:$0x3F75] =	sst s1;
	(tag) =	ssettag s2;
	_ =	strace s9  }
0x27: {  	s1 =	sld [smem:$0x3F85]  }
0x28: {  	s2 =	sld [smem:$0x3F86]  }
0x29: {  	s4 =	sld [smem:$0x3F88]  }
0x2a: {  	p0 =	seq.s32 s5, $0x0;
	s5 =	sld [smem:$0x3F89]  }
0x2b: {  	s6 =	sld [smem:$0x3F8A]  }
0x2c: {  	s7 =	sld [smem:$0x3F8B]  }
0x2d: {  	s3 =	simm.s32 $0x108;
	s8 =	sld [smem:$0x3F8C]  }
0x2e: {  	s3 =	simm.s32 @!p0 $0x1082;
	s9 =	sld [smem:$0x3F8D]  }
0x2f: {  	lr =	sadd.s32 s0, s3;
	s0 =	sld [smem:$0x3F84]  }
0x30: {  	s3 =	sld [smem:$0x3F87]  }
0x31: {  	[smem:$0x3F90] =	sst s10  }
0x32: {  	s10 =	sld [smem:$0x3F8E];
	_ =	sdelay $0x3  }
0x33: {  	p0 =	seq.s32 s10, $0x1;
	s10 =	sld [smem:$0x3F90];
	_ =	sdelay $0x3  }
0x34: {  	[smem:$0x3F90] =	sst s10  }
0x35: {  	s10 =	sld [smem:$0x3F8F];
	_ =	sdelay $0x3  }
0x36: {  	p1 =	seq.s32 s10, $0x1;
	s10 =	sld [smem:$0x3F90];
	_ =	sdelay $0x3  }
0x37: {  	[smem:$0x3F90] =	sst s10  }
0x38: {  	s10 =	sld [smem:$0x3F91]  }
0x39: {  	_ = 	snop;
	(pc) =	sbr.ind lr, $3  }
0x3a: {  	_ = 	snop  }
0x3b: {  	_ = 	snop  }
0x3c: {  	p2 =	seq.s32 s10, $0x1;
	s10 =	sld [smem:$0x3F90]  }
0x3d: {  	_ =	shalt  }
0x3e: {  	_ =	shalt  }
0x3f: {  	_ =	shalt  }
0x40: {  	_ =	shalt  }
0x41: {  	_ =	shalt  }
0x42: {  	_ =	shalt  }
0x43: {  	_ =	shalt  }
0x44: {  	_ =	shalt  }
0x45: {  	_ =	shalt  }
0x46: {  	_ =	shalt  }
0x47: {  	_ =	shalt  }
0x48: {  	_ =	shalt  }
0x49: {  	_ =	shalt  }
0x4a: {  	_ =	shalt  }
0x4b: {  	_ =	shalt  }
0x4c: {  	_ =	shalt  }
0x4d: {  	_ =	shalt  }
0x4e: {  	_ =	shalt  }
0x4f: {  	_ =	shalt  }
0x50: {  	_ =	shalt  }
0x51: {  	_ =	shalt  }
0x52: {  	_ =	shalt  }
0x53: {  	_ =	shalt  }
0x54: {  	_ =	shalt  }
0x55: {  	_ =	shalt  }
0x56: {  	_ =	shalt  }
0x57: {  	_ =	shalt  }
0x58: {  	_ =	shalt  }
0x59: {  	_ =	shalt  }
0x5a: {  	_ =	shalt  }
0x5b: {  	_ =	shalt  }
0x5c: {  	_ =	shalt  }
0x5d: {  	_ =	shalt  }
0x5e: {  	_ =	shalt  }
0x5f: {  	_ =	shalt  }
0x60: {  	_ =	shalt  }
0x61: {  	_ =	shalt  }
0x62: {  	_ =	shalt  }
0x63: {  	_ =	shalt  }
0x64: {  	_ =	shalt  }
0x65: {  	_ =	shalt  }
0x66: {  	_ =	shalt  }
0x67: {  	_ =	shalt  }
0x68: {  	_ =	shalt  }
0x69: {  	_ =	shalt  }
0x6a: {  	_ =	shalt  }
0x6b: {  	_ =	shalt  }
0x6c: {  	_ =	shalt  }
0x6d: {  	_ =	shalt  }
0x6e: {  	_ =	shalt  }
0x6f: {  	_ =	shalt  }
0x70: {  	_ =	shalt  }
0x71: {  	_ =	shalt  }
0x72: {  	_ =	shalt  }
0x73: {  	_ =	shalt  }
0x74: {  	_ =	shalt  }
0x75: {  	_ =	shalt  }
0x76: {  	_ =	shalt  }
0x77: {  	_ =	shalt  }
0x78: {  	_ =	shalt  }
0x79: {  	_ =	shalt  }
0x7a: {  	_ =	shalt  }
0x7b: {  	_ =	shalt  }
0x7c: {  	_ =	shalt  }
0x7d: {  	_ =	shalt  }
0x7e: {  	_ =	shalt  }
0x7f: {  	_ =	shalt  }
0x80: {  	_ =	shalt  }
0x81: {  	_ =	shalt  }
0x82: {  	_ =	shalt  }
0x83: {  	_ =	shalt  }
0x84: {  	_ =	shalt  }
0x85: {  	_ =	shalt  }
0x86: {  	_ =	shalt  }
0x87: {  	_ =	shalt  }
.Lfunc_end0:
.L_simem_size_0:
called_computation.3_lowered:
.L_overlay_start_0:
0x88: {  	s2 =	sld [smem:$0x3FD9]  }
0x89: {  	s3 =	sld [smem:$0x3FFE];
	_ =	sdelay $0x1  }
0x8a: {  	s1 =	srdreg.scid  }
0x8b: {  	s0 =	sand.u32 $0x1, s1  }
0x8c: {  	s17 =	sshll.u32 s0, $0xA;
	s2 =	sadd.s32 s3, s2  }
0x8d: {  	s2 =	sadd.s32 s2, s17  }
0x8e: {  	[smem:$0x3F9C] =	sst s2  }
0x8f: {  	_ = 	snop  }
0x90: {  	s2 =	sld [smem:$0x3FC8]  }
0x91: {  	s18 =	sld [smem:$0x3FA3];
	(tm) =	ssettm $0x1  }
0x92: {  	s4 =	sld [smem:$0x3FFB];
	_ =	sdelay $0x3  }
0x93: {  	_ =	strace s4  }
0x94: {  	s4 =	sld [smem:$0x3FFC];
	_ =	sdelay $0x3  }
0x95: {  	_ =	strace s4  }
0x96: {  	s4 =	sld [smem:$0x3FFD];
	_ =	sdelay $0x3  }
0x97: {  	_ =	strace s4  }
0x98: {  	_ =	strace $0x8FFFFFFF  }
0x99: {  	s19 =	sld [smem:$0x3FDB];
	_ =	sdelay $0x1  }
0x9a: {  	s5 =	simm.s32 $_scs_section_size  }
0x9b: {  	s6 =	simm.s32 $_size__tile_overlayer_lowered;
	s7 =	simm.s32 $_tile_overlayer_lowered  }
0x9c: {  	s22 =	simm.s32 $0x1BFF;
	s21 =	sshll.u32 s7, $0x1;
	s4 =	sadd.s32 s5, s19  }
0x9d: {  	s8 =	simm.s32 $0x0;
	s20 =	sshll.u32 s6, $0x1;
	s6 =	sadd.s32 s21, s4  }
0x9e: {  	[timem:s8], [sflag:s22] =	dma.local [hbm:s6], s20  }
0x9f: {  	_ =	swait.ge [sflag:s22], s20  }
0xa0: {  	s5 =	ssub.s32 $0x0, s20;
	[sflag:s22] =	ssyncset.done $0x0  }
0xa1: {  	[sflag:s22] =	ssyncadd.s32 s5;
	_ =	sdelay $0x1  }
0xa2: {  	s23 =	simm.s32 $0x1B8B  }
0xa3: {  	_ =	swait.ge [sflag:s23], $0x1  }
0xa4: {  	[sflag:s23] =	ssyncset.done $0x0  }
0xa5: {  	s25 =	simm.s32 $0x1B8E;
	s24 =	sld [smem:$0x3FFE];
	[sflag:s23] =	ssyncadd.s32 $0xFFFFFFFF  }
0xa6: {  	s26 =	simm.s32 $execute0_lowered;
	[smem:$0x3FD2] =	sst s25  }
0xa7: {  	s6 =	sshll.u32 s26, $0x1;
	_ =	strace $0x80000046;
	[dreg:$0x1] =	wrdreg $0xFFFFFFFF  }
0xa8: {  	s28 =	simm.s32 $_size_execute0_lowered;
	s4 =	sadd.s32 s4, s6;
	[dreg:$0x0] =	wrdreg $0x0  }
0xa9: {  	s6 =	sshll.u32 s28, $0x1;
	[dreg:$0x2] =	wrdreg s4  }
0xaa: {  	[dreg:$0x3] =	wrdreg s6  }
0xab: {  	[dreg:$0x4] =	wrdreg $0xC0  }
0xac: {  	_ =	task [dreg:s8], $0x5FFFF  }
0xad: {  	[dreg:$0x1] =	wrdreg $0xFFFFFFFF  }
0xae: {  	[dreg:$0x0] =	wrdreg $0x60  }
0xaf: {  	[dreg:$0x2] =	wrdreg s2  }
0xb0: {  	[dreg:$0x3] =	wrdreg s18  }
0xb1: {  	[dreg:$0x4] =	wrdreg s24  }
0xb2: {  	[dreg:$0x5] =	wrdreg $0xB  }
0xb3: {  	_ =	task.clear_ibuf [dreg:s8], $0x6FFFF;
	_ =	strace $0x90000046  }
0xb4: {  	s29 =	simm.s32 $0xB;
	_ =	strace $0x8000004F  }
0xb5: {  	_ =	swait.ge [sflag:s29], $0x1  }
0xb6: {  	[sflag:s29] =	ssyncadd.s32 $0xFFFFFFFF  }
0xb7: {  	_ =	strace $0x9000004F  }
0xb8: {  	_ =	sfence  }
0xb9: {  	s30 =	sld [smem:$0x0];
	_ =	sdelay $0x2  }
0xba: {  	s31 =	sshll.u32 s1, $0xD;
	s1 =	sshrl.u32 s1, $0x2  }
0xbb: {  	s3 =	sand.u32 $0x4000, s31;
	s1 =	sadd.s32 s1, s30  }
0xbc: {  	s0 =	sor.u32 s3, s0;
	s1 =	sshll.u32 s1, $0x11  }
0xbd: {  	s0 =	sor.u32 s1, s0  }
0xbe: {  	s0 =	sadd.s32 $0x8F2B, s0  }
0xbf: {  	[sflag:s0] =	ssyncadd.remote.s32 $0x1  }
0xc0: {  	_ =	sfence.sel $0xFFFF  }
0xc1: {  	[dreg:$0x0] =	wrdreg $0xFFFFFFFF;
	(pc) =	sbr.abs _section_cstart, $3  }
0xc2: {  	[dreg:$0x1] =	wrdreg $0xFFFFFFFF  }
0xc3: {  	_ =	task.clear_ibuf [dreg:s8], $0x2FFFF;
	_ =	strace $0x9FFFFFFF  }
0xc4: {  	(tm) =	ssettm $0x7FFFFFFF  }
0xc5: {  	_ =	shalt  }
tec
execute0_lowered:
.L_overlay_start_1:
0x0: {  	(tag) =	ssettag $0x1  }
0x1: {  	s0 =	rddreg [dreg:$0x0]  }
0x2: {  	s1 =	rddreg [dreg:$0x1]  }
0x3: {  	s4 =	rddreg [dreg:$0x2]  }
0x4: {  	s2 =	simm.s32 $0x0;
	[dreg:$0x4] =	wrdreg s0  }
0x5: {  	s3 =	srdreg.scid;
	s8 =	simm.s32 $0x80;
	s0 =	rddreg [dreg:$0x3]  }
0x6: {  	s9 =	simm.s32 $0x4;
	s10 =	simm.s32 $0x0;
	[smem:$0x7FF] =	sst s2  }
0x7: {  	s5 =	sand.u32 $0x1, s3;
	s3 =	stileid.u32;
	s4 =	sadd.s32 $0xBA00, s4  }
0x8: {  	_ =	strace $0x80000047;
	s5 =	ssub.s32 $0x2, s5;
	s7 =	smul.u32 $0xA0, s3  }
0x9: {  	[dreg:$0x6] =	wrdreg s4;
	s4 =	smul.u32 $0xA, s3;
	s6 =	sshrl.u32 s5, $0x1  }
0xa: {  	[dreg:$0x5] =	wrdreg s8;
	s8 =	simm.s32 $0x5;
	s6 =	ssub.s32 s5, s6  }
0xb: {  	s5 =	sadd.s32 s1, s7;
	s7 =	simm.s32 $0x1;
	s6 =	smax.u32 s6, $0x1  }
.LBB2_1:
0xc: {  	_ =	strace $0x80000048;
	s11 =	simm.s32 $0x1;
	p0 =	por $0x0, $0x0  }
0xd: {  	[tilespmem:s2], [sflag:$0x1] =	stream.linear.gather [hbm4b:s5+s2], $0x80, $0x200038;
	[tilespmem:$0x8100] =	vst v63  }
0xe: {  	s11 =	simm.s32 @p0 $0x0  }
0xf: {  	p4 =	por $0x1, $0x1;
	s20 =	sand.u32 $0x1, s2;
	p1 =	sne.s32 s11, $0x0  }
0x10: {  	p2 =	por $0x1, $0x1;
	s18 =	simm.s32 $0x8;
	p0 =	por !p4, !p1  }
0x11: {  	s16 =	simm.s32 $0x0;
	p5 =	por $0x0, $0x0;
	p0 =	por !p0, !p0  }
0x12: {  	s23 =	sadd.s32 $0x0, s4;
	s30 =	sadd.s32 $0x1, s20;
	s12 =	sadd.s32 @p0 s4, s11  }
0x13: {  	_ =	strace $0x90000048;
	s13 =	sand.u32 @p0 $0x1, s7;
	s12 =	sshll.u32 @p0 s12, $0x4  }
0x14: {  	_ =	strace @p0 $0x80000049;
	s15 =	simm.s32 @p0 $0x0;
	s12 =	sand.u32 @p0 $0x1FFFFFF0, s12  }
0x15: {  	s14 =	sshll.u32 @p0 s13, $0x7;
	s13 =	sadd.s32 @p0 $0x1, s13;
	s12 =	sadd.s32 @p0 s1, s12  }
0x16: {  	[tilespmem:s14], [sflag:s13] =	stream.linear.gather @p0 [hbm4b:s12+s15], $0x80, $0x200038;
	[tilespmem:$0x8100] =	vst v63  }
0x17: {  	p3 =	por p2, p2;
	s21 =	sshll.u32 s20, $0xE;
	_ =	strace @p0 $0x90000049  }
0x18: {  	s16 =	sand.u32 $0x80, s16;
	p2 =	por p5, p5;
	_ =	strace $0x8000004A  }
0x19: {  	s17 =	sadd.s32 $0x1, s11;
	s22 =	sor.u32 $0x100, s21;
	_ =	swait.ge [sflag:s30], $0x80  }
0x1a: {  	s21 =	simm.s32 $0x1;
	p6 =	por p1, p1;
	[sflag:s30] =	ssyncset.done $0x0  }
0x1b: {  	p1 =	por p3, p3;
	p4 =	por $0x1, $0x1;
	[sflag:s30] =	ssyncadd.s32 $0xFFFFFF80  }
0x1c: {  	s12 =	simm.s32 $0x9;
	s15 =	sand.u32 @!p3 $0x1, s2;
	_ =	strace $0x9000004A  }
0x1d: {  	s13 =	simm.s32 $0x1;
	p3 =	seq.s32 s17, $0xA;
	_ =	strace $0x8000004B  }
0x1e: {  	s13 =	simm.s32 @!p0 $0x0;
	s17 =	simm.s32 @p3 $0x0;
	s19 =	rddreg [dreg:$0x5]  }
0x1f: {  	p0 =	por $0x0, $0x0;
	s14 =	sadd.s32 $0x1, s13;
	s31 =	rddreg [dreg:$0x4]  }
0x20: {  	[tilespmem:s22], [sflag:$0x5] =	stream.indirect.gather [hbm4b:s31+s19], $0x80, s16, s19, $0x2000b8;
	[tilespmem:$0x8100] =	vst v63  }
0x21: {  	p3 =	sne.s32 s11, s17;
	s21 =	simm.s32 @!p0 $0x0;
	_ =	swait.ge [sflag:s8], $0x4000  }
0x22: {  	p5 =	por !p4, !p3;
	p4 =	por $0x0, $0x0;
	[sflag:s8] =	ssyncset.done $0x0  }
0x23: {  	s13 =	simm.s32 $0x0;
	p6 =	por p4, p6;
	[sflag:s8] =	ssyncadd.s32 $0xFFFFC000  }
0x24: {  	s16 =	simm.s32 $0x0;
	s19 =	simm.s32 $0x0;
	_ =	strace $0x9000004B  }
.LBB2_2:
0x25: {  	_ =	strace @p6 $0x8000004C;
	s13 =	sadd.s32 s21, s13;
	s21 =	smov.u32 s12  }
0x26: {  	s12 =	smov.u32 s18;
	s18 =	sadd.s32 $0xFFFFFFFF, s18;
	p0 =	por p3, p3  }
0x27: {  	s28 =	sshll.u32 @p6 s23, $0xB;
	s20 =	sadd.s32 @p6 $0x3, s20;
	s24 =	simm.s32 @!p0 $0x0  }
0x28: {  	s25 =	rddreg [dreg:$0x6];
	s28 =	sand.u32 @p6 $0x1FFFF800, s28;
	s24 =	simm.s32 @p0 $0x1  }
0x29: {  	s25 =	sadd.s32 @p6 s25, s28;
	s28 =	simm.s32 @p6 $0x0;
	p0 =	sne.s32 s18, $0x0  }
0x2a: {  	[hbm4b:s25+s28] =	stream.linear.scatter @p6 [tilespmem:s22], [sflag:s20], $0x4000, $0x200038;
	[tilespmem:$0x8100] =	vst v63  }
0x2b: {  	s20 =	sadd.s32 @!p1 $0x3, s15;
	s15 =	simm.s32 @!p0 $0x0  }
0x2c: {  	s26 =	simm.s32 $0x1;
	[smem:$0x7FC] =	sst s24;
	s15 =	simm.s32 @p0 $0x1  }
0x2d: {  	s26 =	simm.s32 @!p6 $0x0;
	_ =	strace @p6 $0x9000004C;
	[smem:$0x7FD] =	sst s15  }
0x2e: {  	p5 =	por !p5, !p5;
	s19 =	sadd.s32 s26, s19;
	_ =	strace @!p1 $0x8000004D  }
0x2f: {  	s24 =	sand.u32 @!p2 $0x1, s13;
	s22 =	sand.u32 @p5 $0x1, s14;
	_ =	swait.ge @!p1 [sflag:s20], $0x4000  }
0x30: {  	s15 =	smov.u32 s24;
	s24 =	sadd.s32 @p5 s4, s17;
	[sflag:s20] =	ssyncset.done @!p1 $0x0  }
0x31: {  	s25 =	sshll.u32 @p5 s22, $0x7;
	s24 =	sshll.u32 @p5 s24, $0x4;
	[sflag:s20] =	ssyncadd.s32 @!p1 $0xFFFFC000  }
0x32: {  	s20 =	sadd.s32 @p5 $0x1, s22;
	s22 =	sand.u32 @p5 $0x1FFFFFF0, s24;
	_ =	strace @!p1 $0x9000004D  }
0x33: {  	s24 =	simm.s32 @p5 $0x0;
	s22 =	sadd.s32 @p5 s1, s22;
	_ =	strace @p5 $0x80000049  }
0x34: {  	[tilespmem:s25], [sflag:s20] =	stream.linear.gather @p5 [hbm4b:s22+s24], $0x80, $0x200038;
	[tilespmem:$0x8100] =	vst v63  }
0x35: {  	s16 =	sadd.s32 s26, s16;
	s26 =	sand.u32 $0x1, s19;
	_ =	strace @p5 $0x90000049  }
0x36: {  	s24 =	sadd.s32 $0x1, s26;
	_ =	strace $0x8000004A  }
0x37: {  	_ =	swait.ge [sflag:s24], $0x80  }
0x38: {  	[sflag:s24] =	ssyncset.done $0x0  }
0x39: {  	s20 =	simm.s32 $0x1;
	[sflag:s24] =	ssyncadd.s32 $0xFFFFFF80  }
0x3a: {  	s20 =	simm.s32 @!p5 $0x0;
	_ =	strace $0x9000004A  }
0x3b: {  	s14 =	sadd.s32 s20, s14;
	s20 =	sand.u32 $0x1, s16;
	_ =	strace $0x8000004B  }
0x3c: {  	s29 =	sshll.u32 s19, $0x7;
	s25 =	sshll.u32 s20, $0xE;
	s26 =	rddreg [dreg:$0x5]  }
0x3d: {  	s29 =	sand.u32 $0x80, s29;
	s22 =	sor.u32 $0x100, s25;
	s30 =	rddreg [dreg:$0x4]  }
0x3e: {  	[tilespmem:s22], [sflag:$0x5] =	stream.indirect.gather [hbm4b:s30+s26], $0x80, s29, s26, $0x2000b8;
	[tilespmem:$0x8100] =	vst v63  }
0x3f: {  	_ =	swait.ge [sflag:s8], $0x4000  }
0x40: {  	s31 =	sadd.s32 $0x1, s17;
	[sflag:s8] =	ssyncset.done $0x0  }
0x41: {  	s23 =	sadd.s32 s4, s11;
	s11 =	smov.u32 s17;
	[sflag:s8] =	ssyncadd.s32 $0xFFFFC000  }
0x42: {  	p3 =	seq.s32 s31, $0xA;
	s17 =	smov.u32 s31;
	_ =	strace $0x9000004B  }
0x43: {  	s17 =	simm.s32 @p3 $0x0;
	s31 =	sld [smem:$0x7FD]  }
0x44: {  	p6 =	sne.s32 s12, $0x1;
	p0 =	sne.s32 s21, $0xA;
	p3 =	sne.s32 s11, s17  }
0x45: {  	p5 =	por !p6, !p3;
	p6 =	seq.s32 s21, $0x1;
	s21 =	simm.s32 $0x1  }
0x46: {  	s21 =	simm.s32 @!p0 $0x0;
	p0 =	seq.s32 s31, $0x1  }
.Ltmp0:
0x47: {  	s30 =	sld [smem:$0x7FC];
	(pc) =	sbr.rel @p0 .LBB2_2-.Ltmp0, $4  }
0x48: {  	_ = 	snop  }
0x49: {  	p4 =	seq.s32 s12, $0xA  }
0x4a: {  	p1 =	por p2, p2;
	p2 =	por p4, p4;
	p4 =	seq.s32 s30, $0x1  }
0x4b: {  	p6 =	por p6, p4  }
0x4c: {  	_ =	strace @p6 $0x8000004C;
	s23 =	sshll.u32 @p6 s23, $0xB  }
0x4d: {  	s18 =	rddreg [dreg:$0x6];
	s23 =	sand.u32 @p6 $0x1FFFF800, s23  }
0x4e: {  	s20 =	sadd.s32 @p6 $0x3, s20;
	s18 =	sadd.s32 @p6 s18, s23;
	s23 =	simm.s32 @p6 $0x0  }
0x4f: {  	[hbm4b:s18+s23] =	stream.linear.scatter @p6 [tilespmem:s22], [sflag:s20], $0x4000, $0x200038;
	[tilespmem:$0x8100] =	vst v63  }
0x50: {  	p0 =	por !p5, !p5;
	_ =	strace @p6 $0x9000004C  }
0x51: {  	s15 =	sadd.s32 @!p1 $0x3, s15;
	s17 =	sadd.s32 @p0 s4, s17;
	_ =	strace @!p1 $0x8000004D  }
0x52: {  	s14 =	sand.u32 @p0 $0x1, s14;
	s17 =	sshll.u32 @p0 s17, $0x4;
	_ =	swait.ge @!p1 [sflag:s15], $0x4000  }
0x53: {  	s18 =	simm.s32 $0x1;
	s20 =	sshll.u32 @p0 s14, $0x7;
	[sflag:s15] =	ssyncset.done @!p1 $0x0  }
0x54: {  	s14 =	sadd.s32 @p0 $0x1, s14;
	s18 =	simm.s32 @!p6 $0x0;
	[sflag:s15] =	ssyncadd.s32 @!p1 $0xFFFFC000  }
0x55: {  	s19 =	sadd.s32 s18, s19;
	s15 =	sand.u32 @p0 $0x1FFFFFF0, s17;
	_ =	strace @!p1 $0x9000004D  }
0x56: {  	s17 =	simm.s32 @p0 $0x0;
	s15 =	sadd.s32 @p0 s1, s15;
	_ =	strace @p0 $0x80000049  }
0x57: {  	[tilespmem:s20], [sflag:s14] =	stream.linear.gather @p0 [hbm4b:s15+s17], $0x80, $0x200038;
	[tilespmem:$0x8100] =	vst v63  }
0x58: {  	s25 =	sand.u32 $0x1, s19;
	_ =	strace @p0 $0x90000049  }
0x59: {  	s14 =	sadd.s32 $0x1, s25;
	_ =	strace $0x8000004A  }
0x5a: {  	_ =	swait.ge [sflag:s14], $0x80  }
0x5b: {  	[sflag:s14] =	ssyncset.done $0x0  }
0x5c: {  	[sflag:s14] =	ssyncadd.s32 $0xFFFFFF80  }
0x5d: {  	s26 =	sadd.s32 s18, s16;
	_ =	strace $0x9000004A  }
0x5e: {  	s14 =	sand.u32 $0x1, s26;
	_ =	strace $0x8000004B  }
0x5f: {  	s30 =	sshll.u32 s19, $0x7;
	s31 =	sshll.u32 s14, $0xE;
	s28 =	rddreg [dreg:$0x5]  }
0x60: {  	s17 =	sand.u32 $0x80, s30;
	s18 =	sor.u32 $0x100, s31;
	s29 =	rddreg [dreg:$0x4]  }
0x61: {  	[tilespmem:s18], [sflag:$0x5] =	stream.indirect.gather [hbm4b:s29+s28], $0x80, s17, s28, $0x2000b8;
	[tilespmem:$0x8100] =	vst v63  }
0x62: {  	_ =	swait.ge [sflag:s8], $0x4000  }
0x63: {  	[sflag:s8] =	ssyncset.done $0x0  }
0x64: {  	p5 =	por p3, p3;
	p6 =	seq.s32 s12, $0x1;
	[sflag:s8] =	ssyncadd.s32 $0xFFFFC000  }
0x65: {  	s11 =	sadd.s32 s4, s11;
	p0 =	por p6, p5;
	_ =	strace $0x9000004B  }
0x66: {  	s11 =	sshll.u32 @p0 s11, $0xB;
	_ =	strace @p0 $0x8000004C  }
0x67: {  	s13 =	sadd.s32 s21, s13;
	s11 =	sand.u32 @p0 $0x1FFFF800, s11;
	s12 =	rddreg [dreg:$0x6]  }
0x68: {  	s14 =	sadd.s32 @p0 $0x3, s14;
	s11 =	sadd.s32 @p0 s12, s11;
	s12 =	simm.s32 @p0 $0x0  }
0x69: {  	[hbm4b:s11+s12] =	stream.linear.scatter @p0 [tilespmem:s18], [sflag:s14], $0x4000, $0x200038;
	[tilespmem:$0x8100] =	vst v63  }
0x6a: {  	p1 =	por p2, p2;
	s11 =	sand.u32 @!p2 $0x1, s13;
	_ =	strace @p0 $0x9000004C  }
0x6b: {  	s11 =	sadd.s32 @!p1 $0x3, s11;
	_ =	strace @!p1 $0x8000004D  }
0x6c: {  	_ =	swait.ge @!p1 [sflag:s11], $0x4000  }
0x6d: {  	[sflag:s11] =	ssyncset.done @!p1 $0x0  }
0x6e: {  	s10 =	sadd.s32 $0x1, s10;
	[sflag:s11] =	ssyncadd.s32 @!p1 $0xFFFFC000  }
0x6f: {  	p0 =	sne.s32 s10, s6;
	_ =	strace @!p1 $0x9000004D  }
.Ltmp1:
0x70: {  	_ =	strace $0x8000004E;
	(pc) =	sbr.rel @p0 .LBB2_1-.Ltmp1, $4  }
0x71: {  	_ =	swait.ge [sflag:s9], $0x4000  }
0x72: {  	[sflag:s9] =	ssyncset.done $0x0  }
0x73: {  	[sflag:s9] =	ssyncadd.s32 $0xFFFFC000  }
0x74: {  	_ =	strace $0x9000004E  }
0x75: {  	_ =	sfence.sel $0x180000  }
0x76: {  	[bflag:$0x0] =	sbarrier.arrive $0xFFFF  }
0x77: {  	p0 =	sne.s32 s3, $0x0;
	_ =	strace $0x90000047  }
0x78: {  	s0 =	sadd.s32 @!p0 $0x100000, s0;
	[bflag:$0x2] =	sbarrier.arrive $0xFFFF  }
0x79: {  	[sflag:s0] =	ssyncadd.tile.s32 @!p0 $0x1;
	_ =	shalt  }
.Lfunc_end2:
_tile_overlayer_lowered:
.L_overlay_start_2:
0x7a: {  	(tag) =	ssettag $0x2  }
0x7b: {  	s0 =	rddreg [dreg:$0x0];
	s2 =	stileid.u32  }
0x7c: {  	s1 =	rddreg [dreg:$0x1];
	p0 =	sne.s32 s2, $0x0  }
0x7d: {  	s3 =	rddreg [dreg:$0x2];
	[bflag:$0x3] =	sbarrier.arrive $0xFFFF;
	s2 =	simm.s32 @!p0 $0x1C01  }
0x7e: {  	[timem:s3], [sflag:s2] =	dma.local @!p0 [hbm:s0], s1  }
0x7f: {  	s0 =	simm.s32 @!p0 $0x1  }
0x80: {  	_ =	swait.ge @!p0 [sflag:s0], s1  }
0x81: {  	s1 =	ssub.s32 @!p0 $0x0, s1;
	[sflag:s0] =	ssyncset.done @!p0 $0x0  }
0x82: {  	[sflag:s0] =	ssyncadd.s32 @!p0 s1  }
0x83: {  	[bflag:$0x3] =	sbarrier.arrive $0xFFFF  }
0x84: {  	_ =	shalt  }

// kernel: sparse-core-data-format-call.cloned.1.call-start
scs
called_computation_lowered:
.L_overlay_start_0:
0x0: {  	s2 =	sld [smem:$0x3FD9]  }
0x1: {  	s3 =	sld [smem:$0x3FFE];
	_ =	sdelay $0x1  }
0x2: {  	s1 =	srdreg.scid  }
0x3: {  	s0 =	sand.u32 $0x1, s1  }
0x4: {  	s18 =	sshll.u32 s0, $0xA;
	s2 =	sadd.s32 s3, s2  }
0x5: {  	s2 =	sadd.s32 s2, s18  }
0x6: {  	[smem:$0x3F9C] =	sst s2  }
0x7: {  	_ = 	snop  }
0x8: {  	s2 =	sld [smem:$0x3FD0];
	(tm) =	ssettm $0x1  }
0x9: {  	s19 =	sld [smem:$0x3FFB];
	_ =	sdelay $0x3  }
0xa: {  	_ =	strace s19  }
0xb: {  	s3 =	sld [smem:$0x3FFC];
	_ =	sdelay $0x3  }
0xc: {  	_ =	strace s3  }
0xd: {  	s3 =	sld [smem:$0x3FFD];
	_ =	sdelay $0x3  }
0xe: {  	_ =	strace s3  }
0xf: {  	_ =	strace $0x8FFFFFFF  }
0x10: {  	s20 =	sld [smem:$0x3FDB];
	_ =	sdelay $0x1  }
0x11: {  	s4 =	simm.s32 $_scs_section_size  }
0x12: {  	s5 =	simm.s32 $_size__tile_overlayer_lowered;
	s6 =	simm.s32 $_tile_overlayer_lowered  }
0x13: {  	s23 =	simm.s32 $0x1BFF;
	s22 =	sshll.u32 s6, $0x1;
	s3 =	sadd.s32 s4, s20  }
0x14: {  	s7 =	simm.s32 $0x0;
	s21 =	sshll.u32 s5, $0x1;
	s5 =	sadd.s32 s22, s3  }
0x15: {  	[timem:s7], [sflag:s23] =	dma.local [hbm:s5], s21  }
0x16: {  	_ =	swait.ge [sflag:s23], s21  }
0x17: {  	s4 =	ssub.s32 $0x0, s21;
	[sflag:s23] =	ssyncset.done $0x0  }
0x18: {  	[sflag:s23] =	ssyncadd.s32 s4;
	_ =	sdelay $0x1  }
0x19: {  	s24 =	simm.s32 $0x1B8B  }
0x1a: {  	_ =	swait.ge [sflag:s24], $0x1  }
0x1b: {  	[sflag:s24] =	ssyncset.done $0x0  }
0x1c: {  	s26 =	simm.s32 $0x1B8E;
	s25 =	sld [smem:$0x3FFE];
	[sflag:s24] =	ssyncadd.s32 $0xFFFFFFFF  }
0x1d: {  	s27 =	simm.s32 $execute0_lowered;
	[smem:$0x3FD2] =	sst s26  }
0x1e: {  	s5 =	sshll.u32 s27, $0x1;
	_ =	strace $0x80000064;
	[dreg:$0x1] =	wrdreg $0xFFFFFFFF  }
0x1f: {  	s28 =	simm.s32 $_size_execute0_lowered;
	s3 =	sadd.s32 s3, s5;
	[dreg:$0x0] =	wrdreg $0x0  }
0x20: {  	s5 =	sshll.u32 s28, $0x1;
	[dreg:$0x2] =	wrdreg s3  }
0x21: {  	[dreg:$0x3] =	wrdreg s5  }
0x22: {  	[dreg:$0x4] =	wrdreg $0xC0  }
0x23: {  	_ =	task [dreg:s7], $0x5FFFF  }
0x24: {  	[dreg:$0x1] =	wrdreg $0xFFFFFFFF  }
0x25: {  	[dreg:$0x0] =	wrdreg $0x60  }
0x26: {  	[dreg:$0x2] =	wrdreg s25  }
0x27: {  	[dreg:$0x3] =	wrdreg s2  }
0x28: {  	[dreg:$0x4] =	wrdreg $0x9  }
0x29: {  	_ =	task.clear_ibuf [dreg:s7], $0x5FFFF;
	_ =	strace $0x90000064  }
0x2a: {  	s29 =	simm.s32 $0x9;
	_ =	strace $0x80000066  }
0x2b: {  	_ =	swait.ge [sflag:s29], $0x1  }
0x2c: {  	[sflag:s29] =	ssyncadd.s32 $0xFFFFFFFF  }
0x2d: {  	_ =	strace $0x90000066  }
0x2e: {  	_ =	sfence  }
0x2f: {  	s30 =	sld [smem:$0x0];
	_ =	sdelay $0x2  }
0x30: {  	s31 =	sshll.u32 s1, $0xD;
	s1 =	sshrl.u32 s1, $0x2  }
0x31: {  	s3 =	sand.u32 $0x4000, s31;
	s1 =	sadd.s32 s1, s30  }
0x32: {  	s0 =	sor.u32 s3, s0;
	s1 =	sshll.u32 s1, $0x11  }
0x33: {  	s0 =	sor.u32 s1, s0  }
0x34: {  	s0 =	sadd.s32 $0x8F2B, s0  }
0x35: {  	[sflag:s0] =	ssyncadd.remote.s32 $0x1  }
0x36: {  	_ =	sfence.sel $0xFFFF  }
0x37: {  	[dreg:$0x0] =	wrdreg $0xFFFFFFFF;
	(pc) =	sbr.abs _section_cstart, $3  }
0x38: {  	[dreg:$0x1] =	wrdreg $0xFFFFFFFF  }
0x39: {  	_ =	task.clear_ibuf [dreg:s7], $0x2FFFF;
	_ =	strace $0x9FFFFFFF  }
0x3a: {  	(tm) =	ssettm $0x7FFFFFFF  }
0x3b: {  	_ =	shalt  }
tec
execute0_lowered:
.L_overlay_start_1:
0x0: {  	(tag) =	ssettag $0x1  }
0x1: {  	s0 =	stileid.u32  }
0x2: {  	s2 =	srdreg.scid;
	s7 =	rddreg [dreg:$0x0]  }
0x3: {  	s6 =	simm.s32 $0x1;
	s31 =	simm.s32 $0x2;
	s16 =	simm.s32 $0x0  }
0x4: {  	s9 =	simm.s32 $0x2000;
	s15 =	simm.s32 $0x0;
	s10 =	simm.s32 $0x0  }
0x5: {  	s11 =	simm.s32 $0x0;
	s14 =	simm.s32 $0x0;
	s1 =	sshll.u32 s0, $0x7  }
0x6: {  	s3 =	sshll.u32 s0, $0x4;
	s2 =	sshll.u32 s2, $0x8;
	s1 =	sand.u32 $0x380, s1  }
0x7: {  	s7 =	sadd.s32 $0xBA00, s7;
	s2 =	sor.u32 s3, s2;
	s5 =	ssub.s32 $0x400, s1  }
0x8: {  	s3 =	rddreg [dreg:$0x1];
	s4 =	sand.u32 $0x180, s2;
	s29 =	sand.u32 $0x380, s5  }
0x9: {  	s30 =	ssub.s32 $0x18680, s4;
	s5 =	sshrl.u32 s5, $0xA;
	p0 =	sne.s32 s29, $0x0  }
.Ltmp0:
0xa: {  	s8 =	sshrl.u32 s30, $0x9;
	s6 =	simm.s32 @!p0 $0x0;
	(pc) =	sbr.rel .LBB1_1-.Ltmp0, $4  }
0xb: {  	s2 =	rddreg [dreg:$0x2];
	s8 =	sadd.s32 $0x1, s8;
	s6 =	sadd.s32 s6, s5  }
0xc: {  	_ =	strace $0x80000065;
	s5 =	simm.s32 $0x1;
	s6 =	smul.u32 s6, s8  }
0xd: {  	s13 =	smov.u32 s1;
	s12 =	smov.u32 s4;
	[sflag:s5] =	ssyncpa.u1 $0x0  }
0xe: {  	p0 =	por $0x0, $0x0;
	[sflag:s31] =	ssyncpa.u1 $0x0;
	s8 =	sadd.s32 $0x1, s6  }
.LBB1_4:
0xf: {  	s21 =	sshra.s32 s21, $0x2;
	s27 =	sshll.u32 s10, $0xA;
	s22 =	sshll.u32 s11, $0x3  }
0x10: {  	s23 =	sshll.u32 s10, $0x7;
	s24 =	sand.u32 $0x78, s11;
	p1 =	sgt.s32 s10, $0x18620  }
0x11: {  	s25 =	sshra.s32 s10, $0x1F;
	s26 =	sshra.s32 s11, $0x1F;
	s20 =	sadd.s32 s21, s20  }
0x12: {  	v5 =	vld [tilespmem:s18+$0xFFFFFFD0];
	[tilespmem:s19+$0x2040 ss:$0x81] =	vst.msk $0xffff, v4;
	s21 =	sand.u32 $0xFFFFE000, s27;
	s22 =	sand.u32 $0xFFFFFC00, s22;
	s28 =	sand.u32 $0x380, s23  }
0x13: {  	v58 =	vld [tilespmem:s18+$0xFFFFFFE0];
	[tilespmem:s19+$0x2850 ss:$0x81] =	vst.msk $0xffff, v3;
	s23 =	smov.u32 s10;
	s30 =	sand.u32 s25, s10;
	s25 =	smov.u32 s11  }
0x14: {  	v59 =	vld [tilespmem:s18+$0xFFFFFFF0];
	[tilespmem:s19+$0x3060 ss:$0x81] =	vst.msk $0xffff, v2;
	s31 =	sand.u32 s26, s11;
	s21 =	sadd.s32 s22, s21;
	s22 =	sor.u32 s24, s28  }
0x15: {  	v60 =	vld [tilespmem:s18+$0x0];
	[tilespmem:s19+$0x0 ss:$0x81] =	vst.msk $0xffff, v1;
	s23 =	simm.s32 @!p1 $0x18620;
	p1 =	sgt.s32 s11, $0x380;
	s21 =	sshrl.u32 s21, $0xA  }
0x16: {  	v61 =	vld [tilespmem:s18+$0x10];
	[tilespmem:s20+$0x3870 ss:$0x81] =	vst.msk $0xffff, v0;
	s19 =	ssub.s32 s23, s30;
	s25 =	simm.s32 @!p1 $0x380;
	s29 =	smulhi.u32 $0x53E2D7, s21  }
0x17: {  	v62 =	vld [tilespmem:s18+$0x20];
	s23 =	ssub.s32 s25, s31;
	s26 =	sadd.s32 $0xFFFE79E0, s19;
	s19 =	ssub.s32 $0x186A0, s19;
	[tilespmem:s20+$0x810 ss:$0x81] =	vst.msk $0xffff, v5  }
0x18: {  	v63 =	vld [tilespmem:s18+$0xFFFFFFC0];
	[tilespmem:s20+$0x1020 ss:$0x81] =	vst.msk $0xffff, v58;
	p1 =	sgt.s32 s26, $0x7F;
	s28 =	sadd.s32 $0xFFFFFC80, s23;
	s24 =	sshrl.u32 s29, $0x7  }
0x19: {  	[tilespmem:s20+$0x1830 ss:$0x81] =	vst.msk $0xffff, v59;
	s23 =	ssub.s32 $0x400, s23;
	p2 =	sgt.s32 s28, $0x7F;
	s27 =	smul.u32 $0x186A0, s24  }
0x1a: {  	s30 =	sand.u32 $0x7, s11;
	[tilespmem:s20+$0x2040 ss:$0x81] =	vst.msk $0xffff, v60;
	s19 =	simm.s32 @p1 $0x0;
	s23 =	simm.s32 @p2 $0x0  }
0x1b: {  	[tilespmem:s20+$0x2850 ss:$0x81] =	vst.msk $0xffff, v61;
	s29 =	sshrl.u32 s22, $0x3;
	s19 =	smul.u32 s23, s19;
	s18 =	ssub.s32 s21, s27  }
0x1c: {  	[tilespmem:s20+$0x3060 ss:$0x81] =	vst.msk $0xffff, v62;
	s22 =	sshll.u32 s30, $0x12;
	s21 =	sadd.s32 s3, s29;
	s18 =	sshll.u32 s18, $0x7  }
0x1d: {  	[tilespmem:s20+$0x0 ss:$0x81] =	vst.msk $0xffff, v63;
	s31 =	sor.u32 $0x400, s22;
	s19 =	sand.u32 $0x3FFFFFFF, s19;
	s18 =	sadd.s32 s18, s21  }
0x1e: {  	[hbm4b:s18+s31] =	stream.strided.scatter [tilespmem:s17], [sflag:$0x2], s19, s9, s31, $0x20;
	[tilespmem:$0x10100] =	vst v63  }
.LBB1_5:
0x1f: {  	p1 =	slt.u32 s14, $0x2  }
0x20: {  	s18 =	smov.u32 s16;
	p2 =	sgt.s32 @!p1 s16, $0x18620;
	s17 =	sshra.s32 @!p1 s16, $0x1F  }
0x21: {  	p3 =	sgt.s32 @!p1 s15, $0x380;
	s19 =	sshra.s32 @!p1 s15, $0x1F;
	p2 =	por !p2, p1  }
0x22: {  	s16 =	sand.u32 @!p1 s17, s16;
	p3 =	por !p3, p1;
	s17 =	smov.u32 s15  }
0x23: {  	s15 =	sand.u32 @!p1 s19, s15;
	s18 =	simm.s32 @p2 $0x18620;
	s17 =	simm.s32 @p3 $0x380  }
0x24: {  	s16 =	ssub.s32 @!p1 s18, s16;
	s15 =	ssub.s32 @!p1 s17, s15  }
0x25: {  	s19 =	smov.u32 s13;
	s17 =	sadd.s32 @!p1 $0xFFFE79E0, s16;
	s18 =	sadd.s32 @!p1 $0xFFFFFC80, s15  }
0x26: {  	s16 =	ssub.s32 @!p1 $0x186A0, s16;
	p2 =	sgt.s32 @!p1 s17, $0x7F;
	p3 =	sgt.s32 @!p1 s18, $0x7F  }
0x27: {  	s15 =	ssub.s32 @!p1 $0x400, s15;
	p2 =	por !p2, p1;
	p3 =	por !p3, p1  }
0x28: {  	s17 =	sadd.s32 $0x200, s12;
	s16 =	simm.s32 @!p2 $0x0;
	s15 =	simm.s32 @!p3 $0x0  }
0x29: {  	p2 =	sgt.s32 s17, $0x1869F;
	s15 =	smul.u32 @!p1 s15, s16;
	s16 =	sadd.s32 $0x400, s13  }
0x2a: {  	s19 =	smov.u32 @p2 s16  }
0x2b: {  	s17 =	smov.u32 @p2 s4;
	p2 =	sgt.s32 s19, $0x3FF  }
0x2c: {  	s19 =	smov.u32 @p2 s1;
	p2 =	sne.s32 s14, s8  }
.Ltmp1:
0x2d: {  	p0 =	por !p0, !p0;
	s18 =	simm.s32 @!p1 $0x2;
	(pc) =	sbr.rel @!p2 .LBB1_6-.Ltmp1, $4  }
0x2e: {  	s16 =	smov.u32 s10;
	s10 =	smov.u32 s12;
	s15 =	sand.u32 @!p1 $0x3FFFFFFF, s15  }
0x2f: {  	s12 =	smov.u32 s17;
	_ =	swait.ge @!p1 [sflag:s18], s15;
	s20 =	ssub.s32 @!p1 $0x0, s15  }
0x30: {  	s15 =	smov.u32 s11;
	s14 =	sadd.s32 $0x1, s14;
	[sflag:s18] =	ssyncset.done @!p1 $0x0  }
0x31: {  	s11 =	smov.u32 s13;
	s13 =	smov.u32 s19;
	[sflag:s18] =	ssyncadd.s32 @!p1 s20  }
.LBB1_1:
0x32: {  	p1 =	sge.u32 s14, s6  }
0x33: {  	s17 =	sshrl.u32 @!p1 s13, $0x3  }
0x34: {  	s18 =	sshll.u32 @!p1 s12, $0x3;
	s17 =	smul.u32 @!p1 $0xC3800, s17  }
0x35: {  	s19 =	sshll.u32 @!p1 s13, $0x7;
	s18 =	sand.u32 @!p1 $0xFFFFFC00, s18  }
0x36: {  	s17 =	sadd.s32 @!p1 s17, s18;
	s18 =	sand.u32 @!p1 $0x380, s19  }
0x37: {  	s19 =	sand.u32 @!p1 $0x7F, s12;
	s17 =	sor.u32 @!p1 s18, s17  }
0x38: {  	s18 =	sor.u32 @!p1 s19, s17  }
0x39: {  	s19 =	smulhi.u32 @!p1 $0xA79C7B17, s18;
	_ =	sdelay $0x1  }
0x3a: {  	s17 =	smulhi.u32 @!p1 $0xA79C7B17, s17;
	s19 =	sshrl.u32 @!p1 s19, $0x10  }
0x3b: {  	s19 =	smul.u32 @!p1 $0x18700, s19  }
0x3c: {  	s31 =	sadd.s32 $0xFFFFFFFF, s14;
	s20 =	sxor.u32 @!p1 $0xFFFFFFFF, s14;
	s17 =	sshrl.u32 @!p1 s17, $0x10  }
0x3d: {  	s20 =	sshll.u32 @!p1 s20, $0xE;
	s17 =	sand.u32 @!p1 $0x3FF, s17;
	s18 =	ssub.s32 @!p1 s18, s19  }
0x3e: {  	s17 =	smul.u32 @!p1 $0x30E0, s17;
	s19 =	sshrl.u32 @!p1 s18, $0x3;
	s18 =	sand.u32 @!p1 $0x7, s18  }
0x3f: {  	s20 =	sand.u32 @!p1 $0x4000, s20;
	s19 =	sadd.s32 @!p1 s7, s19;
	s18 =	sshll.u32 @!p1 s18, $0x12  }
0x40: {  	s17 =	sadd.s32 @!p1 s17, s19;
	s18 =	sor.u32 @!p1 $0x400, s18;
	s19 =	simm.s32 @!p1 $0xC3800  }
0x41: {  	[tilespmem:s20], [sflag:$0x1] =	stream.strided.gather @!p1 [hbm4b:s17+s18], $0x4000, s19, s18, $0x38;
	[tilespmem:$0x10100] =	vst v63  }
0x42: {  	p1 =	sge.u32 s31, s6  }
.Ltmp2:
0x43: {  	_ = 	snop;
	(pc) =	sbr.rel @p1 .LBB1_5-.Ltmp2, $1  }
0x44: {  	_ =	sdelay $0x3  }
0x45: {  	s17 =	simm.s32 $0x1  }
0x46: {  	_ =	swait.ge [sflag:s5], $0x4000;
	s17 =	simm.s32 @!p0 $0x0  }
0x47: {  	[sflag:s5] =	ssyncset.done $0x0;
	s18 =	sshll.u32 s17, $0xE  }
0x48: {  	[sflag:s5] =	ssyncadd.s32 $0xFFFFC000;
	s18 =	sor.u32 $0x40, s18  }
0x49: {  	s17 =	smul.u32 $0x10200, s17;
	v0 =	vld [tilespmem:s18+$0x30]  }
0x4a: {  	v1 =	vld [tilespmem:s18+$0xFFFFFFD0]  }
0x4b: {  	s17 =	sshrl.u32 s17, $0x2;
	v5 =	vld [tilespmem:s18+$0xFFFFFFE0]  }
0x4c: {  	v6 =	vld [tilespmem:s18+$0xFFFFFFF0];
	s20 =	sor.u32 $0x8000, s17  }
0x4d: {  	s31 =	sand.u32 $0x1, s14;
	v4 =	vld [tilespmem:s18+$0x0];
	s19 =	sadd.s32 $0x0, s20  }
0x4e: {  	v3 =	vld [tilespmem:s18+$0x10];
	s17 =	smul.u32 $0x10200, s31;
	[tilespmem:s19+$0x3870 ss:$0x81] =	vst.msk $0xffff, v0  }
0x4f: {  	v2 =	vld [tilespmem:s18+$0x20];
	[tilespmem:s19+$0x810 ss:$0x81] =	vst.msk $0xffff, v1  }
0x50: {  	s17 =	sshrl.u32 s17, $0x2;
	v1 =	vld [tilespmem:s18+$0xFFFFFFC0];
	[tilespmem:s19+$0x1020 ss:$0x81] =	vst.msk $0xffff, v5;
	s18 =	sadd.s32 $0x80, s18  }
0x51: {  	s21 =	simm.s32 $0x4;
	s22 =	simm.s32 $0x8;
	s17 =	sor.u32 $0x8000, s17;
	[tilespmem:s19+$0x1830 ss:$0x81] =	vst.msk $0xffff, v6;
	v0 =	vld [tilespmem:s18+$0x30]  }
.LBB1_3:
0x52: {  	p1 =	sne.s32 s22, $0x1FC;
	v5 =	vld [tilespmem:s18+$0xFFFFFFD0];
	[tilespmem:s19+$0x2040 ss:$0x81] =	vst.msk $0xffff, v4  }
0x53: {  	v6 =	vld [tilespmem:s18+$0xFFFFFFE0];
	[tilespmem:s19+$0x2850 ss:$0x81] =	vst.msk $0xffff, v3  }
0x54: {  	s23 =	sshra.s32 s21, $0x2;
	s21 =	smov.u32 s22;
	v7 =	vld [tilespmem:s18+$0xFFFFFFF0];
	[tilespmem:s19+$0x3060 ss:$0x81] =	vst.msk $0xffff, v2  }
.Ltmp3:
0x55: {  	v4 =	vld [tilespmem:s18+$0x0];
	[tilespmem:s19+$0x0 ss:$0x81] =	vst.msk $0xffff, v1;
	s19 =	sadd.s32 s23, s20;
	(pc) =	sbr.rel @p1 .LBB1_3-.Ltmp3, $4  }
0x56: {  	v3 =	vld [tilespmem:s18+$0x10];
	[tilespmem:s19+$0x3870 ss:$0x81] =	vst.msk $0xffff, v0  }
0x57: {  	[tilespmem:s19+$0x810 ss:$0x81] =	vst.msk $0xffff, v5;
	v2 =	vld [tilespmem:s18+$0x20]  }
0x58: {  	v1 =	vld [tilespmem:s18+$0xFFFFFFC0];
	[tilespmem:s19+$0x1020 ss:$0x81] =	vst.msk $0xffff, v6;
	s18 =	sadd.s32 $0x80, s18  }
0x59: {  	s22 =	sadd.s32 $0x4, s22;
	v0 =	vld [tilespmem:s18+$0x30];
	[tilespmem:s19+$0x1830 ss:$0x81] =	vst.msk $0xffff, v7  }
.Ltmp4:
0x5a: {  	_ = 	snop;
	(pc) =	sbr.rel .LBB1_4-.Ltmp4, $1  }
0x5b: {  	_ =	sdelay $0x3  }
.LBB1_6:
0x5c: {  	_ =	sfence.sel $0x180000  }
0x5d: {  	s1 =	simm.s32 $0x1;
	[bflag:$0x0] =	sbarrier.arrive $0xFFFF  }
0x5e: {  	s31 =	simm.s32 $0x2;
	[sflag:s1] =	ssyncpa.u1 $0x1  }
0x5f: {  	[sflag:s31] =	ssyncpa.u1 $0x1  }
0x60: {  	p0 =	sne.s32 s0, $0x0;
	_ =	strace $0x90000065  }
0x61: {  	s0 =	sadd.s32 @!p0 $0x100000, s2;
	[bflag:$0x2] =	sbarrier.arrive $0xFFFF  }
0x62: {  	[sflag:s0] =	ssyncadd.tile.s32 @!p0 $0x1;
	_ =	shalt  }
.Lfunc_end1:
_tile_overlayer_lowered:
.L_overlay_start_2:
0x63: {  	(tag) =	ssettag $0x2  }
0x64: {  	s0 =	rddreg [dreg:$0x0];
	s2 =	stileid.u32  }
0x65: {  	s1 =	rddreg [dreg:$0x1];
	p0 =	sne.s32 s2, $0x0  }
0x66: {  	s3 =	rddreg [dreg:$0x2];
	[bflag:$0x3] =	sbarrier.arrive $0xFFFF;
	s2 =	simm.s32 @!p0 $0x1C01  }
0x67: {  	[timem:s3], [sflag:s2] =	dma.local @!p0 [hbm:s0], s1  }
0x68: {  	s0 =	simm.s32 @!p0 $0x1  }
0x69: {  	_ =	swait.ge @!p0 [sflag:s0], s1  }
0x6a: {  	s1 =	ssub.s32 @!p0 $0x0, s1;
	[sflag:s0] =	ssyncset.done @!p0 $0x0  }
0x6b: {  	[sflag:s0] =	ssyncadd.s32 @!p0 s1  }
0x6c: {  	[bflag:$0x3] =	sbarrier.arrive $0xFFFF  }
0x6d: {  	_ =	shalt  }

</sc_bundles>
